<compile_context>
chip_gen: v7x
topology: tpu7x:2x2x1
jax: 0.10.2.dev20260603
libtpu: 0.0.44.dev20260713+nightly
codegen_flags: <defaults>
</compile_context>

<pallas_src>
import functools

import jax
import jax.numpy as jnp
from jax import lax
from jax.experimental import pallas as pl
from jax.experimental.pallas import tpu as pltpu
from jax.experimental.pallas import tpu_sc as plsc

N = 10000
E = 320000
D = 128
C = 2
G = 16

NC = 2
NSUB = 16
NW = NC * NSUB
NBUF = 2

CHD = 128
CHWD = 80
EPADD = NW * CHWD * CHD

CH = 96
SCH = 36
NST0 = 5
NST1 = 1
TOTST = NSUB * (NST0 + NST1)
EPAD = TOTST * SCH * CH

NP = 10112
TPT = NP // NSUB
DUMMY = N

ROWS = 1000

def _make_splits(step):
    out, off = [], 0
    while off < TPT:
        out.append((off, min(step, TPT - off)))
        off += step
    return out

_SPLITS = _make_splits(CH)
_SPLITS_D = _make_splits(CHD)


def _sc_mesh():
    return plsc.VectorSubcoreMesh(core_axis_name="c", subcore_axis_name="s")



@functools.partial(
    pl.kernel,
    out_type=jax.ShapeDtypeStruct((NC, NP, D), jnp.float32),
    mesh=_sc_mesh(),
    scratch_types=[
        pltpu.VMEM((CHWD, CHD), jnp.int32),
        pltpu.VMEM((CHD, D), jnp.float32),
        pltpu.VMEM((CHD, D), jnp.float32),
        pltpu.VMEM_SHARED((NP, D), jnp.float32),
    ],
)
def _sc_deg(dstp_hbm, ones_hbm, zeros_hbm, out_hbm, dstw, ones_v, z_v, acc):
    c = lax.axis_index("c")
    s = lax.axis_index("s")
    wid = c * NSUB + s
    pltpu.sync_copy(dstp_hbm.at[wid], dstw)
    pltpu.sync_copy(ones_hbm, ones_v)
    pltpu.sync_copy(zeros_hbm, z_v)
    for off, sz in _SPLITS_D:
        pltpu.sync_copy(z_v.at[pl.ds(0, sz)],
                        acc.at[pl.ds(s * TPT + off, sz)])
    plsc.subcore_barrier()

    def chunk(j, carry):
        pltpu.sync_copy(ones_v, acc.at[dstw.at[j]], add=True)
        return carry

    lax.fori_loop(0, CHWD, chunk, 0)
    plsc.subcore_barrier()
    for off, sz in _SPLITS_D:
        pltpu.sync_copy(acc.at[pl.ds(s * TPT + off, sz)],
                        z_v.at[pl.ds(0, sz)])
        pltpu.sync_copy(z_v.at[pl.ds(0, sz)],
                        out_hbm.at[c, pl.ds(s * TPT + off, sz)])



@functools.partial(
    pl.kernel,
    out_type=jax.ShapeDtypeStruct((NC, NP, D), jnp.float32),
    mesh=_sc_mesh(),
    scratch_types=[
        pltpu.VMEM((2, SCH, CH), jnp.int32),
        pltpu.VMEM((CH, D), jnp.float32),
        pltpu.VMEM((CH, D), jnp.float32),
        pltpu.VMEM_SHARED((NP, D), jnp.float32),
        pltpu.SemaphoreType.DMA,
        pltpu.SemaphoreType.DMA,
    ],
)
def _sc_agg(g_hbm, idxp_hbm, zrows_hbm, out_hbm,
            idxw, rows0, rows1, acc, sem0, sem1):
    rows = (rows0, rows1)
    sems = (sem0, sem1)
    srcw = idxw.at[0]
    dstw = idxw.at[1]
    c = lax.axis_index("c")
    s = lax.axis_index("s")
    pltpu.sync_copy(zrows_hbm, rows[0])
    for off, sz in _SPLITS:
        pltpu.sync_copy(rows[0].at[pl.ds(0, sz)],
                        acc.at[pl.ds(s * TPT + off, sz)])
    plsc.subcore_barrier()

    nst = jnp.where(c == 0, NST0, NST1)
    base_st = jnp.where(c == 0, s * NST0, NSUB * NST0 + s * NST1)

    def stage(h, carry):
        pltpu.sync_copy(idxp_hbm.at[base_st + h], idxw)
        for b in range(NBUF):
            pltpu.async_copy(g_hbm.at[srcw.at[b]], rows[b], sems[b])

        def body(i, carry2):
            base = i * NBUF
            for b in range(NBUF):
                e = base + b
                pltpu.make_async_copy(
                    g_hbm.at[srcw.at[e]], rows[b], sems[b]).wait()
                pltpu.sync_copy(rows[b], acc.at[dstw.at[e]], add=True)
                ne = e + NBUF

                @pl.when(ne < SCH)
                def _():
                    pltpu.async_copy(
                        g_hbm.at[srcw.at[ne]], rows[b], sems[b])
            return carry2

        lax.fori_loop(0, SCH // NBUF, body, 0)
        return carry

    lax.fori_loop(0, nst, stage, 0)
    plsc.subcore_barrier()
    for off, sz in _SPLITS:
        pltpu.sync_copy(acc.at[pl.ds(s * TPT + off, sz)],
                        rows[0].at[pl.ds(0, sz)])
        pltpu.sync_copy(rows[0].at[pl.ds(0, sz)],
                        out_hbm.at[c, pl.ds(s * TPT + off, sz)])



def _dinv_of(degcol):
    return lax.rsqrt(degcol[0] + degcol[1] + 1.0)


def _m1_body(x_ref, w_ref, degcol_ref, out_ref):
    dinv = _dinv_of(degcol_ref[...])
    out_ref[...] = jnp.dot(x_ref[...], w_ref[...],
                           preferred_element_type=jnp.float32) * dinv


def _mlayer_body(aggp_ref, gprev_ref, degcol_ref, b_ref, w_ref, out_ref):
    dinv = _dinv_of(degcol_ref[...])
    a = dinv * (aggp_ref[0] + aggp_ref[1] + gprev_ref[...]) + b_ref[...]
    a = jnp.maximum(a, 0.0)
    out_ref[...] = jnp.dot(a, w_ref[...],
                           preferred_element_type=jnp.float32) * dinv


_GSPEC = [
    pl.BlockSpec((NC, ROWS, D), lambda i: (0, i, 0)),
    pl.BlockSpec((ROWS, D), lambda i: (i, 0)),
    pl.BlockSpec((NC, ROWS, 1), lambda i: (0, i, 0)),
    pl.BlockSpec((1, D), lambda i: (0, 0)),
    pl.BlockSpec((D, D), lambda i: (0, 0)),
]


def _m1(x, W, degcol):
    return pl.pallas_call(
        _m1_body,
        grid=(N // ROWS,),
        in_specs=[
            pl.BlockSpec((ROWS, D), lambda i: (i, 0)),
            pl.BlockSpec((D, D), lambda i: (0, 0)),
            pl.BlockSpec((NC, ROWS, 1), lambda i: (0, i, 0)),
        ],
        out_specs=pl.BlockSpec((ROWS, D), lambda i: (i, 0)),
        out_shape=jax.ShapeDtypeStruct((N, D), jnp.float32),
    )(x, W, degcol)


def _mlayer(aggp, gprev, degcol, b, W):
    return pl.pallas_call(
        _mlayer_body,
        grid=(N // ROWS,),
        in_specs=_GSPEC,
        out_specs=pl.BlockSpec((ROWS, D), lambda i: (i, 0)),
        out_shape=jax.ShapeDtypeStruct((N, D), jnp.float32),
    )(aggp, gprev, degcol, b.reshape(1, D), W)



def _pool_body(aggp_ref, g_ref, degcol_ref, b_ref, ids_ref, wf_ref, bf_ref,
               out_ref, scr_ref):
    i = pl.program_id(0)

    @pl.when(i == 0)
    def _():
        scr_ref[...] = jnp.full((G, D), -jnp.inf, jnp.float32)

    dinv = _dinv_of(degcol_ref[...])
    post = dinv * (aggp_ref[0] + aggp_ref[1] + g_ref[...]) + b_ref[...]
    ids = ids_ref[...]
    cur = scr_ref[...]
    maxes = jnp.stack(
        [jnp.max(jnp.where(ids == float(g), post, -jnp.inf), axis=0)
         for g in range(G)])
    cur = jnp.maximum(cur, maxes)
    scr_ref[...] = cur

    @pl.when(i == pl.num_programs(0) - 1)
    def _():
        pooled = jnp.where(jnp.isfinite(cur), cur, 0.0)
        out_ref[...] = (
            jnp.dot(pooled, wf_ref[...], preferred_element_type=jnp.float32)
            + bf_ref[...])


def _pool(aggp, g3, degcol, b3, batch, Wf, bf):
    ids = batch.astype(jnp.float32).reshape(N, 1)
    return pl.pallas_call(
        _pool_body,
        grid=(N // ROWS,),
        in_specs=_GSPEC[:4] + [
            pl.BlockSpec((ROWS, 1), lambda i: (i, 0)),
            pl.BlockSpec((D, C), lambda i: (0, 0)),
            pl.BlockSpec((1, C), lambda i: (0, 0)),
        ],
        out_specs=pl.BlockSpec((G, C), lambda i: (0, 0)),
        out_shape=jax.ShapeDtypeStruct((G, C), jnp.float32),
        scratch_shapes=[pltpu.VMEM((G, D), jnp.float32)],
    )(aggp, g3, degcol, b3.reshape(1, D), ids, Wf, bf.reshape(1, C))



def _padded(v, total, fill):
    return jnp.concatenate(
        [v, jnp.full((total - E,), fill, jnp.int32)])


def kernel(x, edge_index, batch, W1, b1, W2, b2, W3, b3, Wf, bf):
    src, dst = edge_index[0], edge_index[1]
    srcp = _padded(src, EPAD, 0).reshape(TOTST, 1, SCH, CH)
    dstp = _padded(dst, EPAD, DUMMY).reshape(TOTST, 1, SCH, CH)
    idxp = jnp.concatenate([srcp, dstp], axis=1)
    dstpd = _padded(dst, EPADD, DUMMY).reshape(NW, CHWD, CHD)

    ones_rows = jnp.ones((CHD, D), jnp.float32)
    zrows_d = jnp.zeros((CHD, D), jnp.float32)
    zrows = jnp.zeros((CH, D), jnp.float32)

    degp = _sc_deg(dstpd, ones_rows, zrows_d)
    degcol = degp[:, :N, 0:1]

    g1 = _m1(x, W1, degcol)
    agg1 = _sc_agg(g1, idxp, zrows)
    g2 = _mlayer(agg1, g1, degcol, b1, W2)
    agg2 = _sc_agg(g2, idxp, zrows)
    g3 = _mlayer(agg2, g2, degcol, b2, W3)
    agg3 = _sc_agg(g3, idxp, zrows)
    return _pool(agg3, g3, degcol, b3, batch, Wf, bf)

# --- scband reference (transcript-rebuilt; emitter-appended) ---
"""Pipeline reference for scband-ivdetect-model-11441792877174 (READ-ONLY COPY).

The authoritative reference and input builder live on the scoring server;
editing this copy changes nothing except your own understanding.
"""

import jax, jax.numpy as jnp
import numpy as np

N = 10000
E = 320000
D = 128   # hidden_size == feature_representation_size == 128
C = 2     # num_classes
G = 16    # graphs in batch
L = 3     # num_layers


def setup_inputs(seed: int = 0) -> dict:
    key = jax.random.key(seed)
    ks = jax.random.split(key, 12)
    x = jax.random.normal(ks[0], (N, D), dtype=jnp.float32)
    edge_index = jax.random.randint(ks[1], (2, E), 0, N, dtype=jnp.int32)
    batch = jnp.sort(jax.random.randint(ks[2], (N,), 0, G, dtype=jnp.int32))
    scale = 1.0 / np.sqrt(D)
    W1 = jax.random.normal(ks[3], (D, D), dtype=jnp.float32) * scale
    b1 = jnp.zeros((D,), dtype=jnp.float32)
    W2 = jax.random.normal(ks[4], (D, D), dtype=jnp.float32) * scale
    b2 = jnp.zeros((D,), dtype=jnp.float32)
    W3 = jax.random.normal(ks[5], (D, D), dtype=jnp.float32) * scale
    b3 = jnp.zeros((D,), dtype=jnp.float32)
    Wf = jax.random.normal(ks[6], (D, C), dtype=jnp.float32) * scale
    bf = jnp.zeros((C,), dtype=jnp.float32)
    return {"x": x, "edge_index": edge_index, "batch": batch,
            "W1": W1, "b1": b1, "W2": W2, "b2": b2,
            "W3": W3, "b3": b3, "Wf": Wf, "bf": bf}


def _gcn_layer(x, W, b, src, dst):
    # GCNConv: linear transform, then symmetric-normalized aggregation
    h = x @ W
    loops = jnp.arange(N, dtype=src.dtype)
    s2 = jnp.concatenate([src, loops])
    d2 = jnp.concatenate([dst, loops])
    # gcn_norm: deg computed over dst (col) with self loops, edge_weight = 1
    deg = jnp.zeros((N,), dtype=x.dtype).at[d2].add(1.0)
    dinv = jnp.where(deg > 0, 1.0 / jnp.sqrt(deg), 0.0)
    norm = dinv[s2] * dinv[d2]
    msg = h[s2] * norm[:, None]            # gather (SparseCore)
    out = jnp.zeros_like(h).at[d2].add(msg)  # scatter-add (SparseCore)
    return out + b


def reference(x, edge_index, batch, W1, b1, W2, b2, W3, b3, Wf, bf):
    src, dst = edge_index[0], edge_index[1]
    post = x
    post = jax.nn.relu(_gcn_layer(post, W1, b1, src, dst))
    post = jax.nn.relu(_gcn_layer(post, W2, b2, src, dst))
    post = _gcn_layer(post, W3, b3, src, dst)
    # GlobalMaxPool readout per-graph
    pooled = jax.ops.segment_max(post, batch, num_segments=G)
    pooled = jnp.where(jnp.isfinite(pooled), pooled, 0.0)
    out = pooled @ Wf + bf
    return out

if __name__ == "__main__":
    import jax
    _d = setup_inputs()
    print(jax.jit(kernel)(*tuple(_d.values())))

</pallas_src>

<mosaic_0001>
#map = affine_map<(d0, d1) -> (0, 0)>
#map1 = affine_map<(d0, d1) -> (0, 0, 0, 0)>
#map2 = affine_map<(d0, d1) -> (0, 0, 0)>
module attributes {stable_mosaic.version = 14 : i64} {
  func.func @_sc_agg(%arg0: i32, %arg1: i32, %arg2: memref<10000x128xf32, #tpu.memory_space<hbm>>, %arg3: memref<96x2x36x96xi32, #tpu.memory_space<hbm>>, %arg4: memref<96x128xf32, #tpu.memory_space<hbm>>, %arg5: memref<2x10112x128xf32, #tpu.memory_space<hbm>>, %arg6: memref<2x36x96xi32, #tpu.memory_space<vmem>>, %arg7: memref<96x128xf32, #tpu.memory_space<vmem>>, %arg8: memref<96x128xf32, #tpu.memory_space<vmem>>, %arg9: memref<10112x128xf32, #tpu.memory_space<vmem_shared>>, %arg10: memref<!tpu.dma_semaphore, #tpu.memory_space<semaphore_mem>>, %arg11: memref<!tpu.dma_semaphore, #tpu.memory_space<semaphore_mem>>) attributes {dimension_semantics = [#tpu.dimension_semantics<core_parallel>, #tpu.dimension_semantics<subcore_parallel>], iteration_bounds = array<i64: 2, 16>, scalar_prefetch = 0 : i64, scratch_operands = 6 : i64, tpu.core_type = #tpu.core_type<sc_vector_subcore>, window_params = [{transform_indices = #map}, {transform_indices = #map1}, {transform_indices = #map}, {transform_indices = #map2}]} {
    "tpu.region"() ({
      %run_scoped3A = tpu.sem_alloc : memref<!tpu.dma_semaphore, #tpu.memory_space<semaphore_mem>>
      tpu.enqueue_dma source(%arg4 : memref<96x128xf32, #tpu.memory_space<hbm>>) target(%arg7 : memref<96x128xf32, #tpu.memory_space<vmem>>) target_semaphore(%run_scoped3A : memref<!tpu.dma_semaphore, #tpu.memory_space<semaphore_mem>>)
      tpu.wait_dma2 semaphore(%run_scoped3A : memref<!tpu.dma_semaphore, #tpu.memory_space<semaphore_mem>>) src(%arg4 : memref<96x128xf32, #tpu.memory_space<hbm>>) dst(%arg7 : memref<96x128xf32, #tpu.memory_space<vmem>>)
      tpu.yield
    }) : () -> ()
    %mul3A = arith.constant 632 : i32
    %mul3A_0 = arith.muli %arg1, %mul3A : i32
    %add3A = arith.constant 0 : i32
    %add3A_1 = arith.addi %mul3A_0, %add3A : i32
    "tpu.region"() ({
      %run_scoped3A = tpu.sem_alloc : memref<!tpu.dma_semaphore, #tpu.memory_space<semaphore_mem>>
      %dma_start3A = arith.constant 0 : i32
      %dma_start3A_105 = arith.constant 0 : i32
      %dma_start3A_106 = tpu.memref_slice %arg7[%dma_start3A, %dma_start3A_105] : memref<96x128xf32, #tpu.memory_space<vmem>> -> memref<96x128xf32, #tpu.memory_space<vmem>>
      %dma_start3A_107 = arith.constant 0 : i32
      %dma_start3A_108 = tpu.memref_slice %arg9[%add3A_1, %dma_start3A_107] : memref<10112x128xf32, #tpu.memory_space<vmem_shared>> -> memref<96x128xf32, #tpu.memory_space<vmem_shared>>
      %dma_start3A_109 = arith.constant 0 : i32
      %dma_start3A_110 = tpu.memref_slice %arg9[%add3A_1, %dma_start3A_109] : memref<10112x128xf32, #tpu.memory_space<vmem_shared>> -> memref<96x128xf32, #tpu.memory_space<vmem_shared>>
      %dma_start3A_111 = arith.constant 0 : i32
      %dma_start3A_112 = arith.constant 0 : i32
      %dma_start3A_113 = tpu.memref_slice %arg7[%dma_start3A_111, %dma_start3A_112] : memref<96x128xf32, #tpu.memory_space<vmem>> -> memref<96x128xf32, #tpu.memory_space<vmem>>
      tpu.enqueue_dma source(%dma_start3A_113 : memref<96x128xf32, #tpu.memory_space<vmem>>) target(%dma_start3A_110 : memref<96x128xf32, #tpu.memory_space<vmem_shared>>) target_semaphore(%run_scoped3A : memref<!tpu.dma_semaphore, #tpu.memory_space<semaphore_mem>>)
      %dma_wait3A = arith.constant 0 : i32
      %dma_wait3A_114 = arith.constant 0 : i32
      %dma_wait3A_115 = tpu.memref_slice %arg7[%dma_wait3A, %dma_wait3A_114] : memref<96x128xf32, #tpu.memory_space<vmem>> -> memref<96x128xf32, #tpu.memory_space<vmem>>
      %dma_wait3A_116 = arith.constant 0 : i32
      %dma_wait3A_117 = tpu.memref_slice %arg9[%add3A_1, %dma_wait3A_116] : memref<10112x128xf32, #tpu.memory_space<vmem_shared>> -> memref<96x128xf32, #tpu.memory_space<vmem_shared>>
      %dma_wait3A_118 = arith.constant 0 : i32
      %dma_wait3A_119 = tpu.memref_slice %arg9[%add3A_1, %dma_wait3A_118] : memref<10112x128xf32, #tpu.memory_space<vmem_shared>> -> memref<96x128xf32, #tpu.memory_space<vmem_shared>>
      %dma_wait3A_120 = arith.constant 0 : i32
      %dma_wait3A_121 = arith.constant 0 : i32
      %dma_wait3A_122 = tpu.memref_slice %arg7[%dma_wait3A_120, %dma_wait3A_121] : memref<96x128xf32, #tpu.memory_space<vmem>> -> memref<96x128xf32, #tpu.memory_space<vmem>>
      tpu.wait_dma2 semaphore(%run_scoped3A : memref<!tpu.dma_semaphore, #tpu.memory_space<semaphore_mem>>) src(%dma_wait3A_122 : memref<96x128xf32, #tpu.memory_space<vmem>>) dst(%dma_wait3A_119 : memref<96x128xf32, #tpu.memory_space<vmem_shared>>)
      tpu.yield
    }) : () -> ()
    %mul3A_2 = arith.constant 632 : i32
    %mul3A_3 = arith.muli %arg1, %mul3A_2 : i32
    %add3A_4 = arith.constant 96 : i32
    %add3A_5 = arith.addi %mul3A_3, %add3A_4 : i32
    "tpu.region"() ({
      %run_scoped3A = tpu.sem_alloc : memref<!tpu.dma_semaphore, #tpu.memory_space<semaphore_mem>>
      %dma_start3A = arith.constant 0 : i32
      %dma_start3A_105 = arith.constant 0 : i32
      %dma_start3A_106 = tpu.memref_slice %arg7[%dma_start3A, %dma_start3A_105] : memref<96x128xf32, #tpu.memory_space<vmem>> -> memref<96x128xf32, #tpu.memory_space<vmem>>
      %dma_start3A_107 = arith.constant 0 : i32
      %dma_start3A_108 = tpu.memref_slice %arg9[%add3A_5, %dma_start3A_107] : memref<10112x128xf32, #tpu.memory_space<vmem_shared>> -> memref<96x128xf32, #tpu.memory_space<vmem_shared>>
      %dma_start3A_109 = arith.constant 0 : i32
      %dma_start3A_110 = tpu.memref_slice %arg9[%add3A_5, %dma_start3A_109] : memref<10112x128xf32, #tpu.memory_space<vmem_shared>> -> memref<96x128xf32, #tpu.memory_space<vmem_shared>>
      %dma_start3A_111 = arith.constant 0 : i32
      %dma_start3A_112 = arith.constant 0 : i32
      %dma_start3A_113 = tpu.memref_slice %arg7[%dma_start3A_111, %dma_start3A_112] : memref<96x128xf32, #tpu.memory_space<vmem>> -> memref<96x128xf32, #tpu.memory_space<vmem>>
      tpu.enqueue_dma source(%dma_start3A_113 : memref<96x128xf32, #tpu.memory_space<vmem>>) target(%dma_start3A_110 : memref<96x128xf32, #tpu.memory_space<vmem_shared>>) target_semaphore(%run_scoped3A : memref<!tpu.dma_semaphore, #tpu.memory_space<semaphore_mem>>)
      %dma_wait3A = arith.constant 0 : i32
      %dma_wait3A_114 = arith.constant 0 : i32
      %dma_wait3A_115 = tpu.memref_slice %arg7[%dma_wait3A, %dma_wait3A_114] : memref<96x128xf32, #tpu.memory_space<vmem>> -> memref<96x128xf32, #tpu.memory_space<vmem>>
      %dma_wait3A_116 = arith.constant 0 : i32
      %dma_wait3A_117 = tpu.memref_slice %arg9[%add3A_5, %dma_wait3A_116] : memref<10112x128xf32, #tpu.memory_space<vmem_shared>> -> memref<96x128xf32, #tpu.memory_space<vmem_shared>>
      %dma_wait3A_118 = arith.constant 0 : i32
      %dma_wait3A_119 = tpu.memref_slice %arg9[%add3A_5, %dma_wait3A_118] : memref<10112x128xf32, #tpu.memory_space<vmem_shared>> -> memref<96x128xf32, #tpu.memory_space<vmem_shared>>
      %dma_wait3A_120 = arith.constant 0 : i32
      %dma_wait3A_121 = arith.constant 0 : i32
      %dma_wait3A_122 = tpu.memref_slice %arg7[%dma_wait3A_120, %dma_wait3A_121] : memref<96x128xf32, #tpu.memory_space<vmem>> -> memref<96x128xf32, #tpu.memory_space<vmem>>
      tpu.wait_dma2 semaphore(%run_scoped3A : memref<!tpu.dma_semaphore, #tpu.memory_space<semaphore_mem>>) src(%dma_wait3A_122 : memref<96x128xf32, #tpu.memory_space<vmem>>) dst(%dma_wait3A_119 : memref<96x128xf32, #tpu.memory_space<vmem_shared>>)
      tpu.yield
    }) : () -> ()
    %mul3A_6 = arith.constant 632 : i32
    %mul3A_7 = arith.muli %arg1, %mul3A_6 : i32
    %add3A_8 = arith.constant 192 : i32
    %add3A_9 = arith.addi %mul3A_7, %add3A_8 : i32
    "tpu.region"() ({
      %run_scoped3A = tpu.sem_alloc : memref<!tpu.dma_semaphore, #tpu.memory_space<semaphore_mem>>
      %dma_start3A = arith.constant 0 : i32
      %dma_start3A_105 = arith.constant 0 : i32
      %dma_start3A_106 = tpu.memref_slice %arg7[%dma_start3A, %dma_start3A_105] : memref<96x128xf32, #tpu.memory_space<vmem>> -> memref<96x128xf32, #tpu.memory_space<vmem>>
      %dma_start3A_107 = arith.constant 0 : i32
      %dma_start3A_108 = tpu.memref_slice %arg9[%add3A_9, %dma_start3A_107] : memref<10112x128xf32, #tpu.memory_space<vmem_shared>> -> memref<96x128xf32, #tpu.memory_space<vmem_shared>>
      %dma_start3A_109 = arith.constant 0 : i32
      %dma_start3A_110 = tpu.memref_slice %arg9[%add3A_9, %dma_start3A_109] : memref<10112x128xf32, #tpu.memory_space<vmem_shared>> -> memref<96x128xf32, #tpu.memory_space<vmem_shared>>
      %dma_start3A_111 = arith.constant 0 : i32
      %dma_start3A_112 = arith.constant 0 : i32
      %dma_start3A_113 = tpu.memref_slice %arg7[%dma_start3A_111, %dma_start3A_112] : memref<96x128xf32, #tpu.memory_space<vmem>> -> memref<96x128xf32, #tpu.memory_space<vmem>>
      tpu.enqueue_dma source(%dma_start3A_113 : memref<96x128xf32, #tpu.memory_space<vmem>>) target(%dma_start3A_110 : memref<96x128xf32, #tpu.memory_space<vmem_shared>>) target_semaphore(%run_scoped3A : memref<!tpu.dma_semaphore, #tpu.memory_space<semaphore_mem>>)
      %dma_wait3A = arith.constant 0 : i32
      %dma_wait3A_114 = arith.constant 0 : i32
      %dma_wait3A_115 = tpu.memref_slice %arg7[%dma_wait3A, %dma_wait3A_114] : memref<96x128xf32, #tpu.memory_space<vmem>> -> memref<96x128xf32, #tpu.memory_space<vmem>>
      %dma_wait3A_116 = arith.constant 0 : i32
      %dma_wait3A_117 = tpu.memref_slice %arg9[%add3A_9, %dma_wait3A_116] : memref<10112x128xf32, #tpu.memory_space<vmem_shared>> -> memref<96x128xf32, #tpu.memory_space<vmem_shared>>
      %dma_wait3A_118 = arith.constant 0 : i32
      %dma_wait3A_119 = tpu.memref_slice %arg9[%add3A_9, %dma_wait3A_118] : memref<10112x128xf32, #tpu.memory_space<vmem_shared>> -> memref<96x128xf32, #tpu.memory_space<vmem_shared>>
      %dma_wait3A_120 = arith.constant 0 : i32
      %dma_wait3A_121 = arith.constant 0 : i32
      %dma_wait3A_122 = tpu.memref_slice %arg7[%dma_wait3A_120, %dma_wait3A_121] : memref<96x128xf32, #tpu.memory_space<vmem>> -> memref<96x128xf32, #tpu.memory_space<vmem>>
      tpu.wait_dma2 semaphore(%run_scoped3A : memref<!tpu.dma_semaphore, #tpu.memory_space<semaphore_mem>>) src(%dma_wait3A_122 : memref<96x128xf32, #tpu.memory_space<vmem>>) dst(%dma_wait3A_119 : memref<96x128xf32, #tpu.memory_space<vmem_shared>>)
      tpu.yield
    }) : () -> ()
    %mul3A_10 = arith.constant 632 : i32
    %mul3A_11 = arith.muli %arg1, %mul3A_10 : i32
    %add3A_12 = arith.constant 288 : i32
    %add3A_13 = arith.addi %mul3A_11, %add3A_12 : i32
    "tpu.region"() ({
      %run_scoped3A = tpu.sem_alloc : memref<!tpu.dma_semaphore, #tpu.memory_space<semaphore_mem>>
      %dma_start3A = arith.constant 0 : i32
      %dma_start3A_105 = arith.constant 0 : i32
      %dma_start3A_106 = tpu.memref_slice %arg7[%dma_start3A, %dma_start3A_105] : memref<96x128xf32, #tpu.memory_space<vmem>> -> memref<96x128xf32, #tpu.memory_space<vmem>>
      %dma_start3A_107 = arith.constant 0 : i32
      %dma_start3A_108 = tpu.memref_slice %arg9[%add3A_13, %dma_start3A_107] : memref<10112x128xf32, #tpu.memory_space<vmem_shared>> -> memref<96x128xf32, #tpu.memory_space<vmem_shared>>
      %dma_start3A_109 = arith.constant 0 : i32
      %dma_start3A_110 = tpu.memref_slice %arg9[%add3A_13, %dma_start3A_109] : memref<10112x128xf32, #tpu.memory_space<vmem_shared>> -> memref<96x128xf32, #tpu.memory_space<vmem_shared>>
      %dma_start3A_111 = arith.constant 0 : i32
      %dma_start3A_112 = arith.constant 0 : i32
      %dma_start3A_113 = tpu.memref_slice %arg7[%dma_start3A_111, %dma_start3A_112] : memref<96x128xf32, #tpu.memory_space<vmem>> -> memref<96x128xf32, #tpu.memory_space<vmem>>
      tpu.enqueue_dma source(%dma_start3A_113 : memref<96x128xf32, #tpu.memory_space<vmem>>) target(%dma_start3A_110 : memref<96x128xf32, #tpu.memory_space<vmem_shared>>) target_semaphore(%run_scoped3A : memref<!tpu.dma_semaphore, #tpu.memory_space<semaphore_mem>>)
      %dma_wait3A = arith.constant 0 : i32
      %dma_wait3A_114 = arith.constant 0 : i32
      %dma_wait3A_115 = tpu.memref_slice %arg7[%dma_wait3A, %dma_wait3A_114] : memref<96x128xf32, #tpu.memory_space<vmem>> -> memref<96x128xf32, #tpu.memory_space<vmem>>
      %dma_wait3A_116 = arith.constant 0 : i32
      %dma_wait3A_117 = tpu.memref_slice %arg9[%add3A_13, %dma_wait3A_116] : memref<10112x128xf32, #tpu.memory_space<vmem_shared>> -> memref<96x128xf32, #tpu.memory_space<vmem_shared>>
      %dma_wait3A_118 = arith.constant 0 : i32
      %dma_wait3A_119 = tpu.memref_slice %arg9[%add3A_13, %dma_wait3A_118] : memref<10112x128xf32, #tpu.memory_space<vmem_shared>> -> memref<96x128xf32, #tpu.memory_space<vmem_shared>>
      %dma_wait3A_120 = arith.constant 0 : i32
      %dma_wait3A_121 = arith.constant 0 : i32
      %dma_wait3A_122 = tpu.memref_slice %arg7[%dma_wait3A_120, %dma_wait3A_121] : memref<96x128xf32, #tpu.memory_space<vmem>> -> memref<96x128xf32, #tpu.memory_space<vmem>>
      tpu.wait_dma2 semaphore(%run_scoped3A : memref<!tpu.dma_semaphore, #tpu.memory_space<semaphore_mem>>) src(%dma_wait3A_122 : memref<96x128xf32, #tpu.memory_space<vmem>>) dst(%dma_wait3A_119 : memref<96x128xf32, #tpu.memory_space<vmem_shared>>)
      tpu.yield
    }) : () -> ()
    %mul3A_14 = arith.constant 632 : i32
    %mul3A_15 = arith.muli %arg1, %mul3A_14 : i32
    %add3A_16 = arith.constant 384 : i32
    %add3A_17 = arith.addi %mul3A_15, %add3A_16 : i32
    "tpu.region"() ({
      %run_scoped3A = tpu.sem_alloc : memref<!tpu.dma_semaphore, #tpu.memory_space<semaphore_mem>>
      %dma_start3A = arith.constant 0 : i32
      %dma_start3A_105 = arith.constant 0 : i32
      %dma_start3A_106 = tpu.memref_slice %arg7[%dma_start3A, %dma_start3A_105] : memref<96x128xf32, #tpu.memory_space<vmem>> -> memref<96x128xf32, #tpu.memory_space<vmem>>
      %dma_start3A_107 = arith.constant 0 : i32
      %dma_start3A_108 = tpu.memref_slice %arg9[%add3A_17, %dma_start3A_107] : memref<10112x128xf32, #tpu.memory_space<vmem_shared>> -> memref<96x128xf32, #tpu.memory_space<vmem_shared>>
      %dma_start3A_109 = arith.constant 0 : i32
      %dma_start3A_110 = tpu.memref_slice %arg9[%add3A_17, %dma_start3A_109] : memref<10112x128xf32, #tpu.memory_space<vmem_shared>> -> memref<96x128xf32, #tpu.memory_space<vmem_shared>>
      %dma_start3A_111 = arith.constant 0 : i32
      %dma_start3A_112 = arith.constant 0 : i32
      %dma_start3A_113 = tpu.memref_slice %arg7[%dma_start3A_111, %dma_start3A_112] : memref<96x128xf32, #tpu.memory_space<vmem>> -> memref<96x128xf32, #tpu.memory_space<vmem>>
      tpu.enqueue_dma source(%dma_start3A_113 : memref<96x128xf32, #tpu.memory_space<vmem>>) target(%dma_start3A_110 : memref<96x128xf32, #tpu.memory_space<vmem_shared>>) target_semaphore(%run_scoped3A : memref<!tpu.dma_semaphore, #tpu.memory_space<semaphore_mem>>)
      %dma_wait3A = arith.constant 0 : i32
      %dma_wait3A_114 = arith.constant 0 : i32
      %dma_wait3A_115 = tpu.memref_slice %arg7[%dma_wait3A, %dma_wait3A_114] : memref<96x128xf32, #tpu.memory_space<vmem>> -> memref<96x128xf32, #tpu.memory_space<vmem>>
      %dma_wait3A_116 = arith.constant 0 : i32
      %dma_wait3A_117 = tpu.memref_slice %arg9[%add3A_17, %dma_wait3A_116] : memref<10112x128xf32, #tpu.memory_space<vmem_shared>> -> memref<96x128xf32, #tpu.memory_space<vmem_shared>>
      %dma_wait3A_118 = arith.constant 0 : i32
      %dma_wait3A_119 = tpu.memref_slice %arg9[%add3A_17, %dma_wait3A_118] : memref<10112x128xf32, #tpu.memory_space<vmem_shared>> -> memref<96x128xf32, #tpu.memory_space<vmem_shared>>
      %dma_wait3A_120 = arith.constant 0 : i32
      %dma_wait3A_121 = arith.constant 0 : i32
      %dma_wait3A_122 = tpu.memref_slice %arg7[%dma_wait3A_120, %dma_wait3A_121] : memref<96x128xf32, #tpu.memory_space<vmem>> -> memref<96x128xf32, #tpu.memory_space<vmem>>
      tpu.wait_dma2 semaphore(%run_scoped3A : memref<!tpu.dma_semaphore, #tpu.memory_space<semaphore_mem>>) src(%dma_wait3A_122 : memref<96x128xf32, #tpu.memory_space<vmem>>) dst(%dma_wait3A_119 : memref<96x128xf32, #tpu.memory_space<vmem_shared>>)
      tpu.yield
    }) : () -> ()
    %mul3A_18 = arith.constant 632 : i32
    %mul3A_19 = arith.muli %arg1, %mul3A_18 : i32
    %add3A_20 = arith.constant 480 : i32
    %add3A_21 = arith.addi %mul3A_19, %add3A_20 : i32
    "tpu.region"() ({
      %run_scoped3A = tpu.sem_alloc : memref<!tpu.dma_semaphore, #tpu.memory_space<semaphore_mem>>
      %dma_start3A = arith.constant 0 : i32
      %dma_start3A_105 = arith.constant 0 : i32
      %dma_start3A_106 = tpu.memref_slice %arg7[%dma_start3A, %dma_start3A_105] : memref<96x128xf32, #tpu.memory_space<vmem>> -> memref<96x128xf32, #tpu.memory_space<vmem>>
      %dma_start3A_107 = arith.constant 0 : i32
      %dma_start3A_108 = tpu.memref_slice %arg9[%add3A_21, %dma_start3A_107] : memref<10112x128xf32, #tpu.memory_space<vmem_shared>> -> memref<96x128xf32, #tpu.memory_space<vmem_shared>>
      %dma_start3A_109 = arith.constant 0 : i32
      %dma_start3A_110 = tpu.memref_slice %arg9[%add3A_21, %dma_start3A_109] : memref<10112x128xf32, #tpu.memory_space<vmem_shared>> -> memref<96x128xf32, #tpu.memory_space<vmem_shared>>
      %dma_start3A_111 = arith.constant 0 : i32
      %dma_start3A_112 = arith.constant 0 : i32
      %dma_start3A_113 = tpu.memref_slice %arg7[%dma_start3A_111, %dma_start3A_112] : memref<96x128xf32, #tpu.memory_space<vmem>> -> memref<96x128xf32, #tpu.memory_space<vmem>>
      tpu.enqueue_dma source(%dma_start3A_113 : memref<96x128xf32, #tpu.memory_space<vmem>>) target(%dma_start3A_110 : memref<96x128xf32, #tpu.memory_space<vmem_shared>>) target_semaphore(%run_scoped3A : memref<!tpu.dma_semaphore, #tpu.memory_space<semaphore_mem>>)
      %dma_wait3A = arith.constant 0 : i32
      %dma_wait3A_114 = arith.constant 0 : i32
      %dma_wait3A_115 = tpu.memref_slice %arg7[%dma_wait3A, %dma_wait3A_114] : memref<96x128xf32, #tpu.memory_space<vmem>> -> memref<96x128xf32, #tpu.memory_space<vmem>>
      %dma_wait3A_116 = arith.constant 0 : i32
      %dma_wait3A_117 = tpu.memref_slice %arg9[%add3A_21, %dma_wait3A_116] : memref<10112x128xf32, #tpu.memory_space<vmem_shared>> -> memref<96x128xf32, #tpu.memory_space<vmem_shared>>
      %dma_wait3A_118 = arith.constant 0 : i32
      %dma_wait3A_119 = tpu.memref_slice %arg9[%add3A_21, %dma_wait3A_118] : memref<10112x128xf32, #tpu.memory_space<vmem_shared>> -> memref<96x128xf32, #tpu.memory_space<vmem_shared>>
      %dma_wait3A_120 = arith.constant 0 : i32
      %dma_wait3A_121 = arith.constant 0 : i32
      %dma_wait3A_122 = tpu.memref_slice %arg7[%dma_wait3A_120, %dma_wait3A_121] : memref<96x128xf32, #tpu.memory_space<vmem>> -> memref<96x128xf32, #tpu.memory_space<vmem>>
      tpu.wait_dma2 semaphore(%run_scoped3A : memref<!tpu.dma_semaphore, #tpu.memory_space<semaphore_mem>>) src(%dma_wait3A_122 : memref<96x128xf32, #tpu.memory_space<vmem>>) dst(%dma_wait3A_119 : memref<96x128xf32, #tpu.memory_space<vmem_shared>>)
      tpu.yield
    }) : () -> ()
    %mul3A_22 = arith.constant 632 : i32
    %mul3A_23 = arith.muli %arg1, %mul3A_22 : i32
    %add3A_24 = arith.constant 576 : i32
    %add3A_25 = arith.addi %mul3A_23, %add3A_24 : i32
    "tpu.region"() ({
      %run_scoped3A = tpu.sem_alloc : memref<!tpu.dma_semaphore, #tpu.memory_space<semaphore_mem>>
      %dma_start3A = arith.constant 0 : i32
      %dma_start3A_105 = arith.constant 0 : i32
      %dma_start3A_106 = tpu.memref_slice %arg7[%dma_start3A, %dma_start3A_105] : memref<96x128xf32, #tpu.memory_space<vmem>> -> memref<56x128xf32, #tpu.memory_space<vmem>>
      %dma_start3A_107 = arith.constant 0 : i32
      %dma_start3A_108 = tpu.memref_slice %arg9[%add3A_25, %dma_start3A_107] : memref<10112x128xf32, #tpu.memory_space<vmem_shared>> -> memref<56x128xf32, #tpu.memory_space<vmem_shared>>
      %dma_start3A_109 = arith.constant 0 : i32
      %dma_start3A_110 = tpu.memref_slice %arg9[%add3A_25, %dma_start3A_109] : memref<10112x128xf32, #tpu.memory_space<vmem_shared>> -> memref<56x128xf32, #tpu.memory_space<vmem_shared>>
      %dma_start3A_111 = arith.constant 0 : i32
      %dma_start3A_112 = arith.constant 0 : i32
      %dma_start3A_113 = tpu.memref_slice %arg7[%dma_start3A_111, %dma_start3A_112] : memref<96x128xf32, #tpu.memory_space<vmem>> -> memref<56x128xf32, #tpu.memory_space<vmem>>
      tpu.enqueue_dma source(%dma_start3A_113 : memref<56x128xf32, #tpu.memory_space<vmem>>) target(%dma_start3A_110 : memref<56x128xf32, #tpu.memory_space<vmem_shared>>) target_semaphore(%run_scoped3A : memref<!tpu.dma_semaphore, #tpu.memory_space<semaphore_mem>>)
      %dma_wait3A = arith.constant 0 : i32
      %dma_wait3A_114 = arith.constant 0 : i32
      %dma_wait3A_115 = tpu.memref_slice %arg7[%dma_wait3A, %dma_wait3A_114] : memref<96x128xf32, #tpu.memory_space<vmem>> -> memref<56x128xf32, #tpu.memory_space<vmem>>
      %dma_wait3A_116 = arith.constant 0 : i32
      %dma_wait3A_117 = tpu.memref_slice %arg9[%add3A_25, %dma_wait3A_116] : memref<10112x128xf32, #tpu.memory_space<vmem_shared>> -> memref<56x128xf32, #tpu.memory_space<vmem_shared>>
      %dma_wait3A_118 = arith.constant 0 : i32
      %dma_wait3A_119 = tpu.memref_slice %arg9[%add3A_25, %dma_wait3A_118] : memref<10112x128xf32, #tpu.memory_space<vmem_shared>> -> memref<56x128xf32, #tpu.memory_space<vmem_shared>>
      %dma_wait3A_120 = arith.constant 0 : i32
      %dma_wait3A_121 = arith.constant 0 : i32
      %dma_wait3A_122 = tpu.memref_slice %arg7[%dma_wait3A_120, %dma_wait3A_121] : memref<96x128xf32, #tpu.memory_space<vmem>> -> memref<56x128xf32, #tpu.memory_space<vmem>>
      tpu.wait_dma2 semaphore(%run_scoped3A : memref<!tpu.dma_semaphore, #tpu.memory_space<semaphore_mem>>) src(%dma_wait3A_122 : memref<56x128xf32, #tpu.memory_space<vmem>>) dst(%dma_wait3A_119 : memref<56x128xf32, #tpu.memory_space<vmem_shared>>)
      tpu.yield
    }) : () -> ()
    %barrier3A = arith.constant 0 : index
    tpu.barrier barrier_id(%barrier3A)
    %eq3A = arith.constant 0 : i32
    %eq3A_26 = arith.cmpi eq, %arg0, %eq3A : i32
    %jit3A = arith.constant 5 : i32
    %jit3A_27 = arith.constant 1 : i32
    %select_n3A = arith.select %eq3A_26, %jit3A, %jit3A_27 : i32
    %eq3A_28 = arith.constant 0 : i32
    %eq3A_29 = arith.cmpi eq, %arg0, %eq3A_28 : i32
    %mul3A_30 = arith.constant 5 : i32
    %mul3A_31 = arith.muli %arg1, %mul3A_30 : i32
    %mul3A_32 = arith.constant 1 : i32
    %mul3A_33 = arith.muli %arg1, %mul3A_32 : i32
    %add3A_34 = arith.constant 80 : i32
    %add3A_35 = arith.addi %add3A_34, %mul3A_33 : i32
    %select_n3A_36 = arith.select %eq3A_29, %mul3A_31, %add3A_35 : i32
    %while3A = arith.constant 0 : i32
    %while3A_37 = arith.constant 0 : i32
    %while3A_38 = arith.constant 1 : i32
    %while3A_39 = arith.constant 0 : i32
    %while3A_40 = arith.subi %select_n3A, %while3A_39 : i32
    %while3A_41 = arith.addi %while3A_39, %while3A_40 : i32
    %while3A_42 = arith.constant 1 : i32
    %while3A_43 = arith.divsi %while3A_40, %while3A_42 : i32
    %while3A_44 = arith.muli %while3A_43, %while3A_42 : i32
    %while3A_45 = arith.addi %while3A_39, %while3A_44 : i32
    %while3A_46 = arith.constant 1 : i32
    scf.for %while3A_105 = %while3A_39 to %while3A_45 step %while3A_46  : i32 {
      %add3A_106 = arith.addi %select_n3A_36, %while3A_105 : i32
      "tpu.region"() ({
        %run_scoped3A = tpu.sem_alloc : memref<!tpu.dma_semaphore, #tpu.memory_space<semaphore_mem>>
        %dma_start3A_133 = arith.constant 0 : i32
        %dma_start3A_134 = arith.constant 0 : i32
        %dma_start3A_135 = arith.constant 0 : i32
        %dma_start3A_136 = tpu.memref_slice %arg3[%add3A_106, %dma_start3A_133, %dma_start3A_134, %dma_start3A_135] : memref<96x2x36x96xi32, #tpu.memory_space<hbm>> -> memref<1x2x36x96xi32, #tpu.memory_space<hbm>>
        %dma_start3A_137 = tpu.memref_squeeze %dma_start3A_136 : memref<1x2x36x96xi32, #tpu.memory_space<hbm>> -> memref<2x36x96xi32, #tpu.memory_space<hbm>>
        %dma_start3A_138 = arith.constant 0 : i32
        %dma_start3A_139 = arith.constant 0 : i32
        %dma_start3A_140 = arith.constant 0 : i32
        %dma_start3A_141 = tpu.memref_slice %arg3[%add3A_106, %dma_start3A_138, %dma_start3A_139, %dma_start3A_140] : memref<96x2x36x96xi32, #tpu.memory_space<hbm>> -> memref<1x2x36x96xi32, #tpu.memory_space<hbm>>
        %dma_start3A_142 = tpu.memref_squeeze %dma_start3A_141 : memref<1x2x36x96xi32, #tpu.memory_space<hbm>> -> memref<2x36x96xi32, #tpu.memory_space<hbm>>
        tpu.enqueue_dma source(%dma_start3A_142 : memref<2x36x96xi32, #tpu.memory_space<hbm>>) target(%arg6 : memref<2x36x96xi32, #tpu.memory_space<vmem>>) target_semaphore(%run_scoped3A : memref<!tpu.dma_semaphore, #tpu.memory_space<semaphore_mem>>)
        %dma_wait3A = arith.constant 0 : i32
        %dma_wait3A_143 = arith.constant 0 : i32
        %dma_wait3A_144 = arith.constant 0 : i32
        %dma_wait3A_145 = tpu.memref_slice %arg3[%add3A_106, %dma_wait3A, %dma_wait3A_143, %dma_wait3A_144] : memref<96x2x36x96xi32, #tpu.memory_space<hbm>> -> memref<1x2x36x96xi32, #tpu.memory_space<hbm>>
        %dma_wait3A_146 = tpu.memref_squeeze %dma_wait3A_145 : memref<1x2x36x96xi32, #tpu.memory_space<hbm>> -> memref<2x36x96xi32, #tpu.memory_space<hbm>>
        %dma_wait3A_147 = arith.constant 0 : i32
        %dma_wait3A_148 = arith.constant 0 : i32
        %dma_wait3A_149 = arith.constant 0 : i32
        %dma_wait3A_150 = tpu.memref_slice %arg3[%add3A_106, %dma_wait3A_147, %dma_wait3A_148, %dma_wait3A_149] : memref<96x2x36x96xi32, #tpu.memory_space<hbm>> -> memref<1x2x36x96xi32, #tpu.memory_space<hbm>>
        %dma_wait3A_151 = tpu.memref_squeeze %dma_wait3A_150 : memref<1x2x36x96xi32, #tpu.memory_space<hbm>> -> memref<2x36x96xi32, #tpu.memory_space<hbm>>
        tpu.wait_dma2 semaphore(%run_scoped3A : memref<!tpu.dma_semaphore, #tpu.memory_space<semaphore_mem>>) src(%dma_wait3A_151 : memref<2x36x96xi32, #tpu.memory_space<hbm>>) dst(%arg6 : memref<2x36x96xi32, #tpu.memory_space<vmem>>)
        tpu.yield
      }) : () -> ()
      %dma_start3A = arith.constant 0 : i32
      %dma_start3A_107 = arith.constant 0 : i32
      %dma_start3A_108 = arith.constant 0 : i32
      %dma_start3A_109 = tpu.memref_slice %arg6[%while3A_37, %dma_start3A_107, %dma_start3A_108] : memref<2x36x96xi32, #tpu.memory_space<vmem>> -> memref<1x36x96xi32, #tpu.memory_space<vmem>>
      %dma_start3A_110 = tpu.memref_squeeze %dma_start3A_109 : memref<1x36x96xi32, #tpu.memory_space<vmem>> -> memref<36x96xi32, #tpu.memory_space<vmem>>
      %dma_start3A_111 = arith.constant 0 : i32
      %dma_start3A_112 = tpu.memref_slice %dma_start3A_110[%dma_start3A, %dma_start3A_111] : memref<36x96xi32, #tpu.memory_space<vmem>> -> memref<1x96xi32, #tpu.memory_space<vmem>>
      %dma_start3A_113 = tpu.memref_squeeze %dma_start3A_112 : memref<1x96xi32, #tpu.memory_space<vmem>> -> memref<96xi32, #tpu.memory_space<vmem>>
      %dma_start3A_114 = arith.constant 0 : i32
      %dma_start3A_115 = arith.constant 0 : i32
      %dma_start3A_116 = tpu.memref_slice %arg2[%dma_start3A_114, %dma_start3A_115] : memref<10000x128xf32, #tpu.memory_space<hbm>> -> memref<10000x128xf32, #tpu.memory_space<hbm>>
      tpu.enqueue_indirect_dma source(%dma_start3A_116 : memref<10000x128xf32, #tpu.memory_space<hbm>>) target(%arg7 : memref<96x128xf32, #tpu.memory_space<vmem>>) offsets(%dma_start3A_113 : memref<96xi32, #tpu.memory_space<vmem>>) semaphore(%arg10 : memref<!tpu.dma_semaphore, #tpu.memory_space<semaphore_mem>>)
      %dma_start3A_117 = arith.constant 1 : i32
      %dma_start3A_118 = arith.constant 0 : i32
      %dma_start3A_119 = arith.constant 0 : i32
      %dma_start3A_120 = tpu.memref_slice %arg6[%while3A_37, %dma_start3A_118, %dma_start3A_119] : memref<2x36x96xi32, #tpu.memory_space<vmem>> -> memref<1x36x96xi32, #tpu.memory_space<vmem>>
      %dma_start3A_121 = tpu.memref_squeeze %dma_start3A_120 : memref<1x36x96xi32, #tpu.memory_space<vmem>> -> memref<36x96xi32, #tpu.memory_space<vmem>>
      %dma_start3A_122 = arith.constant 0 : i32
      %dma_start3A_123 = tpu.memref_slice %dma_start3A_121[%dma_start3A_117, %dma_start3A_122] : memref<36x96xi32, #tpu.memory_space<vmem>> -> memref<1x96xi32, #tpu.memory_space<vmem>>
      %dma_start3A_124 = tpu.memref_squeeze %dma_start3A_123 : memref<1x96xi32, #tpu.memory_space<vmem>> -> memref<96xi32, #tpu.memory_space<vmem>>
      %dma_start3A_125 = arith.constant 0 : i32
      %dma_start3A_126 = arith.constant 0 : i32
      %dma_start3A_127 = tpu.memref_slice %arg2[%dma_start3A_125, %dma_start3A_126] : memref<10000x128xf32, #tpu.memory_space<hbm>> -> memref<10000x128xf32, #tpu.memory_space<hbm>>
      tpu.enqueue_indirect_dma source(%dma_start3A_127 : memref<10000x128xf32, #tpu.memory_space<hbm>>) target(%arg8 : memref<96x128xf32, #tpu.memory_space<vmem>>) offsets(%dma_start3A_124 : memref<96xi32, #tpu.memory_space<vmem>>) semaphore(%arg11 : memref<!tpu.dma_semaphore, #tpu.memory_space<semaphore_mem>>)
      %scan3A = arith.constant 0 : i32
      %scan3A_128 = arith.constant 0 : i32
      %scan3A_129 = arith.constant 18 : i32
      %scan3A_130 = arith.addi %scan3A_128, %scan3A_129 : i32
      %scan3A_131 = arith.constant 1 : i32
      scf.for %scan3A_133 = %scan3A_128 to %scan3A_130 step %scan3A_131  : i32 {
        %mul3A_134 = arith.constant 2 : i32
        %mul3A_135 = arith.muli %scan3A_133, %mul3A_134 : i32
        %add3A_136 = arith.constant 0 : i32
        %add3A_137 = arith.addi %mul3A_135, %add3A_136 : i32
        %dma_wait3A = arith.constant 0 : i32
        %dma_wait3A_138 = arith.constant 0 : i32
        %dma_wait3A_139 = tpu.memref_slice %arg6[%while3A_37, %dma_wait3A, %dma_wait3A_138] : memref<2x36x96xi32, #tpu.memory_space<vmem>> -> memref<1x36x96xi32, #tpu.memory_space<vmem>>
        %dma_wait3A_140 = tpu.memref_squeeze %dma_wait3A_139 : memref<1x36x96xi32, #tpu.memory_space<vmem>> -> memref<36x96xi32, #tpu.memory_space<vmem>>
        %dma_wait3A_141 = arith.constant 0 : i32
        %dma_wait3A_142 = tpu.memref_slice %dma_wait3A_140[%add3A_137, %dma_wait3A_141] : memref<36x96xi32, #tpu.memory_space<vmem>> -> memref<1x96xi32, #tpu.memory_space<vmem>>
        %dma_wait3A_143 = tpu.memref_squeeze %dma_wait3A_142 : memref<1x96xi32, #tpu.memory_space<vmem>> -> memref<96xi32, #tpu.memory_space<vmem>>
        %dma_wait3A_144 = arith.constant 0 : i32
        %dma_wait3A_145 = arith.constant 0 : i32
        %dma_wait3A_146 = tpu.memref_slice %arg2[%dma_wait3A_144, %dma_wait3A_145] : memref<10000x128xf32, #tpu.memory_space<hbm>> -> memref<10000x128xf32, #tpu.memory_space<hbm>>
        tpu.wait_indirect_dma semaphore(%arg10 : memref<!tpu.dma_semaphore, #tpu.memory_space<semaphore_mem>>) src(%dma_wait3A_146 : memref<10000x128xf32, #tpu.memory_space<hbm>>) dst(%arg7 : memref<96x128xf32, #tpu.memory_space<vmem>>)
        "tpu.region"() ({
          %run_scoped3A = tpu.sem_alloc : memref<!tpu.dma_semaphore, #tpu.memory_space<semaphore_mem>>
          %dma_start3A_170 = arith.constant 0 : i32
          %dma_start3A_171 = arith.constant 0 : i32
          %dma_start3A_172 = tpu.memref_slice %arg6[%while3A_38, %dma_start3A_170, %dma_start3A_171] : memref<2x36x96xi32, #tpu.memory_space<vmem>> -> memref<1x36x96xi32, #tpu.memory_space<vmem>>
          %dma_start3A_173 = tpu.memref_squeeze %dma_start3A_172 : memref<1x36x96xi32, #tpu.memory_space<vmem>> -> memref<36x96xi32, #tpu.memory_space<vmem>>
          %dma_start3A_174 = arith.constant 0 : i32
          %dma_start3A_175 = tpu.memref_slice %dma_start3A_173[%add3A_137, %dma_start3A_174] : memref<36x96xi32, #tpu.memory_space<vmem>> -> memref<1x96xi32, #tpu.memory_space<vmem>>
          %dma_start3A_176 = tpu.memref_squeeze %dma_start3A_175 : memref<1x96xi32, #tpu.memory_space<vmem>> -> memref<96xi32, #tpu.memory_space<vmem>>
          %dma_start3A_177 = arith.constant 0 : i32
          %dma_start3A_178 = arith.constant 0 : i32
          %dma_start3A_179 = tpu.memref_slice %arg9[%dma_start3A_177, %dma_start3A_178] : memref<10112x128xf32, #tpu.memory_space<vmem_shared>> -> memref<10112x128xf32, #tpu.memory_space<vmem_shared>>
          tpu.enqueue_indirect_dma source(%arg7 : memref<96x128xf32, #tpu.memory_space<vmem>>) target(%dma_start3A_179 : memref<10112x128xf32, #tpu.memory_space<vmem_shared>>) offsets(%dma_start3A_176 : memref<96xi32, #tpu.memory_space<vmem>>) semaphore(%run_scoped3A : memref<!tpu.dma_semaphore, #tpu.memory_space<semaphore_mem>>) {add = true}
          %dma_wait3A_180 = arith.constant 0 : i32
          %dma_wait3A_181 = arith.constant 0 : i32
          %dma_wait3A_182 = tpu.memref_slice %arg6[%while3A_38, %dma_wait3A_180, %dma_wait3A_181] : memref<2x36x96xi32, #tpu.memory_space<vmem>> -> memref<1x36x96xi32, #tpu.memory_space<vmem>>
          %dma_wait3A_183 = tpu.memref_squeeze %dma_wait3A_182 : memref<1x36x96xi32, #tpu.memory_space<vmem>> -> memref<36x96xi32, #tpu.memory_space<vmem>>
          %dma_wait3A_184 = arith.constant 0 : i32
          %dma_wait3A_185 = tpu.memref_slice %dma_wait3A_183[%add3A_137, %dma_wait3A_184] : memref<36x96xi32, #tpu.memory_space<vmem>> -> memref<1x96xi32, #tpu.memory_space<vmem>>
          %dma_wait3A_186 = tpu.memref_squeeze %dma_wait3A_185 : memref<1x96xi32, #tpu.memory_space<vmem>> -> memref<96xi32, #tpu.memory_space<vmem>>
          %dma_wait3A_187 = arith.constant 0 : i32
          %dma_wait3A_188 = arith.constant 0 : i32
          %dma_wait3A_189 = tpu.memref_slice %arg9[%dma_wait3A_187, %dma_wait3A_188] : memref<10112x128xf32, #tpu.memory_space<vmem_shared>> -> memref<10112x128xf32, #tpu.memory_space<vmem_shared>>
          tpu.wait_indirect_dma semaphore(%run_scoped3A : memref<!tpu.dma_semaphore, #tpu.memory_space<semaphore_mem>>) src(%arg7 : memref<96x128xf32, #tpu.memory_space<vmem>>) dst(%dma_wait3A_189 : memref<10112x128xf32, #tpu.memory_space<vmem_shared>>)
          tpu.yield
        }) : () -> ()
        %add3A_147 = arith.constant 2 : i32
        %add3A_148 = arith.addi %add3A_137, %add3A_147 : i32
        %lt3A = arith.constant 36 : i32
        %lt3A_149 = arith.cmpi slt, %add3A_148, %lt3A : i32
        %convert_element_type3A = arith.extui %lt3A_149 : i1 to i32
        %cond3A = arith.constant 0 : i32
        %cond3A_150 = arith.cmpi ne, %convert_element_type3A, %cond3A : i32
        scf.if %cond3A_150 {
          %dma_start3A_170 = arith.constant 0 : i32
          %dma_start3A_171 = arith.constant 0 : i32
          %dma_start3A_172 = tpu.memref_slice %arg6[%while3A_37, %dma_start3A_170, %dma_start3A_171] : memref<2x36x96xi32, #tpu.memory_space<vmem>> -> memref<1x36x96xi32, #tpu.memory_space<vmem>>
          %dma_start3A_173 = tpu.memref_squeeze %dma_start3A_172 : memref<1x36x96xi32, #tpu.memory_space<vmem>> -> memref<36x96xi32, #tpu.memory_space<vmem>>
          %dma_start3A_174 = arith.constant 0 : i32
          %dma_start3A_175 = tpu.memref_slice %dma_start3A_173[%add3A_148, %dma_start3A_174] : memref<36x96xi32, #tpu.memory_space<vmem>> -> memref<1x96xi32, #tpu.memory_space<vmem>>
          %dma_start3A_176 = tpu.memref_squeeze %dma_start3A_175 : memref<1x96xi32, #tpu.memory_space<vmem>> -> memref<96xi32, #tpu.memory_space<vmem>>
          %dma_start3A_177 = arith.constant 0 : i32
          %dma_start3A_178 = arith.constant 0 : i32
          %dma_start3A_179 = tpu.memref_slice %arg2[%dma_start3A_177, %dma_start3A_178] : memref<10000x128xf32, #tpu.memory_space<hbm>> -> memref<10000x128xf32, #tpu.memory_space<hbm>>
          tpu.enqueue_indirect_dma source(%dma_start3A_179 : memref<10000x128xf32, #tpu.memory_space<hbm>>) target(%arg7 : memref<96x128xf32, #tpu.memory_space<vmem>>) offsets(%dma_start3A_176 : memref<96xi32, #tpu.memory_space<vmem>>) semaphore(%arg10 : memref<!tpu.dma_semaphore, #tpu.memory_space<semaphore_mem>>)
        } else {
        }
        %add3A_151 = arith.constant 1 : i32
        %add3A_152 = arith.addi %mul3A_135, %add3A_151 : i32
        %dma_wait3A_153 = arith.constant 0 : i32
        %dma_wait3A_154 = arith.constant 0 : i32
        %dma_wait3A_155 = tpu.memref_slice %arg6[%while3A_37, %dma_wait3A_153, %dma_wait3A_154] : memref<2x36x96xi32, #tpu.memory_space<vmem>> -> memref<1x36x96xi32, #tpu.memory_space<vmem>>
        %dma_wait3A_156 = tpu.memref_squeeze %dma_wait3A_155 : memref<1x36x96xi32, #tpu.memory_space<vmem>> -> memref<36x96xi32, #tpu.memory_space<vmem>>
        %dma_wait3A_157 = arith.constant 0 : i32
        %dma_wait3A_158 = tpu.memref_slice %dma_wait3A_156[%add3A_152, %dma_wait3A_157] : memref<36x96xi32, #tpu.memory_space<vmem>> -> memref<1x96xi32, #tpu.memory_space<vmem>>
        %dma_wait3A_159 = tpu.memref_squeeze %dma_wait3A_158 : memref<1x96xi32, #tpu.memory_space<vmem>> -> memref<96xi32, #tpu.memory_space<vmem>>
        %dma_wait3A_160 = arith.constant 0 : i32
        %dma_wait3A_161 = arith.constant 0 : i32
        %dma_wait3A_162 = tpu.memref_slice %arg2[%dma_wait3A_160, %dma_wait3A_161] : memref<10000x128xf32, #tpu.memory_space<hbm>> -> memref<10000x128xf32, #tpu.memory_space<hbm>>
        tpu.wait_indirect_dma semaphore(%arg11 : memref<!tpu.dma_semaphore, #tpu.memory_space<semaphore_mem>>) src(%dma_wait3A_162 : memref<10000x128xf32, #tpu.memory_space<hbm>>) dst(%arg8 : memref<96x128xf32, #tpu.memory_space<vmem>>)
        "tpu.region"() ({
          %run_scoped3A = tpu.sem_alloc : memref<!tpu.dma_semaphore, #tpu.memory_space<semaphore_mem>>
          %dma_start3A_170 = arith.constant 0 : i32
          %dma_start3A_171 = arith.constant 0 : i32
          %dma_start3A_172 = tpu.memref_slice %arg6[%while3A_38, %dma_start3A_170, %dma_start3A_171] : memref<2x36x96xi32, #tpu.memory_space<vmem>> -> memref<1x36x96xi32, #tpu.memory_space<vmem>>
          %dma_start3A_173 = tpu.memref_squeeze %dma_start3A_172 : memref<1x36x96xi32, #tpu.memory_space<vmem>> -> memref<36x96xi32, #tpu.memory_space<vmem>>
          %dma_start3A_174 = arith.constant 0 : i32
          %dma_start3A_175 = tpu.memref_slice %dma_start3A_173[%add3A_152, %dma_start3A_174] : memref<36x96xi32, #tpu.memory_space<vmem>> -> memref<1x96xi32, #tpu.memory_space<vmem>>
          %dma_start3A_176 = tpu.memref_squeeze %dma_start3A_175 : memref<1x96xi32, #tpu.memory_space<vmem>> -> memref<96xi32, #tpu.memory_space<vmem>>
          %dma_start3A_177 = arith.constant 0 : i32
          %dma_start3A_178 = arith.constant 0 : i32
          %dma_start3A_179 = tpu.memref_slice %arg9[%dma_start3A_177, %dma_start3A_178] : memref<10112x128xf32, #tpu.memory_space<vmem_shared>> -> memref<10112x128xf32, #tpu.memory_space<vmem_shared>>
          tpu.enqueue_indirect_dma source(%arg8 : memref<96x128xf32, #tpu.memory_space<vmem>>) target(%dma_start3A_179 : memref<10112x128xf32, #tpu.memory_space<vmem_shared>>) offsets(%dma_start3A_176 : memref<96xi32, #tpu.memory_space<vmem>>) semaphore(%run_scoped3A : memref<!tpu.dma_semaphore, #tpu.memory_space<semaphore_mem>>) {add = true}
          %dma_wait3A_180 = arith.constant 0 : i32
          %dma_wait3A_181 = arith.constant 0 : i32
          %dma_wait3A_182 = tpu.memref_slice %arg6[%while3A_38, %dma_wait3A_180, %dma_wait3A_181] : memref<2x36x96xi32, #tpu.memory_space<vmem>> -> memref<1x36x96xi32, #tpu.memory_space<vmem>>
          %dma_wait3A_183 = tpu.memref_squeeze %dma_wait3A_182 : memref<1x36x96xi32, #tpu.memory_space<vmem>> -> memref<36x96xi32, #tpu.memory_space<vmem>>
          %dma_wait3A_184 = arith.constant 0 : i32
          %dma_wait3A_185 = tpu.memref_slice %dma_wait3A_183[%add3A_152, %dma_wait3A_184] : memref<36x96xi32, #tpu.memory_space<vmem>> -> memref<1x96xi32, #tpu.memory_space<vmem>>
          %dma_wait3A_186 = tpu.memref_squeeze %dma_wait3A_185 : memref<1x96xi32, #tpu.memory_space<vmem>> -> memref<96xi32, #tpu.memory_space<vmem>>
          %dma_wait3A_187 = arith.constant 0 : i32
          %dma_wait3A_188 = arith.constant 0 : i32
          %dma_wait3A_189 = tpu.memref_slice %arg9[%dma_wait3A_187, %dma_wait3A_188] : memref<10112x128xf32, #tpu.memory_space<vmem_shared>> -> memref<10112x128xf32, #tpu.memory_space<vmem_shared>>
          tpu.wait_indirect_dma semaphore(%run_scoped3A : memref<!tpu.dma_semaphore, #tpu.memory_space<semaphore_mem>>) src(%arg8 : memref<96x128xf32, #tpu.memory_space<vmem>>) dst(%dma_wait3A_189 : memref<10112x128xf32, #tpu.memory_space<vmem_shared>>)
          tpu.yield
        }) : () -> ()
        %add3A_163 = arith.constant 2 : i32
        %add3A_164 = arith.addi %add3A_152, %add3A_163 : i32
        %lt3A_165 = arith.constant 36 : i32
        %lt3A_166 = arith.cmpi slt, %add3A_164, %lt3A_165 : i32
        %convert_element_type3A_167 = arith.extui %lt3A_166 : i1 to i32
        %cond3A_168 = arith.constant 0 : i32
        %cond3A_169 = arith.cmpi ne, %convert_element_type3A_167, %cond3A_168 : i32
        scf.if %cond3A_169 {
          %dma_start3A_170 = arith.constant 0 : i32
          %dma_start3A_171 = arith.constant 0 : i32
          %dma_start3A_172 = tpu.memref_slice %arg6[%while3A_37, %dma_start3A_170, %dma_start3A_171] : memref<2x36x96xi32, #tpu.memory_space<vmem>> -> memref<1x36x96xi32, #tpu.memory_space<vmem>>
          %dma_start3A_173 = tpu.memref_squeeze %dma_start3A_172 : memref<1x36x96xi32, #tpu.memory_space<vmem>> -> memref<36x96xi32, #tpu.memory_space<vmem>>
          %dma_start3A_174 = arith.constant 0 : i32
          %dma_start3A_175 = tpu.memref_slice %dma_start3A_173[%add3A_164, %dma_start3A_174] : memref<36x96xi32, #tpu.memory_space<vmem>> -> memref<1x96xi32, #tpu.memory_space<vmem>>
          %dma_start3A_176 = tpu.memref_squeeze %dma_start3A_175 : memref<1x96xi32, #tpu.memory_space<vmem>> -> memref<96xi32, #tpu.memory_space<vmem>>
          %dma_start3A_177 = arith.constant 0 : i32
          %dma_start3A_178 = arith.constant 0 : i32
          %dma_start3A_179 = tpu.memref_slice %arg2[%dma_start3A_177, %dma_start3A_178] : memref<10000x128xf32, #tpu.memory_space<hbm>> -> memref<10000x128xf32, #tpu.memory_space<hbm>>
          tpu.enqueue_indirect_dma source(%dma_start3A_179 : memref<10000x128xf32, #tpu.memory_space<hbm>>) target(%arg8 : memref<96x128xf32, #tpu.memory_space<vmem>>) offsets(%dma_start3A_176 : memref<96xi32, #tpu.memory_space<vmem>>) semaphore(%arg11 : memref<!tpu.dma_semaphore, #tpu.memory_space<semaphore_mem>>)
        } else {
        }
      }
      %scan3A_132 = arith.constant 18 : i32
    }
    %while3A_47 = arith.constant 1 : i32
    scf.for %while3A_105 = %while3A_45 to %while3A_41 step %while3A_47  : i32 {
      %add3A_106 = arith.addi %select_n3A_36, %while3A_105 : i32
      "tpu.region"() ({
        %run_scoped3A = tpu.sem_alloc : memref<!tpu.dma_semaphore, #tpu.memory_space<semaphore_mem>>
        %dma_start3A_133 = arith.constant 0 : i32
        %dma_start3A_134 = arith.constant 0 : i32
        %dma_start3A_135 = arith.constant 0 : i32
        %dma_start3A_136 = tpu.memref_slice %arg3[%add3A_106, %dma_start3A_133, %dma_start3A_134, %dma_start3A_135] : memref<96x2x36x96xi32, #tpu.memory_space<hbm>> -> memref<1x2x36x96xi32, #tpu.memory_space<hbm>>
        %dma_start3A_137 = tpu.memref_squeeze %dma_start3A_136 : memref<1x2x36x96xi32, #tpu.memory_space<hbm>> -> memref<2x36x96xi32, #tpu.memory_space<hbm>>
        %dma_start3A_138 = arith.constant 0 : i32
        %dma_start3A_139 = arith.constant 0 : i32
        %dma_start3A_140 = arith.constant 0 : i32
        %dma_start3A_141 = tpu.memref_slice %arg3[%add3A_106, %dma_start3A_138, %dma_start3A_139, %dma_start3A_140] : memref<96x2x36x96xi32, #tpu.memory_space<hbm>> -> memref<1x2x36x96xi32, #tpu.memory_space<hbm>>
        %dma_start3A_142 = tpu.memref_squeeze %dma_start3A_141 : memref<1x2x36x96xi32, #tpu.memory_space<hbm>> -> memref<2x36x96xi32, #tpu.memory_space<hbm>>
        tpu.enqueue_dma source(%dma_start3A_142 : memref<2x36x96xi32, #tpu.memory_space<hbm>>) target(%arg6 : memref<2x36x96xi32, #tpu.memory_space<vmem>>) target_semaphore(%run_scoped3A : memref<!tpu.dma_semaphore, #tpu.memory_space<semaphore_mem>>)
        %dma_wait3A = arith.constant 0 : i32
        %dma_wait3A_143 = arith.constant 0 : i32
        %dma_wait3A_144 = arith.constant 0 : i32
        %dma_wait3A_145 = tpu.memref_slice %arg3[%add3A_106, %dma_wait3A, %dma_wait3A_143, %dma_wait3A_144] : memref<96x2x36x96xi32, #tpu.memory_space<hbm>> -> memref<1x2x36x96xi32, #tpu.memory_space<hbm>>
        %dma_wait3A_146 = tpu.memref_squeeze %dma_wait3A_145 : memref<1x2x36x96xi32, #tpu.memory_space<hbm>> -> memref<2x36x96xi32, #tpu.memory_space<hbm>>
        %dma_wait3A_147 = arith.constant 0 : i32
        %dma_wait3A_148 = arith.constant 0 : i32
        %dma_wait3A_149 = arith.constant 0 : i32
        %dma_wait3A_150 = tpu.memref_slice %arg3[%add3A_106, %dma_wait3A_147, %dma_wait3A_148, %dma_wait3A_149] : memref<96x2x36x96xi32, #tpu.memory_space<hbm>> -> memref<1x2x36x96xi32, #tpu.memory_space<hbm>>
        %dma_wait3A_151 = tpu.memref_squeeze %dma_wait3A_150 : memref<1x2x36x96xi32, #tpu.memory_space<hbm>> -> memref<2x36x96xi32, #tpu.memory_space<hbm>>
        tpu.wait_dma2 semaphore(%run_scoped3A : memref<!tpu.dma_semaphore, #tpu.memory_space<semaphore_mem>>) src(%dma_wait3A_151 : memref<2x36x96xi32, #tpu.memory_space<hbm>>) dst(%arg6 : memref<2x36x96xi32, #tpu.memory_space<vmem>>)
        tpu.yield
      }) : () -> ()
      %dma_start3A = arith.constant 0 : i32
      %dma_start3A_107 = arith.constant 0 : i32
      %dma_start3A_108 = arith.constant 0 : i32
      %dma_start3A_109 = tpu.memref_slice %arg6[%while3A_37, %dma_start3A_107, %dma_start3A_108] : memref<2x36x96xi32, #tpu.memory_space<vmem>> -> memref<1x36x96xi32, #tpu.memory_space<vmem>>
      %dma_start3A_110 = tpu.memref_squeeze %dma_start3A_109 : memref<1x36x96xi32, #tpu.memory_space<vmem>> -> memref<36x96xi32, #tpu.memory_space<vmem>>
      %dma_start3A_111 = arith.constant 0 : i32
      %dma_start3A_112 = tpu.memref_slice %dma_start3A_110[%dma_start3A, %dma_start3A_111] : memref<36x96xi32, #tpu.memory_space<vmem>> -> memref<1x96xi32, #tpu.memory_space<vmem>>
      %dma_start3A_113 = tpu.memref_squeeze %dma_start3A_112 : memref<1x96xi32, #tpu.memory_space<vmem>> -> memref<96xi32, #tpu.memory_space<vmem>>
      %dma_start3A_114 = arith.constant 0 : i32
      %dma_start3A_115 = arith.constant 0 : i32
      %dma_start3A_116 = tpu.memref_slice %arg2[%dma_start3A_114, %dma_start3A_115] : memref<10000x128xf32, #tpu.memory_space<hbm>> -> memref<10000x128xf32, #tpu.memory_space<hbm>>
      tpu.enqueue_indirect_dma source(%dma_start3A_116 : memref<10000x128xf32, #tpu.memory_space<hbm>>) target(%arg7 : memref<96x128xf32, #tpu.memory_space<vmem>>) offsets(%dma_start3A_113 : memref<96xi32, #tpu.memory_space<vmem>>) semaphore(%arg10 : memref<!tpu.dma_semaphore, #tpu.memory_space<semaphore_mem>>)
      %dma_start3A_117 = arith.constant 1 : i32
      %dma_start3A_118 = arith.constant 0 : i32
      %dma_start3A_119 = arith.constant 0 : i32
      %dma_start3A_120 = tpu.memref_slice %arg6[%while3A_37, %dma_start3A_118, %dma_start3A_119] : memref<2x36x96xi32, #tpu.memory_space<vmem>> -> memref<1x36x96xi32, #tpu.memory_space<vmem>>
      %dma_start3A_121 = tpu.memref_squeeze %dma_start3A_120 : memref<1x36x96xi32, #tpu.memory_space<vmem>> -> memref<36x96xi32, #tpu.memory_space<vmem>>
      %dma_start3A_122 = arith.constant 0 : i32
      %dma_start3A_123 = tpu.memref_slice %dma_start3A_121[%dma_start3A_117, %dma_start3A_122] : memref<36x96xi32, #tpu.memory_space<vmem>> -> memref<1x96xi32, #tpu.memory_space<vmem>>
      %dma_start3A_124 = tpu.memref_squeeze %dma_start3A_123 : memref<1x96xi32, #tpu.memory_space<vmem>> -> memref<96xi32, #tpu.memory_space<vmem>>
      %dma_start3A_125 = arith.constant 0 : i32
      %dma_start3A_126 = arith.constant 0 : i32
      %dma_start3A_127 = tpu.memref_slice %arg2[%dma_start3A_125, %dma_start3A_126] : memref<10000x128xf32, #tpu.memory_space<hbm>> -> memref<10000x128xf32, #tpu.memory_space<hbm>>
      tpu.enqueue_indirect_dma source(%dma_start3A_127 : memref<10000x128xf32, #tpu.memory_space<hbm>>) target(%arg8 : memref<96x128xf32, #tpu.memory_space<vmem>>) offsets(%dma_start3A_124 : memref<96xi32, #tpu.memory_space<vmem>>) semaphore(%arg11 : memref<!tpu.dma_semaphore, #tpu.memory_space<semaphore_mem>>)
      %scan3A = arith.constant 0 : i32
      %scan3A_128 = arith.constant 0 : i32
      %scan3A_129 = arith.constant 18 : i32
      %scan3A_130 = arith.addi %scan3A_128, %scan3A_129 : i32
      %scan3A_131 = arith.constant 1 : i32
      scf.for %scan3A_133 = %scan3A_128 to %scan3A_130 step %scan3A_131  : i32 {
        %mul3A_134 = arith.constant 2 : i32
        %mul3A_135 = arith.muli %scan3A_133, %mul3A_134 : i32
        %add3A_136 = arith.constant 0 : i32
        %add3A_137 = arith.addi %mul3A_135, %add3A_136 : i32
        %dma_wait3A = arith.constant 0 : i32
        %dma_wait3A_138 = arith.constant 0 : i32
        %dma_wait3A_139 = tpu.memref_slice %arg6[%while3A_37, %dma_wait3A, %dma_wait3A_138] : memref<2x36x96xi32, #tpu.memory_space<vmem>> -> memref<1x36x96xi32, #tpu.memory_space<vmem>>
        %dma_wait3A_140 = tpu.memref_squeeze %dma_wait3A_139 : memref<1x36x96xi32, #tpu.memory_space<vmem>> -> memref<36x96xi32, #tpu.memory_space<vmem>>
        %dma_wait3A_141 = arith.constant 0 : i32
        %dma_wait3A_142 = tpu.memref_slice %dma_wait3A_140[%add3A_137, %dma_wait3A_141] : memref<36x96xi32, #tpu.memory_space<vmem>> -> memref<1x96xi32, #tpu.memory_space<vmem>>
        %dma_wait3A_143 = tpu.memref_squeeze %dma_wait3A_142 : memref<1x96xi32, #tpu.memory_space<vmem>> -> memref<96xi32, #tpu.memory_space<vmem>>
        %dma_wait3A_144 = arith.constant 0 : i32
        %dma_wait3A_145 = arith.constant 0 : i32
        %dma_wait3A_146 = tpu.memref_slice %arg2[%dma_wait3A_144, %dma_wait3A_145] : memref<10000x128xf32, #tpu.memory_space<hbm>> -> memref<10000x128xf32, #tpu.memory_space<hbm>>
        tpu.wait_indirect_dma semaphore(%arg10 : memref<!tpu.dma_semaphore, #tpu.memory_space<semaphore_mem>>) src(%dma_wait3A_146 : memref<10000x128xf32, #tpu.memory_space<hbm>>) dst(%arg7 : memref<96x128xf32, #tpu.memory_space<vmem>>)
        "tpu.region"() ({
          %run_scoped3A = tpu.sem_alloc : memref<!tpu.dma_semaphore, #tpu.memory_space<semaphore_mem>>
          %dma_start3A_170 = arith.constant 0 : i32
          %dma_start3A_171 = arith.constant 0 : i32
          %dma_start3A_172 = tpu.memref_slice %arg6[%while3A_38, %dma_start3A_170, %dma_start3A_171] : memref<2x36x96xi32, #tpu.memory_space<vmem>> -> memref<1x36x96xi32, #tpu.memory_space<vmem>>
          %dma_start3A_173 = tpu.memref_squeeze %dma_start3A_172 : memref<1x36x96xi32, #tpu.memory_space<vmem>> -> memref<36x96xi32, #tpu.memory_space<vmem>>
          %dma_start3A_174 = arith.constant 0 : i32
          %dma_start3A_175 = tpu.memref_slice %dma_start3A_173[%add3A_137, %dma_start3A_174] : memref<36x96xi32, #tpu.memory_space<vmem>> -> memref<1x96xi32, #tpu.memory_space<vmem>>
          %dma_start3A_176 = tpu.memref_squeeze %dma_start3A_175 : memref<1x96xi32, #tpu.memory_space<vmem>> -> memref<96xi32, #tpu.memory_space<vmem>>
          %dma_start3A_177 = arith.constant 0 : i32
          %dma_start3A_178 = arith.constant 0 : i32
          %dma_start3A_179 = tpu.memref_slice %arg9[%dma_start3A_177, %dma_start3A_178] : memref<10112x128xf32, #tpu.memory_space<vmem_shared>> -> memref<10112x128xf32, #tpu.memory_space<vmem_shared>>
          tpu.enqueue_indirect_dma source(%arg7 : memref<96x128xf32, #tpu.memory_space<vmem>>) target(%dma_start3A_179 : memref<10112x128xf32, #tpu.memory_space<vmem_shared>>) offsets(%dma_start3A_176 : memref<96xi32, #tpu.memory_space<vmem>>) semaphore(%run_scoped3A : memref<!tpu.dma_semaphore, #tpu.memory_space<semaphore_mem>>) {add = true}
          %dma_wait3A_180 = arith.constant 0 : i32
          %dma_wait3A_181 = arith.constant 0 : i32
          %dma_wait3A_182 = tpu.memref_slice %arg6[%while3A_38, %dma_wait3A_180, %dma_wait3A_181] : memref<2x36x96xi32, #tpu.memory_space<vmem>> -> memref<1x36x96xi32, #tpu.memory_space<vmem>>
          %dma_wait3A_183 = tpu.memref_squeeze %dma_wait3A_182 : memref<1x36x96xi32, #tpu.memory_space<vmem>> -> memref<36x96xi32, #tpu.memory_space<vmem>>
          %dma_wait3A_184 = arith.constant 0 : i32
          %dma_wait3A_185 = tpu.memref_slice %dma_wait3A_183[%add3A_137, %dma_wait3A_184] : memref<36x96xi32, #tpu.memory_space<vmem>> -> memref<1x96xi32, #tpu.memory_space<vmem>>
          %dma_wait3A_186 = tpu.memref_squeeze %dma_wait3A_185 : memref<1x96xi32, #tpu.memory_space<vmem>> -> memref<96xi32, #tpu.memory_space<vmem>>
          %dma_wait3A_187 = arith.constant 0 : i32
          %dma_wait3A_188 = arith.constant 0 : i32
          %dma_wait3A_189 = tpu.memref_slice %arg9[%dma_wait3A_187, %dma_wait3A_188] : memref<10112x128xf32, #tpu.memory_space<vmem_shared>> -> memref<10112x128xf32, #tpu.memory_space<vmem_shared>>
          tpu.wait_indirect_dma semaphore(%run_scoped3A : memref<!tpu.dma_semaphore, #tpu.memory_space<semaphore_mem>>) src(%arg7 : memref<96x128xf32, #tpu.memory_space<vmem>>) dst(%dma_wait3A_189 : memref<10112x128xf32, #tpu.memory_space<vmem_shared>>)
          tpu.yield
        }) : () -> ()
        %add3A_147 = arith.constant 2 : i32
        %add3A_148 = arith.addi %add3A_137, %add3A_147 : i32
        %lt3A = arith.constant 36 : i32
        %lt3A_149 = arith.cmpi slt, %add3A_148, %lt3A : i32
        %convert_element_type3A = arith.extui %lt3A_149 : i1 to i32
        %cond3A = arith.constant 0 : i32
        %cond3A_150 = arith.cmpi ne, %convert_element_type3A, %cond3A : i32
        scf.if %cond3A_150 {
          %dma_start3A_170 = arith.constant 0 : i32
          %dma_start3A_171 = arith.constant 0 : i32
          %dma_start3A_172 = tpu.memref_slice %arg6[%while3A_37, %dma_start3A_170, %dma_start3A_171] : memref<2x36x96xi32, #tpu.memory_space<vmem>> -> memref<1x36x96xi32, #tpu.memory_space<vmem>>
          %dma_start3A_173 = tpu.memref_squeeze %dma_start3A_172 : memref<1x36x96xi32, #tpu.memory_space<vmem>> -> memref<36x96xi32, #tpu.memory_space<vmem>>
          %dma_start3A_174 = arith.constant 0 : i32
          %dma_start3A_175 = tpu.memref_slice %dma_start3A_173[%add3A_148, %dma_start3A_174] : memref<36x96xi32, #tpu.memory_space<vmem>> -> memref<1x96xi32, #tpu.memory_space<vmem>>
          %dma_start3A_176 = tpu.memref_squeeze %dma_start3A_175 : memref<1x96xi32, #tpu.memory_space<vmem>> -> memref<96xi32, #tpu.memory_space<vmem>>
          %dma_start3A_177 = arith.constant 0 : i32
          %dma_start3A_178 = arith.constant 0 : i32
          %dma_start3A_179 = tpu.memref_slice %arg2[%dma_start3A_177, %dma_start3A_178] : memref<10000x128xf32, #tpu.memory_space<hbm>> -> memref<10000x128xf32, #tpu.memory_space<hbm>>
          tpu.enqueue_indirect_dma source(%dma_start3A_179 : memref<10000x128xf32, #tpu.memory_space<hbm>>) target(%arg7 : memref<96x128xf32, #tpu.memory_space<vmem>>) offsets(%dma_start3A_176 : memref<96xi32, #tpu.memory_space<vmem>>) semaphore(%arg10 : memref<!tpu.dma_semaphore, #tpu.memory_space<semaphore_mem>>)
        } else {
        }
        %add3A_151 = arith.constant 1 : i32
        %add3A_152 = arith.addi %mul3A_135, %add3A_151 : i32
        %dma_wait3A_153 = arith.constant 0 : i32
        %dma_wait3A_154 = arith.constant 0 : i32
        %dma_wait3A_155 = tpu.memref_slice %arg6[%while3A_37, %dma_wait3A_153, %dma_wait3A_154] : memref<2x36x96xi32, #tpu.memory_space<vmem>> -> memref<1x36x96xi32, #tpu.memory_space<vmem>>
        %dma_wait3A_156 = tpu.memref_squeeze %dma_wait3A_155 : memref<1x36x96xi32, #tpu.memory_space<vmem>> -> memref<36x96xi32, #tpu.memory_space<vmem>>
        %dma_wait3A_157 = arith.constant 0 : i32
        %dma_wait3A_158 = tpu.memref_slice %dma_wait3A_156[%add3A_152, %dma_wait3A_157] : memref<36x96xi32, #tpu.memory_space<vmem>> -> memref<1x96xi32, #tpu.memory_space<vmem>>
        %dma_wait3A_159 = tpu.memref_squeeze %dma_wait3A_158 : memref<1x96xi32, #tpu.memory_space<vmem>> -> memref<96xi32, #tpu.memory_space<vmem>>
        %dma_wait3A_160 = arith.constant 0 : i32
        %dma_wait3A_161 = arith.constant 0 : i32
        %dma_wait3A_162 = tpu.memref_slice %arg2[%dma_wait3A_160, %dma_wait3A_161] : memref<10000x128xf32, #tpu.memory_space<hbm>> -> memref<10000x128xf32, #tpu.memory_space<hbm>>
        tpu.wait_indirect_dma semaphore(%arg11 : memref<!tpu.dma_semaphore, #tpu.memory_space<semaphore_mem>>) src(%dma_wait3A_162 : memref<10000x128xf32, #tpu.memory_space<hbm>>) dst(%arg8 : memref<96x128xf32, #tpu.memory_space<vmem>>)
        "tpu.region"() ({
          %run_scoped3A = tpu.sem_alloc : memref<!tpu.dma_semaphore, #tpu.memory_space<semaphore_mem>>
          %dma_start3A_170 = arith.constant 0 : i32
          %dma_start3A_171 = arith.constant 0 : i32
          %dma_start3A_172 = tpu.memref_slice %arg6[%while3A_38, %dma_start3A_170, %dma_start3A_171] : memref<2x36x96xi32, #tpu.memory_space<vmem>> -> memref<1x36x96xi32, #tpu.memory_space<vmem>>
          %dma_start3A_173 = tpu.memref_squeeze %dma_start3A_172 : memref<1x36x96xi32, #tpu.memory_space<vmem>> -> memref<36x96xi32, #tpu.memory_space<vmem>>
          %dma_start3A_174 = arith.constant 0 : i32
          %dma_start3A_175 = tpu.memref_slice %dma_start3A_173[%add3A_152, %dma_start3A_174] : memref<36x96xi32, #tpu.memory_space<vmem>> -> memref<1x96xi32, #tpu.memory_space<vmem>>
          %dma_start3A_176 = tpu.memref_squeeze %dma_start3A_175 : memref<1x96xi32, #tpu.memory_space<vmem>> -> memref<96xi32, #tpu.memory_space<vmem>>
          %dma_start3A_177 = arith.constant 0 : i32
          %dma_start3A_178 = arith.constant 0 : i32
          %dma_start3A_179 = tpu.memref_slice %arg9[%dma_start3A_177, %dma_start3A_178] : memref<10112x128xf32, #tpu.memory_space<vmem_shared>> -> memref<10112x128xf32, #tpu.memory_space<vmem_shared>>
          tpu.enqueue_indirect_dma source(%arg8 : memref<96x128xf32, #tpu.memory_space<vmem>>) target(%dma_start3A_179 : memref<10112x128xf32, #tpu.memory_space<vmem_shared>>) offsets(%dma_start3A_176 : memref<96xi32, #tpu.memory_space<vmem>>) semaphore(%run_scoped3A : memref<!tpu.dma_semaphore, #tpu.memory_space<semaphore_mem>>) {add = true}
          %dma_wait3A_180 = arith.constant 0 : i32
          %dma_wait3A_181 = arith.constant 0 : i32
          %dma_wait3A_182 = tpu.memref_slice %arg6[%while3A_38, %dma_wait3A_180, %dma_wait3A_181] : memref<2x36x96xi32, #tpu.memory_space<vmem>> -> memref<1x36x96xi32, #tpu.memory_space<vmem>>
          %dma_wait3A_183 = tpu.memref_squeeze %dma_wait3A_182 : memref<1x36x96xi32, #tpu.memory_space<vmem>> -> memref<36x96xi32, #tpu.memory_space<vmem>>
          %dma_wait3A_184 = arith.constant 0 : i32
          %dma_wait3A_185 = tpu.memref_slice %dma_wait3A_183[%add3A_152, %dma_wait3A_184] : memref<36x96xi32, #tpu.memory_space<vmem>> -> memref<1x96xi32, #tpu.memory_space<vmem>>
          %dma_wait3A_186 = tpu.memref_squeeze %dma_wait3A_185 : memref<1x96xi32, #tpu.memory_space<vmem>> -> memref<96xi32, #tpu.memory_space<vmem>>
          %dma_wait3A_187 = arith.constant 0 : i32
          %dma_wait3A_188 = arith.constant 0 : i32
          %dma_wait3A_189 = tpu.memref_slice %arg9[%dma_wait3A_187, %dma_wait3A_188] : memref<10112x128xf32, #tpu.memory_space<vmem_shared>> -> memref<10112x128xf32, #tpu.memory_space<vmem_shared>>
          tpu.wait_indirect_dma semaphore(%run_scoped3A : memref<!tpu.dma_semaphore, #tpu.memory_space<semaphore_mem>>) src(%arg8 : memref<96x128xf32, #tpu.memory_space<vmem>>) dst(%dma_wait3A_189 : memref<10112x128xf32, #tpu.memory_space<vmem_shared>>)
          tpu.yield
        }) : () -> ()
        %add3A_163 = arith.constant 2 : i32
        %add3A_164 = arith.addi %add3A_152, %add3A_163 : i32
        %lt3A_165 = arith.constant 36 : i32
        %lt3A_166 = arith.cmpi slt, %add3A_164, %lt3A_165 : i32
        %convert_element_type3A_167 = arith.extui %lt3A_166 : i1 to i32
        %cond3A_168 = arith.constant 0 : i32
        %cond3A_169 = arith.cmpi ne, %convert_element_type3A_167, %cond3A_168 : i32
        scf.if %cond3A_169 {
          %dma_start3A_170 = arith.constant 0 : i32
          %dma_start3A_171 = arith.constant 0 : i32
          %dma_start3A_172 = tpu.memref_slice %arg6[%while3A_37, %dma_start3A_170, %dma_start3A_171] : memref<2x36x96xi32, #tpu.memory_space<vmem>> -> memref<1x36x96xi32, #tpu.memory_space<vmem>>
          %dma_start3A_173 = tpu.memref_squeeze %dma_start3A_172 : memref<1x36x96xi32, #tpu.memory_space<vmem>> -> memref<36x96xi32, #tpu.memory_space<vmem>>
          %dma_start3A_174 = arith.constant 0 : i32
          %dma_start3A_175 = tpu.memref_slice %dma_start3A_173[%add3A_164, %dma_start3A_174] : memref<36x96xi32, #tpu.memory_space<vmem>> -> memref<1x96xi32, #tpu.memory_space<vmem>>
          %dma_start3A_176 = tpu.memref_squeeze %dma_start3A_175 : memref<1x96xi32, #tpu.memory_space<vmem>> -> memref<96xi32, #tpu.memory_space<vmem>>
          %dma_start3A_177 = arith.constant 0 : i32
          %dma_start3A_178 = arith.constant 0 : i32
          %dma_start3A_179 = tpu.memref_slice %arg2[%dma_start3A_177, %dma_start3A_178] : memref<10000x128xf32, #tpu.memory_space<hbm>> -> memref<10000x128xf32, #tpu.memory_space<hbm>>
          tpu.enqueue_indirect_dma source(%dma_start3A_179 : memref<10000x128xf32, #tpu.memory_space<hbm>>) target(%arg8 : memref<96x128xf32, #tpu.memory_space<vmem>>) offsets(%dma_start3A_176 : memref<96xi32, #tpu.memory_space<vmem>>) semaphore(%arg11 : memref<!tpu.dma_semaphore, #tpu.memory_space<semaphore_mem>>)
        } else {
        }
      }
      %scan3A_132 = arith.constant 18 : i32
    }
    %barrier3A_48 = arith.constant 0 : index
    tpu.barrier barrier_id(%barrier3A_48)
    %mul3A_49 = arith.constant 632 : i32
    %mul3A_50 = arith.muli %arg1, %mul3A_49 : i32
    %add3A_51 = arith.constant 0 : i32
    %add3A_52 = arith.addi %mul3A_50, %add3A_51 : i32
    "tpu.region"() ({
      %run_scoped3A = tpu.sem_alloc : memref<!tpu.dma_semaphore, #tpu.memory_space<semaphore_mem>>
      %dma_start3A = arith.constant 0 : i32
      %dma_start3A_105 = arith.constant 0 : i32
      %dma_start3A_106 = tpu.memref_slice %arg7[%dma_start3A, %dma_start3A_105] : memref<96x128xf32, #tpu.memory_space<vmem>> -> memref<96x128xf32, #tpu.memory_space<vmem>>
      %dma_start3A_107 = arith.constant 0 : i32
      %dma_start3A_108 = tpu.memref_slice %arg9[%add3A_52, %dma_start3A_107] : memref<10112x128xf32, #tpu.memory_space<vmem_shared>> -> memref<96x128xf32, #tpu.memory_space<vmem_shared>>
      %dma_start3A_109 = arith.constant 0 : i32
      %dma_start3A_110 = arith.constant 0 : i32
      %dma_start3A_111 = tpu.memref_slice %arg7[%dma_start3A_109, %dma_start3A_110] : memref<96x128xf32, #tpu.memory_space<vmem>> -> memref<96x128xf32, #tpu.memory_space<vmem>>
      %dma_start3A_112 = arith.constant 0 : i32
      %dma_start3A_113 = tpu.memref_slice %arg9[%add3A_52, %dma_start3A_112] : memref<10112x128xf32, #tpu.memory_space<vmem_shared>> -> memref<96x128xf32, #tpu.memory_space<vmem_shared>>
      tpu.enqueue_dma source(%dma_start3A_113 : memref<96x128xf32, #tpu.memory_space<vmem_shared>>) target(%dma_start3A_111 : memref<96x128xf32, #tpu.memory_space<vmem>>) target_semaphore(%run_scoped3A : memref<!tpu.dma_semaphore, #tpu.memory_space<semaphore_mem>>)
      %dma_wait3A = arith.constant 0 : i32
      %dma_wait3A_114 = arith.constant 0 : i32
      %dma_wait3A_115 = tpu.memref_slice %arg7[%dma_wait3A, %dma_wait3A_114] : memref<96x128xf32, #tpu.memory_space<vmem>> -> memref<96x128xf32, #tpu.memory_space<vmem>>
      %dma_wait3A_116 = arith.constant 0 : i32
      %dma_wait3A_117 = tpu.memref_slice %arg9[%add3A_52, %dma_wait3A_116] : memref<10112x128xf32, #tpu.memory_space<vmem_shared>> -> memref<96x128xf32, #tpu.memory_space<vmem_shared>>
      %dma_wait3A_118 = arith.constant 0 : i32
      %dma_wait3A_119 = arith.constant 0 : i32
      %dma_wait3A_120 = tpu.memref_slice %arg7[%dma_wait3A_118, %dma_wait3A_119] : memref<96x128xf32, #tpu.memory_space<vmem>> -> memref<96x128xf32, #tpu.memory_space<vmem>>
      %dma_wait3A_121 = arith.constant 0 : i32
      %dma_wait3A_122 = tpu.memref_slice %arg9[%add3A_52, %dma_wait3A_121] : memref<10112x128xf32, #tpu.memory_space<vmem_shared>> -> memref<96x128xf32, #tpu.memory_space<vmem_shared>>
      tpu.wait_dma2 semaphore(%run_scoped3A : memref<!tpu.dma_semaphore, #tpu.memory_space<semaphore_mem>>) src(%dma_wait3A_122 : memref<96x128xf32, #tpu.memory_space<vmem_shared>>) dst(%dma_wait3A_120 : memref<96x128xf32, #tpu.memory_space<vmem>>)
      tpu.yield
    }) : () -> ()
    %mul3A_53 = arith.constant 632 : i32
    %mul3A_54 = arith.muli %arg1, %mul3A_53 : i32
    %add3A_55 = arith.constant 0 : i32
    %add3A_56 = arith.addi %mul3A_54, %add3A_55 : i32
    "tpu.region"() ({
      %run_scoped3A = tpu.sem_alloc : memref<!tpu.dma_semaphore, #tpu.memory_space<semaphore_mem>>
      %dma_start3A = arith.constant 0 : i32
      %dma_start3A_105 = arith.constant 0 : i32
      %dma_start3A_106 = tpu.memref_slice %arg7[%dma_start3A, %dma_start3A_105] : memref<96x128xf32, #tpu.memory_space<vmem>> -> memref<96x128xf32, #tpu.memory_space<vmem>>
      %dma_start3A_107 = arith.constant 0 : i32
      %dma_start3A_108 = tpu.memref_slice %arg5[%arg0, %add3A_56, %dma_start3A_107] : memref<2x10112x128xf32, #tpu.memory_space<hbm>> -> memref<1x96x128xf32, #tpu.memory_space<hbm>>
      %dma_start3A_109 = tpu.memref_squeeze %dma_start3A_108 : memref<1x96x128xf32, #tpu.memory_space<hbm>> -> memref<96x128xf32, #tpu.memory_space<hbm>>
      %dma_start3A_110 = arith.constant 0 : i32
      %dma_start3A_111 = tpu.memref_slice %arg5[%arg0, %add3A_56, %dma_start3A_110] : memref<2x10112x128xf32, #tpu.memory_space<hbm>> -> memref<1x96x128xf32, #tpu.memory_space<hbm>>
      %dma_start3A_112 = tpu.memref_squeeze %dma_start3A_111 : memref<1x96x128xf32, #tpu.memory_space<hbm>> -> memref<96x128xf32, #tpu.memory_space<hbm>>
      %dma_start3A_113 = arith.constant 0 : i32
      %dma_start3A_114 = arith.constant 0 : i32
      %dma_start3A_115 = tpu.memref_slice %arg7[%dma_start3A_113, %dma_start3A_114] : memref<96x128xf32, #tpu.memory_space<vmem>> -> memref<96x128xf32, #tpu.memory_space<vmem>>
      tpu.enqueue_dma source(%dma_start3A_115 : memref<96x128xf32, #tpu.memory_space<vmem>>) target(%dma_start3A_112 : memref<96x128xf32, #tpu.memory_space<hbm>>) target_semaphore(%run_scoped3A : memref<!tpu.dma_semaphore, #tpu.memory_space<semaphore_mem>>)
      %dma_wait3A = arith.constant 0 : i32
      %dma_wait3A_116 = arith.constant 0 : i32
      %dma_wait3A_117 = tpu.memref_slice %arg7[%dma_wait3A, %dma_wait3A_116] : memref<96x128xf32, #tpu.memory_space<vmem>> -> memref<96x128xf32, #tpu.memory_space<vmem>>
      %dma_wait3A_118 = arith.constant 0 : i32
      %dma_wait3A_119 = tpu.memref_slice %arg5[%arg0, %add3A_56, %dma_wait3A_118] : memref<2x10112x128xf32, #tpu.memory_space<hbm>> -> memref<1x96x128xf32, #tpu.memory_space<hbm>>
      %dma_wait3A_120 = tpu.memref_squeeze %dma_wait3A_119 : memref<1x96x128xf32, #tpu.memory_space<hbm>> -> memref<96x128xf32, #tpu.memory_space<hbm>>
      %dma_wait3A_121 = arith.constant 0 : i32
      %dma_wait3A_122 = tpu.memref_slice %arg5[%arg0, %add3A_56, %dma_wait3A_121] : memref<2x10112x128xf32, #tpu.memory_space<hbm>> -> memref<1x96x128xf32, #tpu.memory_space<hbm>>
      %dma_wait3A_123 = tpu.memref_squeeze %dma_wait3A_122 : memref<1x96x128xf32, #tpu.memory_space<hbm>> -> memref<96x128xf32, #tpu.memory_space<hbm>>
      %dma_wait3A_124 = arith.constant 0 : i32
      %dma_wait3A_125 = arith.constant 0 : i32
      %dma_wait3A_126 = tpu.memref_slice %arg7[%dma_wait3A_124, %dma_wait3A_125] : memref<96x128xf32, #tpu.memory_space<vmem>> -> memref<96x128xf32, #tpu.memory_space<vmem>>
      tpu.wait_dma2 semaphore(%run_scoped3A : memref<!tpu.dma_semaphore, #tpu.memory_space<semaphore_mem>>) src(%dma_wait3A_126 : memref<96x128xf32, #tpu.memory_space<vmem>>) dst(%dma_wait3A_123 : memref<96x128xf32, #tpu.memory_space<hbm>>)
      tpu.yield
    }) : () -> ()
    %mul3A_57 = arith.constant 632 : i32
    %mul3A_58 = arith.muli %arg1, %mul3A_57 : i32
    %add3A_59 = arith.constant 96 : i32
    %add3A_60 = arith.addi %mul3A_58, %add3A_59 : i32
    "tpu.region"() ({
      %run_scoped3A = tpu.sem_alloc : memref<!tpu.dma_semaphore, #tpu.memory_space<semaphore_mem>>
      %dma_start3A = arith.constant 0 : i32
      %dma_start3A_105 = arith.constant 0 : i32
      %dma_start3A_106 = tpu.memref_slice %arg7[%dma_start3A, %dma_start3A_105] : memref<96x128xf32, #tpu.memory_space<vmem>> -> memref<96x128xf32, #tpu.memory_space<vmem>>
      %dma_start3A_107 = arith.constant 0 : i32
      %dma_start3A_108 = tpu.memref_slice %arg9[%add3A_60, %dma_start3A_107] : memref<10112x128xf32, #tpu.memory_space<vmem_shared>> -> memref<96x128xf32, #tpu.memory_space<vmem_shared>>
      %dma_start3A_109 = arith.constant 0 : i32
      %dma_start3A_110 = arith.constant 0 : i32
      %dma_start3A_111 = tpu.memref_slice %arg7[%dma_start3A_109, %dma_start3A_110] : memref<96x128xf32, #tpu.memory_space<vmem>> -> memref<96x128xf32, #tpu.memory_space<vmem>>
      %dma_start3A_112 = arith.constant 0 : i32
      %dma_start3A_113 = tpu.memref_slice %arg9[%add3A_60, %dma_start3A_112] : memref<10112x128xf32, #tpu.memory_space<vmem_shared>> -> memref<96x128xf32, #tpu.memory_space<vmem_shared>>
      tpu.enqueue_dma source(%dma_start3A_113 : memref<96x128xf32, #tpu.memory_space<vmem_shared>>) target(%dma_start3A_111 : memref<96x128xf32, #tpu.memory_space<vmem>>) target_semaphore(%run_scoped3A : memref<!tpu.dma_semaphore, #tpu.memory_space<semaphore_mem>>)
      %dma_wait3A = arith.constant 0 : i32
      %dma_wait3A_114 = arith.constant 0 : i32
      %dma_wait3A_115 = tpu.memref_slice %arg7[%dma_wait3A, %dma_wait3A_114] : memref<96x128xf32, #tpu.memory_space<vmem>> -> memref<96x128xf32, #tpu.memory_space<vmem>>
      %dma_wait3A_116 = arith.constant 0 : i32
      %dma_wait3A_117 = tpu.memref_slice %arg9[%add3A_60, %dma_wait3A_116] : memref<10112x128xf32, #tpu.memory_space<vmem_shared>> -> memref<96x128xf32, #tpu.memory_space<vmem_shared>>
      %dma_wait3A_118 = arith.constant 0 : i32
      %dma_wait3A_119 = arith.constant 0 : i32
      %dma_wait3A_120 = tpu.memref_slice %arg7[%dma_wait3A_118, %dma_wait3A_119] : memref<96x128xf32, #tpu.memory_space<vmem>> -> memref<96x128xf32, #tpu.memory_space<vmem>>
      %dma_wait3A_121 = arith.constant 0 : i32
      %dma_wait3A_122 = tpu.memref_slice %arg9[%add3A_60, %dma_wait3A_121] : memref<10112x128xf32, #tpu.memory_space<vmem_shared>> -> memref<96x128xf32, #tpu.memory_space<vmem_shared>>
      tpu.wait_dma2 semaphore(%run_scoped3A : memref<!tpu.dma_semaphore, #tpu.memory_space<semaphore_mem>>) src(%dma_wait3A_122 : memref<96x128xf32, #tpu.memory_space<vmem_shared>>) dst(%dma_wait3A_120 : memref<96x128xf32, #tpu.memory_space<vmem>>)
      tpu.yield
    }) : () -> ()
    %mul3A_61 = arith.constant 632 : i32
    %mul3A_62 = arith.muli %arg1, %mul3A_61 : i32
    %add3A_63 = arith.constant 96 : i32
    %add3A_64 = arith.addi %mul3A_62, %add3A_63 : i32
    "tpu.region"() ({
      %run_scoped3A = tpu.sem_alloc : memref<!tpu.dma_semaphore, #tpu.memory_space<semaphore_mem>>
      %dma_start3A = arith.constant 0 : i32
      %dma_start3A_105 = arith.constant 0 : i32
      %dma_start3A_106 = tpu.memref_slice %arg7[%dma_start3A, %dma_start3A_105] : memref<96x128xf32, #tpu.memory_space<vmem>> -> memref<96x128xf32, #tpu.memory_space<vmem>>
      %dma_start3A_107 = arith.constant 0 : i32
      %dma_start3A_108 = tpu.memref_slice %arg5[%arg0, %add3A_64, %dma_start3A_107] : memref<2x10112x128xf32, #tpu.memory_space<hbm>> -> memref<1x96x128xf32, #tpu.memory_space<hbm>>
      %dma_start3A_109 = tpu.memref_squeeze %dma_start3A_108 : memref<1x96x128xf32, #tpu.memory_space<hbm>> -> memref<96x128xf32, #tpu.memory_space<hbm>>
      %dma_start3A_110 = arith.constant 0 : i32
      %dma_start3A_111 = tpu.memref_slice %arg5[%arg0, %add3A_64, %dma_start3A_110] : memref<2x10112x128xf32, #tpu.memory_space<hbm>> -> memref<1x96x128xf32, #tpu.memory_space<hbm>>
      %dma_start3A_112 = tpu.memref_squeeze %dma_start3A_111 : memref<1x96x128xf32, #tpu.memory_space<hbm>> -> memref<96x128xf32, #tpu.memory_space<hbm>>
      %dma_start3A_113 = arith.constant 0 : i32
      %dma_start3A_114 = arith.constant 0 : i32
      %dma_start3A_115 = tpu.memref_slice %arg7[%dma_start3A_113, %dma_start3A_114] : memref<96x128xf32, #tpu.memory_space<vmem>> -> memref<96x128xf32, #tpu.memory_space<vmem>>
      tpu.enqueue_dma source(%dma_start3A_115 : memref<96x128xf32, #tpu.memory_space<vmem>>) target(%dma_start3A_112 : memref<96x128xf32, #tpu.memory_space<hbm>>) target_semaphore(%run_scoped3A : memref<!tpu.dma_semaphore, #tpu.memory_space<semaphore_mem>>)
      %dma_wait3A = arith.constant 0 : i32
      %dma_wait3A_116 = arith.constant 0 : i32
      %dma_wait3A_117 = tpu.memref_slice %arg7[%dma_wait3A, %dma_wait3A_116] : memref<96x128xf32, #tpu.memory_space<vmem>> -> memref<96x128xf32, #tpu.memory_space<vmem>>
      %dma_wait3A_118 = arith.constant 0 : i32
      %dma_wait3A_119 = tpu.memref_slice %arg5[%arg0, %add3A_64, %dma_wait3A_118] : memref<2x10112x128xf32, #tpu.memory_space<hbm>> -> memref<1x96x128xf32, #tpu.memory_space<hbm>>
      %dma_wait3A_120 = tpu.memref_squeeze %dma_wait3A_119 : memref<1x96x128xf32, #tpu.memory_space<hbm>> -> memref<96x128xf32, #tpu.memory_space<hbm>>
      %dma_wait3A_121 = arith.constant 0 : i32
      %dma_wait3A_122 = tpu.memref_slice %arg5[%arg0, %add3A_64, %dma_wait3A_121] : memref<2x10112x128xf32, #tpu.memory_space<hbm>> -> memref<1x96x128xf32, #tpu.memory_space<hbm>>
      %dma_wait3A_123 = tpu.memref_squeeze %dma_wait3A_122 : memref<1x96x128xf32, #tpu.memory_space<hbm>> -> memref<96x128xf32, #tpu.memory_space<hbm>>
      %dma_wait3A_124 = arith.constant 0 : i32
      %dma_wait3A_125 = arith.constant 0 : i32
      %dma_wait3A_126 = tpu.memref_slice %arg7[%dma_wait3A_124, %dma_wait3A_125] : memref<96x128xf32, #tpu.memory_space<vmem>> -> memref<96x128xf32, #tpu.memory_space<vmem>>
      tpu.wait_dma2 semaphore(%run_scoped3A : memref<!tpu.dma_semaphore, #tpu.memory_space<semaphore_mem>>) src(%dma_wait3A_126 : memref<96x128xf32, #tpu.memory_space<vmem>>) dst(%dma_wait3A_123 : memref<96x128xf32, #tpu.memory_space<hbm>>)
      tpu.yield
    }) : () -> ()
    %mul3A_65 = arith.constant 632 : i32
    %mul3A_66 = arith.muli %arg1, %mul3A_65 : i32
    %add3A_67 = arith.constant 192 : i32
    %add3A_68 = arith.addi %mul3A_66, %add3A_67 : i32
    "tpu.region"() ({
      %run_scoped3A = tpu.sem_alloc : memref<!tpu.dma_semaphore, #tpu.memory_space<semaphore_mem>>
      %dma_start3A = arith.constant 0 : i32
      %dma_start3A_105 = arith.constant 0 : i32
      %dma_start3A_106 = tpu.memref_slice %arg7[%dma_start3A, %dma_start3A_105] : memref<96x128xf32, #tpu.memory_space<vmem>> -> memref<96x128xf32, #tpu.memory_space<vmem>>
      %dma_start3A_107 = arith.constant 0 : i32
      %dma_start3A_108 = tpu.memref_slice %arg9[%add3A_68, %dma_start3A_107] : memref<10112x128xf32, #tpu.memory_space<vmem_shared>> -> memref<96x128xf32, #tpu.memory_space<vmem_shared>>
      %dma_start3A_109 = arith.constant 0 : i32
      %dma_start3A_110 = arith.constant 0 : i32
      %dma_start3A_111 = tpu.memref_slice %arg7[%dma_start3A_109, %dma_start3A_110] : memref<96x128xf32, #tpu.memory_space<vmem>> -> memref<96x128xf32, #tpu.memory_space<vmem>>
      %dma_start3A_112 = arith.constant 0 : i32
      %dma_start3A_113 = tpu.memref_slice %arg9[%add3A_68, %dma_start3A_112] : memref<10112x128xf32, #tpu.memory_space<vmem_shared>> -> memref<96x128xf32, #tpu.memory_space<vmem_shared>>
      tpu.enqueue_dma source(%dma_start3A_113 : memref<96x128xf32, #tpu.memory_space<vmem_shared>>) target(%dma_start3A_111 : memref<96x128xf32, #tpu.memory_space<vmem>>) target_semaphore(%run_scoped3A : memref<!tpu.dma_semaphore, #tpu.memory_space<semaphore_mem>>)
      %dma_wait3A = arith.constant 0 : i32
      %dma_wait3A_114 = arith.constant 0 : i32
      %dma_wait3A_115 = tpu.memref_slice %arg7[%dma_wait3A, %dma_wait3A_114] : memref<96x128xf32, #tpu.memory_space<vmem>> -> memref<96x128xf32, #tpu.memory_space<vmem>>
      %dma_wait3A_116 = arith.constant 0 : i32
      %dma_wait3A_117 = tpu.memref_slice %arg9[%add3A_68, %dma_wait3A_116] : memref<10112x128xf32, #tpu.memory_space<vmem_shared>> -> memref<96x128xf32, #tpu.memory_space<vmem_shared>>
      %dma_wait3A_118 = arith.constant 0 : i32
      %dma_wait3A_119 = arith.constant 0 : i32
      %dma_wait3A_120 = tpu.memref_slice %arg7[%dma_wait3A_118, %dma_wait3A_119] : memref<96x128xf32, #tpu.memory_space<vmem>> -> memref<96x128xf32, #tpu.memory_space<vmem>>
      %dma_wait3A_121 = arith.constant 0 : i32
      %dma_wait3A_122 = tpu.memref_slice %arg9[%add3A_68, %dma_wait3A_121] : memref<10112x128xf32, #tpu.memory_space<vmem_shared>> -> memref<96x128xf32, #tpu.memory_space<vmem_shared>>
      tpu.wait_dma2 semaphore(%run_scoped3A : memref<!tpu.dma_semaphore, #tpu.memory_space<semaphore_mem>>) src(%dma_wait3A_122 : memref<96x128xf32, #tpu.memory_space<vmem_shared>>) dst(%dma_wait3A_120 : memref<96x128xf32, #tpu.memory_space<vmem>>)
      tpu.yield
    }) : () -> ()
    %mul3A_69 = arith.constant 632 : i32
    %mul3A_70 = arith.muli %arg1, %mul3A_69 : i32
    %add3A_71 = arith.constant 192 : i32
    %add3A_72 = arith.addi %mul3A_70, %add3A_71 : i32
    "tpu.region"() ({
      %run_scoped3A = tpu.sem_alloc : memref<!tpu.dma_semaphore, #tpu.memory_space<semaphore_mem>>
      %dma_start3A = arith.constant 0 : i32
      %dma_start3A_105 = arith.constant 0 : i32
      %dma_start3A_106 = tpu.memref_slice %arg7[%dma_start3A, %dma_start3A_105] : memref<96x128xf32, #tpu.memory_space<vmem>> -> memref<96x128xf32, #tpu.memory_space<vmem>>
      %dma_start3A_107 = arith.constant 0 : i32
      %dma_start3A_108 = tpu.memref_slice %arg5[%arg0, %add3A_72, %dma_start3A_107] : memref<2x10112x128xf32, #tpu.memory_space<hbm>> -> memref<1x96x128xf32, #tpu.memory_space<hbm>>
      %dma_start3A_109 = tpu.memref_squeeze %dma_start3A_108 : memref<1x96x128xf32, #tpu.memory_space<hbm>> -> memref<96x128xf32, #tpu.memory_space<hbm>>
      %dma_start3A_110 = arith.constant 0 : i32
      %dma_start3A_111 = tpu.memref_slice %arg5[%arg0, %add3A_72, %dma_start3A_110] : memref<2x10112x128xf32, #tpu.memory_space<hbm>> -> memref<1x96x128xf32, #tpu.memory_space<hbm>>
      %dma_start3A_112 = tpu.memref_squeeze %dma_start3A_111 : memref<1x96x128xf32, #tpu.memory_space<hbm>> -> memref<96x128xf32, #tpu.memory_space<hbm>>
      %dma_start3A_113 = arith.constant 0 : i32
      %dma_start3A_114 = arith.constant 0 : i32
      %dma_start3A_115 = tpu.memref_slice %arg7[%dma_start3A_113, %dma_start3A_114] : memref<96x128xf32, #tpu.memory_space<vmem>> -> memref<96x128xf32, #tpu.memory_space<vmem>>
      tpu.enqueue_dma source(%dma_start3A_115 : memref<96x128xf32, #tpu.memory_space<vmem>>) target(%dma_start3A_112 : memref<96x128xf32, #tpu.memory_space<hbm>>) target_semaphore(%run_scoped3A : memref<!tpu.dma_semaphore, #tpu.memory_space<semaphore_mem>>)
      %dma_wait3A = arith.constant 0 : i32
      %dma_wait3A_116 = arith.constant 0 : i32
      %dma_wait3A_117 = tpu.memref_slice %arg7[%dma_wait3A, %dma_wait3A_116] : memref<96x128xf32, #tpu.memory_space<vmem>> -> memref<96x128xf32, #tpu.memory_space<vmem>>
      %dma_wait3A_118 = arith.constant 0 : i32
      %dma_wait3A_119 = tpu.memref_slice %arg5[%arg0, %add3A_72, %dma_wait3A_118] : memref<2x10112x128xf32, #tpu.memory_space<hbm>> -> memref<1x96x128xf32, #tpu.memory_space<hbm>>
      %dma_wait3A_120 = tpu.memref_squeeze %dma_wait3A_119 : memref<1x96x128xf32, #tpu.memory_space<hbm>> -> memref<96x128xf32, #tpu.memory_space<hbm>>
      %dma_wait3A_121 = arith.constant 0 : i32
      %dma_wait3A_122 = tpu.memref_slice %arg5[%arg0, %add3A_72, %dma_wait3A_121] : memref<2x10112x128xf32, #tpu.memory_space<hbm>> -> memref<1x96x128xf32, #tpu.memory_space<hbm>>
      %dma_wait3A_123 = tpu.memref_squeeze %dma_wait3A_122 : memref<1x96x128xf32, #tpu.memory_space<hbm>> -> memref<96x128xf32, #tpu.memory_space<hbm>>
      %dma_wait3A_124 = arith.constant 0 : i32
      %dma_wait3A_125 = arith.constant 0 : i32
      %dma_wait3A_126 = tpu.memref_slice %arg7[%dma_wait3A_124, %dma_wait3A_125] : memref<96x128xf32, #tpu.memory_space<vmem>> -> memref<96x128xf32, #tpu.memory_space<vmem>>
      tpu.wait_dma2 semaphore(%run_scoped3A : memref<!tpu.dma_semaphore, #tpu.memory_space<semaphore_mem>>) src(%dma_wait3A_126 : memref<96x128xf32, #tpu.memory_space<vmem>>) dst(%dma_wait3A_123 : memref<96x128xf32, #tpu.memory_space<hbm>>)
      tpu.yield
    }) : () -> ()
    %mul3A_73 = arith.constant 632 : i32
    %mul3A_74 = arith.muli %arg1, %mul3A_73 : i32
    %add3A_75 = arith.constant 288 : i32
    %add3A_76 = arith.addi %mul3A_74, %add3A_75 : i32
    "tpu.region"() ({
      %run_scoped3A = tpu.sem_alloc : memref<!tpu.dma_semaphore, #tpu.memory_space<semaphore_mem>>
      %dma_start3A = arith.constant 0 : i32
      %dma_start3A_105 = arith.constant 0 : i32
      %dma_start3A_106 = tpu.memref_slice %arg7[%dma_start3A, %dma_start3A_105] : memref<96x128xf32, #tpu.memory_space<vmem>> -> memref<96x128xf32, #tpu.memory_space<vmem>>
      %dma_start3A_107 = arith.constant 0 : i32
      %dma_start3A_108 = tpu.memref_slice %arg9[%add3A_76, %dma_start3A_107] : memref<10112x128xf32, #tpu.memory_space<vmem_shared>> -> memref<96x128xf32, #tpu.memory_space<vmem_shared>>
      %dma_start3A_109 = arith.constant 0 : i32
      %dma_start3A_110 = arith.constant 0 : i32
      %dma_start3A_111 = tpu.memref_slice %arg7[%dma_start3A_109, %dma_start3A_110] : memref<96x128xf32, #tpu.memory_space<vmem>> -> memref<96x128xf32, #tpu.memory_space<vmem>>
      %dma_start3A_112 = arith.constant 0 : i32
      %dma_start3A_113 = tpu.memref_slice %arg9[%add3A_76, %dma_start3A_112] : memref<10112x128xf32, #tpu.memory_space<vmem_shared>> -> memref<96x128xf32, #tpu.memory_space<vmem_shared>>
      tpu.enqueue_dma source(%dma_start3A_113 : memref<96x128xf32, #tpu.memory_space<vmem_shared>>) target(%dma_start3A_111 : memref<96x128xf32, #tpu.memory_space<vmem>>) target_semaphore(%run_scoped3A : memref<!tpu.dma_semaphore, #tpu.memory_space<semaphore_mem>>)
      %dma_wait3A = arith.constant 0 : i32
      %dma_wait3A_114 = arith.constant 0 : i32
      %dma_wait3A_115 = tpu.memref_slice %arg7[%dma_wait3A, %dma_wait3A_114] : memref<96x128xf32, #tpu.memory_space<vmem>> -> memref<96x128xf32, #tpu.memory_space<vmem>>
      %dma_wait3A_116 = arith.constant 0 : i32
      %dma_wait3A_117 = tpu.memref_slice %arg9[%add3A_76, %dma_wait3A_116] : memref<10112x128xf32, #tpu.memory_space<vmem_shared>> -> memref<96x128xf32, #tpu.memory_space<vmem_shared>>
      %dma_wait3A_118 = arith.constant 0 : i32
      %dma_wait3A_119 = arith.constant 0 : i32
      %dma_wait3A_120 = tpu.memref_slice %arg7[%dma_wait3A_118, %dma_wait3A_119] : memref<96x128xf32, #tpu.memory_space<vmem>> -> memref<96x128xf32, #tpu.memory_space<vmem>>
      %dma_wait3A_121 = arith.constant 0 : i32
      %dma_wait3A_122 = tpu.memref_slice %arg9[%add3A_76, %dma_wait3A_121] : memref<10112x128xf32, #tpu.memory_space<vmem_shared>> -> memref<96x128xf32, #tpu.memory_space<vmem_shared>>
      tpu.wait_dma2 semaphore(%run_scoped3A : memref<!tpu.dma_semaphore, #tpu.memory_space<semaphore_mem>>) src(%dma_wait3A_122 : memref<96x128xf32, #tpu.memory_space<vmem_shared>>) dst(%dma_wait3A_120 : memref<96x128xf32, #tpu.memory_space<vmem>>)
      tpu.yield
    }) : () -> ()
    %mul3A_77 = arith.constant 632 : i32
    %mul3A_78 = arith.muli %arg1, %mul3A_77 : i32
    %add3A_79 = arith.constant 288 : i32
    %add3A_80 = arith.addi %mul3A_78, %add3A_79 : i32
    "tpu.region"() ({
      %run_scoped3A = tpu.sem_alloc : memref<!tpu.dma_semaphore, #tpu.memory_space<semaphore_mem>>
      %dma_start3A = arith.constant 0 : i32
      %dma_start3A_105 = arith.constant 0 : i32
      %dma_start3A_106 = tpu.memref_slice %arg7[%dma_start3A, %dma_start3A_105] : memref<96x128xf32, #tpu.memory_space<vmem>> -> memref<96x128xf32, #tpu.memory_space<vmem>>
      %dma_start3A_107 = arith.constant 0 : i32
      %dma_start3A_108 = tpu.memref_slice %arg5[%arg0, %add3A_80, %dma_start3A_107] : memref<2x10112x128xf32, #tpu.memory_space<hbm>> -> memref<1x96x128xf32, #tpu.memory_space<hbm>>
      %dma_start3A_109 = tpu.memref_squeeze %dma_start3A_108 : memref<1x96x128xf32, #tpu.memory_space<hbm>> -> memref<96x128xf32, #tpu.memory_space<hbm>>
      %dma_start3A_110 = arith.constant 0 : i32
      %dma_start3A_111 = tpu.memref_slice %arg5[%arg0, %add3A_80, %dma_start3A_110] : memref<2x10112x128xf32, #tpu.memory_space<hbm>> -> memref<1x96x128xf32, #tpu.memory_space<hbm>>
      %dma_start3A_112 = tpu.memref_squeeze %dma_start3A_111 : memref<1x96x128xf32, #tpu.memory_space<hbm>> -> memref<96x128xf32, #tpu.memory_space<hbm>>
      %dma_start3A_113 = arith.constant 0 : i32
      %dma_start3A_114 = arith.constant 0 : i32
      %dma_start3A_115 = tpu.memref_slice %arg7[%dma_start3A_113, %dma_start3A_114] : memref<96x128xf32, #tpu.memory_space<vmem>> -> memref<96x128xf32, #tpu.memory_space<vmem>>
      tpu.enqueue_dma source(%dma_start3A_115 : memref<96x128xf32, #tpu.memory_space<vmem>>) target(%dma_start3A_112 : memref<96x128xf32, #tpu.memory_space<hbm>>) target_semaphore(%run_scoped3A : memref<!tpu.dma_semaphore, #tpu.memory_space<semaphore_mem>>)
      %dma_wait3A = arith.constant 0 : i32
      %dma_wait3A_116 = arith.constant 0 : i32
      %dma_wait3A_117 = tpu.memref_slice %arg7[%dma_wait3A, %dma_wait3A_116] : memref<96x128xf32, #tpu.memory_space<vmem>> -> memref<96x128xf32, #tpu.memory_space<vmem>>
      %dma_wait3A_118 = arith.constant 0 : i32
      %dma_wait3A_119 = tpu.memref_slice %arg5[%arg0, %add3A_80, %dma_wait3A_118] : memref<2x10112x128xf32, #tpu.memory_space<hbm>> -> memref<1x96x128xf32, #tpu.memory_space<hbm>>
      %dma_wait3A_120 = tpu.memref_squeeze %dma_wait3A_119 : memref<1x96x128xf32, #tpu.memory_space<hbm>> -> memref<96x128xf32, #tpu.memory_space<hbm>>
      %dma_wait3A_121 = arith.constant 0 : i32
      %dma_wait3A_122 = tpu.memref_slice %arg5[%arg0, %add3A_80, %dma_wait3A_121] : memref<2x10112x128xf32, #tpu.memory_space<hbm>> -> memref<1x96x128xf32, #tpu.memory_space<hbm>>
      %dma_wait3A_123 = tpu.memref_squeeze %dma_wait3A_122 : memref<1x96x128xf32, #tpu.memory_space<hbm>> -> memref<96x128xf32, #tpu.memory_space<hbm>>
      %dma_wait3A_124 = arith.constant 0 : i32
      %dma_wait3A_125 = arith.constant 0 : i32
      %dma_wait3A_126 = tpu.memref_slice %arg7[%dma_wait3A_124, %dma_wait3A_125] : memref<96x128xf32, #tpu.memory_space<vmem>> -> memref<96x128xf32, #tpu.memory_space<vmem>>
      tpu.wait_dma2 semaphore(%run_scoped3A : memref<!tpu.dma_semaphore, #tpu.memory_space<semaphore_mem>>) src(%dma_wait3A_126 : memref<96x128xf32, #tpu.memory_space<vmem>>) dst(%dma_wait3A_123 : memref<96x128xf32, #tpu.memory_space<hbm>>)
      tpu.yield
    }) : () -> ()
    %mul3A_81 = arith.constant 632 : i32
    %mul3A_82 = arith.muli %arg1, %mul3A_81 : i32
    %add3A_83 = arith.constant 384 : i32
    %add3A_84 = arith.addi %mul3A_82, %add3A_83 : i32
    "tpu.region"() ({
      %run_scoped3A = tpu.sem_alloc : memref<!tpu.dma_semaphore, #tpu.memory_space<semaphore_mem>>
      %dma_start3A = arith.constant 0 : i32
      %dma_start3A_105 = arith.constant 0 : i32
      %dma_start3A_106 = tpu.memref_slice %arg7[%dma_start3A, %dma_start3A_105] : memref<96x128xf32, #tpu.memory_space<vmem>> -> memref<96x128xf32, #tpu.memory_space<vmem>>
      %dma_start3A_107 = arith.constant 0 : i32
      %dma_start3A_108 = tpu.memref_slice %arg9[%add3A_84, %dma_start3A_107] : memref<10112x128xf32, #tpu.memory_space<vmem_shared>> -> memref<96x128xf32, #tpu.memory_space<vmem_shared>>
      %dma_start3A_109 = arith.constant 0 : i32
      %dma_start3A_110 = arith.constant 0 : i32
      %dma_start3A_111 = tpu.memref_slice %arg7[%dma_start3A_109, %dma_start3A_110] : memref<96x128xf32, #tpu.memory_space<vmem>> -> memref<96x128xf32, #tpu.memory_space<vmem>>
      %dma_start3A_112 = arith.constant 0 : i32
      %dma_start3A_113 = tpu.memref_slice %arg9[%add3A_84, %dma_start3A_112] : memref<10112x128xf32, #tpu.memory_space<vmem_shared>> -> memref<96x128xf32, #tpu.memory_space<vmem_shared>>
      tpu.enqueue_dma source(%dma_start3A_113 : memref<96x128xf32, #tpu.memory_space<vmem_shared>>) target(%dma_start3A_111 : memref<96x128xf32, #tpu.memory_space<vmem>>) target_semaphore(%run_scoped3A : memref<!tpu.dma_semaphore, #tpu.memory_space<semaphore_mem>>)
      %dma_wait3A = arith.constant 0 : i32
      %dma_wait3A_114 = arith.constant 0 : i32
      %dma_wait3A_115 = tpu.memref_slice %arg7[%dma_wait3A, %dma_wait3A_114] : memref<96x128xf32, #tpu.memory_space<vmem>> -> memref<96x128xf32, #tpu.memory_space<vmem>>
      %dma_wait3A_116 = arith.constant 0 : i32
      %dma_wait3A_117 = tpu.memref_slice %arg9[%add3A_84, %dma_wait3A_116] : memref<10112x128xf32, #tpu.memory_space<vmem_shared>> -> memref<96x128xf32, #tpu.memory_space<vmem_shared>>
      %dma_wait3A_118 = arith.constant 0 : i32
      %dma_wait3A_119 = arith.constant 0 : i32
      %dma_wait3A_120 = tpu.memref_slice %arg7[%dma_wait3A_118, %dma_wait3A_119] : memref<96x128xf32, #tpu.memory_space<vmem>> -> memref<96x128xf32, #tpu.memory_space<vmem>>
      %dma_wait3A_121 = arith.constant 0 : i32
      %dma_wait3A_122 = tpu.memref_slice %arg9[%add3A_84, %dma_wait3A_121] : memref<10112x128xf32, #tpu.memory_space<vmem_shared>> -> memref<96x128xf32, #tpu.memory_space<vmem_shared>>
      tpu.wait_dma2 semaphore(%run_scoped3A : memref<!tpu.dma_semaphore, #tpu.memory_space<semaphore_mem>>) src(%dma_wait3A_122 : memref<96x128xf32, #tpu.memory_space<vmem_shared>>) dst(%dma_wait3A_120 : memref<96x128xf32, #tpu.memory_space<vmem>>)
      tpu.yield
    }) : () -> ()
    %mul3A_85 = arith.constant 632 : i32
    %mul3A_86 = arith.muli %arg1, %mul3A_85 : i32
    %add3A_87 = arith.constant 384 : i32
    %add3A_88 = arith.addi %mul3A_86, %add3A_87 : i32
    "tpu.region"() ({
      %run_scoped3A = tpu.sem_alloc : memref<!tpu.dma_semaphore, #tpu.memory_space<semaphore_mem>>
      %dma_start3A = arith.constant 0 : i32
      %dma_start3A_105 = arith.constant 0 : i32
      %dma_start3A_106 = tpu.memref_slice %arg7[%dma_start3A, %dma_start3A_105] : memref<96x128xf32, #tpu.memory_space<vmem>> -> memref<96x128xf32, #tpu.memory_space<vmem>>
      %dma_start3A_107 = arith.constant 0 : i32
      %dma_start3A_108 = tpu.memref_slice %arg5[%arg0, %add3A_88, %dma_start3A_107] : memref<2x10112x128xf32, #tpu.memory_space<hbm>> -> memref<1x96x128xf32, #tpu.memory_space<hbm>>
      %dma_start3A_109 = tpu.memref_squeeze %dma_start3A_108 : memref<1x96x128xf32, #tpu.memory_space<hbm>> -> memref<96x128xf32, #tpu.memory_space<hbm>>
      %dma_start3A_110 = arith.constant 0 : i32
      %dma_start3A_111 = tpu.memref_slice %arg5[%arg0, %add3A_88, %dma_start3A_110] : memref<2x10112x128xf32, #tpu.memory_space<hbm>> -> memref<1x96x128xf32, #tpu.memory_space<hbm>>
      %dma_start3A_112 = tpu.memref_squeeze %dma_start3A_111 : memref<1x96x128xf32, #tpu.memory_space<hbm>> -> memref<96x128xf32, #tpu.memory_space<hbm>>
      %dma_start3A_113 = arith.constant 0 : i32
      %dma_start3A_114 = arith.constant 0 : i32
      %dma_start3A_115 = tpu.memref_slice %arg7[%dma_start3A_113, %dma_start3A_114] : memref<96x128xf32, #tpu.memory_space<vmem>> -> memref<96x128xf32, #tpu.memory_space<vmem>>
      tpu.enqueue_dma source(%dma_start3A_115 : memref<96x128xf32, #tpu.memory_space<vmem>>) target(%dma_start3A_112 : memref<96x128xf32, #tpu.memory_space<hbm>>) target_semaphore(%run_scoped3A : memref<!tpu.dma_semaphore, #tpu.memory_space<semaphore_mem>>)
      %dma_wait3A = arith.constant 0 : i32
      %dma_wait3A_116 = arith.constant 0 : i32
      %dma_wait3A_117 = tpu.memref_slice %arg7[%dma_wait3A, %dma_wait3A_116] : memref<96x128xf32, #tpu.memory_space<vmem>> -> memref<96x128xf32, #tpu.memory_space<vmem>>
      %dma_wait3A_118 = arith.constant 0 : i32
      %dma_wait3A_119 = tpu.memref_slice %arg5[%arg0, %add3A_88, %dma_wait3A_118] : memref<2x10112x128xf32, #tpu.memory_space<hbm>> -> memref<1x96x128xf32, #tpu.memory_space<hbm>>
      %dma_wait3A_120 = tpu.memref_squeeze %dma_wait3A_119 : memref<1x96x128xf32, #tpu.memory_space<hbm>> -> memref<96x128xf32, #tpu.memory_space<hbm>>
      %dma_wait3A_121 = arith.constant 0 : i32
      %dma_wait3A_122 = tpu.memref_slice %arg5[%arg0, %add3A_88, %dma_wait3A_121] : memref<2x10112x128xf32, #tpu.memory_space<hbm>> -> memref<1x96x128xf32, #tpu.memory_space<hbm>>
      %dma_wait3A_123 = tpu.memref_squeeze %dma_wait3A_122 : memref<1x96x128xf32, #tpu.memory_space<hbm>> -> memref<96x128xf32, #tpu.memory_space<hbm>>
      %dma_wait3A_124 = arith.constant 0 : i32
      %dma_wait3A_125 = arith.constant 0 : i32
      %dma_wait3A_126 = tpu.memref_slice %arg7[%dma_wait3A_124, %dma_wait3A_125] : memref<96x128xf32, #tpu.memory_space<vmem>> -> memref<96x128xf32, #tpu.memory_space<vmem>>
      tpu.wait_dma2 semaphore(%run_scoped3A : memref<!tpu.dma_semaphore, #tpu.memory_space<semaphore_mem>>) src(%dma_wait3A_126 : memref<96x128xf32, #tpu.memory_space<vmem>>) dst(%dma_wait3A_123 : memref<96x128xf32, #tpu.memory_space<hbm>>)
      tpu.yield
    }) : () -> ()
    %mul3A_89 = arith.constant 632 : i32
    %mul3A_90 = arith.muli %arg1, %mul3A_89 : i32
    %add3A_91 = arith.constant 480 : i32
    %add3A_92 = arith.addi %mul3A_90, %add3A_91 : i32
    "tpu.region"() ({
      %run_scoped3A = tpu.sem_alloc : memref<!tpu.dma_semaphore, #tpu.memory_space<semaphore_mem>>
      %dma_start3A = arith.constant 0 : i32
      %dma_start3A_105 = arith.constant 0 : i32
      %dma_start3A_106 = tpu.memref_slice %arg7[%dma_start3A, %dma_start3A_105] : memref<96x128xf32, #tpu.memory_space<vmem>> -> memref<96x128xf32, #tpu.memory_space<vmem>>
      %dma_start3A_107 = arith.constant 0 : i32
      %dma_start3A_108 = tpu.memref_slice %arg9[%add3A_92, %dma_start3A_107] : memref<10112x128xf32, #tpu.memory_space<vmem_shared>> -> memref<96x128xf32, #tpu.memory_space<vmem_shared>>
      %dma_start3A_109 = arith.constant 0 : i32
      %dma_start3A_110 = arith.constant 0 : i32
      %dma_start3A_111 = tpu.memref_slice %arg7[%dma_start3A_109, %dma_start3A_110] : memref<96x128xf32, #tpu.memory_space<vmem>> -> memref<96x128xf32, #tpu.memory_space<vmem>>
      %dma_start3A_112 = arith.constant 0 : i32
      %dma_start3A_113 = tpu.memref_slice %arg9[%add3A_92, %dma_start3A_112] : memref<10112x128xf32, #tpu.memory_space<vmem_shared>> -> memref<96x128xf32, #tpu.memory_space<vmem_shared>>
      tpu.enqueue_dma source(%dma_start3A_113 : memref<96x128xf32, #tpu.memory_space<vmem_shared>>) target(%dma_start3A_111 : memref<96x128xf32, #tpu.memory_space<vmem>>) target_semaphore(%run_scoped3A : memref<!tpu.dma_semaphore, #tpu.memory_space<semaphore_mem>>)
      %dma_wait3A = arith.constant 0 : i32
      %dma_wait3A_114 = arith.constant 0 : i32
      %dma_wait3A_115 = tpu.memref_slice %arg7[%dma_wait3A, %dma_wait3A_114] : memref<96x128xf32, #tpu.memory_space<vmem>> -> memref<96x128xf32, #tpu.memory_space<vmem>>
      %dma_wait3A_116 = arith.constant 0 : i32
      %dma_wait3A_117 = tpu.memref_slice %arg9[%add3A_92, %dma_wait3A_116] : memref<10112x128xf32, #tpu.memory_space<vmem_shared>> -> memref<96x128xf32, #tpu.memory_space<vmem_shared>>
      %dma_wait3A_118 = arith.constant 0 : i32
      %dma_wait3A_119 = arith.constant 0 : i32
      %dma_wait3A_120 = tpu.memref_slice %arg7[%dma_wait3A_118, %dma_wait3A_119] : memref<96x128xf32, #tpu.memory_space<vmem>> -> memref<96x128xf32, #tpu.memory_space<vmem>>
      %dma_wait3A_121 = arith.constant 0 : i32
      %dma_wait3A_122 = tpu.memref_slice %arg9[%add3A_92, %dma_wait3A_121] : memref<10112x128xf32, #tpu.memory_space<vmem_shared>> -> memref<96x128xf32, #tpu.memory_space<vmem_shared>>
      tpu.wait_dma2 semaphore(%run_scoped3A : memref<!tpu.dma_semaphore, #tpu.memory_space<semaphore_mem>>) src(%dma_wait3A_122 : memref<96x128xf32, #tpu.memory_space<vmem_shared>>) dst(%dma_wait3A_120 : memref<96x128xf32, #tpu.memory_space<vmem>>)
      tpu.yield
    }) : () -> ()
    %mul3A_93 = arith.constant 632 : i32
    %mul3A_94 = arith.muli %arg1, %mul3A_93 : i32
    %add3A_95 = arith.constant 480 : i32
    %add3A_96 = arith.addi %mul3A_94, %add3A_95 : i32
    "tpu.region"() ({
      %run_scoped3A = tpu.sem_alloc : memref<!tpu.dma_semaphore, #tpu.memory_space<semaphore_mem>>
      %dma_start3A = arith.constant 0 : i32
      %dma_start3A_105 = arith.constant 0 : i32
      %dma_start3A_106 = tpu.memref_slice %arg7[%dma_start3A, %dma_start3A_105] : memref<96x128xf32, #tpu.memory_space<vmem>> -> memref<96x128xf32, #tpu.memory_space<vmem>>
      %dma_start3A_107 = arith.constant 0 : i32
      %dma_start3A_108 = tpu.memref_slice %arg5[%arg0, %add3A_96, %dma_start3A_107] : memref<2x10112x128xf32, #tpu.memory_space<hbm>> -> memref<1x96x128xf32, #tpu.memory_space<hbm>>
      %dma_start3A_109 = tpu.memref_squeeze %dma_start3A_108 : memref<1x96x128xf32, #tpu.memory_space<hbm>> -> memref<96x128xf32, #tpu.memory_space<hbm>>
      %dma_start3A_110 = arith.constant 0 : i32
      %dma_start3A_111 = tpu.memref_slice %arg5[%arg0, %add3A_96, %dma_start3A_110] : memref<2x10112x128xf32, #tpu.memory_space<hbm>> -> memref<1x96x128xf32, #tpu.memory_space<hbm>>
      %dma_start3A_112 = tpu.memref_squeeze %dma_start3A_111 : memref<1x96x128xf32, #tpu.memory_space<hbm>> -> memref<96x128xf32, #tpu.memory_space<hbm>>
      %dma_start3A_113 = arith.constant 0 : i32
      %dma_start3A_114 = arith.constant 0 : i32
      %dma_start3A_115 = tpu.memref_slice %arg7[%dma_start3A_113, %dma_start3A_114] : memref<96x128xf32, #tpu.memory_space<vmem>> -> memref<96x128xf32, #tpu.memory_space<vmem>>
      tpu.enqueue_dma source(%dma_start3A_115 : memref<96x128xf32, #tpu.memory_space<vmem>>) target(%dma_start3A_112 : memref<96x128xf32, #tpu.memory_space<hbm>>) target_semaphore(%run_scoped3A : memref<!tpu.dma_semaphore, #tpu.memory_space<semaphore_mem>>)
      %dma_wait3A = arith.constant 0 : i32
      %dma_wait3A_116 = arith.constant 0 : i32
      %dma_wait3A_117 = tpu.memref_slice %arg7[%dma_wait3A, %dma_wait3A_116] : memref<96x128xf32, #tpu.memory_space<vmem>> -> memref<96x128xf32, #tpu.memory_space<vmem>>
      %dma_wait3A_118 = arith.constant 0 : i32
      %dma_wait3A_119 = tpu.memref_slice %arg5[%arg0, %add3A_96, %dma_wait3A_118] : memref<2x10112x128xf32, #tpu.memory_space<hbm>> -> memref<1x96x128xf32, #tpu.memory_space<hbm>>
      %dma_wait3A_120 = tpu.memref_squeeze %dma_wait3A_119 : memref<1x96x128xf32, #tpu.memory_space<hbm>> -> memref<96x128xf32, #tpu.memory_space<hbm>>
      %dma_wait3A_121 = arith.constant 0 : i32
      %dma_wait3A_122 = tpu.memref_slice %arg5[%arg0, %add3A_96, %dma_wait3A_121] : memref<2x10112x128xf32, #tpu.memory_space<hbm>> -> memref<1x96x128xf32, #tpu.memory_space<hbm>>
      %dma_wait3A_123 = tpu.memref_squeeze %dma_wait3A_122 : memref<1x96x128xf32, #tpu.memory_space<hbm>> -> memref<96x128xf32, #tpu.memory_space<hbm>>
      %dma_wait3A_124 = arith.constant 0 : i32
      %dma_wait3A_125 = arith.constant 0 : i32
      %dma_wait3A_126 = tpu.memref_slice %arg7[%dma_wait3A_124, %dma_wait3A_125] : memref<96x128xf32, #tpu.memory_space<vmem>> -> memref<96x128xf32, #tpu.memory_space<vmem>>
      tpu.wait_dma2 semaphore(%run_scoped3A : memref<!tpu.dma_semaphore, #tpu.memory_space<semaphore_mem>>) src(%dma_wait3A_126 : memref<96x128xf32, #tpu.memory_space<vmem>>) dst(%dma_wait3A_123 : memref<96x128xf32, #tpu.memory_space<hbm>>)
      tpu.yield
    }) : () -> ()
    %mul3A_97 = arith.constant 632 : i32
    %mul3A_98 = arith.muli %arg1, %mul3A_97 : i32
    %add3A_99 = arith.constant 576 : i32
    %add3A_100 = arith.addi %mul3A_98, %add3A_99 : i32
    "tpu.region"() ({
      %run_scoped3A = tpu.sem_alloc : memref<!tpu.dma_semaphore, #tpu.memory_space<semaphore_mem>>
      %dma_start3A = arith.constant 0 : i32
      %dma_start3A_105 = arith.constant 0 : i32
      %dma_start3A_106 = tpu.memref_slice %arg7[%dma_start3A, %dma_start3A_105] : memref<96x128xf32, #tpu.memory_space<vmem>> -> memref<56x128xf32, #tpu.memory_space<vmem>>
      %dma_start3A_107 = arith.constant 0 : i32
      %dma_start3A_108 = tpu.memref_slice %arg9[%add3A_100, %dma_start3A_107] : memref<10112x128xf32, #tpu.memory_space<vmem_shared>> -> memref<56x128xf32, #tpu.memory_space<vmem_shared>>
      %dma_start3A_109 = arith.constant 0 : i32
      %dma_start3A_110 = arith.constant 0 : i32
      %dma_start3A_111 = tpu.memref_slice %arg7[%dma_start3A_109, %dma_start3A_110] : memref<96x128xf32, #tpu.memory_space<vmem>> -> memref<56x128xf32, #tpu.memory_space<vmem>>
      %dma_start3A_112 = arith.constant 0 : i32
      %dma_start3A_113 = tpu.memref_slice %arg9[%add3A_100, %dma_start3A_112] : memref<10112x128xf32, #tpu.memory_space<vmem_shared>> -> memref<56x128xf32, #tpu.memory_space<vmem_shared>>
      tpu.enqueue_dma source(%dma_start3A_113 : memref<56x128xf32, #tpu.memory_space<vmem_shared>>) target(%dma_start3A_111 : memref<56x128xf32, #tpu.memory_space<vmem>>) target_semaphore(%run_scoped3A : memref<!tpu.dma_semaphore, #tpu.memory_space<semaphore_mem>>)
      %dma_wait3A = arith.constant 0 : i32
      %dma_wait3A_114 = arith.constant 0 : i32
      %dma_wait3A_115 = tpu.memref_slice %arg7[%dma_wait3A, %dma_wait3A_114] : memref<96x128xf32, #tpu.memory_space<vmem>> -> memref<56x128xf32, #tpu.memory_space<vmem>>
      %dma_wait3A_116 = arith.constant 0 : i32
      %dma_wait3A_117 = tpu.memref_slice %arg9[%add3A_100, %dma_wait3A_116] : memref<10112x128xf32, #tpu.memory_space<vmem_shared>> -> memref<56x128xf32, #tpu.memory_space<vmem_shared>>
      %dma_wait3A_118 = arith.constant 0 : i32
      %dma_wait3A_119 = arith.constant 0 : i32
      %dma_wait3A_120 = tpu.memref_slice %arg7[%dma_wait3A_118, %dma_wait3A_119] : memref<96x128xf32, #tpu.memory_space<vmem>> -> memref<56x128xf32, #tpu.memory_space<vmem>>
      %dma_wait3A_121 = arith.constant 0 : i32
      %dma_wait3A_122 = tpu.memref_slice %arg9[%add3A_100, %dma_wait3A_121] : memref<10112x128xf32, #tpu.memory_space<vmem_shared>> -> memref<56x128xf32, #tpu.memory_space<vmem_shared>>
      tpu.wait_dma2 semaphore(%run_scoped3A : memref<!tpu.dma_semaphore, #tpu.memory_space<semaphore_mem>>) src(%dma_wait3A_122 : memref<56x128xf32, #tpu.memory_space<vmem_shared>>) dst(%dma_wait3A_120 : memref<56x128xf32, #tpu.memory_space<vmem>>)
      tpu.yield
    }) : () -> ()
    %mul3A_101 = arith.constant 632 : i32
    %mul3A_102 = arith.muli %arg1, %mul3A_101 : i32
    %add3A_103 = arith.constant 576 : i32
    %add3A_104 = arith.addi %mul3A_102, %add3A_103 : i32
    "tpu.region"() ({
      %run_scoped3A = tpu.sem_alloc : memref<!tpu.dma_semaphore, #tpu.memory_space<semaphore_mem>>
      %dma_start3A = arith.constant 0 : i32
      %dma_start3A_105 = arith.constant 0 : i32
      %dma_start3A_106 = tpu.memref_slice %arg7[%dma_start3A, %dma_start3A_105] : memref<96x128xf32, #tpu.memory_space<vmem>> -> memref<56x128xf32, #tpu.memory_space<vmem>>
      %dma_start3A_107 = arith.constant 0 : i32
      %dma_start3A_108 = tpu.memref_slice %arg5[%arg0, %add3A_104, %dma_start3A_107] : memref<2x10112x128xf32, #tpu.memory_space<hbm>> -> memref<1x56x128xf32, #tpu.memory_space<hbm>>
      %dma_start3A_109 = tpu.memref_squeeze %dma_start3A_108 : memref<1x56x128xf32, #tpu.memory_space<hbm>> -> memref<56x128xf32, #tpu.memory_space<hbm>>
      %dma_start3A_110 = arith.constant 0 : i32
      %dma_start3A_111 = tpu.memref_slice %arg5[%arg0, %add3A_104, %dma_start3A_110] : memref<2x10112x128xf32, #tpu.memory_space<hbm>> -> memref<1x56x128xf32, #tpu.memory_space<hbm>>
      %dma_start3A_112 = tpu.memref_squeeze %dma_start3A_111 : memref<1x56x128xf32, #tpu.memory_space<hbm>> -> memref<56x128xf32, #tpu.memory_space<hbm>>
      %dma_start3A_113 = arith.constant 0 : i32
      %dma_start3A_114 = arith.constant 0 : i32
      %dma_start3A_115 = tpu.memref_slice %arg7[%dma_start3A_113, %dma_start3A_114] : memref<96x128xf32, #tpu.memory_space<vmem>> -> memref<56x128xf32, #tpu.memory_space<vmem>>
      tpu.enqueue_dma source(%dma_start3A_115 : memref<56x128xf32, #tpu.memory_space<vmem>>) target(%dma_start3A_112 : memref<56x128xf32, #tpu.memory_space<hbm>>) target_semaphore(%run_scoped3A : memref<!tpu.dma_semaphore, #tpu.memory_space<semaphore_mem>>)
      %dma_wait3A = arith.constant 0 : i32
      %dma_wait3A_116 = arith.constant 0 : i32
      %dma_wait3A_117 = tpu.memref_slice %arg7[%dma_wait3A, %dma_wait3A_116] : memref<96x128xf32, #tpu.memory_space<vmem>> -> memref<56x128xf32, #tpu.memory_space<vmem>>
      %dma_wait3A_118 = arith.constant 0 : i32
      %dma_wait3A_119 = tpu.memref_slice %arg5[%arg0, %add3A_104, %dma_wait3A_118] : memref<2x10112x128xf32, #tpu.memory_space<hbm>> -> memref<1x56x128xf32, #tpu.memory_space<hbm>>
      %dma_wait3A_120 = tpu.memref_squeeze %dma_wait3A_119 : memref<1x56x128xf32, #tpu.memory_space<hbm>> -> memref<56x128xf32, #tpu.memory_space<hbm>>
      %dma_wait3A_121 = arith.constant 0 : i32
      %dma_wait3A_122 = tpu.memref_slice %arg5[%arg0, %add3A_104, %dma_wait3A_121] : memref<2x10112x128xf32, #tpu.memory_space<hbm>> -> memref<1x56x128xf32, #tpu.memory_space<hbm>>
      %dma_wait3A_123 = tpu.memref_squeeze %dma_wait3A_122 : memref<1x56x128xf32, #tpu.memory_space<hbm>> -> memref<56x128xf32, #tpu.memory_space<hbm>>
      %dma_wait3A_124 = arith.constant 0 : i32
      %dma_wait3A_125 = arith.constant 0 : i32
      %dma_wait3A_126 = tpu.memref_slice %arg7[%dma_wait3A_124, %dma_wait3A_125] : memref<96x128xf32, #tpu.memory_space<vmem>> -> memref<56x128xf32, #tpu.memory_space<vmem>>
      tpu.wait_dma2 semaphore(%run_scoped3A : memref<!tpu.dma_semaphore, #tpu.memory_space<semaphore_mem>>) src(%dma_wait3A_126 : memref<56x128xf32, #tpu.memory_space<vmem>>) dst(%dma_wait3A_123 : memref<56x128xf32, #tpu.memory_space<hbm>>)
      tpu.yield
    }) : () -> ()
    return
  }
}

#map = affine_map<(d0, d1) -> (0, 0)>
#map1 = affine_map<(d0, d1) -> (0, 0, 0, 0)>
#map2 = affine_map<(d0, d1) -> (0, 0, 0)>
module attributes {stable_mosaic.version = 14 : i64} {
  func.func @_sc_agg(%arg0: i32, %arg1: i32, %arg2: memref<10000x128xf32, #tpu.memory_space<hbm>>, %arg3: memref<96x2x36x96xi32, #tpu.memory_space<hbm>>, %arg4: memref<96x128xf32, #tpu.memory_space<hbm>>, %arg5: memref<2x10112x128xf32, #tpu.memory_space<hbm>>, %arg6: memref<2x36x96xi32, #tpu.memory_space<vmem>>, %arg7: memref<96x128xf32, #tpu.memory_space<vmem>>, %arg8: memref<96x128xf32, #tpu.memory_space<vmem>>, %arg9: memref<10112x128xf32, #tpu.memory_space<vmem_shared>>, %arg10: memref<!tpu.dma_semaphore, #tpu.memory_space<semaphore_mem>>, %arg11: memref<!tpu.dma_semaphore, #tpu.memory_space<semaphore_mem>>) attributes {dimension_semantics = [#tpu.dimension_semantics<core_parallel>, #tpu.dimension_semantics<subcore_parallel>], iteration_bounds = array<i64: 2, 16>, scalar_prefetch = 0 : i64, scratch_operands = 6 : i64, tpu.core_type = #tpu.core_type<sc_vector_subcore>, window_params = [{transform_indices = #map}, {transform_indices = #map1}, {transform_indices = #map}, {transform_indices = #map2}]} {
    "tpu.region"() ({
      %run_scoped3A = tpu.sem_alloc : memref<!tpu.dma_semaphore, #tpu.memory_space<semaphore_mem>>
      tpu.enqueue_dma source(%arg4 : memref<96x128xf32, #tpu.memory_space<hbm>>) target(%arg7 : memref<96x128xf32, #tpu.memory_space<vmem>>) target_semaphore(%run_scoped3A : memref<!tpu.dma_semaphore, #tpu.memory_space<semaphore_mem>>)
      tpu.wait_dma2 semaphore(%run_scoped3A : memref<!tpu.dma_semaphore, #tpu.memory_space<semaphore_mem>>) src(%arg4 : memref<96x128xf32, #tpu.memory_space<hbm>>) dst(%arg7 : memref<96x128xf32, #tpu.memory_space<vmem>>)
      tpu.yield
    }) : () -> ()
    %mul3A = arith.constant 632 : i32
    %mul3A_0 = arith.muli %arg1, %mul3A : i32
    %add3A = arith.constant 0 : i32
    %add3A_1 = arith.addi %mul3A_0, %add3A : i32
    "tpu.region"() ({
      %run_scoped3A = tpu.sem_alloc : memref<!tpu.dma_semaphore, #tpu.memory_space<semaphore_mem>>
      %dma_start3A = arith.constant 0 : i32
      %dma_start3A_105 = arith.constant 0 : i32
      %dma_start3A_106 = tpu.memref_slice %arg7[%dma_start3A, %dma_start3A_105] : memref<96x128xf32, #tpu.memory_space<vmem>> -> memref<96x128xf32, #tpu.memory_space<vmem>>
      %dma_start3A_107 = arith.constant 0 : i32
      %dma_start3A_108 = tpu.memref_slice %arg9[%add3A_1, %dma_start3A_107] : memref<10112x128xf32, #tpu.memory_space<vmem_shared>> -> memref<96x128xf32, #tpu.memory_space<vmem_shared>>
      %dma_start3A_109 = arith.constant 0 : i32
      %dma_start3A_110 = tpu.memref_slice %arg9[%add3A_1, %dma_start3A_109] : memref<10112x128xf32, #tpu.memory_space<vmem_shared>> -> memref<96x128xf32, #tpu.memory_space<vmem_shared>>
      %dma_start3A_111 = arith.constant 0 : i32
      %dma_start3A_112 = arith.constant 0 : i32
      %dma_start3A_113 = tpu.memref_slice %arg7[%dma_start3A_111, %dma_start3A_112] : memref<96x128xf32, #tpu.memory_space<vmem>> -> memref<96x128xf32, #tpu.memory_space<vmem>>
      tpu.enqueue_dma source(%dma_start3A_113 : memref<96x128xf32, #tpu.memory_space<vmem>>) target(%dma_start3A_110 : memref<96x128xf32, #tpu.memory_space<vmem_shared>>) target_semaphore(%run_scoped3A : memref<!tpu.dma_semaphore, #tpu.memory_space<semaphore_mem>>)
      %dma_wait3A = arith.constant 0 : i32
      %dma_wait3A_114 = arith.constant 0 : i32
      %dma_wait3A_115 = tpu.memref_slice %arg7[%dma_wait3A, %dma_wait3A_114] : memref<96x128xf32, #tpu.memory_space<vmem>> -> memref<96x128xf32, #tpu.memory_space<vmem>>
      %dma_wait3A_116 = arith.constant 0 : i32
      %dma_wait3A_117 = tpu.memref_slice %arg9[%add3A_1, %dma_wait3A_116] : memref<10112x128xf32, #tpu.memory_space<vmem_shared>> -> memref<96x128xf32, #tpu.memory_space<vmem_shared>>
      %dma_wait3A_118 = arith.constant 0 : i32
      %dma_wait3A_119 = tpu.memref_slice %arg9[%add3A_1, %dma_wait3A_118] : memref<10112x128xf32, #tpu.memory_space<vmem_shared>> -> memref<96x128xf32, #tpu.memory_space<vmem_shared>>
      %dma_wait3A_120 = arith.constant 0 : i32
      %dma_wait3A_121 = arith.constant 0 : i32
      %dma_wait3A_122 = tpu.memref_slice %arg7[%dma_wait3A_120, %dma_wait3A_121] : memref<96x128xf32, #tpu.memory_space<vmem>> -> memref<96x128xf32, #tpu.memory_space<vmem>>
      tpu.wait_dma2 semaphore(%run_scoped3A : memref<!tpu.dma_semaphore, #tpu.memory_space<semaphore_mem>>) src(%dma_wait3A_122 : memref<96x128xf32, #tpu.memory_space<vmem>>) dst(%dma_wait3A_119 : memref<96x128xf32, #tpu.memory_space<vmem_shared>>)
      tpu.yield
    }) : () -> ()
    %mul3A_2 = arith.constant 632 : i32
    %mul3A_3 = arith.muli %arg1, %mul3A_2 : i32
    %add3A_4 = arith.constant 96 : i32
    %add3A_5 = arith.addi %mul3A_3, %add3A_4 : i32
    "tpu.region"() ({
      %run_scoped3A = tpu.sem_alloc : memref<!tpu.dma_semaphore, #tpu.memory_space<semaphore_mem>>
      %dma_start3A = arith.constant 0 : i32
      %dma_start3A_105 = arith.constant 0 : i32
      %dma_start3A_106 = tpu.memref_slice %arg7[%dma_start3A, %dma_start3A_105] : memref<96x128xf32, #tpu.memory_space<vmem>> -> memref<96x128xf32, #tpu.memory_space<vmem>>
      %dma_start3A_107 = arith.constant 0 : i32
      %dma_start3A_108 = tpu.memref_slice %arg9[%add3A_5, %dma_start3A_107] : memref<10112x128xf32, #tpu.memory_space<vmem_shared>> -> memref<96x128xf32, #tpu.memory_space<vmem_shared>>
      %dma_start3A_109 = arith.constant 0 : i32
      %dma_start3A_110 = tpu.memref_slice %arg9[%add3A_5, %dma_start3A_109] : memref<10112x128xf32, #tpu.memory_space<vmem_shared>> -> memref<96x128xf32, #tpu.memory_space<vmem_shared>>
      %dma_start3A_111 = arith.constant 0 : i32
      %dma_start3A_112 = arith.constant 0 : i32
      %dma_start3A_113 = tpu.memref_slice %arg7[%dma_start3A_111, %dma_start3A_112] : memref<96x128xf32, #tpu.memory_space<vmem>> -> memref<96x128xf32, #tpu.memory_space<vmem>>
      tpu.enqueue_dma source(%dma_start3A_113 : memref<96x128xf32, #tpu.memory_space<vmem>>) target(%dma_start3A_110 : memref<96x128xf32, #tpu.memory_space<vmem_shared>>) target_semaphore(%run_scoped3A : memref<!tpu.dma_semaphore, #tpu.memory_space<semaphore_mem>>)
      %dma_wait3A = arith.constant 0 : i32
      %dma_wait3A_114 = arith.constant 0 : i32
      %dma_wait3A_115 = tpu.memref_slice %arg7[%dma_wait3A, %dma_wait3A_114] : memref<96x128xf32, #tpu.memory_space<vmem>> -> memref<96x128xf32, #tpu.memory_space<vmem>>
      %dma_wait3A_116 = arith.constant 0 : i32
      %dma_wait3A_117 = tpu.memref_slice %arg9[%add3A_5, %dma_wait3A_116] : memref<10112x128xf32, #tpu.memory_space<vmem_shared>> -> memref<96x128xf32, #tpu.memory_space<vmem_shared>>
      %dma_wait3A_118 = arith.constant 0 : i32
      %dma_wait3A_119 = tpu.memref_slice %arg9[%add3A_5, %dma_wait3A_118] : memref<10112x128xf32, #tpu.memory_space<vmem_shared>> -> memref<96x128xf32, #tpu.memory_space<vmem_shared>>
      %dma_wait3A_120 = arith.constant 0 : i32
      %dma_wait3A_121 = arith.constant 0 : i32
      %dma_wait3A_122 = tpu.memref_slice %arg7[%dma_wait3A_120, %dma_wait3A_121] : memref<96x128xf32, #tpu.memory_space<vmem>> -> memref<96x128xf32, #tpu.memory_space<vmem>>
      tpu.wait_dma2 semaphore(%run_scoped3A : memref<!tpu.dma_semaphore, #tpu.memory_space<semaphore_mem>>) src(%dma_wait3A_122 : memref<96x128xf32, #tpu.memory_space<vmem>>) dst(%dma_wait3A_119 : memref<96x128xf32, #tpu.memory_space<vmem_shared>>)
      tpu.yield
    }) : () -> ()
    %mul3A_6 = arith.constant 632 : i32
    %mul3A_7 = arith.muli %arg1, %mul3A_6 : i32
    %add3A_8 = arith.constant 192 : i32
    %add3A_9 = arith.addi %mul3A_7, %add3A_8 : i32
    "tpu.region"() ({
      %run_scoped3A = tpu.sem_alloc : memref<!tpu.dma_semaphore, #tpu.memory_space<semaphore_mem>>
      %dma_start3A = arith.constant 0 : i32
      %dma_start3A_105 = arith.constant 0 : i32
      %dma_start3A_106 = tpu.memref_slice %arg7[%dma_start3A, %dma_start3A_105] : memref<96x128xf32, #tpu.memory_space<vmem>> -> memref<96x128xf32, #tpu.memory_space<vmem>>
      %dma_start3A_107 = arith.constant 0 : i32
      %dma_start3A_108 = tpu.memref_slice %arg9[%add3A_9, %dma_start3A_107] : memref<10112x128xf32, #tpu.memory_space<vmem_shared>> -> memref<96x128xf32, #tpu.memory_space<vmem_shared>>
      %dma_start3A_109 = arith.constant 0 : i32
      %dma_start3A_110 = tpu.memref_slice %arg9[%add3A_9, %dma_start3A_109] : memref<10112x128xf32, #tpu.memory_space<vmem_shared>> -> memref<96x128xf32, #tpu.memory_space<vmem_shared>>
      %dma_start3A_111 = arith.constant 0 : i32
      %dma_start3A_112 = arith.constant 0 : i32
      %dma_start3A_113 = tpu.memref_slice %arg7[%dma_start3A_111, %dma_start3A_112] : memref<96x128xf32, #tpu.memory_space<vmem>> -> memref<96x128xf32, #tpu.memory_space<vmem>>
      tpu.enqueue_dma source(%dma_start3A_113 : memref<96x128xf32, #tpu.memory_space<vmem>>) target(%dma_start3A_110 : memref<96x128xf32, #tpu.memory_space<vmem_shared>>) target_semaphore(%run_scoped3A : memref<!tpu.dma_semaphore, #tpu.memory_space<semaphore_mem>>)
      %dma_wait3A = arith.constant 0 : i32
      %dma_wait3A_114 = arith.constant 0 : i32
      %dma_wait3A_115 = tpu.memref_slice %arg7[%dma_wait3A, %dma_wait3A_114] : memref<96x128xf32, #tpu.memory_space<vmem>> -> memref<96x128xf32, #tpu.memory_space<vmem>>
      %dma_wait3A_116 = arith.constant 0 : i32
      %dma_wait3A_117 = tpu.memref_slice %arg9[%add3A_9, %dma_wait3A_116] : memref<10112x128xf32, #tpu.memory_space<vmem_shared>> -> memref<96x128xf32, #tpu.memory_space<vmem_shared>>
      %dma_wait3A_118 = arith.constant 0 : i32
      %dma_wait3A_119 = tpu.memref_slice %arg9[%add3A_9, %dma_wait3A_118] : memref<10112x128xf32, #tpu.memory_space<vmem_shared>> -> memref<96x128xf32, #tpu.memory_space<vmem_shared>>
      %dma_wait3A_120 = arith.constant 0 : i32
      %dma_wait3A_121 = arith.constant 0 : i32
      %dma_wait3A_122 = tpu.memref_slice %arg7[%dma_wait3A_120, %dma_wait3A_121] : memref<96x128xf32, #tpu.memory_space<vmem>> -> memref<96x128xf32, #tpu.memory_space<vmem>>
      tpu.wait_dma2 semaphore(%run_scoped3A : memref<!tpu.dma_semaphore, #tpu.memory_space<semaphore_mem>>) src(%dma_wait3A_122 : memref<96x128xf32, #tpu.memory_space<vmem>>) dst(%dma_wait3A_119 : memref<96x128xf32, #tpu.memory_space<vmem_shared>>)
      tpu.yield
    }) : () -> ()
    %mul3A_10 = arith.constant 632 : i32
    %mul3A_11 = arith.muli %arg1, %mul3A_10 : i32
    %add3A_12 = arith.constant 288 : i32
    %add3A_13 = arith.addi %mul3A_11, %add3A_12 : i32
    "tpu.region"() ({
      %run_scoped3A = tpu.sem_alloc : memref<!tpu.dma_semaphore, #tpu.memory_space<semaphore_mem>>
      %dma_start3A = arith.constant 0 : i32
      %dma_start3A_105 = arith.constant 0 : i32
      %dma_start3A_106 = tpu.memref_slice %arg7[%dma_start3A, %dma_start3A_105] : memref<96x128xf32, #tpu.memory_space<vmem>> -> memref<96x128xf32, #tpu.memory_space<vmem>>
      %dma_start3A_107 = arith.constant 0 : i32
      %dma_start3A_108 = tpu.memref_slice %arg9[%add3A_13, %dma_start3A_107] : memref<10112x128xf32, #tpu.memory_space<vmem_shared>> -> memref<96x128xf32, #tpu.memory_space<vmem_shared>>
      %dma_start3A_109 = arith.constant 0 : i32
      %dma_start3A_110 = tpu.memref_slice %arg9[%add3A_13, %dma_start3A_109] : memref<10112x128xf32, #tpu.memory_space<vmem_shared>> -> memref<96x128xf32, #tpu.memory_space<vmem_shared>>
      %dma_start3A_111 = arith.constant 0 : i32
      %dma_start3A_112 = arith.constant 0 : i32
      %dma_start3A_113 = tpu.memref_slice %arg7[%dma_start3A_111, %dma_start3A_112] : memref<96x128xf32, #tpu.memory_space<vmem>> -> memref<96x128xf32, #tpu.memory_space<vmem>>
      tpu.enqueue_dma source(%dma_start3A_113 : memref<96x128xf32, #tpu.memory_space<vmem>>) target(%dma_start3A_110 : memref<96x128xf32, #tpu.memory_space<vmem_shared>>) target_semaphore(%run_scoped3A : memref<!tpu.dma_semaphore, #tpu.memory_space<semaphore_mem>>)
      %dma_wait3A = arith.constant 0 : i32
      %dma_wait3A_114 = arith.constant 0 : i32
      %dma_wait3A_115 = tpu.memref_slice %arg7[%dma_wait3A, %dma_wait3A_114] : memref<96x128xf32, #tpu.memory_space<vmem>> -> memref<96x128xf32, #tpu.memory_space<vmem>>
      %dma_wait3A_116 = arith.constant 0 : i32
      %dma_wait3A_117 = tpu.memref_slice %arg9[%add3A_13, %dma_wait3A_116] : memref<10112x128xf32, #tpu.memory_space<vmem_shared>> -> memref<96x128xf32, #tpu.memory_space<vmem_shared>>
      %dma_wait3A_118 = arith.constant 0 : i32
      %dma_wait3A_119 = tpu.memref_slice %arg9[%add3A_13, %dma_wait3A_118] : memref<10112x128xf32, #tpu.memory_space<vmem_shared>> -> memref<96x128xf32, #tpu.memory_space<vmem_shared>>
      %dma_wait3A_120 = arith.constant 0 : i32
      %dma_wait3A_121 = arith.constant 0 : i32
      %dma_wait3A_122 = tpu.memref_slice %arg7[%dma_wait3A_120, %dma_wait3A_121] : memref<96x128xf32, #tpu.memory_space<vmem>> -> memref<96x128xf32, #tpu.memory_space<vmem>>
      tpu.wait_dma2 semaphore(%run_scoped3A : memref<!tpu.dma_semaphore, #tpu.memory_space<semaphore_mem>>) src(%dma_wait3A_122 : memref<96x128xf32, #tpu.memory_space<vmem>>) dst(%dma_wait3A_119 : memref<96x128xf32, #tpu.memory_space<vmem_shared>>)
      tpu.yield
    }) : () -> ()
    %mul3A_14 = arith.constant 632 : i32
    %mul3A_15 = arith.muli %arg1, %mul3A_14 : i32
    %add3A_16 = arith.constant 384 : i32
    %add3A_17 = arith.addi %mul3A_15, %add3A_16 : i32
    "tpu.region"() ({
      %run_scoped3A = tpu.sem_alloc : memref<!tpu.dma_semaphore, #tpu.memory_space<semaphore_mem>>
      %dma_start3A = arith.constant 0 : i32
      %dma_start3A_105 = arith.constant 0 : i32
      %dma_start3A_106 = tpu.memref_slice %arg7[%dma_start3A, %dma_start3A_105] : memref<96x128xf32, #tpu.memory_space<vmem>> -> memref<96x128xf32, #tpu.memory_space<vmem>>
      %dma_start3A_107 = arith.constant 0 : i32
      %dma_start3A_108 = tpu.memref_slice %arg9[%add3A_17, %dma_start3A_107] : memref<10112x128xf32, #tpu.memory_space<vmem_shared>> -> memref<96x128xf32, #tpu.memory_space<vmem_shared>>
      %dma_start3A_109 = arith.constant 0 : i32
      %dma_start3A_110 = tpu.memref_slice %arg9[%add3A_17, %dma_start3A_109] : memref<10112x128xf32, #tpu.memory_space<vmem_shared>> -> memref<96x128xf32, #tpu.memory_space<vmem_shared>>
      %dma_start3A_111 = arith.constant 0 : i32
      %dma_start3A_112 = arith.constant 0 : i32
      %dma_start3A_113 = tpu.memref_slice %arg7[%dma_start3A_111, %dma_start3A_112] : memref<96x128xf32, #tpu.memory_space<vmem>> -> memref<96x128xf32, #tpu.memory_space<vmem>>
      tpu.enqueue_dma source(%dma_start3A_113 : memref<96x128xf32, #tpu.memory_space<vmem>>) target(%dma_start3A_110 : memref<96x128xf32, #tpu.memory_space<vmem_shared>>) target_semaphore(%run_scoped3A : memref<!tpu.dma_semaphore, #tpu.memory_space<semaphore_mem>>)
      %dma_wait3A = arith.constant 0 : i32
      %dma_wait3A_114 = arith.constant 0 : i32
      %dma_wait3A_115 = tpu.memref_slice %arg7[%dma_wait3A, %dma_wait3A_114] : memref<96x128xf32, #tpu.memory_space<vmem>> -> memref<96x128xf32, #tpu.memory_space<vmem>>
      %dma_wait3A_116 = arith.constant 0 : i32
      %dma_wait3A_117 = tpu.memref_slice %arg9[%add3A_17, %dma_wait3A_116] : memref<10112x128xf32, #tpu.memory_space<vmem_shared>> -> memref<96x128xf32, #tpu.memory_space<vmem_shared>>
      %dma_wait3A_118 = arith.constant 0 : i32
      %dma_wait3A_119 = tpu.memref_slice %arg9[%add3A_17, %dma_wait3A_118] : memref<10112x128xf32, #tpu.memory_space<vmem_shared>> -> memref<96x128xf32, #tpu.memory_space<vmem_shared>>
      %dma_wait3A_120 = arith.constant 0 : i32
      %dma_wait3A_121 = arith.constant 0 : i32
      %dma_wait3A_122 = tpu.memref_slice %arg7[%dma_wait3A_120, %dma_wait3A_121] : memref<96x128xf32, #tpu.memory_space<vmem>> -> memref<96x128xf32, #tpu.memory_space<vmem>>
      tpu.wait_dma2 semaphore(%run_scoped3A : memref<!tpu.dma_semaphore, #tpu.memory_space<semaphore_mem>>) src(%dma_wait3A_122 : memref<96x128xf32, #tpu.memory_space<vmem>>) dst(%dma_wait3A_119 : memref<96x128xf32, #tpu.memory_space<vmem_shared>>)
      tpu.yield
    }) : () -> ()
    %mul3A_18 = arith.constant 632 : i32
    %mul3A_19 = arith.muli %arg1, %mul3A_18 : i32
    %add3A_20 = arith.constant 480 : i32
    %add3A_21 = arith.addi %mul3A_19, %add3A_20 : i32
    "tpu.region"() ({
      %run_scoped3A = tpu.sem_alloc : memref<!tpu.dma_semaphore, #tpu.memory_space<semaphore_mem>>
      %dma_start3A = arith.constant 0 : i32
      %dma_start3A_105 = arith.constant 0 : i32
      %dma_start3A_106 = tpu.memref_slice %arg7[%dma_start3A, %dma_start3A_105] : memref<96x128xf32, #tpu.memory_space<vmem>> -> memref<96x128xf32, #tpu.memory_space<vmem>>
      %dma_start3A_107 = arith.constant 0 : i32
      %dma_start3A_108 = tpu.memref_slice %arg9[%add3A_21, %dma_start3A_107] : memref<10112x128xf32, #tpu.memory_space<vmem_shared>> -> memref<96x128xf32, #tpu.memory_space<vmem_shared>>
      %dma_start3A_109 = arith.constant 0 : i32
      %dma_start3A_110 = tpu.memref_slice %arg9[%add3A_21, %dma_start3A_109] : memref<10112x128xf32, #tpu.memory_space<vmem_shared>> -> memref<96x128xf32, #tpu.memory_space<vmem_shared>>
      %dma_start3A_111 = arith.constant 0 : i32
      %dma_start3A_112 = arith.constant 0 : i32
      %dma_start3A_113 = tpu.memref_slice %arg7[%dma_start3A_111, %dma_start3A_112] : memref<96x128xf32, #tpu.memory_space<vmem>> -> memref<96x128xf32, #tpu.memory_space<vmem>>
      tpu.enqueue_dma source(%dma_start3A_113 : memref<96x128xf32, #tpu.memory_space<vmem>>) target(%dma_start3A_110 : memref<96x128xf32, #tpu.memory_space<vmem_shared>>) target_semaphore(%run_scoped3A : memref<!tpu.dma_semaphore, #tpu.memory_space<semaphore_mem>>)
      %dma_wait3A = arith.constant 0 : i32
      %dma_wait3A_114 = arith.constant 0 : i32
      %dma_wait3A_115 = tpu.memref_slice %arg7[%dma_wait3A, %dma_wait3A_114] : memref<96x128xf32, #tpu.memory_space<vmem>> -> memref<96x128xf32, #tpu.memory_space<vmem>>
      %dma_wait3A_116 = arith.constant 0 : i32
      %dma_wait3A_117 = tpu.memref_slice %arg9[%add3A_21, %dma_wait3A_116] : memref<10112x128xf32, #tpu.memory_space<vmem_shared>> -> memref<96x128xf32, #tpu.memory_space<vmem_shared>>
      %dma_wait3A_118 = arith.constant 0 : i32
      %dma_wait3A_119 = tpu.memref_slice %arg9[%add3A_21, %dma_wait3A_118] : memref<10112x128xf32, #tpu.memory_space<vmem_shared>> -> memref<96x128xf32, #tpu.memory_space<vmem_shared>>
      %dma_wait3A_120 = arith.constant 0 : i32
      %dma_wait3A_121 = arith.constant 0 : i32
      %dma_wait3A_122 = tpu.memref_slice %arg7[%dma_wait3A_120, %dma_wait3A_121] : memref<96x128xf32, #tpu.memory_space<vmem>> -> memref<96x128xf32, #tpu.memory_space<vmem>>
      tpu.wait_dma2 semaphore(%run_scoped3A : memref<!tpu.dma_semaphore, #tpu.memory_space<semaphore_mem>>) src(%dma_wait3A_122 : memref<96x128xf32, #tpu.memory_space<vmem>>) dst(%dma_wait3A_119 : memref<96x128xf32, #tpu.memory_space<vmem_shared>>)
      tpu.yield
    }) : () -> ()
    %mul3A_22 = arith.constant 632 : i32
    %mul3A_23 = arith.muli %arg1, %mul3A_22 : i32
    %add3A_24 = arith.constant 576 : i32
    %add3A_25 = arith.addi %mul3A_23, %add3A_24 : i32
    "tpu.region"() ({
      %run_scoped3A = tpu.sem_alloc : memref<!tpu.dma_semaphore, #tpu.memory_space<semaphore_mem>>
      %dma_start3A = arith.constant 0 : i32
      %dma_start3A_105 = arith.constant 0 : i32
      %dma_start3A_106 = tpu.memref_slice %arg7[%dma_start3A, %dma_start3A_105] : memref<96x128xf32, #tpu.memory_space<vmem>> -> memref<56x128xf32, #tpu.memory_space<vmem>>
      %dma_start3A_107 = arith.constant 0 : i32
      %dma_start3A_108 = tpu.memref_slice %arg9[%add3A_25, %dma_start3A_107] : memref<10112x128xf32, #tpu.memory_space<vmem_shared>> -> memref<56x128xf32, #tpu.memory_space<vmem_shared>>
      %dma_start3A_109 = arith.constant 0 : i32
      %dma_start3A_110 = tpu.memref_slice %arg9[%add3A_25, %dma_start3A_109] : memref<10112x128xf32, #tpu.memory_space<vmem_shared>> -> memref<56x128xf32, #tpu.memory_space<vmem_shared>>
      %dma_start3A_111 = arith.constant 0 : i32
      %dma_start3A_112 = arith.constant 0 : i32
      %dma_start3A_113 = tpu.memref_slice %arg7[%dma_start3A_111, %dma_start3A_112] : memref<96x128xf32, #tpu.memory_space<vmem>> -> memref<56x128xf32, #tpu.memory_space<vmem>>
      tpu.enqueue_dma source(%dma_start3A_113 : memref<56x128xf32, #tpu.memory_space<vmem>>) target(%dma_start3A_110 : memref<56x128xf32, #tpu.memory_space<vmem_shared>>) target_semaphore(%run_scoped3A : memref<!tpu.dma_semaphore, #tpu.memory_space<semaphore_mem>>)
      %dma_wait3A = arith.constant 0 : i32
      %dma_wait3A_114 = arith.constant 0 : i32
      %dma_wait3A_115 = tpu.memref_slice %arg7[%dma_wait3A, %dma_wait3A_114] : memref<96x128xf32, #tpu.memory_space<vmem>> -> memref<56x128xf32, #tpu.memory_space<vmem>>
      %dma_wait3A_116 = arith.constant 0 : i32
      %dma_wait3A_117 = tpu.memref_slice %arg9[%add3A_25, %dma_wait3A_116] : memref<10112x128xf32, #tpu.memory_space<vmem_shared>> -> memref<56x128xf32, #tpu.memory_space<vmem_shared>>
      %dma_wait3A_118 = arith.constant 0 : i32
      %dma_wait3A_119 = tpu.memref_slice %arg9[%add3A_25, %dma_wait3A_118] : memref<10112x128xf32, #tpu.memory_space<vmem_shared>> -> memref<56x128xf32, #tpu.memory_space<vmem_shared>>
      %dma_wait3A_120 = arith.constant 0 : i32
      %dma_wait3A_121 = arith.constant 0 : i32
      %dma_wait3A_122 = tpu.memref_slice %arg7[%dma_wait3A_120, %dma_wait3A_121] : memref<96x128xf32, #tpu.memory_space<vmem>> -> memref<56x128xf32, #tpu.memory_space<vmem>>
      tpu.wait_dma2 semaphore(%run_scoped3A : memref<!tpu.dma_semaphore, #tpu.memory_space<semaphore_mem>>) src(%dma_wait3A_122 : memref<56x128xf32, #tpu.memory_space<vmem>>) dst(%dma_wait3A_119 : memref<56x128xf32, #tpu.memory_space<vmem_shared>>)
      tpu.yield
    }) : () -> ()
    %barrier3A = arith.constant 0 : index
    tpu.barrier barrier_id(%barrier3A)
    %eq3A = arith.constant 0 : i32
    %eq3A_26 = arith.cmpi eq, %arg0, %eq3A : i32
    %jit3A = arith.constant 5 : i32
    %jit3A_27 = arith.constant 1 : i32
    %select_n3A = arith.select %eq3A_26, %jit3A, %jit3A_27 : i32
    %eq3A_28 = arith.constant 0 : i32
    %eq3A_29 = arith.cmpi eq, %arg0, %eq3A_28 : i32
    %mul3A_30 = arith.constant 5 : i32
    %mul3A_31 = arith.muli %arg1, %mul3A_30 : i32
    %mul3A_32 = arith.constant 1 : i32
    %mul3A_33 = arith.muli %arg1, %mul3A_32 : i32
    %add3A_34 = arith.constant 80 : i32
    %add3A_35 = arith.addi %add3A_34, %mul3A_33 : i32
    %select_n3A_36 = arith.select %eq3A_29, %mul3A_31, %add3A_35 : i32
    %while3A = arith.constant 0 : i32
    %while3A_37 = arith.constant 0 : i32
    %while3A_38 = arith.constant 1 : i32
    %while3A_39 = arith.constant 0 : i32
    %while3A_40 = arith.subi %select_n3A, %while3A_39 : i32
    %while3A_41 = arith.addi %while3A_39, %while3A_40 : i32
    %while3A_42 = arith.constant 1 : i32
    %while3A_43 = arith.divsi %while3A_40, %while3A_42 : i32
    %while3A_44 = arith.muli %while3A_43, %while3A_42 : i32
    %while3A_45 = arith.addi %while3A_39, %while3A_44 : i32
    %while3A_46 = arith.constant 1 : i32
    scf.for %while3A_105 = %while3A_39 to %while3A_45 step %while3A_46  : i32 {
      %add3A_106 = arith.addi %select_n3A_36, %while3A_105 : i32
      "tpu.region"() ({
        %run_scoped3A = tpu.sem_alloc : memref<!tpu.dma_semaphore, #tpu.memory_space<semaphore_mem>>
        %dma_start3A_133 = arith.constant 0 : i32
        %dma_start3A_134 = arith.constant 0 : i32
        %dma_start3A_135 = arith.constant 0 : i32
        %dma_start3A_136 = tpu.memref_slice %arg3[%add3A_106, %dma_start3A_133, %dma_start3A_134, %dma_start3A_135] : memref<96x2x36x96xi32, #tpu.memory_space<hbm>> -> memref<1x2x36x96xi32, #tpu.memory_space<hbm>>
        %dma_start3A_137 = tpu.memref_squeeze %dma_start3A_136 : memref<1x2x36x96xi32, #tpu.memory_space<hbm>> -> memref<2x36x96xi32, #tpu.memory_space<hbm>>
        %dma_start3A_138 = arith.constant 0 : i32
        %dma_start3A_139 = arith.constant 0 : i32
        %dma_start3A_140 = arith.constant 0 : i32
        %dma_start3A_141 = tpu.memref_slice %arg3[%add3A_106, %dma_start3A_138, %dma_start3A_139, %dma_start3A_140] : memref<96x2x36x96xi32, #tpu.memory_space<hbm>> -> memref<1x2x36x96xi32, #tpu.memory_space<hbm>>
        %dma_start3A_142 = tpu.memref_squeeze %dma_start3A_141 : memref<1x2x36x96xi32, #tpu.memory_space<hbm>> -> memref<2x36x96xi32, #tpu.memory_space<hbm>>
        tpu.enqueue_dma source(%dma_start3A_142 : memref<2x36x96xi32, #tpu.memory_space<hbm>>) target(%arg6 : memref<2x36x96xi32, #tpu.memory_space<vmem>>) target_semaphore(%run_scoped3A : memref<!tpu.dma_semaphore, #tpu.memory_space<semaphore_mem>>)
        %dma_wait3A = arith.constant 0 : i32
        %dma_wait3A_143 = arith.constant 0 : i32
        %dma_wait3A_144 = arith.constant 0 : i32
        %dma_wait3A_145 = tpu.memref_slice %arg3[%add3A_106, %dma_wait3A, %dma_wait3A_143, %dma_wait3A_144] : memref<96x2x36x96xi32, #tpu.memory_space<hbm>> -> memref<1x2x36x96xi32, #tpu.memory_space<hbm>>
        %dma_wait3A_146 = tpu.memref_squeeze %dma_wait3A_145 : memref<1x2x36x96xi32, #tpu.memory_space<hbm>> -> memref<2x36x96xi32, #tpu.memory_space<hbm>>
        %dma_wait3A_147 = arith.constant 0 : i32
        %dma_wait3A_148 = arith.constant 0 : i32
        %dma_wait3A_149 = arith.constant 0 : i32
        %dma_wait3A_150 = tpu.memref_slice %arg3[%add3A_106, %dma_wait3A_147, %dma_wait3A_148, %dma_wait3A_149] : memref<96x2x36x96xi32, #tpu.memory_space<hbm>> -> memref<1x2x36x96xi32, #tpu.memory_space<hbm>>
        %dma_wait3A_151 = tpu.memref_squeeze %dma_wait3A_150 : memref<1x2x36x96xi32, #tpu.memory_space<hbm>> -> memref<2x36x96xi32, #tpu.memory_space<hbm>>
        tpu.wait_dma2 semaphore(%run_scoped3A : memref<!tpu.dma_semaphore, #tpu.memory_space<semaphore_mem>>) src(%dma_wait3A_151 : memref<2x36x96xi32, #tpu.memory_space<hbm>>) dst(%arg6 : memref<2x36x96xi32, #tpu.memory_space<vmem>>)
        tpu.yield
      }) : () -> ()
      %dma_start3A = arith.constant 0 : i32
      %dma_start3A_107 = arith.constant 0 : i32
      %dma_start3A_108 = arith.constant 0 : i32
      %dma_start3A_109 = tpu.memref_slice %arg6[%while3A_37, %dma_start3A_107, %dma_start3A_108] : memref<2x36x96xi32, #tpu.memory_space<vmem>> -> memref<1x36x96xi32, #tpu.memory_space<vmem>>
      %dma_start3A_110 = tpu.memref_squeeze %dma_start3A_109 : memref<1x36x96xi32, #tpu.memory_space<vmem>> -> memref<36x96xi32, #tpu.memory_space<vmem>>
      %dma_start3A_111 = arith.constant 0 : i32
      %dma_start3A_112 = tpu.memref_slice %dma_start3A_110[%dma_start3A, %dma_start3A_111] : memref<36x96xi32, #tpu.memory_space<vmem>> -> memref<1x96xi32, #tpu.memory_space<vmem>>
      %dma_start3A_113 = tpu.memref_squeeze %dma_start3A_112 : memref<1x96xi32, #tpu.memory_space<vmem>> -> memref<96xi32, #tpu.memory_space<vmem>>
      %dma_start3A_114 = arith.constant 0 : i32
      %dma_start3A_115 = arith.constant 0 : i32
      %dma_start3A_116 = tpu.memref_slice %arg2[%dma_start3A_114, %dma_start3A_115] : memref<10000x128xf32, #tpu.memory_space<hbm>> -> memref<10000x128xf32, #tpu.memory_space<hbm>>
      tpu.enqueue_indirect_dma source(%dma_start3A_116 : memref<10000x128xf32, #tpu.memory_space<hbm>>) target(%arg7 : memref<96x128xf32, #tpu.memory_space<vmem>>) offsets(%dma_start3A_113 : memref<96xi32, #tpu.memory_space<vmem>>) semaphore(%arg10 : memref<!tpu.dma_semaphore, #tpu.memory_space<semaphore_mem>>)
      %dma_start3A_117 = arith.constant 1 : i32
      %dma_start3A_118 = arith.constant 0 : i32
      %dma_start3A_119 = arith.constant 0 : i32
      %dma_start3A_120 = tpu.memref_slice %arg6[%while3A_37, %dma_start3A_118, %dma_start3A_119] : memref<2x36x96xi32, #tpu.memory_space<vmem>> -> memref<1x36x96xi32, #tpu.memory_space<vmem>>
      %dma_start3A_121 = tpu.memref_squeeze %dma_start3A_120 : memref<1x36x96xi32, #tpu.memory_space<vmem>> -> memref<36x96xi32, #tpu.memory_space<vmem>>
      %dma_start3A_122 = arith.constant 0 : i32
      %dma_start3A_123 = tpu.memref_slice %dma_start3A_121[%dma_start3A_117, %dma_start3A_122] : memref<36x96xi32, #tpu.memory_space<vmem>> -> memref<1x96xi32, #tpu.memory_space<vmem>>
      %dma_start3A_124 = tpu.memref_squeeze %dma_start3A_123 : memref<1x96xi32, #tpu.memory_space<vmem>> -> memref<96xi32, #tpu.memory_space<vmem>>
      %dma_start3A_125 = arith.constant 0 : i32
      %dma_start3A_126 = arith.constant 0 : i32
      %dma_start3A_127 = tpu.memref_slice %arg2[%dma_start3A_125, %dma_start3A_126] : memref<10000x128xf32, #tpu.memory_space<hbm>> -> memref<10000x128xf32, #tpu.memory_space<hbm>>
      tpu.enqueue_indirect_dma source(%dma_start3A_127 : memref<10000x128xf32, #tpu.memory_space<hbm>>) target(%arg8 : memref<96x128xf32, #tpu.memory_space<vmem>>) offsets(%dma_start3A_124 : memref<96xi32, #tpu.memory_space<vmem>>) semaphore(%arg11 : memref<!tpu.dma_semaphore, #tpu.memory_space<semaphore_mem>>)
      %scan3A = arith.constant 0 : i32
      %scan3A_128 = arith.constant 0 : i32
      %scan3A_129 = arith.constant 18 : i32
      %scan3A_130 = arith.addi %scan3A_128, %scan3A_129 : i32
      %scan3A_131 = arith.constant 1 : i32
      scf.for %scan3A_133 = %scan3A_128 to %scan3A_130 step %scan3A_131  : i32 {
        %mul3A_134 = arith.constant 2 : i32
        %mul3A_135 = arith.muli %scan3A_133, %mul3A_134 : i32
        %add3A_136 = arith.constant 0 : i32
        %add3A_137 = arith.addi %mul3A_135, %add3A_136 : i32
        %dma_wait3A = arith.constant 0 : i32
        %dma_wait3A_138 = arith.constant 0 : i32
        %dma_wait3A_139 = tpu.memref_slice %arg6[%while3A_37, %dma_wait3A, %dma_wait3A_138] : memref<2x36x96xi32, #tpu.memory_space<vmem>> -> memref<1x36x96xi32, #tpu.memory_space<vmem>>
        %dma_wait3A_140 = tpu.memref_squeeze %dma_wait3A_139 : memref<1x36x96xi32, #tpu.memory_space<vmem>> -> memref<36x96xi32, #tpu.memory_space<vmem>>
        %dma_wait3A_141 = arith.constant 0 : i32
        %dma_wait3A_142 = tpu.memref_slice %dma_wait3A_140[%add3A_137, %dma_wait3A_141] : memref<36x96xi32, #tpu.memory_space<vmem>> -> memref<1x96xi32, #tpu.memory_space<vmem>>
        %dma_wait3A_143 = tpu.memref_squeeze %dma_wait3A_142 : memref<1x96xi32, #tpu.memory_space<vmem>> -> memref<96xi32, #tpu.memory_space<vmem>>
        %dma_wait3A_144 = arith.constant 0 : i32
        %dma_wait3A_145 = arith.constant 0 : i32
        %dma_wait3A_146 = tpu.memref_slice %arg2[%dma_wait3A_144, %dma_wait3A_145] : memref<10000x128xf32, #tpu.memory_space<hbm>> -> memref<10000x128xf32, #tpu.memory_space<hbm>>
        tpu.wait_indirect_dma semaphore(%arg10 : memref<!tpu.dma_semaphore, #tpu.memory_space<semaphore_mem>>) src(%dma_wait3A_146 : memref<10000x128xf32, #tpu.memory_space<hbm>>) dst(%arg7 : memref<96x128xf32, #tpu.memory_space<vmem>>)
        "tpu.region"() ({
          %run_scoped3A = tpu.sem_alloc : memref<!tpu.dma_semaphore, #tpu.memory_space<semaphore_mem>>
          %dma_start3A_170 = arith.constant 0 : i32
          %dma_start3A_171 = arith.constant 0 : i32
          %dma_start3A_172 = tpu.memref_slice %arg6[%while3A_38, %dma_start3A_170, %dma_start3A_171] : memref<2x36x96xi32, #tpu.memory_space<vmem>> -> memref<1x36x96xi32, #tpu.memory_space<vmem>>
          %dma_start3A_173 = tpu.memref_squeeze %dma_start3A_172 : memref<1x36x96xi32, #tpu.memory_space<vmem>> -> memref<36x96xi32, #tpu.memory_space<vmem>>
          %dma_start3A_174 = arith.constant 0 : i32
          %dma_start3A_175 = tpu.memref_slice %dma_start3A_173[%add3A_137, %dma_start3A_174] : memref<36x96xi32, #tpu.memory_space<vmem>> -> memref<1x96xi32, #tpu.memory_space<vmem>>
          %dma_start3A_176 = tpu.memref_squeeze %dma_start3A_175 : memref<1x96xi32, #tpu.memory_space<vmem>> -> memref<96xi32, #tpu.memory_space<vmem>>
          %dma_start3A_177 = arith.constant 0 : i32
          %dma_start3A_178 = arith.constant 0 : i32
          %dma_start3A_179 = tpu.memref_slice %arg9[%dma_start3A_177, %dma_start3A_178] : memref<10112x128xf32, #tpu.memory_space<vmem_shared>> -> memref<10112x128xf32, #tpu.memory_space<vmem_shared>>
          tpu.enqueue_indirect_dma source(%arg7 : memref<96x128xf32, #tpu.memory_space<vmem>>) target(%dma_start3A_179 : memref<10112x128xf32, #tpu.memory_space<vmem_shared>>) offsets(%dma_start3A_176 : memref<96xi32, #tpu.memory_space<vmem>>) semaphore(%run_scoped3A : memref<!tpu.dma_semaphore, #tpu.memory_space<semaphore_mem>>) {add = true}
          %dma_wait3A_180 = arith.constant 0 : i32
          %dma_wait3A_181 = arith.constant 0 : i32
          %dma_wait3A_182 = tpu.memref_slice %arg6[%while3A_38, %dma_wait3A_180, %dma_wait3A_181] : memref<2x36x96xi32, #tpu.memory_space<vmem>> -> memref<1x36x96xi32, #tpu.memory_space<vmem>>
          %dma_wait3A_183 = tpu.memref_squeeze %dma_wait3A_182 : memref<1x36x96xi32, #tpu.memory_space<vmem>> -> memref<36x96xi32, #tpu.memory_space<vmem>>
          %dma_wait3A_184 = arith.constant 0 : i32
          %dma_wait3A_185 = tpu.memref_slice %dma_wait3A_183[%add3A_137, %dma_wait3A_184] : memref<36x96xi32, #tpu.memory_space<vmem>> -> memref<1x96xi32, #tpu.memory_space<vmem>>
          %dma_wait3A_186 = tpu.memref_squeeze %dma_wait3A_185 : memref<1x96xi32, #tpu.memory_space<vmem>> -> memref<96xi32, #tpu.memory_space<vmem>>
          %dma_wait3A_187 = arith.constant 0 : i32
          %dma_wait3A_188 = arith.constant 0 : i32
          %dma_wait3A_189 = tpu.memref_slice %arg9[%dma_wait3A_187, %dma_wait3A_188] : memref<10112x128xf32, #tpu.memory_space<vmem_shared>> -> memref<10112x128xf32, #tpu.memory_space<vmem_shared>>
          tpu.wait_indirect_dma semaphore(%run_scoped3A : memref<!tpu.dma_semaphore, #tpu.memory_space<semaphore_mem>>) src(%arg7 : memref<96x128xf32, #tpu.memory_space<vmem>>) dst(%dma_wait3A_189 : memref<10112x128xf32, #tpu.memory_space<vmem_shared>>)
          tpu.yield
        }) : () -> ()
        %add3A_147 = arith.constant 2 : i32
        %add3A_148 = arith.addi %add3A_137, %add3A_147 : i32
        %lt3A = arith.constant 36 : i32
        %lt3A_149 = arith.cmpi slt, %add3A_148, %lt3A : i32
        %convert_element_type3A = arith.extui %lt3A_149 : i1 to i32
        %cond3A = arith.constant 0 : i32
        %cond3A_150 = arith.cmpi ne, %convert_element_type3A, %cond3A : i32
        scf.if %cond3A_150 {
          %dma_start3A_170 = arith.constant 0 : i32
          %dma_start3A_171 = arith.constant 0 : i32
          %dma_start3A_172 = tpu.memref_slice %arg6[%while3A_37, %dma_start3A_170, %dma_start3A_171] : memref<2x36x96xi32, #tpu.memory_space<vmem>> -> memref<1x36x96xi32, #tpu.memory_space<vmem>>
          %dma_start3A_173 = tpu.memref_squeeze %dma_start3A_172 : memref<1x36x96xi32, #tpu.memory_space<vmem>> -> memref<36x96xi32, #tpu.memory_space<vmem>>
          %dma_start3A_174 = arith.constant 0 : i32
          %dma_start3A_175 = tpu.memref_slice %dma_start3A_173[%add3A_148, %dma_start3A_174] : memref<36x96xi32, #tpu.memory_space<vmem>> -> memref<1x96xi32, #tpu.memory_space<vmem>>
          %dma_start3A_176 = tpu.memref_squeeze %dma_start3A_175 : memref<1x96xi32, #tpu.memory_space<vmem>> -> memref<96xi32, #tpu.memory_space<vmem>>
          %dma_start3A_177 = arith.constant 0 : i32
          %dma_start3A_178 = arith.constant 0 : i32
          %dma_start3A_179 = tpu.memref_slice %arg2[%dma_start3A_177, %dma_start3A_178] : memref<10000x128xf32, #tpu.memory_space<hbm>> -> memref<10000x128xf32, #tpu.memory_space<hbm>>
          tpu.enqueue_indirect_dma source(%dma_start3A_179 : memref<10000x128xf32, #tpu.memory_space<hbm>>) target(%arg7 : memref<96x128xf32, #tpu.memory_space<vmem>>) offsets(%dma_start3A_176 : memref<96xi32, #tpu.memory_space<vmem>>) semaphore(%arg10 : memref<!tpu.dma_semaphore, #tpu.memory_space<semaphore_mem>>)
        } else {
        }
        %add3A_151 = arith.constant 1 : i32
        %add3A_152 = arith.addi %mul3A_135, %add3A_151 : i32
        %dma_wait3A_153 = arith.constant 0 : i32
        %dma_wait3A_154 = arith.constant 0 : i32
        %dma_wait3A_155 = tpu.memref_slice %arg6[%while3A_37, %dma_wait3A_153, %dma_wait3A_154] : memref<2x36x96xi32, #tpu.memory_space<vmem>> -> memref<1x36x96xi32, #tpu.memory_space<vmem>>
        %dma_wait3A_156 = tpu.memref_squeeze %dma_wait3A_155 : memref<1x36x96xi32, #tpu.memory_space<vmem>> -> memref<36x96xi32, #tpu.memory_space<vmem>>
        %dma_wait3A_157 = arith.constant 0 : i32
        %dma_wait3A_158 = tpu.memref_slice %dma_wait3A_156[%add3A_152, %dma_wait3A_157] : memref<36x96xi32, #tpu.memory_space<vmem>> -> memref<1x96xi32, #tpu.memory_space<vmem>>
        %dma_wait3A_159 = tpu.memref_squeeze %dma_wait3A_158 : memref<1x96xi32, #tpu.memory_space<vmem>> -> memref<96xi32, #tpu.memory_space<vmem>>
        %dma_wait3A_160 = arith.constant 0 : i32
        %dma_wait3A_161 = arith.constant 0 : i32
        %dma_wait3A_162 = tpu.memref_slice %arg2[%dma_wait3A_160, %dma_wait3A_161] : memref<10000x128xf32, #tpu.memory_space<hbm>> -> memref<10000x128xf32, #tpu.memory_space<hbm>>
        tpu.wait_indirect_dma semaphore(%arg11 : memref<!tpu.dma_semaphore, #tpu.memory_space<semaphore_mem>>) src(%dma_wait3A_162 : memref<10000x128xf32, #tpu.memory_space<hbm>>) dst(%arg8 : memref<96x128xf32, #tpu.memory_space<vmem>>)
        "tpu.region"() ({
          %run_scoped3A = tpu.sem_alloc : memref<!tpu.dma_semaphore, #tpu.memory_space<semaphore_mem>>
          %dma_start3A_170 = arith.constant 0 : i32
          %dma_start3A_171 = arith.constant 0 : i32
          %dma_start3A_172 = tpu.memref_slice %arg6[%while3A_38, %dma_start3A_170, %dma_start3A_171] : memref<2x36x96xi32, #tpu.memory_space<vmem>> -> memref<1x36x96xi32, #tpu.memory_space<vmem>>
          %dma_start3A_173 = tpu.memref_squeeze %dma_start3A_172 : memref<1x36x96xi32, #tpu.memory_space<vmem>> -> memref<36x96xi32, #tpu.memory_space<vmem>>
          %dma_start3A_174 = arith.constant 0 : i32
          %dma_start3A_175 = tpu.memref_slice %dma_start3A_173[%add3A_152, %dma_start3A_174] : memref<36x96xi32, #tpu.memory_space<vmem>> -> memref<1x96xi32, #tpu.memory_space<vmem>>
          %dma_start3A_176 = tpu.memref_squeeze %dma_start3A_175 : memref<1x96xi32, #tpu.memory_space<vmem>> -> memref<96xi32, #tpu.memory_space<vmem>>
          %dma_start3A_177 = arith.constant 0 : i32
          %dma_start3A_178 = arith.constant 0 : i32
          %dma_start3A_179 = tpu.memref_slice %arg9[%dma_start3A_177, %dma_start3A_178] : memref<10112x128xf32, #tpu.memory_space<vmem_shared>> -> memref<10112x128xf32, #tpu.memory_space<vmem_shared>>
          tpu.enqueue_indirect_dma source(%arg8 : memref<96x128xf32, #tpu.memory_space<vmem>>) target(%dma_start3A_179 : memref<10112x128xf32, #tpu.memory_space<vmem_shared>>) offsets(%dma_start3A_176 : memref<96xi32, #tpu.memory_space<vmem>>) semaphore(%run_scoped3A : memref<!tpu.dma_semaphore, #tpu.memory_space<semaphore_mem>>) {add = true}
          %dma_wait3A_180 = arith.constant 0 : i32
          %dma_wait3A_181 = arith.constant 0 : i32
          %dma_wait3A_182 = tpu.memref_slice %arg6[%while3A_38, %dma_wait3A_180, %dma_wait3A_181] : memref<2x36x96xi32, #tpu.memory_space<vmem>> -> memref<1x36x96xi32, #tpu.memory_space<vmem>>
          %dma_wait3A_183 = tpu.memref_squeeze %dma_wait3A_182 : memref<1x36x96xi32, #tpu.memory_space<vmem>> -> memref<36x96xi32, #tpu.memory_space<vmem>>
          %dma_wait3A_184 = arith.constant 0 : i32
          %dma_wait3A_185 = tpu.memref_slice %dma_wait3A_183[%add3A_152, %dma_wait3A_184] : memref<36x96xi32, #tpu.memory_space<vmem>> -> memref<1x96xi32, #tpu.memory_space<vmem>>
          %dma_wait3A_186 = tpu.memref_squeeze %dma_wait3A_185 : memref<1x96xi32, #tpu.memory_space<vmem>> -> memref<96xi32, #tpu.memory_space<vmem>>
          %dma_wait3A_187 = arith.constant 0 : i32
          %dma_wait3A_188 = arith.constant 0 : i32
          %dma_wait3A_189 = tpu.memref_slice %arg9[%dma_wait3A_187, %dma_wait3A_188] : memref<10112x128xf32, #tpu.memory_space<vmem_shared>> -> memref<10112x128xf32, #tpu.memory_space<vmem_shared>>
          tpu.wait_indirect_dma semaphore(%run_scoped3A : memref<!tpu.dma_semaphore, #tpu.memory_space<semaphore_mem>>) src(%arg8 : memref<96x128xf32, #tpu.memory_space<vmem>>) dst(%dma_wait3A_189 : memref<10112x128xf32, #tpu.memory_space<vmem_shared>>)
          tpu.yield
        }) : () -> ()
        %add3A_163 = arith.constant 2 : i32
        %add3A_164 = arith.addi %add3A_152, %add3A_163 : i32
        %lt3A_165 = arith.constant 36 : i32
        %lt3A_166 = arith.cmpi slt, %add3A_164, %lt3A_165 : i32
        %convert_element_type3A_167 = arith.extui %lt3A_166 : i1 to i32
        %cond3A_168 = arith.constant 0 : i32
        %cond3A_169 = arith.cmpi ne, %convert_element_type3A_167, %cond3A_168 : i32
        scf.if %cond3A_169 {
          %dma_start3A_170 = arith.constant 0 : i32
          %dma_start3A_171 = arith.constant 0 : i32
          %dma_start3A_172 = tpu.memref_slice %arg6[%while3A_37, %dma_start3A_170, %dma_start3A_171] : memref<2x36x96xi32, #tpu.memory_space<vmem>> -> memref<1x36x96xi32, #tpu.memory_space<vmem>>
          %dma_start3A_173 = tpu.memref_squeeze %dma_start3A_172 : memref<1x36x96xi32, #tpu.memory_space<vmem>> -> memref<36x96xi32, #tpu.memory_space<vmem>>
          %dma_start3A_174 = arith.constant 0 : i32
          %dma_start3A_175 = tpu.memref_slice %dma_start3A_173[%add3A_164, %dma_start3A_174] : memref<36x96xi32, #tpu.memory_space<vmem>> -> memref<1x96xi32, #tpu.memory_space<vmem>>
          %dma_start3A_176 = tpu.memref_squeeze %dma_start3A_175 : memref<1x96xi32, #tpu.memory_space<vmem>> -> memref<96xi32, #tpu.memory_space<vmem>>
          %dma_start3A_177 = arith.constant 0 : i32
          %dma_start3A_178 = arith.constant 0 : i32
          %dma_start3A_179 = tpu.memref_slice %arg2[%dma_start3A_177, %dma_start3A_178] : memref<10000x128xf32, #tpu.memory_space<hbm>> -> memref<10000x128xf32, #tpu.memory_space<hbm>>
          tpu.enqueue_indirect_dma source(%dma_start3A_179 : memref<10000x128xf32, #tpu.memory_space<hbm>>) target(%arg8 : memref<96x128xf32, #tpu.memory_space<vmem>>) offsets(%dma_start3A_176 : memref<96xi32, #tpu.memory_space<vmem>>) semaphore(%arg11 : memref<!tpu.dma_semaphore, #tpu.memory_space<semaphore_mem>>)
        } else {
        }
      }
      %scan3A_132 = arith.constant 18 : i32
    }
    %while3A_47 = arith.constant 1 : i32
    scf.for %while3A_105 = %while3A_45 to %while3A_41 step %while3A_47  : i32 {
      %add3A_106 = arith.addi %select_n3A_36, %while3A_105 : i32
      "tpu.region"() ({
        %run_scoped3A = tpu.sem_alloc : memref<!tpu.dma_semaphore, #tpu.memory_space<semaphore_mem>>
        %dma_start3A_133 = arith.constant 0 : i32
        %dma_start3A_134 = arith.constant 0 : i32
        %dma_start3A_135 = arith.constant 0 : i32
        %dma_start3A_136 = tpu.memref_slice %arg3[%add3A_106, %dma_start3A_133, %dma_start3A_134, %dma_start3A_135] : memref<96x2x36x96xi32, #tpu.memory_space<hbm>> -> memref<1x2x36x96xi32, #tpu.memory_space<hbm>>
        %dma_start3A_137 = tpu.memref_squeeze %dma_start3A_136 : memref<1x2x36x96xi32, #tpu.memory_space<hbm>> -> memref<2x36x96xi32, #tpu.memory_space<hbm>>
        %dma_start3A_138 = arith.constant 0 : i32
        %dma_start3A_139 = arith.constant 0 : i32
        %dma_start3A_140 = arith.constant 0 : i32
        %dma_start3A_141 = tpu.memref_slice %arg3[%add3A_106, %dma_start3A_138, %dma_start3A_139, %dma_start3A_140] : memref<96x2x36x96xi32, #tpu.memory_space<hbm>> -> memref<1x2x36x96xi32, #tpu.memory_space<hbm>>
        %dma_start3A_142 = tpu.memref_squeeze %dma_start3A_141 : memref<1x2x36x96xi32, #tpu.memory_space<hbm>> -> memref<2x36x96xi32, #tpu.memory_space<hbm>>
        tpu.enqueue_dma source(%dma_start3A_142 : memref<2x36x96xi32, #tpu.memory_space<hbm>>) target(%arg6 : memref<2x36x96xi32, #tpu.memory_space<vmem>>) target_semaphore(%run_scoped3A : memref<!tpu.dma_semaphore, #tpu.memory_space<semaphore_mem>>)
        %dma_wait3A = arith.constant 0 : i32
        %dma_wait3A_143 = arith.constant 0 : i32
        %dma_wait3A_144 = arith.constant 0 : i32
        %dma_wait3A_145 = tpu.memref_slice %arg3[%add3A_106, %dma_wait3A, %dma_wait3A_143, %dma_wait3A_144] : memref<96x2x36x96xi32, #tpu.memory_space<hbm>> -> memref<1x2x36x96xi32, #tpu.memory_space<hbm>>
        %dma_wait3A_146 = tpu.memref_squeeze %dma_wait3A_145 : memref<1x2x36x96xi32, #tpu.memory_space<hbm>> -> memref<2x36x96xi32, #tpu.memory_space<hbm>>
        %dma_wait3A_147 = arith.constant 0 : i32
        %dma_wait3A_148 = arith.constant 0 : i32
        %dma_wait3A_149 = arith.constant 0 : i32
        %dma_wait3A_150 = tpu.memref_slice %arg3[%add3A_106, %dma_wait3A_147, %dma_wait3A_148, %dma_wait3A_149] : memref<96x2x36x96xi32, #tpu.memory_space<hbm>> -> memref<1x2x36x96xi32, #tpu.memory_space<hbm>>
        %dma_wait3A_151 = tpu.memref_squeeze %dma_wait3A_150 : memref<1x2x36x96xi32, #tpu.memory_space<hbm>> -> memref<2x36x96xi32, #tpu.memory_space<hbm>>
        tpu.wait_dma2 semaphore(%run_scoped3A : memref<!tpu.dma_semaphore, #tpu.memory_space<semaphore_mem>>) src(%dma_wait3A_151 : memref<2x36x96xi32, #tpu.memory_space<hbm>>) dst(%arg6 : memref<2x36x96xi32, #tpu.memory_space<vmem>>)
        tpu.yield
      }) : () -> ()
      %dma_start3A = arith.constant 0 : i32
      %dma_start3A_107 = arith.constant 0 : i32
      %dma_start3A_108 = arith.constant 0 : i32
      %dma_start3A_109 = tpu.memref_slice %arg6[%while3A_37, %dma_start3A_107, %dma_start3A_108] : memref<2x36x96xi32, #tpu.memory_space<vmem>> -> memref<1x36x96xi32, #tpu.memory_space<vmem>>
      %dma_start3A_110 = tpu.memref_squeeze %dma_start3A_109 : memref<1x36x96xi32, #tpu.memory_space<vmem>> -> memref<36x96xi32, #tpu.memory_space<vmem>>
      %dma_start3A_111 = arith.constant 0 : i32
      %dma_start3A_112 = tpu.memref_slice %dma_start3A_110[%dma_start3A, %dma_start3A_111] : memref<36x96xi32, #tpu.memory_space<vmem>> -> memref<1x96xi32, #tpu.memory_space<vmem>>
      %dma_start3A_113 = tpu.memref_squeeze %dma_start3A_112 : memref<1x96xi32, #tpu.memory_space<vmem>> -> memref<96xi32, #tpu.memory_space<vmem>>
      %dma_start3A_114 = arith.constant 0 : i32
      %dma_start3A_115 = arith.constant 0 : i32
      %dma_start3A_116 = tpu.memref_slice %arg2[%dma_start3A_114, %dma_start3A_115] : memref<10000x128xf32, #tpu.memory_space<hbm>> -> memref<10000x128xf32, #tpu.memory_space<hbm>>
      tpu.enqueue_indirect_dma source(%dma_start3A_116 : memref<10000x128xf32, #tpu.memory_space<hbm>>) target(%arg7 : memref<96x128xf32, #tpu.memory_space<vmem>>) offsets(%dma_start3A_113 : memref<96xi32, #tpu.memory_space<vmem>>) semaphore(%arg10 : memref<!tpu.dma_semaphore, #tpu.memory_space<semaphore_mem>>)
      %dma_start3A_117 = arith.constant 1 : i32
      %dma_start3A_118 = arith.constant 0 : i32
      %dma_start3A_119 = arith.constant 0 : i32
      %dma_start3A_120 = tpu.memref_slice %arg6[%while3A_37, %dma_start3A_118, %dma_start3A_119] : memref<2x36x96xi32, #tpu.memory_space<vmem>> -> memref<1x36x96xi32, #tpu.memory_space<vmem>>
      %dma_start3A_121 = tpu.memref_squeeze %dma_start3A_120 : memref<1x36x96xi32, #tpu.memory_space<vmem>> -> memref<36x96xi32, #tpu.memory_space<vmem>>
      %dma_start3A_122 = arith.constant 0 : i32
      %dma_start3A_123 = tpu.memref_slice %dma_start3A_121[%dma_start3A_117, %dma_start3A_122] : memref<36x96xi32, #tpu.memory_space<vmem>> -> memref<1x96xi32, #tpu.memory_space<vmem>>
      %dma_start3A_124 = tpu.memref_squeeze %dma_start3A_123 : memref<1x96xi32, #tpu.memory_space<vmem>> -> memref<96xi32, #tpu.memory_space<vmem>>
      %dma_start3A_125 = arith.constant 0 : i32
      %dma_start3A_126 = arith.constant 0 : i32
      %dma_start3A_127 = tpu.memref_slice %arg2[%dma_start3A_125, %dma_start3A_126] : memref<10000x128xf32, #tpu.memory_space<hbm>> -> memref<10000x128xf32, #tpu.memory_space<hbm>>
      tpu.enqueue_indirect_dma source(%dma_start3A_127 : memref<10000x128xf32, #tpu.memory_space<hbm>>) target(%arg8 : memref<96x128xf32, #tpu.memory_space<vmem>>) offsets(%dma_start3A_124 : memref<96xi32, #tpu.memory_space<vmem>>) semaphore(%arg11 : memref<!tpu.dma_semaphore, #tpu.memory_space<semaphore_mem>>)
      %scan3A = arith.constant 0 : i32
      %scan3A_128 = arith.constant 0 : i32
      %scan3A_129 = arith.constant 18 : i32
      %scan3A_130 = arith.addi %scan3A_128, %scan3A_129 : i32
      %scan3A_131 = arith.constant 1 : i32
      scf.for %scan3A_133 = %scan3A_128 to %scan3A_130 step %scan3A_131  : i32 {
        %mul3A_134 = arith.constant 2 : i32
        %mul3A_135 = arith.muli %scan3A_133, %mul3A_134 : i32
        %add3A_136 = arith.constant 0 : i32
        %add3A_137 = arith.addi %mul3A_135, %add3A_136 : i32
        %dma_wait3A = arith.constant 0 : i32
        %dma_wait3A_138 = arith.constant 0 : i32
        %dma_wait3A_139 = tpu.memref_slice %arg6[%while3A_37, %dma_wait3A, %dma_wait3A_138] : memref<2x36x96xi32, #tpu.memory_space<vmem>> -> memref<1x36x96xi32, #tpu.memory_space<vmem>>
        %dma_wait3A_140 = tpu.memref_squeeze %dma_wait3A_139 : memref<1x36x96xi32, #tpu.memory_space<vmem>> -> memref<36x96xi32, #tpu.memory_space<vmem>>
        %dma_wait3A_141 = arith.constant 0 : i32
        %dma_wait3A_142 = tpu.memref_slice %dma_wait3A_140[%add3A_137, %dma_wait3A_141] : memref<36x96xi32, #tpu.memory_space<vmem>> -> memref<1x96xi32, #tpu.memory_space<vmem>>
        %dma_wait3A_143 = tpu.memref_squeeze %dma_wait3A_142 : memref<1x96xi32, #tpu.memory_space<vmem>> -> memref<96xi32, #tpu.memory_space<vmem>>
        %dma_wait3A_144 = arith.constant 0 : i32
        %dma_wait3A_145 = arith.constant 0 : i32
        %dma_wait3A_146 = tpu.memref_slice %arg2[%dma_wait3A_144, %dma_wait3A_145] : memref<10000x128xf32, #tpu.memory_space<hbm>> -> memref<10000x128xf32, #tpu.memory_space<hbm>>
        tpu.wait_indirect_dma semaphore(%arg10 : memref<!tpu.dma_semaphore, #tpu.memory_space<semaphore_mem>>) src(%dma_wait3A_146 : memref<10000x128xf32, #tpu.memory_space<hbm>>) dst(%arg7 : memref<96x128xf32, #tpu.memory_space<vmem>>)
        "tpu.region"() ({
          %run_scoped3A = tpu.sem_alloc : memref<!tpu.dma_semaphore, #tpu.memory_space<semaphore_mem>>
          %dma_start3A_170 = arith.constant 0 : i32
          %dma_start3A_171 = arith.constant 0 : i32
          %dma_start3A_172 = tpu.memref_slice %arg6[%while3A_38, %dma_start3A_170, %dma_start3A_171] : memref<2x36x96xi32, #tpu.memory_space<vmem>> -> memref<1x36x96xi32, #tpu.memory_space<vmem>>
          %dma_start3A_173 = tpu.memref_squeeze %dma_start3A_172 : memref<1x36x96xi32, #tpu.memory_space<vmem>> -> memref<36x96xi32, #tpu.memory_space<vmem>>
          %dma_start3A_174 = arith.constant 0 : i32
          %dma_start3A_175 = tpu.memref_slice %dma_start3A_173[%add3A_137, %dma_start3A_174] : memref<36x96xi32, #tpu.memory_space<vmem>> -> memref<1x96xi32, #tpu.memory_space<vmem>>
          %dma_start3A_176 = tpu.memref_squeeze %dma_start3A_175 : memref<1x96xi32, #tpu.memory_space<vmem>> -> memref<96xi32, #tpu.memory_space<vmem>>
          %dma_start3A_177 = arith.constant 0 : i32
          %dma_start3A_178 = arith.constant 0 : i32
          %dma_start3A_179 = tpu.memref_slice %arg9[%dma_start3A_177, %dma_start3A_178] : memref<10112x128xf32, #tpu.memory_space<vmem_shared>> -> memref<10112x128xf32, #tpu.memory_space<vmem_shared>>
          tpu.enqueue_indirect_dma source(%arg7 : memref<96x128xf32, #tpu.memory_space<vmem>>) target(%dma_start3A_179 : memref<10112x128xf32, #tpu.memory_space<vmem_shared>>) offsets(%dma_start3A_176 : memref<96xi32, #tpu.memory_space<vmem>>) semaphore(%run_scoped3A : memref<!tpu.dma_semaphore, #tpu.memory_space<semaphore_mem>>) {add = true}
          %dma_wait3A_180 = arith.constant 0 : i32
          %dma_wait3A_181 = arith.constant 0 : i32
          %dma_wait3A_182 = tpu.memref_slice %arg6[%while3A_38, %dma_wait3A_180, %dma_wait3A_181] : memref<2x36x96xi32, #tpu.memory_space<vmem>> -> memref<1x36x96xi32, #tpu.memory_space<vmem>>
          %dma_wait3A_183 = tpu.memref_squeeze %dma_wait3A_182 : memref<1x36x96xi32, #tpu.memory_space<vmem>> -> memref<36x96xi32, #tpu.memory_space<vmem>>
          %dma_wait3A_184 = arith.constant 0 : i32
          %dma_wait3A_185 = tpu.memref_slice %dma_wait3A_183[%add3A_137, %dma_wait3A_184] : memref<36x96xi32, #tpu.memory_space<vmem>> -> memref<1x96xi32, #tpu.memory_space<vmem>>
          %dma_wait3A_186 = tpu.memref_squeeze %dma_wait3A_185 : memref<1x96xi32, #tpu.memory_space<vmem>> -> memref<96xi32, #tpu.memory_space<vmem>>
          %dma_wait3A_187 = arith.constant 0 : i32
          %dma_wait3A_188 = arith.constant 0 : i32
          %dma_wait3A_189 = tpu.memref_slice %arg9[%dma_wait3A_187, %dma_wait3A_188] : memref<10112x128xf32, #tpu.memory_space<vmem_shared>> -> memref<10112x128xf32, #tpu.memory_space<vmem_shared>>
          tpu.wait_indirect_dma semaphore(%run_scoped3A : memref<!tpu.dma_semaphore, #tpu.memory_space<semaphore_mem>>) src(%arg7 : memref<96x128xf32, #tpu.memory_space<vmem>>) dst(%dma_wait3A_189 : memref<10112x128xf32, #tpu.memory_space<vmem_shared>>)
          tpu.yield
        }) : () -> ()
        %add3A_147 = arith.constant 2 : i32
        %add3A_148 = arith.addi %add3A_137, %add3A_147 : i32
        %lt3A = arith.constant 36 : i32
        %lt3A_149 = arith.cmpi slt, %add3A_148, %lt3A : i32
        %convert_element_type3A = arith.extui %lt3A_149 : i1 to i32
        %cond3A = arith.constant 0 : i32
        %cond3A_150 = arith.cmpi ne, %convert_element_type3A, %cond3A : i32
        scf.if %cond3A_150 {
          %dma_start3A_170 = arith.constant 0 : i32
          %dma_start3A_171 = arith.constant 0 : i32
          %dma_start3A_172 = tpu.memref_slice %arg6[%while3A_37, %dma_start3A_170, %dma_start3A_171] : memref<2x36x96xi32, #tpu.memory_space<vmem>> -> memref<1x36x96xi32, #tpu.memory_space<vmem>>
          %dma_start3A_173 = tpu.memref_squeeze %dma_start3A_172 : memref<1x36x96xi32, #tpu.memory_space<vmem>> -> memref<36x96xi32, #tpu.memory_space<vmem>>
          %dma_start3A_174 = arith.constant 0 : i32
          %dma_start3A_175 = tpu.memref_slice %dma_start3A_173[%add3A_148, %dma_start3A_174] : memref<36x96xi32, #tpu.memory_space<vmem>> -> memref<1x96xi32, #tpu.memory_space<vmem>>
          %dma_start3A_176 = tpu.memref_squeeze %dma_start3A_175 : memref<1x96xi32, #tpu.memory_space<vmem>> -> memref<96xi32, #tpu.memory_space<vmem>>
          %dma_start3A_177 = arith.constant 0 : i32
          %dma_start3A_178 = arith.constant 0 : i32
          %dma_start3A_179 = tpu.memref_slice %arg2[%dma_start3A_177, %dma_start3A_178] : memref<10000x128xf32, #tpu.memory_space<hbm>> -> memref<10000x128xf32, #tpu.memory_space<hbm>>
          tpu.enqueue_indirect_dma source(%dma_start3A_179 : memref<10000x128xf32, #tpu.memory_space<hbm>>) target(%arg7 : memref<96x128xf32, #tpu.memory_space<vmem>>) offsets(%dma_start3A_176 : memref<96xi32, #tpu.memory_space<vmem>>) semaphore(%arg10 : memref<!tpu.dma_semaphore, #tpu.memory_space<semaphore_mem>>)
        } else {
        }
        %add3A_151 = arith.constant 1 : i32
        %add3A_152 = arith.addi %mul3A_135, %add3A_151 : i32
        %dma_wait3A_153 = arith.constant 0 : i32
        %dma_wait3A_154 = arith.constant 0 : i32
        %dma_wait3A_155 = tpu.memref_slice %arg6[%while3A_37, %dma_wait3A_153, %dma_wait3A_154] : memref<2x36x96xi32, #tpu.memory_space<vmem>> -> memref<1x36x96xi32, #tpu.memory_space<vmem>>
        %dma_wait3A_156 = tpu.memref_squeeze %dma_wait3A_155 : memref<1x36x96xi32, #tpu.memory_space<vmem>> -> memref<36x96xi32, #tpu.memory_space<vmem>>
        %dma_wait3A_157 = arith.constant 0 : i32
        %dma_wait3A_158 = tpu.memref_slice %dma_wait3A_156[%add3A_152, %dma_wait3A_157] : memref<36x96xi32, #tpu.memory_space<vmem>> -> memref<1x96xi32, #tpu.memory_space<vmem>>
        %dma_wait3A_159 = tpu.memref_squeeze %dma_wait3A_158 : memref<1x96xi32, #tpu.memory_space<vmem>> -> memref<96xi32, #tpu.memory_space<vmem>>
        %dma_wait3A_160 = arith.constant 0 : i32
        %dma_wait3A_161 = arith.constant 0 : i32
        %dma_wait3A_162 = tpu.memref_slice %arg2[%dma_wait3A_160, %dma_wait3A_161] : memref<10000x128xf32, #tpu.memory_space<hbm>> -> memref<10000x128xf32, #tpu.memory_space<hbm>>
        tpu.wait_indirect_dma semaphore(%arg11 : memref<!tpu.dma_semaphore, #tpu.memory_space<semaphore_mem>>) src(%dma_wait3A_162 : memref<10000x128xf32, #tpu.memory_space<hbm>>) dst(%arg8 : memref<96x128xf32, #tpu.memory_space<vmem>>)
        "tpu.region"() ({
          %run_scoped3A = tpu.sem_alloc : memref<!tpu.dma_semaphore, #tpu.memory_space<semaphore_mem>>
          %dma_start3A_170 = arith.constant 0 : i32
          %dma_start3A_171 = arith.constant 0 : i32
          %dma_start3A_172 = tpu.memref_slice %arg6[%while3A_38, %dma_start3A_170, %dma_start3A_171] : memref<2x36x96xi32, #tpu.memory_space<vmem>> -> memref<1x36x96xi32, #tpu.memory_space<vmem>>
          %dma_start3A_173 = tpu.memref_squeeze %dma_start3A_172 : memref<1x36x96xi32, #tpu.memory_space<vmem>> -> memref<36x96xi32, #tpu.memory_space<vmem>>
          %dma_start3A_174 = arith.constant 0 : i32
          %dma_start3A_175 = tpu.memref_slice %dma_start3A_173[%add3A_152, %dma_start3A_174] : memref<36x96xi32, #tpu.memory_space<vmem>> -> memref<1x96xi32, #tpu.memory_space<vmem>>
          %dma_start3A_176 = tpu.memref_squeeze %dma_start3A_175 : memref<1x96xi32, #tpu.memory_space<vmem>> -> memref<96xi32, #tpu.memory_space<vmem>>
          %dma_start3A_177 = arith.constant 0 : i32
          %dma_start3A_178 = arith.constant 0 : i32
          %dma_start3A_179 = tpu.memref_slice %arg9[%dma_start3A_177, %dma_start3A_178] : memref<10112x128xf32, #tpu.memory_space<vmem_shared>> -> memref<10112x128xf32, #tpu.memory_space<vmem_shared>>
          tpu.enqueue_indirect_dma source(%arg8 : memref<96x128xf32, #tpu.memory_space<vmem>>) target(%dma_start3A_179 : memref<10112x128xf32, #tpu.memory_space<vmem_shared>>) offsets(%dma_start3A_176 : memref<96xi32, #tpu.memory_space<vmem>>) semaphore(%run_scoped3A : memref<!tpu.dma_semaphore, #tpu.memory_space<semaphore_mem>>) {add = true}
          %dma_wait3A_180 = arith.constant 0 : i32
          %dma_wait3A_181 = arith.constant 0 : i32
          %dma_wait3A_182 = tpu.memref_slice %arg6[%while3A_38, %dma_wait3A_180, %dma_wait3A_181] : memref<2x36x96xi32, #tpu.memory_space<vmem>> -> memref<1x36x96xi32, #tpu.memory_space<vmem>>
          %dma_wait3A_183 = tpu.memref_squeeze %dma_wait3A_182 : memref<1x36x96xi32, #tpu.memory_space<vmem>> -> memref<36x96xi32, #tpu.memory_space<vmem>>
          %dma_wait3A_184 = arith.constant 0 : i32
          %dma_wait3A_185 = tpu.memref_slice %dma_wait3A_183[%add3A_152, %dma_wait3A_184] : memref<36x96xi32, #tpu.memory_space<vmem>> -> memref<1x96xi32, #tpu.memory_space<vmem>>
          %dma_wait3A_186 = tpu.memref_squeeze %dma_wait3A_185 : memref<1x96xi32, #tpu.memory_space<vmem>> -> memref<96xi32, #tpu.memory_space<vmem>>
          %dma_wait3A_187 = arith.constant 0 : i32
          %dma_wait3A_188 = arith.constant 0 : i32
          %dma_wait3A_189 = tpu.memref_slice %arg9[%dma_wait3A_187, %dma_wait3A_188] : memref<10112x128xf32, #tpu.memory_space<vmem_shared>> -> memref<10112x128xf32, #tpu.memory_space<vmem_shared>>
          tpu.wait_indirect_dma semaphore(%run_scoped3A : memref<!tpu.dma_semaphore, #tpu.memory_space<semaphore_mem>>) src(%arg8 : memref<96x128xf32, #tpu.memory_space<vmem>>) dst(%dma_wait3A_189 : memref<10112x128xf32, #tpu.memory_space<vmem_shared>>)
          tpu.yield
        }) : () -> ()
        %add3A_163 = arith.constant 2 : i32
        %add3A_164 = arith.addi %add3A_152, %add3A_163 : i32
        %lt3A_165 = arith.constant 36 : i32
        %lt3A_166 = arith.cmpi slt, %add3A_164, %lt3A_165 : i32
        %convert_element_type3A_167 = arith.extui %lt3A_166 : i1 to i32
        %cond3A_168 = arith.constant 0 : i32
        %cond3A_169 = arith.cmpi ne, %convert_element_type3A_167, %cond3A_168 : i32
        scf.if %cond3A_169 {
          %dma_start3A_170 = arith.constant 0 : i32
          %dma_start3A_171 = arith.constant 0 : i32
          %dma_start3A_172 = tpu.memref_slice %arg6[%while3A_37, %dma_start3A_170, %dma_start3A_171] : memref<2x36x96xi32, #tpu.memory_space<vmem>> -> memref<1x36x96xi32, #tpu.memory_space<vmem>>
          %dma_start3A_173 = tpu.memref_squeeze %dma_start3A_172 : memref<1x36x96xi32, #tpu.memory_space<vmem>> -> memref<36x96xi32, #tpu.memory_space<vmem>>
          %dma_start3A_174 = arith.constant 0 : i32
          %dma_start3A_175 = tpu.memref_slice %dma_start3A_173[%add3A_164, %dma_start3A_174] : memref<36x96xi32, #tpu.memory_space<vmem>> -> memref<1x96xi32, #tpu.memory_space<vmem>>
          %dma_start3A_176 = tpu.memref_squeeze %dma_start3A_175 : memref<1x96xi32, #tpu.memory_space<vmem>> -> memref<96xi32, #tpu.memory_space<vmem>>
          %dma_start3A_177 = arith.constant 0 : i32
          %dma_start3A_178 = arith.constant 0 : i32
          %dma_start3A_179 = tpu.memref_slice %arg2[%dma_start3A_177, %dma_start3A_178] : memref<10000x128xf32, #tpu.memory_space<hbm>> -> memref<10000x128xf32, #tpu.memory_space<hbm>>
          tpu.enqueue_indirect_dma source(%dma_start3A_179 : memref<10000x128xf32, #tpu.memory_space<hbm>>) target(%arg8 : memref<96x128xf32, #tpu.memory_space<vmem>>) offsets(%dma_start3A_176 : memref<96xi32, #tpu.memory_space<vmem>>) semaphore(%arg11 : memref<!tpu.dma_semaphore, #tpu.memory_space<semaphore_mem>>)
        } else {
        }
      }
      %scan3A_132 = arith.constant 18 : i32
    }
    %barrier3A_48 = arith.constant 0 : index
    tpu.barrier barrier_id(%barrier3A_48)
    %mul3A_49 = arith.constant 632 : i32
    %mul3A_50 = arith.muli %arg1, %mul3A_49 : i32
    %add3A_51 = arith.constant 0 : i32
    %add3A_52 = arith.addi %mul3A_50, %add3A_51 : i32
    "tpu.region"() ({
      %run_scoped3A = tpu.sem_alloc : memref<!tpu.dma_semaphore, #tpu.memory_space<semaphore_mem>>
      %dma_start3A = arith.constant 0 : i32
      %dma_start3A_105 = arith.constant 0 : i32
      %dma_start3A_106 = tpu.memref_slice %arg7[%dma_start3A, %dma_start3A_105] : memref<96x128xf32, #tpu.memory_space<vmem>> -> memref<96x128xf32, #tpu.memory_space<vmem>>
      %dma_start3A_107 = arith.constant 0 : i32
      %dma_start3A_108 = tpu.memref_slice %arg9[%add3A_52, %dma_start3A_107] : memref<10112x128xf32, #tpu.memory_space<vmem_shared>> -> memref<96x128xf32, #tpu.memory_space<vmem_shared>>
      %dma_start3A_109 = arith.constant 0 : i32
      %dma_start3A_110 = arith.constant 0 : i32
      %dma_start3A_111 = tpu.memref_slice %arg7[%dma_start3A_109, %dma_start3A_110] : memref<96x128xf32, #tpu.memory_space<vmem>> -> memref<96x128xf32, #tpu.memory_space<vmem>>
      %dma_start3A_112 = arith.constant 0 : i32
      %dma_start3A_113 = tpu.memref_slice %arg9[%add3A_52, %dma_start3A_112] : memref<10112x128xf32, #tpu.memory_space<vmem_shared>> -> memref<96x128xf32, #tpu.memory_space<vmem_shared>>
      tpu.enqueue_dma source(%dma_start3A_113 : memref<96x128xf32, #tpu.memory_space<vmem_shared>>) target(%dma_start3A_111 : memref<96x128xf32, #tpu.memory_space<vmem>>) target_semaphore(%run_scoped3A : memref<!tpu.dma_semaphore, #tpu.memory_space<semaphore_mem>>)
      %dma_wait3A = arith.constant 0 : i32
      %dma_wait3A_114 = arith.constant 0 : i32
      %dma_wait3A_115 = tpu.memref_slice %arg7[%dma_wait3A, %dma_wait3A_114] : memref<96x128xf32, #tpu.memory_space<vmem>> -> memref<96x128xf32, #tpu.memory_space<vmem>>
      %dma_wait3A_116 = arith.constant 0 : i32
      %dma_wait3A_117 = tpu.memref_slice %arg9[%add3A_52, %dma_wait3A_116] : memref<10112x128xf32, #tpu.memory_space<vmem_shared>> -> memref<96x128xf32, #tpu.memory_space<vmem_shared>>
      %dma_wait3A_118 = arith.constant 0 : i32
      %dma_wait3A_119 = arith.constant 0 : i32
      %dma_wait3A_120 = tpu.memref_slice %arg7[%dma_wait3A_118, %dma_wait3A_119] : memref<96x128xf32, #tpu.memory_space<vmem>> -> memref<96x128xf32, #tpu.memory_space<vmem>>
      %dma_wait3A_121 = arith.constant 0 : i32
      %dma_wait3A_122 = tpu.memref_slice %arg9[%add3A_52, %dma_wait3A_121] : memref<10112x128xf32, #tpu.memory_space<vmem_shared>> -> memref<96x128xf32, #tpu.memory_space<vmem_shared>>
      tpu.wait_dma2 semaphore(%run_scoped3A : memref<!tpu.dma_semaphore, #tpu.memory_space<semaphore_mem>>) src(%dma_wait3A_122 : memref<96x128xf32, #tpu.memory_space<vmem_shared>>) dst(%dma_wait3A_120 : memref<96x128xf32, #tpu.memory_space<vmem>>)
      tpu.yield
    }) : () -> ()
    %mul3A_53 = arith.constant 632 : i32
    %mul3A_54 = arith.muli %arg1, %mul3A_53 : i32
    %add3A_55 = arith.constant 0 : i32
    %add3A_56 = arith.addi %mul3A_54, %add3A_55 : i32
    "tpu.region"() ({
      %run_scoped3A = tpu.sem_alloc : memref<!tpu.dma_semaphore, #tpu.memory_space<semaphore_mem>>
      %dma_start3A = arith.constant 0 : i32
      %dma_start3A_105 = arith.constant 0 : i32
      %dma_start3A_106 = tpu.memref_slice %arg7[%dma_start3A, %dma_start3A_105] : memref<96x128xf32, #tpu.memory_space<vmem>> -> memref<96x128xf32, #tpu.memory_space<vmem>>
      %dma_start3A_107 = arith.constant 0 : i32
      %dma_start3A_108 = tpu.memref_slice %arg5[%arg0, %add3A_56, %dma_start3A_107] : memref<2x10112x128xf32, #tpu.memory_space<hbm>> -> memref<1x96x128xf32, #tpu.memory_space<hbm>>
      %dma_start3A_109 = tpu.memref_squeeze %dma_start3A_108 : memref<1x96x128xf32, #tpu.memory_space<hbm>> -> memref<96x128xf32, #tpu.memory_space<hbm>>
      %dma_start3A_110 = arith.constant 0 : i32
      %dma_start3A_111 = tpu.memref_slice %arg5[%arg0, %add3A_56, %dma_start3A_110] : memref<2x10112x128xf32, #tpu.memory_space<hbm>> -> memref<1x96x128xf32, #tpu.memory_space<hbm>>
      %dma_start3A_112 = tpu.memref_squeeze %dma_start3A_111 : memref<1x96x128xf32, #tpu.memory_space<hbm>> -> memref<96x128xf32, #tpu.memory_space<hbm>>
      %dma_start3A_113 = arith.constant 0 : i32
      %dma_start3A_114 = arith.constant 0 : i32
      %dma_start3A_115 = tpu.memref_slice %arg7[%dma_start3A_113, %dma_start3A_114] : memref<96x128xf32, #tpu.memory_space<vmem>> -> memref<96x128xf32, #tpu.memory_space<vmem>>
      tpu.enqueue_dma source(%dma_start3A_115 : memref<96x128xf32, #tpu.memory_space<vmem>>) target(%dma_start3A_112 : memref<96x128xf32, #tpu.memory_space<hbm>>) target_semaphore(%run_scoped3A : memref<!tpu.dma_semaphore, #tpu.memory_space<semaphore_mem>>)
      %dma_wait3A = arith.constant 0 : i32
      %dma_wait3A_116 = arith.constant 0 : i32
      %dma_wait3A_117 = tpu.memref_slice %arg7[%dma_wait3A, %dma_wait3A_116] : memref<96x128xf32, #tpu.memory_space<vmem>> -> memref<96x128xf32, #tpu.memory_space<vmem>>
      %dma_wait3A_118 = arith.constant 0 : i32
      %dma_wait3A_119 = tpu.memref_slice %arg5[%arg0, %add3A_56, %dma_wait3A_118] : memref<2x10112x128xf32, #tpu.memory_space<hbm>> -> memref<1x96x128xf32, #tpu.memory_space<hbm>>
      %dma_wait3A_120 = tpu.memref_squeeze %dma_wait3A_119 : memref<1x96x128xf32, #tpu.memory_space<hbm>> -> memref<96x128xf32, #tpu.memory_space<hbm>>
      %dma_wait3A_121 = arith.constant 0 : i32
      %dma_wait3A_122 = tpu.memref_slice %arg5[%arg0, %add3A_56, %dma_wait3A_121] : memref<2x10112x128xf32, #tpu.memory_space<hbm>> -> memref<1x96x128xf32, #tpu.memory_space<hbm>>
      %dma_wait3A_123 = tpu.memref_squeeze %dma_wait3A_122 : memref<1x96x128xf32, #tpu.memory_space<hbm>> -> memref<96x128xf32, #tpu.memory_space<hbm>>
      %dma_wait3A_124 = arith.constant 0 : i32
      %dma_wait3A_125 = arith.constant 0 : i32
      %dma_wait3A_126 = tpu.memref_slice %arg7[%dma_wait3A_124, %dma_wait3A_125] : memref<96x128xf32, #tpu.memory_space<vmem>> -> memref<96x128xf32, #tpu.memory_space<vmem>>
      tpu.wait_dma2 semaphore(%run_scoped3A : memref<!tpu.dma_semaphore, #tpu.memory_space<semaphore_mem>>) src(%dma_wait3A_126 : memref<96x128xf32, #tpu.memory_space<vmem>>) dst(%dma_wait3A_123 : memref<96x128xf32, #tpu.memory_space<hbm>>)
      tpu.yield
    }) : () -> ()
    %mul3A_57 = arith.constant 632 : i32
    %mul3A_58 = arith.muli %arg1, %mul3A_57 : i32
    %add3A_59 = arith.constant 96 : i32
    %add3A_60 = arith.addi %mul3A_58, %add3A_59 : i32
    "tpu.region"() ({
      %run_scoped3A = tpu.sem_alloc : memref<!tpu.dma_semaphore, #tpu.memory_space<semaphore_mem>>
      %dma_start3A = arith.constant 0 : i32
      %dma_start3A_105 = arith.constant 0 : i32
      %dma_start3A_106 = tpu.memref_slice %arg7[%dma_start3A, %dma_start3A_105] : memref<96x128xf32, #tpu.memory_space<vmem>> -> memref<96x128xf32, #tpu.memory_space<vmem>>
      %dma_start3A_107 = arith.constant 0 : i32
      %dma_start3A_108 = tpu.memref_slice %arg9[%add3A_60, %dma_start3A_107] : memref<10112x128xf32, #tpu.memory_space<vmem_shared>> -> memref<96x128xf32, #tpu.memory_space<vmem_shared>>
      %dma_start3A_109 = arith.constant 0 : i32
      %dma_start3A_110 = arith.constant 0 : i32
      %dma_start3A_111 = tpu.memref_slice %arg7[%dma_start3A_109, %dma_start3A_110] : memref<96x128xf32, #tpu.memory_space<vmem>> -> memref<96x128xf32, #tpu.memory_space<vmem>>
      %dma_start3A_112 = arith.constant 0 : i32
      %dma_start3A_113 = tpu.memref_slice %arg9[%add3A_60, %dma_start3A_112] : memref<10112x128xf32, #tpu.memory_space<vmem_shared>> -> memref<96x128xf32, #tpu.memory_space<vmem_shared>>
      tpu.enqueue_dma source(%dma_start3A_113 : memref<96x128xf32, #tpu.memory_space<vmem_shared>>) target(%dma_start3A_111 : memref<96x128xf32, #tpu.memory_space<vmem>>) target_semaphore(%run_scoped3A : memref<!tpu.dma_semaphore, #tpu.memory_space<semaphore_mem>>)
      %dma_wait3A = arith.constant 0 : i32
      %dma_wait3A_114 = arith.constant 0 : i32
      %dma_wait3A_115 = tpu.memref_slice %arg7[%dma_wait3A, %dma_wait3A_114] : memref<96x128xf32, #tpu.memory_space<vmem>> -> memref<96x128xf32, #tpu.memory_space<vmem>>
      %dma_wait3A_116 = arith.constant 0 : i32
      %dma_wait3A_117 = tpu.memref_slice %arg9[%add3A_60, %dma_wait3A_116] : memref<10112x128xf32, #tpu.memory_space<vmem_shared>> -> memref<96x128xf32, #tpu.memory_space<vmem_shared>>
      %dma_wait3A_118 = arith.constant 0 : i32
      %dma_wait3A_119 = arith.constant 0 : i32
      %dma_wait3A_120 = tpu.memref_slice %arg7[%dma_wait3A_118, %dma_wait3A_119] : memref<96x128xf32, #tpu.memory_space<vmem>> -> memref<96x128xf32, #tpu.memory_space<vmem>>
      %dma_wait3A_121 = arith.constant 0 : i32
      %dma_wait3A_122 = tpu.memref_slice %arg9[%add3A_60, %dma_wait3A_121] : memref<10112x128xf32, #tpu.memory_space<vmem_shared>> -> memref<96x128xf32, #tpu.memory_space<vmem_shared>>
      tpu.wait_dma2 semaphore(%run_scoped3A : memref<!tpu.dma_semaphore, #tpu.memory_space<semaphore_mem>>) src(%dma_wait3A_122 : memref<96x128xf32, #tpu.memory_space<vmem_shared>>) dst(%dma_wait3A_120 : memref<96x128xf32, #tpu.memory_space<vmem>>)
      tpu.yield
    }) : () -> ()
    %mul3A_61 = arith.constant 632 : i32
    %mul3A_62 = arith.muli %arg1, %mul3A_61 : i32
    %add3A_63 = arith.constant 96 : i32
    %add3A_64 = arith.addi %mul3A_62, %add3A_63 : i32
    "tpu.region"() ({
      %run_scoped3A = tpu.sem_alloc : memref<!tpu.dma_semaphore, #tpu.memory_space<semaphore_mem>>
      %dma_start3A = arith.constant 0 : i32
      %dma_start3A_105 = arith.constant 0 : i32
      %dma_start3A_106 = tpu.memref_slice %arg7[%dma_start3A, %dma_start3A_105] : memref<96x128xf32, #tpu.memory_space<vmem>> -> memref<96x128xf32, #tpu.memory_space<vmem>>
      %dma_start3A_107 = arith.constant 0 : i32
      %dma_start3A_108 = tpu.memref_slice %arg5[%arg0, %add3A_64, %dma_start3A_107] : memref<2x10112x128xf32, #tpu.memory_space<hbm>> -> memref<1x96x128xf32, #tpu.memory_space<hbm>>
      %dma_start3A_109 = tpu.memref_squeeze %dma_start3A_108 : memref<1x96x128xf32, #tpu.memory_space<hbm>> -> memref<96x128xf32, #tpu.memory_space<hbm>>
      %dma_start3A_110 = arith.constant 0 : i32
      %dma_start3A_111 = tpu.memref_slice %arg5[%arg0, %add3A_64, %dma_start3A_110] : memref<2x10112x128xf32, #tpu.memory_space<hbm>> -> memref<1x96x128xf32, #tpu.memory_space<hbm>>
      %dma_start3A_112 = tpu.memref_squeeze %dma_start3A_111 : memref<1x96x128xf32, #tpu.memory_space<hbm>> -> memref<96x128xf32, #tpu.memory_space<hbm>>
      %dma_start3A_113 = arith.constant 0 : i32
      %dma_start3A_114 = arith.constant 0 : i32
      %dma_start3A_115 = tpu.memref_slice %arg7[%dma_start3A_113, %dma_start3A_114] : memref<96x128xf32, #tpu.memory_space<vmem>> -> memref<96x128xf32, #tpu.memory_space<vmem>>
      tpu.enqueue_dma source(%dma_start3A_115 : memref<96x128xf32, #tpu.memory_space<vmem>>) target(%dma_start3A_112 : memref<96x128xf32, #tpu.memory_space<hbm>>) target_semaphore(%run_scoped3A : memref<!tpu.dma_semaphore, #tpu.memory_space<semaphore_mem>>)
      %dma_wait3A = arith.constant 0 : i32
      %dma_wait3A_116 = arith.constant 0 : i32
      %dma_wait3A_117 = tpu.memref_slice %arg7[%dma_wait3A, %dma_wait3A_116] : memref<96x128xf32, #tpu.memory_space<vmem>> -> memref<96x128xf32, #tpu.memory_space<vmem>>
      %dma_wait3A_118 = arith.constant 0 : i32
      %dma_wait3A_119 = tpu.memref_slice %arg5[%arg0, %add3A_64, %dma_wait3A_118] : memref<2x10112x128xf32, #tpu.memory_space<hbm>> -> memref<1x96x128xf32, #tpu.memory_space<hbm>>
      %dma_wait3A_120 = tpu.memref_squeeze %dma_wait3A_119 : memref<1x96x128xf32, #tpu.memory_space<hbm>> -> memref<96x128xf32, #tpu.memory_space<hbm>>
      %dma_wait3A_121 = arith.constant 0 : i32
      %dma_wait3A_122 = tpu.memref_slice %arg5[%arg0, %add3A_64, %dma_wait3A_121] : memref<2x10112x128xf32, #tpu.memory_space<hbm>> -> memref<1x96x128xf32, #tpu.memory_space<hbm>>
      %dma_wait3A_123 = tpu.memref_squeeze %dma_wait3A_122 : memref<1x96x128xf32, #tpu.memory_space<hbm>> -> memref<96x128xf32, #tpu.memory_space<hbm>>
      %dma_wait3A_124 = arith.constant 0 : i32
      %dma_wait3A_125 = arith.constant 0 : i32
      %dma_wait3A_126 = tpu.memref_slice %arg7[%dma_wait3A_124, %dma_wait3A_125] : memref<96x128xf32, #tpu.memory_space<vmem>> -> memref<96x128xf32, #tpu.memory_space<vmem>>
      tpu.wait_dma2 semaphore(%run_scoped3A : memref<!tpu.dma_semaphore, #tpu.memory_space<semaphore_mem>>) src(%dma_wait3A_126 : memref<96x128xf32, #tpu.memory_space<vmem>>) dst(%dma_wait3A_123 : memref<96x128xf32, #tpu.memory_space<hbm>>)
      tpu.yield
    }) : () -> ()
    %mul3A_65 = arith.constant 632 : i32
    %mul3A_66 = arith.muli %arg1, %mul3A_65 : i32
    %add3A_67 = arith.constant 192 : i32
    %add3A_68 = arith.addi %mul3A_66, %add3A_67 : i32
    "tpu.region"() ({
      %run_scoped3A = tpu.sem_alloc : memref<!tpu.dma_semaphore, #tpu.memory_space<semaphore_mem>>
      %dma_start3A = arith.constant 0 : i32
      %dma_start3A_105 = arith.constant 0 : i32
      %dma_start3A_106 = tpu.memref_slice %arg7[%dma_start3A, %dma_start3A_105] : memref<96x128xf32, #tpu.memory_space<vmem>> -> memref<96x128xf32, #tpu.memory_space<vmem>>
      %dma_start3A_107 = arith.constant 0 : i32
      %dma_start3A_108 = tpu.memref_slice %arg9[%add3A_68, %dma_start3A_107] : memref<10112x128xf32, #tpu.memory_space<vmem_shared>> -> memref<96x128xf32, #tpu.memory_space<vmem_shared>>
      %dma_start3A_109 = arith.constant 0 : i32
      %dma_start3A_110 = arith.constant 0 : i32
      %dma_start3A_111 = tpu.memref_slice %arg7[%dma_start3A_109, %dma_start3A_110] : memref<96x128xf32, #tpu.memory_space<vmem>> -> memref<96x128xf32, #tpu.memory_space<vmem>>
      %dma_start3A_112 = arith.constant 0 : i32
      %dma_start3A_113 = tpu.memref_slice %arg9[%add3A_68, %dma_start3A_112] : memref<10112x128xf32, #tpu.memory_space<vmem_shared>> -> memref<96x128xf32, #tpu.memory_space<vmem_shared>>
      tpu.enqueue_dma source(%dma_start3A_113 : memref<96x128xf32, #tpu.memory_space<vmem_shared>>) target(%dma_start3A_111 : memref<96x128xf32, #tpu.memory_space<vmem>>) target_semaphore(%run_scoped3A : memref<!tpu.dma_semaphore, #tpu.memory_space<semaphore_mem>>)
      %dma_wait3A = arith.constant 0 : i32
      %dma_wait3A_114 = arith.constant 0 : i32
      %dma_wait3A_115 = tpu.memref_slice %arg7[%dma_wait3A, %dma_wait3A_114] : memref<96x128xf32, #tpu.memory_space<vmem>> -> memref<96x128xf32, #tpu.memory_space<vmem>>
      %dma_wait3A_116 = arith.constant 0 : i32
      %dma_wait3A_117 = tpu.memref_slice %arg9[%add3A_68, %dma_wait3A_116] : memref<10112x128xf32, #tpu.memory_space<vmem_shared>> -> memref<96x128xf32, #tpu.memory_space<vmem_shared>>
      %dma_wait3A_118 = arith.constant 0 : i32
      %dma_wait3A_119 = arith.constant 0 : i32
      %dma_wait3A_120 = tpu.memref_slice %arg7[%dma_wait3A_118, %dma_wait3A_119] : memref<96x128xf32, #tpu.memory_space<vmem>> -> memref<96x128xf32, #tpu.memory_space<vmem>>
      %dma_wait3A_121 = arith.constant 0 : i32
      %dma_wait3A_122 = tpu.memref_slice %arg9[%add3A_68, %dma_wait3A_121] : memref<10112x128xf32, #tpu.memory_space<vmem_shared>> -> memref<96x128xf32, #tpu.memory_space<vmem_shared>>
      tpu.wait_dma2 semaphore(%run_scoped3A : memref<!tpu.dma_semaphore, #tpu.memory_space<semaphore_mem>>) src(%dma_wait3A_122 : memref<96x128xf32, #tpu.memory_space<vmem_shared>>) dst(%dma_wait3A_120 : memref<96x128xf32, #tpu.memory_space<vmem>>)
      tpu.yield
    }) : () -> ()
    %mul3A_69 = arith.constant 632 : i32
    %mul3A_70 = arith.muli %arg1, %mul3A_69 : i32
    %add3A_71 = arith.constant 192 : i32
    %add3A_72 = arith.addi %mul3A_70, %add3A_71 : i32
    "tpu.region"() ({
      %run_scoped3A = tpu.sem_alloc : memref<!tpu.dma_semaphore, #tpu.memory_space<semaphore_mem>>
      %dma_start3A = arith.constant 0 : i32
      %dma_start3A_105 = arith.constant 0 : i32
      %dma_start3A_106 = tpu.memref_slice %arg7[%dma_start3A, %dma_start3A_105] : memref<96x128xf32, #tpu.memory_space<vmem>> -> memref<96x128xf32, #tpu.memory_space<vmem>>
      %dma_start3A_107 = arith.constant 0 : i32
      %dma_start3A_108 = tpu.memref_slice %arg5[%arg0, %add3A_72, %dma_start3A_107] : memref<2x10112x128xf32, #tpu.memory_space<hbm>> -> memref<1x96x128xf32, #tpu.memory_space<hbm>>
      %dma_start3A_109 = tpu.memref_squeeze %dma_start3A_108 : memref<1x96x128xf32, #tpu.memory_space<hbm>> -> memref<96x128xf32, #tpu.memory_space<hbm>>
      %dma_start3A_110 = arith.constant 0 : i32
      %dma_start3A_111 = tpu.memref_slice %arg5[%arg0, %add3A_72, %dma_start3A_110] : memref<2x10112x128xf32, #tpu.memory_space<hbm>> -> memref<1x96x128xf32, #tpu.memory_space<hbm>>
      %dma_start3A_112 = tpu.memref_squeeze %dma_start3A_111 : memref<1x96x128xf32, #tpu.memory_space<hbm>> -> memref<96x128xf32, #tpu.memory_space<hbm>>
      %dma_start3A_113 = arith.constant 0 : i32
      %dma_start3A_114 = arith.constant 0 : i32
      %dma_start3A_115 = tpu.memref_slice %arg7[%dma_start3A_113, %dma_start3A_114] : memref<96x128xf32, #tpu.memory_space<vmem>> -> memref<96x128xf32, #tpu.memory_space<vmem>>
      tpu.enqueue_dma source(%dma_start3A_115 : memref<96x128xf32, #tpu.memory_space<vmem>>) target(%dma_start3A_112 : memref<96x128xf32, #tpu.memory_space<hbm>>) target_semaphore(%run_scoped3A : memref<!tpu.dma_semaphore, #tpu.memory_space<semaphore_mem>>)
      %dma_wait3A = arith.constant 0 : i32
      %dma_wait3A_116 = arith.constant 0 : i32
      %dma_wait3A_117 = tpu.memref_slice %arg7[%dma_wait3A, %dma_wait3A_116] : memref<96x128xf32, #tpu.memory_space<vmem>> -> memref<96x128xf32, #tpu.memory_space<vmem>>
      %dma_wait3A_118 = arith.constant 0 : i32
      %dma_wait3A_119 = tpu.memref_slice %arg5[%arg0, %add3A_72, %dma_wait3A_118] : memref<2x10112x128xf32, #tpu.memory_space<hbm>> -> memref<1x96x128xf32, #tpu.memory_space<hbm>>
      %dma_wait3A_120 = tpu.memref_squeeze %dma_wait3A_119 : memref<1x96x128xf32, #tpu.memory_space<hbm>> -> memref<96x128xf32, #tpu.memory_space<hbm>>
      %dma_wait3A_121 = arith.constant 0 : i32
      %dma_wait3A_122 = tpu.memref_slice %arg5[%arg0, %add3A_72, %dma_wait3A_121] : memref<2x10112x128xf32, #tpu.memory_space<hbm>> -> memref<1x96x128xf32, #tpu.memory_space<hbm>>
      %dma_wait3A_123 = tpu.memref_squeeze %dma_wait3A_122 : memref<1x96x128xf32, #tpu.memory_space<hbm>> -> memref<96x128xf32, #tpu.memory_space<hbm>>
      %dma_wait3A_124 = arith.constant 0 : i32
      %dma_wait3A_125 = arith.constant 0 : i32
      %dma_wait3A_126 = tpu.memref_slice %arg7[%dma_wait3A_124, %dma_wait3A_125] : memref<96x128xf32, #tpu.memory_space<vmem>> -> memref<96x128xf32, #tpu.memory_space<vmem>>
      tpu.wait_dma2 semaphore(%run_scoped3A : memref<!tpu.dma_semaphore, #tpu.memory_space<semaphore_mem>>) src(%dma_wait3A_126 : memref<96x128xf32, #tpu.memory_space<vmem>>) dst(%dma_wait3A_123 : memref<96x128xf32, #tpu.memory_space<hbm>>)
      tpu.yield
    }) : () -> ()
    %mul3A_73 = arith.constant 632 : i32
    %mul3A_74 = arith.muli %arg1, %mul3A_73 : i32
    %add3A_75 = arith.constant 288 : i32
    %add3A_76 = arith.addi %mul3A_74, %add3A_75 : i32
    "tpu.region"() ({
      %run_scoped3A = tpu.sem_alloc : memref<!tpu.dma_semaphore, #tpu.memory_space<semaphore_mem>>
      %dma_start3A = arith.constant 0 : i32
      %dma_start3A_105 = arith.constant 0 : i32
      %dma_start3A_106 = tpu.memref_slice %arg7[%dma_start3A, %dma_start3A_105] : memref<96x128xf32, #tpu.memory_space<vmem>> -> memref<96x128xf32, #tpu.memory_space<vmem>>
      %dma_start3A_107 = arith.constant 0 : i32
      %dma_start3A_108 = tpu.memref_slice %arg9[%add3A_76, %dma_start3A_107] : memref<10112x128xf32, #tpu.memory_space<vmem_shared>> -> memref<96x128xf32, #tpu.memory_space<vmem_shared>>
      %dma_start3A_109 = arith.constant 0 : i32
      %dma_start3A_110 = arith.constant 0 : i32
      %dma_start3A_111 = tpu.memref_slice %arg7[%dma_start3A_109, %dma_start3A_110] : memref<96x128xf32, #tpu.memory_space<vmem>> -> memref<96x128xf32, #tpu.memory_space<vmem>>
      %dma_start3A_112 = arith.constant 0 : i32
      %dma_start3A_113 = tpu.memref_slice %arg9[%add3A_76, %dma_start3A_112] : memref<10112x128xf32, #tpu.memory_space<vmem_shared>> -> memref<96x128xf32, #tpu.memory_space<vmem_shared>>
      tpu.enqueue_dma source(%dma_start3A_113 : memref<96x128xf32, #tpu.memory_space<vmem_shared>>) target(%dma_start3A_111 : memref<96x128xf32, #tpu.memory_space<vmem>>) target_semaphore(%run_scoped3A : memref<!tpu.dma_semaphore, #tpu.memory_space<semaphore_mem>>)
      %dma_wait3A = arith.constant 0 : i32
      %dma_wait3A_114 = arith.constant 0 : i32
      %dma_wait3A_115 = tpu.memref_slice %arg7[%dma_wait3A, %dma_wait3A_114] : memref<96x128xf32, #tpu.memory_space<vmem>> -> memref<96x128xf32, #tpu.memory_space<vmem>>
      %dma_wait3A_116 = arith.constant 0 : i32
      %dma_wait3A_117 = tpu.memref_slice %arg9[%add3A_76, %dma_wait3A_116] : memref<10112x128xf32, #tpu.memory_space<vmem_shared>> -> memref<96x128xf32, #tpu.memory_space<vmem_shared>>
      %dma_wait3A_118 = arith.constant 0 : i32
      %dma_wait3A_119 = arith.constant 0 : i32
      %dma_wait3A_120 = tpu.memref_slice %arg7[%dma_wait3A_118, %dma_wait3A_119] : memref<96x128xf32, #tpu.memory_space<vmem>> -> memref<96x128xf32, #tpu.memory_space<vmem>>
      %dma_wait3A_121 = arith.constant 0 : i32
      %dma_wait3A_122 = tpu.memref_slice %arg9[%add3A_76, %dma_wait3A_121] : memref<10112x128xf32, #tpu.memory_space<vmem_shared>> -> memref<96x128xf32, #tpu.memory_space<vmem_shared>>
      tpu.wait_dma2 semaphore(%run_scoped3A : memref<!tpu.dma_semaphore, #tpu.memory_space<semaphore_mem>>) src(%dma_wait3A_122 : memref<96x128xf32, #tpu.memory_space<vmem_shared>>) dst(%dma_wait3A_120 : memref<96x128xf32, #tpu.memory_space<vmem>>)
      tpu.yield
    }) : () -> ()
    %mul3A_77 = arith.constant 632 : i32
    %mul3A_78 = arith.muli %arg1, %mul3A_77 : i32
    %add3A_79 = arith.constant 288 : i32
    %add3A_80 = arith.addi %mul3A_78, %add3A_79 : i32
    "tpu.region"() ({
      %run_scoped3A = tpu.sem_alloc : memref<!tpu.dma_semaphore, #tpu.memory_space<semaphore_mem>>
      %dma_start3A = arith.constant 0 : i32
      %dma_start3A_105 = arith.constant 0 : i32
      %dma_start3A_106 = tpu.memref_slice %arg7[%dma_start3A, %dma_start3A_105] : memref<96x128xf32, #tpu.memory_space<vmem>> -> memref<96x128xf32, #tpu.memory_space<vmem>>
      %dma_start3A_107 = arith.constant 0 : i32
      %dma_start3A_108 = tpu.memref_slice %arg5[%arg0, %add3A_80, %dma_start3A_107] : memref<2x10112x128xf32, #tpu.memory_space<hbm>> -> memref<1x96x128xf32, #tpu.memory_space<hbm>>
      %dma_start3A_109 = tpu.memref_squeeze %dma_start3A_108 : memref<1x96x128xf32, #tpu.memory_space<hbm>> -> memref<96x128xf32, #tpu.memory_space<hbm>>
      %dma_start3A_110 = arith.constant 0 : i32
      %dma_start3A_111 = tpu.memref_slice %arg5[%arg0, %add3A_80, %dma_start3A_110] : memref<2x10112x128xf32, #tpu.memory_space<hbm>> -> memref<1x96x128xf32, #tpu.memory_space<hbm>>
      %dma_start3A_112 = tpu.memref_squeeze %dma_start3A_111 : memref<1x96x128xf32, #tpu.memory_space<hbm>> -> memref<96x128xf32, #tpu.memory_space<hbm>>
      %dma_start3A_113 = arith.constant 0 : i32
      %dma_start3A_114 = arith.constant 0 : i32
      %dma_start3A_115 = tpu.memref_slice %arg7[%dma_start3A_113, %dma_start3A_114] : memref<96x128xf32, #tpu.memory_space<vmem>> -> memref<96x128xf32, #tpu.memory_space<vmem>>
      tpu.enqueue_dma source(%dma_start3A_115 : memref<96x128xf32, #tpu.memory_space<vmem>>) target(%dma_start3A_112 : memref<96x128xf32, #tpu.memory_space<hbm>>) target_semaphore(%run_scoped3A : memref<!tpu.dma_semaphore, #tpu.memory_space<semaphore_mem>>)
      %dma_wait3A = arith.constant 0 : i32
      %dma_wait3A_116 = arith.constant 0 : i32
      %dma_wait3A_117 = tpu.memref_slice %arg7[%dma_wait3A, %dma_wait3A_116] : memref<96x128xf32, #tpu.memory_space<vmem>> -> memref<96x128xf32, #tpu.memory_space<vmem>>
      %dma_wait3A_118 = arith.constant 0 : i32
      %dma_wait3A_119 = tpu.memref_slice %arg5[%arg0, %add3A_80, %dma_wait3A_118] : memref<2x10112x128xf32, #tpu.memory_space<hbm>> -> memref<1x96x128xf32, #tpu.memory_space<hbm>>
      %dma_wait3A_120 = tpu.memref_squeeze %dma_wait3A_119 : memref<1x96x128xf32, #tpu.memory_space<hbm>> -> memref<96x128xf32, #tpu.memory_space<hbm>>
      %dma_wait3A_121 = arith.constant 0 : i32
      %dma_wait3A_122 = tpu.memref_slice %arg5[%arg0, %add3A_80, %dma_wait3A_121] : memref<2x10112x128xf32, #tpu.memory_space<hbm>> -> memref<1x96x128xf32, #tpu.memory_space<hbm>>
      %dma_wait3A_123 = tpu.memref_squeeze %dma_wait3A_122 : memref<1x96x128xf32, #tpu.memory_space<hbm>> -> memref<96x128xf32, #tpu.memory_space<hbm>>
      %dma_wait3A_124 = arith.constant 0 : i32
      %dma_wait3A_125 = arith.constant 0 : i32
      %dma_wait3A_126 = tpu.memref_slice %arg7[%dma_wait3A_124, %dma_wait3A_125] : memref<96x128xf32, #tpu.memory_space<vmem>> -> memref<96x128xf32, #tpu.memory_space<vmem>>
      tpu.wait_dma2 semaphore(%run_scoped3A : memref<!tpu.dma_semaphore, #tpu.memory_space<semaphore_mem>>) src(%dma_wait3A_126 : memref<96x128xf32, #tpu.memory_space<vmem>>) dst(%dma_wait3A_123 : memref<96x128xf32, #tpu.memory_space<hbm>>)
      tpu.yield
    }) : () -> ()
    %mul3A_81 = arith.constant 632 : i32
    %mul3A_82 = arith.muli %arg1, %mul3A_81 : i32
    %add3A_83 = arith.constant 384 : i32
    %add3A_84 = arith.addi %mul3A_82, %add3A_83 : i32
    "tpu.region"() ({
      %run_scoped3A = tpu.sem_alloc : memref<!tpu.dma_semaphore, #tpu.memory_space<semaphore_mem>>
      %dma_start3A = arith.constant 0 : i32
      %dma_start3A_105 = arith.constant 0 : i32
      %dma_start3A_106 = tpu.memref_slice %arg7[%dma_start3A, %dma_start3A_105] : memref<96x128xf32, #tpu.memory_space<vmem>> -> memref<96x128xf32, #tpu.memory_space<vmem>>
      %dma_start3A_107 = arith.constant 0 : i32
      %dma_start3A_108 = tpu.memref_slice %arg9[%add3A_84, %dma_start3A_107] : memref<10112x128xf32, #tpu.memory_space<vmem_shared>> -> memref<96x128xf32, #tpu.memory_space<vmem_shared>>
      %dma_start3A_109 = arith.constant 0 : i32
      %dma_start3A_110 = arith.constant 0 : i32
      %dma_start3A_111 = tpu.memref_slice %arg7[%dma_start3A_109, %dma_start3A_110] : memref<96x128xf32, #tpu.memory_space<vmem>> -> memref<96x128xf32, #tpu.memory_space<vmem>>
      %dma_start3A_112 = arith.constant 0 : i32
      %dma_start3A_113 = tpu.memref_slice %arg9[%add3A_84, %dma_start3A_112] : memref<10112x128xf32, #tpu.memory_space<vmem_shared>> -> memref<96x128xf32, #tpu.memory_space<vmem_shared>>
      tpu.enqueue_dma source(%dma_start3A_113 : memref<96x128xf32, #tpu.memory_space<vmem_shared>>) target(%dma_start3A_111 : memref<96x128xf32, #tpu.memory_space<vmem>>) target_semaphore(%run_scoped3A : memref<!tpu.dma_semaphore, #tpu.memory_space<semaphore_mem>>)
      %dma_wait3A = arith.constant 0 : i32
      %dma_wait3A_114 = arith.constant 0 : i32
      %dma_wait3A_115 = tpu.memref_slice %arg7[%dma_wait3A, %dma_wait3A_114] : memref<96x128xf32, #tpu.memory_space<vmem>> -> memref<96x128xf32, #tpu.memory_space<vmem>>
      %dma_wait3A_116 = arith.constant 0 : i32
      %dma_wait3A_117 = tpu.memref_slice %arg9[%add3A_84, %dma_wait3A_116] : memref<10112x128xf32, #tpu.memory_space<vmem_shared>> -> memref<96x128xf32, #tpu.memory_space<vmem_shared>>
      %dma_wait3A_118 = arith.constant 0 : i32
      %dma_wait3A_119 = arith.constant 0 : i32
      %dma_wait3A_120 = tpu.memref_slice %arg7[%dma_wait3A_118, %dma_wait3A_119] : memref<96x128xf32, #tpu.memory_space<vmem>> -> memref<96x128xf32, #tpu.memory_space<vmem>>
      %dma_wait3A_121 = arith.constant 0 : i32
      %dma_wait3A_122 = tpu.memref_slice %arg9[%add3A_84, %dma_wait3A_121] : memref<10112x128xf32, #tpu.memory_space<vmem_shared>> -> memref<96x128xf32, #tpu.memory_space<vmem_shared>>
      tpu.wait_dma2 semaphore(%run_scoped3A : memref<!tpu.dma_semaphore, #tpu.memory_space<semaphore_mem>>) src(%dma_wait3A_122 : memref<96x128xf32, #tpu.memory_space<vmem_shared>>) dst(%dma_wait3A_120 : memref<96x128xf32, #tpu.memory_space<vmem>>)
      tpu.yield
    }) : () -> ()
    %mul3A_85 = arith.constant 632 : i32
    %mul3A_86 = arith.muli %arg1, %mul3A_85 : i32
    %add3A_87 = arith.constant 384 : i32
    %add3A_88 = arith.addi %mul3A_86, %add3A_87 : i32
    "tpu.region"() ({
      %run_scoped3A = tpu.sem_alloc : memref<!tpu.dma_semaphore, #tpu.memory_space<semaphore_mem>>
      %dma_start3A = arith.constant 0 : i32
      %dma_start3A_105 = arith.constant 0 : i32
      %dma_start3A_106 = tpu.memref_slice %arg7[%dma_start3A, %dma_start3A_105] : memref<96x128xf32, #tpu.memory_space<vmem>> -> memref<96x128xf32, #tpu.memory_space<vmem>>
      %dma_start3A_107 = arith.constant 0 : i32
      %dma_start3A_108 = tpu.memref_slice %arg5[%arg0, %add3A_88, %dma_start3A_107] : memref<2x10112x128xf32, #tpu.memory_space<hbm>> -> memref<1x96x128xf32, #tpu.memory_space<hbm>>
      %dma_start3A_109 = tpu.memref_squeeze %dma_start3A_108 : memref<1x96x128xf32, #tpu.memory_space<hbm>> -> memref<96x128xf32, #tpu.memory_space<hbm>>
      %dma_start3A_110 = arith.constant 0 : i32
      %dma_start3A_111 = tpu.memref_slice %arg5[%arg0, %add3A_88, %dma_start3A_110] : memref<2x10112x128xf32, #tpu.memory_space<hbm>> -> memref<1x96x128xf32, #tpu.memory_space<hbm>>
      %dma_start3A_112 = tpu.memref_squeeze %dma_start3A_111 : memref<1x96x128xf32, #tpu.memory_space<hbm>> -> memref<96x128xf32, #tpu.memory_space<hbm>>
      %dma_start3A_113 = arith.constant 0 : i32
      %dma_start3A_114 = arith.constant 0 : i32
      %dma_start3A_115 = tpu.memref_slice %arg7[%dma_start3A_113, %dma_start3A_114] : memref<96x128xf32, #tpu.memory_space<vmem>> -> memref<96x128xf32, #tpu.memory_space<vmem>>
      tpu.enqueue_dma source(%dma_start3A_115 : memref<96x128xf32, #tpu.memory_space<vmem>>) target(%dma_start3A_112 : memref<96x128xf32, #tpu.memory_space<hbm>>) target_semaphore(%run_scoped3A : memref<!tpu.dma_semaphore, #tpu.memory_space<semaphore_mem>>)
      %dma_wait3A = arith.constant 0 : i32
      %dma_wait3A_116 = arith.constant 0 : i32
      %dma_wait3A_117 = tpu.memref_slice %arg7[%dma_wait3A, %dma_wait3A_116] : memref<96x128xf32, #tpu.memory_space<vmem>> -> memref<96x128xf32, #tpu.memory_space<vmem>>
      %dma_wait3A_118 = arith.constant 0 : i32
      %dma_wait3A_119 = tpu.memref_slice %arg5[%arg0, %add3A_88, %dma_wait3A_118] : memref<2x10112x128xf32, #tpu.memory_space<hbm>> -> memref<1x96x128xf32, #tpu.memory_space<hbm>>
      %dma_wait3A_120 = tpu.memref_squeeze %dma_wait3A_119 : memref<1x96x128xf32, #tpu.memory_space<hbm>> -> memref<96x128xf32, #tpu.memory_space<hbm>>
      %dma_wait3A_121 = arith.constant 0 : i32
      %dma_wait3A_122 = tpu.memref_slice %arg5[%arg0, %add3A_88, %dma_wait3A_121] : memref<2x10112x128xf32, #tpu.memory_space<hbm>> -> memref<1x96x128xf32, #tpu.memory_space<hbm>>
      %dma_wait3A_123 = tpu.memref_squeeze %dma_wait3A_122 : memref<1x96x128xf32, #tpu.memory_space<hbm>> -> memref<96x128xf32, #tpu.memory_space<hbm>>
      %dma_wait3A_124 = arith.constant 0 : i32
      %dma_wait3A_125 = arith.constant 0 : i32
      %dma_wait3A_126 = tpu.memref_slice %arg7[%dma_wait3A_124, %dma_wait3A_125] : memref<96x128xf32, #tpu.memory_space<vmem>> -> memref<96x128xf32, #tpu.memory_space<vmem>>
      tpu.wait_dma2 semaphore(%run_scoped3A : memref<!tpu.dma_semaphore, #tpu.memory_space<semaphore_mem>>) src(%dma_wait3A_126 : memref<96x128xf32, #tpu.memory_space<vmem>>) dst(%dma_wait3A_123 : memref<96x128xf32, #tpu.memory_space<hbm>>)
      tpu.yield
    }) : () -> ()
    %mul3A_89 = arith.constant 632 : i32
    %mul3A_90 = arith.muli %arg1, %mul3A_89 : i32
    %add3A_91 = arith.constant 480 : i32
    %add3A_92 = arith.addi %mul3A_90, %add3A_91 : i32
    "tpu.region"() ({
      %run_scoped3A = tpu.sem_alloc : memref<!tpu.dma_semaphore, #tpu.memory_space<semaphore_mem>>
      %dma_start3A = arith.constant 0 : i32
      %dma_start3A_105 = arith.constant 0 : i32
      %dma_start3A_106 = tpu.memref_slice %arg7[%dma_start3A, %dma_start3A_105] : memref<96x128xf32, #tpu.memory_space<vmem>> -> memref<96x128xf32, #tpu.memory_space<vmem>>
      %dma_start3A_107 = arith.constant 0 : i32
      %dma_start3A_108 = tpu.memref_slice %arg9[%add3A_92, %dma_start3A_107] : memref<10112x128xf32, #tpu.memory_space<vmem_shared>> -> memref<96x128xf32, #tpu.memory_space<vmem_shared>>
      %dma_start3A_109 = arith.constant 0 : i32
      %dma_start3A_110 = arith.constant 0 : i32
      %dma_start3A_111 = tpu.memref_slice %arg7[%dma_start3A_109, %dma_start3A_110] : memref<96x128xf32, #tpu.memory_space<vmem>> -> memref<96x128xf32, #tpu.memory_space<vmem>>
      %dma_start3A_112 = arith.constant 0 : i32
      %dma_start3A_113 = tpu.memref_slice %arg9[%add3A_92, %dma_start3A_112] : memref<10112x128xf32, #tpu.memory_space<vmem_shared>> -> memref<96x128xf32, #tpu.memory_space<vmem_shared>>
      tpu.enqueue_dma source(%dma_start3A_113 : memref<96x128xf32, #tpu.memory_space<vmem_shared>>) target(%dma_start3A_111 : memref<96x128xf32, #tpu.memory_space<vmem>>) target_semaphore(%run_scoped3A : memref<!tpu.dma_semaphore, #tpu.memory_space<semaphore_mem>>)
      %dma_wait3A = arith.constant 0 : i32
      %dma_wait3A_114 = arith.constant 0 : i32
      %dma_wait3A_115 = tpu.memref_slice %arg7[%dma_wait3A, %dma_wait3A_114] : memref<96x128xf32, #tpu.memory_space<vmem>> -> memref<96x128xf32, #tpu.memory_space<vmem>>
      %dma_wait3A_116 = arith.constant 0 : i32
      %dma_wait3A_117 = tpu.memref_slice %arg9[%add3A_92, %dma_wait3A_116] : memref<10112x128xf32, #tpu.memory_space<vmem_shared>> -> memref<96x128xf32, #tpu.memory_space<vmem_shared>>
      %dma_wait3A_118 = arith.constant 0 : i32
      %dma_wait3A_119 = arith.constant 0 : i32
      %dma_wait3A_120 = tpu.memref_slice %arg7[%dma_wait3A_118, %dma_wait3A_119] : memref<96x128xf32, #tpu.memory_space<vmem>> -> memref<96x128xf32, #tpu.memory_space<vmem>>
      %dma_wait3A_121 = arith.constant 0 : i32
      %dma_wait3A_122 = tpu.memref_slice %arg9[%add3A_92, %dma_wait3A_121] : memref<10112x128xf32, #tpu.memory_space<vmem_shared>> -> memref<96x128xf32, #tpu.memory_space<vmem_shared>>
      tpu.wait_dma2 semaphore(%run_scoped3A : memref<!tpu.dma_semaphore, #tpu.memory_space<semaphore_mem>>) src(%dma_wait3A_122 : memref<96x128xf32, #tpu.memory_space<vmem_shared>>) dst(%dma_wait3A_120 : memref<96x128xf32, #tpu.memory_space<vmem>>)
      tpu.yield
    }) : () -> ()
    %mul3A_93 = arith.constant 632 : i32
    %mul3A_94 = arith.muli %arg1, %mul3A_93 : i32
    %add3A_95 = arith.constant 480 : i32
    %add3A_96 = arith.addi %mul3A_94, %add3A_95 : i32
    "tpu.region"() ({
      %run_scoped3A = tpu.sem_alloc : memref<!tpu.dma_semaphore, #tpu.memory_space<semaphore_mem>>
      %dma_start3A = arith.constant 0 : i32
      %dma_start3A_105 = arith.constant 0 : i32
      %dma_start3A_106 = tpu.memref_slice %arg7[%dma_start3A, %dma_start3A_105] : memref<96x128xf32, #tpu.memory_space<vmem>> -> memref<96x128xf32, #tpu.memory_space<vmem>>
      %dma_start3A_107 = arith.constant 0 : i32
      %dma_start3A_108 = tpu.memref_slice %arg5[%arg0, %add3A_96, %dma_start3A_107] : memref<2x10112x128xf32, #tpu.memory_space<hbm>> -> memref<1x96x128xf32, #tpu.memory_space<hbm>>
      %dma_start3A_109 = tpu.memref_squeeze %dma_start3A_108 : memref<1x96x128xf32, #tpu.memory_space<hbm>> -> memref<96x128xf32, #tpu.memory_space<hbm>>
      %dma_start3A_110 = arith.constant 0 : i32
      %dma_start3A_111 = tpu.memref_slice %arg5[%arg0, %add3A_96, %dma_start3A_110] : memref<2x10112x128xf32, #tpu.memory_space<hbm>> -> memref<1x96x128xf32, #tpu.memory_space<hbm>>
      %dma_start3A_112 = tpu.memref_squeeze %dma_start3A_111 : memref<1x96x128xf32, #tpu.memory_space<hbm>> -> memref<96x128xf32, #tpu.memory_space<hbm>>
      %dma_start3A_113 = arith.constant 0 : i32
      %dma_start3A_114 = arith.constant 0 : i32
      %dma_start3A_115 = tpu.memref_slice %arg7[%dma_start3A_113, %dma_start3A_114] : memref<96x128xf32, #tpu.memory_space<vmem>> -> memref<96x128xf32, #tpu.memory_space<vmem>>
      tpu.enqueue_dma source(%dma_start3A_115 : memref<96x128xf32, #tpu.memory_space<vmem>>) target(%dma_start3A_112 : memref<96x128xf32, #tpu.memory_space<hbm>>) target_semaphore(%run_scoped3A : memref<!tpu.dma_semaphore, #tpu.memory_space<semaphore_mem>>)
      %dma_wait3A = arith.constant 0 : i32
      %dma_wait3A_116 = arith.constant 0 : i32
      %dma_wait3A_117 = tpu.memref_slice %arg7[%dma_wait3A, %dma_wait3A_116] : memref<96x128xf32, #tpu.memory_space<vmem>> -> memref<96x128xf32, #tpu.memory_space<vmem>>
      %dma_wait3A_118 = arith.constant 0 : i32
      %dma_wait3A_119 = tpu.memref_slice %arg5[%arg0, %add3A_96, %dma_wait3A_118] : memref<2x10112x128xf32, #tpu.memory_space<hbm>> -> memref<1x96x128xf32, #tpu.memory_space<hbm>>
      %dma_wait3A_120 = tpu.memref_squeeze %dma_wait3A_119 : memref<1x96x128xf32, #tpu.memory_space<hbm>> -> memref<96x128xf32, #tpu.memory_space<hbm>>
      %dma_wait3A_121 = arith.constant 0 : i32
      %dma_wait3A_122 = tpu.memref_slice %arg5[%arg0, %add3A_96, %dma_wait3A_121] : memref<2x10112x128xf32, #tpu.memory_space<hbm>> -> memref<1x96x128xf32, #tpu.memory_space<hbm>>
      %dma_wait3A_123 = tpu.memref_squeeze %dma_wait3A_122 : memref<1x96x128xf32, #tpu.memory_space<hbm>> -> memref<96x128xf32, #tpu.memory_space<hbm>>
      %dma_wait3A_124 = arith.constant 0 : i32
      %dma_wait3A_125 = arith.constant 0 : i32
      %dma_wait3A_126 = tpu.memref_slice %arg7[%dma_wait3A_124, %dma_wait3A_125] : memref<96x128xf32, #tpu.memory_space<vmem>> -> memref<96x128xf32, #tpu.memory_space<vmem>>
      tpu.wait_dma2 semaphore(%run_scoped3A : memref<!tpu.dma_semaphore, #tpu.memory_space<semaphore_mem>>) src(%dma_wait3A_126 : memref<96x128xf32, #tpu.memory_space<vmem>>) dst(%dma_wait3A_123 : memref<96x128xf32, #tpu.memory_space<hbm>>)
      tpu.yield
    }) : () -> ()
    %mul3A_97 = arith.constant 632 : i32
    %mul3A_98 = arith.muli %arg1, %mul3A_97 : i32
    %add3A_99 = arith.constant 576 : i32
    %add3A_100 = arith.addi %mul3A_98, %add3A_99 : i32
    "tpu.region"() ({
      %run_scoped3A = tpu.sem_alloc : memref<!tpu.dma_semaphore, #tpu.memory_space<semaphore_mem>>
      %dma_start3A = arith.constant 0 : i32
      %dma_start3A_105 = arith.constant 0 : i32
      %dma_start3A_106 = tpu.memref_slice %arg7[%dma_start3A, %dma_start3A_105] : memref<96x128xf32, #tpu.memory_space<vmem>> -> memref<56x128xf32, #tpu.memory_space<vmem>>
      %dma_start3A_107 = arith.constant 0 : i32
      %dma_start3A_108 = tpu.memref_slice %arg9[%add3A_100, %dma_start3A_107] : memref<10112x128xf32, #tpu.memory_space<vmem_shared>> -> memref<56x128xf32, #tpu.memory_space<vmem_shared>>
      %dma_start3A_109 = arith.constant 0 : i32
      %dma_start3A_110 = arith.constant 0 : i32
      %dma_start3A_111 = tpu.memref_slice %arg7[%dma_start3A_109, %dma_start3A_110] : memref<96x128xf32, #tpu.memory_space<vmem>> -> memref<56x128xf32, #tpu.memory_space<vmem>>
      %dma_start3A_112 = arith.constant 0 : i32
      %dma_start3A_113 = tpu.memref_slice %arg9[%add3A_100, %dma_start3A_112] : memref<10112x128xf32, #tpu.memory_space<vmem_shared>> -> memref<56x128xf32, #tpu.memory_space<vmem_shared>>
      tpu.enqueue_dma source(%dma_start3A_113 : memref<56x128xf32, #tpu.memory_space<vmem_shared>>) target(%dma_start3A_111 : memref<56x128xf32, #tpu.memory_space<vmem>>) target_semaphore(%run_scoped3A : memref<!tpu.dma_semaphore, #tpu.memory_space<semaphore_mem>>)
      %dma_wait3A = arith.constant 0 : i32
      %dma_wait3A_114 = arith.constant 0 : i32
      %dma_wait3A_115 = tpu.memref_slice %arg7[%dma_wait3A, %dma_wait3A_114] : memref<96x128xf32, #tpu.memory_space<vmem>> -> memref<56x128xf32, #tpu.memory_space<vmem>>
      %dma_wait3A_116 = arith.constant 0 : i32
      %dma_wait3A_117 = tpu.memref_slice %arg9[%add3A_100, %dma_wait3A_116] : memref<10112x128xf32, #tpu.memory_space<vmem_shared>> -> memref<56x128xf32, #tpu.memory_space<vmem_shared>>
      %dma_wait3A_118 = arith.constant 0 : i32
      %dma_wait3A_119 = arith.constant 0 : i32
      %dma_wait3A_120 = tpu.memref_slice %arg7[%dma_wait3A_118, %dma_wait3A_119] : memref<96x128xf32, #tpu.memory_space<vmem>> -> memref<56x128xf32, #tpu.memory_space<vmem>>
      %dma_wait3A_121 = arith.constant 0 : i32
      %dma_wait3A_122 = tpu.memref_slice %arg9[%add3A_100, %dma_wait3A_121] : memref<10112x128xf32, #tpu.memory_space<vmem_shared>> -> memref<56x128xf32, #tpu.memory_space<vmem_shared>>
      tpu.wait_dma2 semaphore(%run_scoped3A : memref<!tpu.dma_semaphore, #tpu.memory_space<semaphore_mem>>) src(%dma_wait3A_122 : memref<56x128xf32, #tpu.memory_space<vmem_shared>>) dst(%dma_wait3A_120 : memref<56x128xf32, #tpu.memory_space<vmem>>)
      tpu.yield
    }) : () -> ()
    %mul3A_101 = arith.constant 632 : i32
    %mul3A_102 = arith.muli %arg1, %mul3A_101 : i32
    %add3A_103 = arith.constant 576 : i32
    %add3A_104 = arith.addi %mul3A_102, %add3A_103 : i32
    "tpu.region"() ({
      %run_scoped3A = tpu.sem_alloc : memref<!tpu.dma_semaphore, #tpu.memory_space<semaphore_mem>>
      %dma_start3A = arith.constant 0 : i32
      %dma_start3A_105 = arith.constant 0 : i32
      %dma_start3A_106 = tpu.memref_slice %arg7[%dma_start3A, %dma_start3A_105] : memref<96x128xf32, #tpu.memory_space<vmem>> -> memref<56x128xf32, #tpu.memory_space<vmem>>
      %dma_start3A_107 = arith.constant 0 : i32
      %dma_start3A_108 = tpu.memref_slice %arg5[%arg0, %add3A_104, %dma_start3A_107] : memref<2x10112x128xf32, #tpu.memory_space<hbm>> -> memref<1x56x128xf32, #tpu.memory_space<hbm>>
      %dma_start3A_109 = tpu.memref_squeeze %dma_start3A_108 : memref<1x56x128xf32, #tpu.memory_space<hbm>> -> memref<56x128xf32, #tpu.memory_space<hbm>>
      %dma_start3A_110 = arith.constant 0 : i32
      %dma_start3A_111 = tpu.memref_slice %arg5[%arg0, %add3A_104, %dma_start3A_110] : memref<2x10112x128xf32, #tpu.memory_space<hbm>> -> memref<1x56x128xf32, #tpu.memory_space<hbm>>
      %dma_start3A_112 = tpu.memref_squeeze %dma_start3A_111 : memref<1x56x128xf32, #tpu.memory_space<hbm>> -> memref<56x128xf32, #tpu.memory_space<hbm>>
      %dma_start3A_113 = arith.constant 0 : i32
      %dma_start3A_114 = arith.constant 0 : i32
      %dma_start3A_115 = tpu.memref_slice %arg7[%dma_start3A_113, %dma_start3A_114] : memref<96x128xf32, #tpu.memory_space<vmem>> -> memref<56x128xf32, #tpu.memory_space<vmem>>
      tpu.enqueue_dma source(%dma_start3A_115 : memref<56x128xf32, #tpu.memory_space<vmem>>) target(%dma_start3A_112 : memref<56x128xf32, #tpu.memory_space<hbm>>) target_semaphore(%run_scoped3A : memref<!tpu.dma_semaphore, #tpu.memory_space<semaphore_mem>>)
      %dma_wait3A = arith.constant 0 : i32
      %dma_wait3A_116 = arith.constant 0 : i32
      %dma_wait3A_117 = tpu.memref_slice %arg7[%dma_wait3A, %dma_wait3A_116] : memref<96x128xf32, #tpu.memory_space<vmem>> -> memref<56x128xf32, #tpu.memory_space<vmem>>
      %dma_wait3A_118 = arith.constant 0 : i32
      %dma_wait3A_119 = tpu.memref_slice %arg5[%arg0, %add3A_104, %dma_wait3A_118] : memref<2x10112x128xf32, #tpu.memory_space<hbm>> -> memref<1x56x128xf32, #tpu.memory_space<hbm>>
      %dma_wait3A_120 = tpu.memref_squeeze %dma_wait3A_119 : memref<1x56x128xf32, #tpu.memory_space<hbm>> -> memref<56x128xf32, #tpu.memory_space<hbm>>
      %dma_wait3A_121 = arith.constant 0 : i32
      %dma_wait3A_122 = tpu.memref_slice %arg5[%arg0, %add3A_104, %dma_wait3A_121] : memref<2x10112x128xf32, #tpu.memory_space<hbm>> -> memref<1x56x128xf32, #tpu.memory_space<hbm>>
      %dma_wait3A_123 = tpu.memref_squeeze %dma_wait3A_122 : memref<1x56x128xf32, #tpu.memory_space<hbm>> -> memref<56x128xf32, #tpu.memory_space<hbm>>
      %dma_wait3A_124 = arith.constant 0 : i32
      %dma_wait3A_125 = arith.constant 0 : i32
      %dma_wait3A_126 = tpu.memref_slice %arg7[%dma_wait3A_124, %dma_wait3A_125] : memref<96x128xf32, #tpu.memory_space<vmem>> -> memref<56x128xf32, #tpu.memory_space<vmem>>
      tpu.wait_dma2 semaphore(%run_scoped3A : memref<!tpu.dma_semaphore, #tpu.memory_space<semaphore_mem>>) src(%dma_wait3A_126 : memref<56x128xf32, #tpu.memory_space<vmem>>) dst(%dma_wait3A_123 : memref<56x128xf32, #tpu.memory_space<hbm>>)
      tpu.yield
    }) : () -> ()
    return
  }
}

#map = affine_map<(d0, d1) -> (0, 0, 0)>
#map1 = affine_map<(d0, d1) -> (0, 0)>
module attributes {stable_mosaic.version = 14 : i64} {
  func.func @_sc_deg(%arg0: i32, %arg1: i32, %arg2: memref<32x80x128xi32, #tpu.memory_space<hbm>>, %arg3: memref<128x128xf32, #tpu.memory_space<hbm>>, %arg4: memref<128x128xf32, #tpu.memory_space<hbm>>, %arg5: memref<2x10112x128xf32, #tpu.memory_space<hbm>>, %arg6: memref<80x128xi32, #tpu.memory_space<vmem>>, %arg7: memref<128x128xf32, #tpu.memory_space<vmem>>, %arg8: memref<128x128xf32, #tpu.memory_space<vmem>>, %arg9: memref<10112x128xf32, #tpu.memory_space<vmem_shared>>) attributes {dimension_semantics = [#tpu.dimension_semantics<core_parallel>, #tpu.dimension_semantics<subcore_parallel>], iteration_bounds = array<i64: 2, 16>, scalar_prefetch = 0 : i64, scratch_operands = 4 : i64, tpu.core_type = #tpu.core_type<sc_vector_subcore>, window_params = [{transform_indices = #map}, {transform_indices = #map1}, {transform_indices = #map1}, {transform_indices = #map}]} {
    %mul3A = arith.constant 16 : i32
    %mul3A_0 = arith.muli %arg0, %mul3A : i32
    %add3A = arith.addi %mul3A_0, %arg1 : i32
    "tpu.region"() ({
      %run_scoped3A = tpu.sem_alloc : memref<!tpu.dma_semaphore, #tpu.memory_space<semaphore_mem>>
      %dma_start3A = arith.constant 0 : i32
      %dma_start3A_67 = arith.constant 0 : i32
      %dma_start3A_68 = tpu.memref_slice %arg2[%add3A, %dma_start3A, %dma_start3A_67] : memref<32x80x128xi32, #tpu.memory_space<hbm>> -> memref<1x80x128xi32, #tpu.memory_space<hbm>>
      %dma_start3A_69 = tpu.memref_squeeze %dma_start3A_68 : memref<1x80x128xi32, #tpu.memory_space<hbm>> -> memref<80x128xi32, #tpu.memory_space<hbm>>
      %dma_start3A_70 = arith.constant 0 : i32
      %dma_start3A_71 = arith.constant 0 : i32
      %dma_start3A_72 = tpu.memref_slice %arg2[%add3A, %dma_start3A_70, %dma_start3A_71] : memref<32x80x128xi32, #tpu.memory_space<hbm>> -> memref<1x80x128xi32, #tpu.memory_space<hbm>>
      %dma_start3A_73 = tpu.memref_squeeze %dma_start3A_72 : memref<1x80x128xi32, #tpu.memory_space<hbm>> -> memref<80x128xi32, #tpu.memory_space<hbm>>
      tpu.enqueue_dma source(%dma_start3A_73 : memref<80x128xi32, #tpu.memory_space<hbm>>) target(%arg6 : memref<80x128xi32, #tpu.memory_space<vmem>>) target_semaphore(%run_scoped3A : memref<!tpu.dma_semaphore, #tpu.memory_space<semaphore_mem>>)
      %dma_wait3A = arith.constant 0 : i32
      %dma_wait3A_74 = arith.constant 0 : i32
      %dma_wait3A_75 = tpu.memref_slice %arg2[%add3A, %dma_wait3A, %dma_wait3A_74] : memref<32x80x128xi32, #tpu.memory_space<hbm>> -> memref<1x80x128xi32, #tpu.memory_space<hbm>>
      %dma_wait3A_76 = tpu.memref_squeeze %dma_wait3A_75 : memref<1x80x128xi32, #tpu.memory_space<hbm>> -> memref<80x128xi32, #tpu.memory_space<hbm>>
      %dma_wait3A_77 = arith.constant 0 : i32
      %dma_wait3A_78 = arith.constant 0 : i32
      %dma_wait3A_79 = tpu.memref_slice %arg2[%add3A, %dma_wait3A_77, %dma_wait3A_78] : memref<32x80x128xi32, #tpu.memory_space<hbm>> -> memref<1x80x128xi32, #tpu.memory_space<hbm>>
      %dma_wait3A_80 = tpu.memref_squeeze %dma_wait3A_79 : memref<1x80x128xi32, #tpu.memory_space<hbm>> -> memref<80x128xi32, #tpu.memory_space<hbm>>
      tpu.wait_dma2 semaphore(%run_scoped3A : memref<!tpu.dma_semaphore, #tpu.memory_space<semaphore_mem>>) src(%dma_wait3A_80 : memref<80x128xi32, #tpu.memory_space<hbm>>) dst(%arg6 : memref<80x128xi32, #tpu.memory_space<vmem>>)
      tpu.yield
    }) : () -> ()
    "tpu.region"() ({
      %run_scoped3A = tpu.sem_alloc : memref<!tpu.dma_semaphore, #tpu.memory_space<semaphore_mem>>
      tpu.enqueue_dma source(%arg3 : memref<128x128xf32, #tpu.memory_space<hbm>>) target(%arg7 : memref<128x128xf32, #tpu.memory_space<vmem>>) target_semaphore(%run_scoped3A : memref<!tpu.dma_semaphore, #tpu.memory_space<semaphore_mem>>)
      tpu.wait_dma2 semaphore(%run_scoped3A : memref<!tpu.dma_semaphore, #tpu.memory_space<semaphore_mem>>) src(%arg3 : memref<128x128xf32, #tpu.memory_space<hbm>>) dst(%arg7 : memref<128x128xf32, #tpu.memory_space<vmem>>)
      tpu.yield
    }) : () -> ()
    "tpu.region"() ({
      %run_scoped3A = tpu.sem_alloc : memref<!tpu.dma_semaphore, #tpu.memory_space<semaphore_mem>>
      tpu.enqueue_dma source(%arg4 : memref<128x128xf32, #tpu.memory_space<hbm>>) target(%arg8 : memref<128x128xf32, #tpu.memory_space<vmem>>) target_semaphore(%run_scoped3A : memref<!tpu.dma_semaphore, #tpu.memory_space<semaphore_mem>>)
      tpu.wait_dma2 semaphore(%run_scoped3A : memref<!tpu.dma_semaphore, #tpu.memory_space<semaphore_mem>>) src(%arg4 : memref<128x128xf32, #tpu.memory_space<hbm>>) dst(%arg8 : memref<128x128xf32, #tpu.memory_space<vmem>>)
      tpu.yield
    }) : () -> ()
    %mul3A_1 = arith.constant 632 : i32
    %mul3A_2 = arith.muli %arg1, %mul3A_1 : i32
    %add3A_3 = arith.constant 0 : i32
    %add3A_4 = arith.addi %mul3A_2, %add3A_3 : i32
    "tpu.region"() ({
      %run_scoped3A = tpu.sem_alloc : memref<!tpu.dma_semaphore, #tpu.memory_space<semaphore_mem>>
      %dma_start3A = arith.constant 0 : i32
      %dma_start3A_67 = arith.constant 0 : i32
      %dma_start3A_68 = tpu.memref_slice %arg8[%dma_start3A, %dma_start3A_67] : memref<128x128xf32, #tpu.memory_space<vmem>> -> memref<128x128xf32, #tpu.memory_space<vmem>>
      %dma_start3A_69 = arith.constant 0 : i32
      %dma_start3A_70 = tpu.memref_slice %arg9[%add3A_4, %dma_start3A_69] : memref<10112x128xf32, #tpu.memory_space<vmem_shared>> -> memref<128x128xf32, #tpu.memory_space<vmem_shared>>
      %dma_start3A_71 = arith.constant 0 : i32
      %dma_start3A_72 = tpu.memref_slice %arg9[%add3A_4, %dma_start3A_71] : memref<10112x128xf32, #tpu.memory_space<vmem_shared>> -> memref<128x128xf32, #tpu.memory_space<vmem_shared>>
      %dma_start3A_73 = arith.constant 0 : i32
      %dma_start3A_74 = arith.constant 0 : i32
      %dma_start3A_75 = tpu.memref_slice %arg8[%dma_start3A_73, %dma_start3A_74] : memref<128x128xf32, #tpu.memory_space<vmem>> -> memref<128x128xf32, #tpu.memory_space<vmem>>
      tpu.enqueue_dma source(%dma_start3A_75 : memref<128x128xf32, #tpu.memory_space<vmem>>) target(%dma_start3A_72 : memref<128x128xf32, #tpu.memory_space<vmem_shared>>) target_semaphore(%run_scoped3A : memref<!tpu.dma_semaphore, #tpu.memory_space<semaphore_mem>>)
      %dma_wait3A = arith.constant 0 : i32
      %dma_wait3A_76 = arith.constant 0 : i32
      %dma_wait3A_77 = tpu.memref_slice %arg8[%dma_wait3A, %dma_wait3A_76] : memref<128x128xf32, #tpu.memory_space<vmem>> -> memref<128x128xf32, #tpu.memory_space<vmem>>
      %dma_wait3A_78 = arith.constant 0 : i32
      %dma_wait3A_79 = tpu.memref_slice %arg9[%add3A_4, %dma_wait3A_78] : memref<10112x128xf32, #tpu.memory_space<vmem_shared>> -> memref<128x128xf32, #tpu.memory_space<vmem_shared>>
      %dma_wait3A_80 = arith.constant 0 : i32
      %dma_wait3A_81 = tpu.memref_slice %arg9[%add3A_4, %dma_wait3A_80] : memref<10112x128xf32, #tpu.memory_space<vmem_shared>> -> memref<128x128xf32, #tpu.memory_space<vmem_shared>>
      %dma_wait3A_82 = arith.constant 0 : i32
      %dma_wait3A_83 = arith.constant 0 : i32
      %dma_wait3A_84 = tpu.memref_slice %arg8[%dma_wait3A_82, %dma_wait3A_83] : memref<128x128xf32, #tpu.memory_space<vmem>> -> memref<128x128xf32, #tpu.memory_space<vmem>>
      tpu.wait_dma2 semaphore(%run_scoped3A : memref<!tpu.dma_semaphore, #tpu.memory_space<semaphore_mem>>) src(%dma_wait3A_84 : memref<128x128xf32, #tpu.memory_space<vmem>>) dst(%dma_wait3A_81 : memref<128x128xf32, #tpu.memory_space<vmem_shared>>)
      tpu.yield
    }) : () -> ()
    %mul3A_5 = arith.constant 632 : i32
    %mul3A_6 = arith.muli %arg1, %mul3A_5 : i32
    %add3A_7 = arith.constant 128 : i32
    %add3A_8 = arith.addi %mul3A_6, %add3A_7 : i32
    "tpu.region"() ({
      %run_scoped3A = tpu.sem_alloc : memref<!tpu.dma_semaphore, #tpu.memory_space<semaphore_mem>>
      %dma_start3A = arith.constant 0 : i32
      %dma_start3A_67 = arith.constant 0 : i32
      %dma_start3A_68 = tpu.memref_slice %arg8[%dma_start3A, %dma_start3A_67] : memref<128x128xf32, #tpu.memory_space<vmem>> -> memref<128x128xf32, #tpu.memory_space<vmem>>
      %dma_start3A_69 = arith.constant 0 : i32
      %dma_start3A_70 = tpu.memref_slice %arg9[%add3A_8, %dma_start3A_69] : memref<10112x128xf32, #tpu.memory_space<vmem_shared>> -> memref<128x128xf32, #tpu.memory_space<vmem_shared>>
      %dma_start3A_71 = arith.constant 0 : i32
      %dma_start3A_72 = tpu.memref_slice %arg9[%add3A_8, %dma_start3A_71] : memref<10112x128xf32, #tpu.memory_space<vmem_shared>> -> memref<128x128xf32, #tpu.memory_space<vmem_shared>>
      %dma_start3A_73 = arith.constant 0 : i32
      %dma_start3A_74 = arith.constant 0 : i32
      %dma_start3A_75 = tpu.memref_slice %arg8[%dma_start3A_73, %dma_start3A_74] : memref<128x128xf32, #tpu.memory_space<vmem>> -> memref<128x128xf32, #tpu.memory_space<vmem>>
      tpu.enqueue_dma source(%dma_start3A_75 : memref<128x128xf32, #tpu.memory_space<vmem>>) target(%dma_start3A_72 : memref<128x128xf32, #tpu.memory_space<vmem_shared>>) target_semaphore(%run_scoped3A : memref<!tpu.dma_semaphore, #tpu.memory_space<semaphore_mem>>)
      %dma_wait3A = arith.constant 0 : i32
      %dma_wait3A_76 = arith.constant 0 : i32
      %dma_wait3A_77 = tpu.memref_slice %arg8[%dma_wait3A, %dma_wait3A_76] : memref<128x128xf32, #tpu.memory_space<vmem>> -> memref<128x128xf32, #tpu.memory_space<vmem>>
      %dma_wait3A_78 = arith.constant 0 : i32
      %dma_wait3A_79 = tpu.memref_slice %arg9[%add3A_8, %dma_wait3A_78] : memref<10112x128xf32, #tpu.memory_space<vmem_shared>> -> memref<128x128xf32, #tpu.memory_space<vmem_shared>>
      %dma_wait3A_80 = arith.constant 0 : i32
      %dma_wait3A_81 = tpu.memref_slice %arg9[%add3A_8, %dma_wait3A_80] : memref<10112x128xf32, #tpu.memory_space<vmem_shared>> -> memref<128x128xf32, #tpu.memory_space<vmem_shared>>
      %dma_wait3A_82 = arith.constant 0 : i32
      %dma_wait3A_83 = arith.constant 0 : i32
      %dma_wait3A_84 = tpu.memref_slice %arg8[%dma_wait3A_82, %dma_wait3A_83] : memref<128x128xf32, #tpu.memory_space<vmem>> -> memref<128x128xf32, #tpu.memory_space<vmem>>
      tpu.wait_dma2 semaphore(%run_scoped3A : memref<!tpu.dma_semaphore, #tpu.memory_space<semaphore_mem>>) src(%dma_wait3A_84 : memref<128x128xf32, #tpu.memory_space<vmem>>) dst(%dma_wait3A_81 : memref<128x128xf32, #tpu.memory_space<vmem_shared>>)
      tpu.yield
    }) : () -> ()
    %mul3A_9 = arith.constant 632 : i32
    %mul3A_10 = arith.muli %arg1, %mul3A_9 : i32
    %add3A_11 = arith.constant 256 : i32
    %add3A_12 = arith.addi %mul3A_10, %add3A_11 : i32
    "tpu.region"() ({
      %run_scoped3A = tpu.sem_alloc : memref<!tpu.dma_semaphore, #tpu.memory_space<semaphore_mem>>
      %dma_start3A = arith.constant 0 : i32
      %dma_start3A_67 = arith.constant 0 : i32
      %dma_start3A_68 = tpu.memref_slice %arg8[%dma_start3A, %dma_start3A_67] : memref<128x128xf32, #tpu.memory_space<vmem>> -> memref<128x128xf32, #tpu.memory_space<vmem>>
      %dma_start3A_69 = arith.constant 0 : i32
      %dma_start3A_70 = tpu.memref_slice %arg9[%add3A_12, %dma_start3A_69] : memref<10112x128xf32, #tpu.memory_space<vmem_shared>> -> memref<128x128xf32, #tpu.memory_space<vmem_shared>>
      %dma_start3A_71 = arith.constant 0 : i32
      %dma_start3A_72 = tpu.memref_slice %arg9[%add3A_12, %dma_start3A_71] : memref<10112x128xf32, #tpu.memory_space<vmem_shared>> -> memref<128x128xf32, #tpu.memory_space<vmem_shared>>
      %dma_start3A_73 = arith.constant 0 : i32
      %dma_start3A_74 = arith.constant 0 : i32
      %dma_start3A_75 = tpu.memref_slice %arg8[%dma_start3A_73, %dma_start3A_74] : memref<128x128xf32, #tpu.memory_space<vmem>> -> memref<128x128xf32, #tpu.memory_space<vmem>>
      tpu.enqueue_dma source(%dma_start3A_75 : memref<128x128xf32, #tpu.memory_space<vmem>>) target(%dma_start3A_72 : memref<128x128xf32, #tpu.memory_space<vmem_shared>>) target_semaphore(%run_scoped3A : memref<!tpu.dma_semaphore, #tpu.memory_space<semaphore_mem>>)
      %dma_wait3A = arith.constant 0 : i32
      %dma_wait3A_76 = arith.constant 0 : i32
      %dma_wait3A_77 = tpu.memref_slice %arg8[%dma_wait3A, %dma_wait3A_76] : memref<128x128xf32, #tpu.memory_space<vmem>> -> memref<128x128xf32, #tpu.memory_space<vmem>>
      %dma_wait3A_78 = arith.constant 0 : i32
      %dma_wait3A_79 = tpu.memref_slice %arg9[%add3A_12, %dma_wait3A_78] : memref<10112x128xf32, #tpu.memory_space<vmem_shared>> -> memref<128x128xf32, #tpu.memory_space<vmem_shared>>
      %dma_wait3A_80 = arith.constant 0 : i32
      %dma_wait3A_81 = tpu.memref_slice %arg9[%add3A_12, %dma_wait3A_80] : memref<10112x128xf32, #tpu.memory_space<vmem_shared>> -> memref<128x128xf32, #tpu.memory_space<vmem_shared>>
      %dma_wait3A_82 = arith.constant 0 : i32
      %dma_wait3A_83 = arith.constant 0 : i32
      %dma_wait3A_84 = tpu.memref_slice %arg8[%dma_wait3A_82, %dma_wait3A_83] : memref<128x128xf32, #tpu.memory_space<vmem>> -> memref<128x128xf32, #tpu.memory_space<vmem>>
      tpu.wait_dma2 semaphore(%run_scoped3A : memref<!tpu.dma_semaphore, #tpu.memory_space<semaphore_mem>>) src(%dma_wait3A_84 : memref<128x128xf32, #tpu.memory_space<vmem>>) dst(%dma_wait3A_81 : memref<128x128xf32, #tpu.memory_space<vmem_shared>>)
      tpu.yield
    }) : () -> ()
    %mul3A_13 = arith.constant 632 : i32
    %mul3A_14 = arith.muli %arg1, %mul3A_13 : i32
    %add3A_15 = arith.constant 384 : i32
    %add3A_16 = arith.addi %mul3A_14, %add3A_15 : i32
    "tpu.region"() ({
      %run_scoped3A = tpu.sem_alloc : memref<!tpu.dma_semaphore, #tpu.memory_space<semaphore_mem>>
      %dma_start3A = arith.constant 0 : i32
      %dma_start3A_67 = arith.constant 0 : i32
      %dma_start3A_68 = tpu.memref_slice %arg8[%dma_start3A, %dma_start3A_67] : memref<128x128xf32, #tpu.memory_space<vmem>> -> memref<128x128xf32, #tpu.memory_space<vmem>>
      %dma_start3A_69 = arith.constant 0 : i32
      %dma_start3A_70 = tpu.memref_slice %arg9[%add3A_16, %dma_start3A_69] : memref<10112x128xf32, #tpu.memory_space<vmem_shared>> -> memref<128x128xf32, #tpu.memory_space<vmem_shared>>
      %dma_start3A_71 = arith.constant 0 : i32
      %dma_start3A_72 = tpu.memref_slice %arg9[%add3A_16, %dma_start3A_71] : memref<10112x128xf32, #tpu.memory_space<vmem_shared>> -> memref<128x128xf32, #tpu.memory_space<vmem_shared>>
      %dma_start3A_73 = arith.constant 0 : i32
      %dma_start3A_74 = arith.constant 0 : i32
      %dma_start3A_75 = tpu.memref_slice %arg8[%dma_start3A_73, %dma_start3A_74] : memref<128x128xf32, #tpu.memory_space<vmem>> -> memref<128x128xf32, #tpu.memory_space<vmem>>
      tpu.enqueue_dma source(%dma_start3A_75 : memref<128x128xf32, #tpu.memory_space<vmem>>) target(%dma_start3A_72 : memref<128x128xf32, #tpu.memory_space<vmem_shared>>) target_semaphore(%run_scoped3A : memref<!tpu.dma_semaphore, #tpu.memory_space<semaphore_mem>>)
      %dma_wait3A = arith.constant 0 : i32
      %dma_wait3A_76 = arith.constant 0 : i32
      %dma_wait3A_77 = tpu.memref_slice %arg8[%dma_wait3A, %dma_wait3A_76] : memref<128x128xf32, #tpu.memory_space<vmem>> -> memref<128x128xf32, #tpu.memory_space<vmem>>
      %dma_wait3A_78 = arith.constant 0 : i32
      %dma_wait3A_79 = tpu.memref_slice %arg9[%add3A_16, %dma_wait3A_78] : memref<10112x128xf32, #tpu.memory_space<vmem_shared>> -> memref<128x128xf32, #tpu.memory_space<vmem_shared>>
      %dma_wait3A_80 = arith.constant 0 : i32
      %dma_wait3A_81 = tpu.memref_slice %arg9[%add3A_16, %dma_wait3A_80] : memref<10112x128xf32, #tpu.memory_space<vmem_shared>> -> memref<128x128xf32, #tpu.memory_space<vmem_shared>>
      %dma_wait3A_82 = arith.constant 0 : i32
      %dma_wait3A_83 = arith.constant 0 : i32
      %dma_wait3A_84 = tpu.memref_slice %arg8[%dma_wait3A_82, %dma_wait3A_83] : memref<128x128xf32, #tpu.memory_space<vmem>> -> memref<128x128xf32, #tpu.memory_space<vmem>>
      tpu.wait_dma2 semaphore(%run_scoped3A : memref<!tpu.dma_semaphore, #tpu.memory_space<semaphore_mem>>) src(%dma_wait3A_84 : memref<128x128xf32, #tpu.memory_space<vmem>>) dst(%dma_wait3A_81 : memref<128x128xf32, #tpu.memory_space<vmem_shared>>)
      tpu.yield
    }) : () -> ()
    %mul3A_17 = arith.constant 632 : i32
    %mul3A_18 = arith.muli %arg1, %mul3A_17 : i32
    %add3A_19 = arith.constant 512 : i32
    %add3A_20 = arith.addi %mul3A_18, %add3A_19 : i32
    "tpu.region"() ({
      %run_scoped3A = tpu.sem_alloc : memref<!tpu.dma_semaphore, #tpu.memory_space<semaphore_mem>>
      %dma_start3A = arith.constant 0 : i32
      %dma_start3A_67 = arith.constant 0 : i32
      %dma_start3A_68 = tpu.memref_slice %arg8[%dma_start3A, %dma_start3A_67] : memref<128x128xf32, #tpu.memory_space<vmem>> -> memref<120x128xf32, #tpu.memory_space<vmem>>
      %dma_start3A_69 = arith.constant 0 : i32
      %dma_start3A_70 = tpu.memref_slice %arg9[%add3A_20, %dma_start3A_69] : memref<10112x128xf32, #tpu.memory_space<vmem_shared>> -> memref<120x128xf32, #tpu.memory_space<vmem_shared>>
      %dma_start3A_71 = arith.constant 0 : i32
      %dma_start3A_72 = tpu.memref_slice %arg9[%add3A_20, %dma_start3A_71] : memref<10112x128xf32, #tpu.memory_space<vmem_shared>> -> memref<120x128xf32, #tpu.memory_space<vmem_shared>>
      %dma_start3A_73 = arith.constant 0 : i32
      %dma_start3A_74 = arith.constant 0 : i32
      %dma_start3A_75 = tpu.memref_slice %arg8[%dma_start3A_73, %dma_start3A_74] : memref<128x128xf32, #tpu.memory_space<vmem>> -> memref<120x128xf32, #tpu.memory_space<vmem>>
      tpu.enqueue_dma source(%dma_start3A_75 : memref<120x128xf32, #tpu.memory_space<vmem>>) target(%dma_start3A_72 : memref<120x128xf32, #tpu.memory_space<vmem_shared>>) target_semaphore(%run_scoped3A : memref<!tpu.dma_semaphore, #tpu.memory_space<semaphore_mem>>)
      %dma_wait3A = arith.constant 0 : i32
      %dma_wait3A_76 = arith.constant 0 : i32
      %dma_wait3A_77 = tpu.memref_slice %arg8[%dma_wait3A, %dma_wait3A_76] : memref<128x128xf32, #tpu.memory_space<vmem>> -> memref<120x128xf32, #tpu.memory_space<vmem>>
      %dma_wait3A_78 = arith.constant 0 : i32
      %dma_wait3A_79 = tpu.memref_slice %arg9[%add3A_20, %dma_wait3A_78] : memref<10112x128xf32, #tpu.memory_space<vmem_shared>> -> memref<120x128xf32, #tpu.memory_space<vmem_shared>>
      %dma_wait3A_80 = arith.constant 0 : i32
      %dma_wait3A_81 = tpu.memref_slice %arg9[%add3A_20, %dma_wait3A_80] : memref<10112x128xf32, #tpu.memory_space<vmem_shared>> -> memref<120x128xf32, #tpu.memory_space<vmem_shared>>
      %dma_wait3A_82 = arith.constant 0 : i32
      %dma_wait3A_83 = arith.constant 0 : i32
      %dma_wait3A_84 = tpu.memref_slice %arg8[%dma_wait3A_82, %dma_wait3A_83] : memref<128x128xf32, #tpu.memory_space<vmem>> -> memref<120x128xf32, #tpu.memory_space<vmem>>
      tpu.wait_dma2 semaphore(%run_scoped3A : memref<!tpu.dma_semaphore, #tpu.memory_space<semaphore_mem>>) src(%dma_wait3A_84 : memref<120x128xf32, #tpu.memory_space<vmem>>) dst(%dma_wait3A_81 : memref<120x128xf32, #tpu.memory_space<vmem_shared>>)
      tpu.yield
    }) : () -> ()
    %barrier3A = arith.constant 0 : index
    tpu.barrier barrier_id(%barrier3A)
    %scan3A = arith.constant 0 : i32
    %scan3A_21 = arith.constant 0 : i32
    %scan3A_22 = arith.constant 80 : i32
    %scan3A_23 = arith.addi %scan3A_21, %scan3A_22 : i32
    %scan3A_24 = arith.constant 1 : i32
    scf.for %scan3A_67 = %scan3A_21 to %scan3A_23 step %scan3A_24  : i32 {
      "tpu.region"() ({
        %run_scoped3A = tpu.sem_alloc : memref<!tpu.dma_semaphore, #tpu.memory_space<semaphore_mem>>
        %dma_start3A = arith.constant 0 : i32
        %dma_start3A_68 = tpu.memref_slice %arg6[%scan3A_67, %dma_start3A] : memref<80x128xi32, #tpu.memory_space<vmem>> -> memref<1x128xi32, #tpu.memory_space<vmem>>
        %dma_start3A_69 = tpu.memref_squeeze %dma_start3A_68 : memref<1x128xi32, #tpu.memory_space<vmem>> -> memref<128xi32, #tpu.memory_space<vmem>>
        %dma_start3A_70 = arith.constant 0 : i32
        %dma_start3A_71 = arith.constant 0 : i32
        %dma_start3A_72 = tpu.memref_slice %arg9[%dma_start3A_70, %dma_start3A_71] : memref<10112x128xf32, #tpu.memory_space<vmem_shared>> -> memref<10112x128xf32, #tpu.memory_space<vmem_shared>>
        tpu.enqueue_indirect_dma source(%arg7 : memref<128x128xf32, #tpu.memory_space<vmem>>) target(%dma_start3A_72 : memref<10112x128xf32, #tpu.memory_space<vmem_shared>>) offsets(%dma_start3A_69 : memref<128xi32, #tpu.memory_space<vmem>>) semaphore(%run_scoped3A : memref<!tpu.dma_semaphore, #tpu.memory_space<semaphore_mem>>) {add = true}
        %dma_wait3A = arith.constant 0 : i32
        %dma_wait3A_73 = tpu.memref_slice %arg6[%scan3A_67, %dma_wait3A] : memref<80x128xi32, #tpu.memory_space<vmem>> -> memref<1x128xi32, #tpu.memory_space<vmem>>
        %dma_wait3A_74 = tpu.memref_squeeze %dma_wait3A_73 : memref<1x128xi32, #tpu.memory_space<vmem>> -> memref<128xi32, #tpu.memory_space<vmem>>
        %dma_wait3A_75 = arith.constant 0 : i32
        %dma_wait3A_76 = arith.constant 0 : i32
        %dma_wait3A_77 = tpu.memref_slice %arg9[%dma_wait3A_75, %dma_wait3A_76] : memref<10112x128xf32, #tpu.memory_space<vmem_shared>> -> memref<10112x128xf32, #tpu.memory_space<vmem_shared>>
        tpu.wait_indirect_dma semaphore(%run_scoped3A : memref<!tpu.dma_semaphore, #tpu.memory_space<semaphore_mem>>) src(%arg7 : memref<128x128xf32, #tpu.memory_space<vmem>>) dst(%dma_wait3A_77 : memref<10112x128xf32, #tpu.memory_space<vmem_shared>>)
        tpu.yield
      }) : () -> ()
    }
    %scan3A_25 = arith.constant 80 : i32
    %barrier3A_26 = arith.constant 0 : index
    tpu.barrier barrier_id(%barrier3A_26)
    %mul3A_27 = arith.constant 632 : i32
    %mul3A_28 = arith.muli %arg1, %mul3A_27 : i32
    %add3A_29 = arith.constant 0 : i32
    %add3A_30 = arith.addi %mul3A_28, %add3A_29 : i32
    "tpu.region"() ({
      %run_scoped3A = tpu.sem_alloc : memref<!tpu.dma_semaphore, #tpu.memory_space<semaphore_mem>>
      %dma_start3A = arith.constant 0 : i32
      %dma_start3A_67 = arith.constant 0 : i32
      %dma_start3A_68 = tpu.memref_slice %arg8[%dma_start3A, %dma_start3A_67] : memref<128x128xf32, #tpu.memory_space<vmem>> -> memref<128x128xf32, #tpu.memory_space<vmem>>
      %dma_start3A_69 = arith.constant 0 : i32
      %dma_start3A_70 = tpu.memref_slice %arg9[%add3A_30, %dma_start3A_69] : memref<10112x128xf32, #tpu.memory_space<vmem_shared>> -> memref<128x128xf32, #tpu.memory_space<vmem_shared>>
      %dma_start3A_71 = arith.constant 0 : i32
      %dma_start3A_72 = arith.constant 0 : i32
      %dma_start3A_73 = tpu.memref_slice %arg8[%dma_start3A_71, %dma_start3A_72] : memref<128x128xf32, #tpu.memory_space<vmem>> -> memref<128x128xf32, #tpu.memory_space<vmem>>
      %dma_start3A_74 = arith.constant 0 : i32
      %dma_start3A_75 = tpu.memref_slice %arg9[%add3A_30, %dma_start3A_74] : memref<10112x128xf32, #tpu.memory_space<vmem_shared>> -> memref<128x128xf32, #tpu.memory_space<vmem_shared>>
      tpu.enqueue_dma source(%dma_start3A_75 : memref<128x128xf32, #tpu.memory_space<vmem_shared>>) target(%dma_start3A_73 : memref<128x128xf32, #tpu.memory_space<vmem>>) target_semaphore(%run_scoped3A : memref<!tpu.dma_semaphore, #tpu.memory_space<semaphore_mem>>)
      %dma_wait3A = arith.constant 0 : i32
      %dma_wait3A_76 = arith.constant 0 : i32
      %dma_wait3A_77 = tpu.memref_slice %arg8[%dma_wait3A, %dma_wait3A_76] : memref<128x128xf32, #tpu.memory_space<vmem>> -> memref<128x128xf32, #tpu.memory_space<vmem>>
      %dma_wait3A_78 = arith.constant 0 : i32
      %dma_wait3A_79 = tpu.memref_slice %arg9[%add3A_30, %dma_wait3A_78] : memref<10112x128xf32, #tpu.memory_space<vmem_shared>> -> memref<128x128xf32, #tpu.memory_space<vmem_shared>>
      %dma_wait3A_80 = arith.constant 0 : i32
      %dma_wait3A_81 = arith.constant 0 : i32
      %dma_wait3A_82 = tpu.memref_slice %arg8[%dma_wait3A_80, %dma_wait3A_81] : memref<128x128xf32, #tpu.memory_space<vmem>> -> memref<128x128xf32, #tpu.memory_space<vmem>>
      %dma_wait3A_83 = arith.constant 0 : i32
      %dma_wait3A_84 = tpu.memref_slice %arg9[%add3A_30, %dma_wait3A_83] : memref<10112x128xf32, #tpu.memory_space<vmem_shared>> -> memref<128x128xf32, #tpu.memory_space<vmem_shared>>
      tpu.wait_dma2 semaphore(%run_scoped3A : memref<!tpu.dma_semaphore, #tpu.memory_space<semaphore_mem>>) src(%dma_wait3A_84 : memref<128x128xf32, #tpu.memory_space<vmem_shared>>) dst(%dma_wait3A_82 : memref<128x128xf32, #tpu.memory_space<vmem>>)
      tpu.yield
    }) : () -> ()
    %mul3A_31 = arith.constant 632 : i32
    %mul3A_32 = arith.muli %arg1, %mul3A_31 : i32
    %add3A_33 = arith.constant 0 : i32
    %add3A_34 = arith.addi %mul3A_32, %add3A_33 : i32
    "tpu.region"() ({
      %run_scoped3A = tpu.sem_alloc : memref<!tpu.dma_semaphore, #tpu.memory_space<semaphore_mem>>
      %dma_start3A = arith.constant 0 : i32
      %dma_start3A_67 = arith.constant 0 : i32
      %dma_start3A_68 = tpu.memref_slice %arg8[%dma_start3A, %dma_start3A_67] : memref<128x128xf32, #tpu.memory_space<vmem>> -> memref<128x128xf32, #tpu.memory_space<vmem>>
      %dma_start3A_69 = arith.constant 0 : i32
      %dma_start3A_70 = tpu.memref_slice %arg5[%arg0, %add3A_34, %dma_start3A_69] : memref<2x10112x128xf32, #tpu.memory_space<hbm>> -> memref<1x128x128xf32, #tpu.memory_space<hbm>>
      %dma_start3A_71 = tpu.memref_squeeze %dma_start3A_70 : memref<1x128x128xf32, #tpu.memory_space<hbm>> -> memref<128x128xf32, #tpu.memory_space<hbm>>
      %dma_start3A_72 = arith.constant 0 : i32
      %dma_start3A_73 = tpu.memref_slice %arg5[%arg0, %add3A_34, %dma_start3A_72] : memref<2x10112x128xf32, #tpu.memory_space<hbm>> -> memref<1x128x128xf32, #tpu.memory_space<hbm>>
      %dma_start3A_74 = tpu.memref_squeeze %dma_start3A_73 : memref<1x128x128xf32, #tpu.memory_space<hbm>> -> memref<128x128xf32, #tpu.memory_space<hbm>>
      %dma_start3A_75 = arith.constant 0 : i32
      %dma_start3A_76 = arith.constant 0 : i32
      %dma_start3A_77 = tpu.memref_slice %arg8[%dma_start3A_75, %dma_start3A_76] : memref<128x128xf32, #tpu.memory_space<vmem>> -> memref<128x128xf32, #tpu.memory_space<vmem>>
      tpu.enqueue_dma source(%dma_start3A_77 : memref<128x128xf32, #tpu.memory_space<vmem>>) target(%dma_start3A_74 : memref<128x128xf32, #tpu.memory_space<hbm>>) target_semaphore(%run_scoped3A : memref<!tpu.dma_semaphore, #tpu.memory_space<semaphore_mem>>)
      %dma_wait3A = arith.constant 0 : i32
      %dma_wait3A_78 = arith.constant 0 : i32
      %dma_wait3A_79 = tpu.memref_slice %arg8[%dma_wait3A, %dma_wait3A_78] : memref<128x128xf32, #tpu.memory_space<vmem>> -> memref<128x128xf32, #tpu.memory_space<vmem>>
      %dma_wait3A_80 = arith.constant 0 : i32
      %dma_wait3A_81 = tpu.memref_slice %arg5[%arg0, %add3A_34, %dma_wait3A_80] : memref<2x10112x128xf32, #tpu.memory_space<hbm>> -> memref<1x128x128xf32, #tpu.memory_space<hbm>>
      %dma_wait3A_82 = tpu.memref_squeeze %dma_wait3A_81 : memref<1x128x128xf32, #tpu.memory_space<hbm>> -> memref<128x128xf32, #tpu.memory_space<hbm>>
      %dma_wait3A_83 = arith.constant 0 : i32
      %dma_wait3A_84 = tpu.memref_slice %arg5[%arg0, %add3A_34, %dma_wait3A_83] : memref<2x10112x128xf32, #tpu.memory_space<hbm>> -> memref<1x128x128xf32, #tpu.memory_space<hbm>>
      %dma_wait3A_85 = tpu.memref_squeeze %dma_wait3A_84 : memref<1x128x128xf32, #tpu.memory_space<hbm>> -> memref<128x128xf32, #tpu.memory_space<hbm>>
      %dma_wait3A_86 = arith.constant 0 : i32
      %dma_wait3A_87 = arith.constant 0 : i32
      %dma_wait3A_88 = tpu.memref_slice %arg8[%dma_wait3A_86, %dma_wait3A_87] : memref<128x128xf32, #tpu.memory_space<vmem>> -> memref<128x128xf32, #tpu.memory_space<vmem>>
      tpu.wait_dma2 semaphore(%run_scoped3A : memref<!tpu.dma_semaphore, #tpu.memory_space<semaphore_mem>>) src(%dma_wait3A_88 : memref<128x128xf32, #tpu.memory_space<vmem>>) dst(%dma_wait3A_85 : memref<128x128xf32, #tpu.memory_space<hbm>>)
      tpu.yield
    }) : () -> ()
    %mul3A_35 = arith.constant 632 : i32
    %mul3A_36 = arith.muli %arg1, %mul3A_35 : i32
    %add3A_37 = arith.constant 128 : i32
    %add3A_38 = arith.addi %mul3A_36, %add3A_37 : i32
    "tpu.region"() ({
      %run_scoped3A = tpu.sem_alloc : memref<!tpu.dma_semaphore, #tpu.memory_space<semaphore_mem>>
      %dma_start3A = arith.constant 0 : i32
      %dma_start3A_67 = arith.constant 0 : i32
      %dma_start3A_68 = tpu.memref_slice %arg8[%dma_start3A, %dma_start3A_67] : memref<128x128xf32, #tpu.memory_space<vmem>> -> memref<128x128xf32, #tpu.memory_space<vmem>>
      %dma_start3A_69 = arith.constant 0 : i32
      %dma_start3A_70 = tpu.memref_slice %arg9[%add3A_38, %dma_start3A_69] : memref<10112x128xf32, #tpu.memory_space<vmem_shared>> -> memref<128x128xf32, #tpu.memory_space<vmem_shared>>
      %dma_start3A_71 = arith.constant 0 : i32
      %dma_start3A_72 = arith.constant 0 : i32
      %dma_start3A_73 = tpu.memref_slice %arg8[%dma_start3A_71, %dma_start3A_72] : memref<128x128xf32, #tpu.memory_space<vmem>> -> memref<128x128xf32, #tpu.memory_space<vmem>>
      %dma_start3A_74 = arith.constant 0 : i32
      %dma_start3A_75 = tpu.memref_slice %arg9[%add3A_38, %dma_start3A_74] : memref<10112x128xf32, #tpu.memory_space<vmem_shared>> -> memref<128x128xf32, #tpu.memory_space<vmem_shared>>
      tpu.enqueue_dma source(%dma_start3A_75 : memref<128x128xf32, #tpu.memory_space<vmem_shared>>) target(%dma_start3A_73 : memref<128x128xf32, #tpu.memory_space<vmem>>) target_semaphore(%run_scoped3A : memref<!tpu.dma_semaphore, #tpu.memory_space<semaphore_mem>>)
      %dma_wait3A = arith.constant 0 : i32
      %dma_wait3A_76 = arith.constant 0 : i32
      %dma_wait3A_77 = tpu.memref_slice %arg8[%dma_wait3A, %dma_wait3A_76] : memref<128x128xf32, #tpu.memory_space<vmem>> -> memref<128x128xf32, #tpu.memory_space<vmem>>
      %dma_wait3A_78 = arith.constant 0 : i32
      %dma_wait3A_79 = tpu.memref_slice %arg9[%add3A_38, %dma_wait3A_78] : memref<10112x128xf32, #tpu.memory_space<vmem_shared>> -> memref<128x128xf32, #tpu.memory_space<vmem_shared>>
      %dma_wait3A_80 = arith.constant 0 : i32
      %dma_wait3A_81 = arith.constant 0 : i32
      %dma_wait3A_82 = tpu.memref_slice %arg8[%dma_wait3A_80, %dma_wait3A_81] : memref<128x128xf32, #tpu.memory_space<vmem>> -> memref<128x128xf32, #tpu.memory_space<vmem>>
      %dma_wait3A_83 = arith.constant 0 : i32
      %dma_wait3A_84 = tpu.memref_slice %arg9[%add3A_38, %dma_wait3A_83] : memref<10112x128xf32, #tpu.memory_space<vmem_shared>> -> memref<128x128xf32, #tpu.memory_space<vmem_shared>>
      tpu.wait_dma2 semaphore(%run_scoped3A : memref<!tpu.dma_semaphore, #tpu.memory_space<semaphore_mem>>) src(%dma_wait3A_84 : memref<128x128xf32, #tpu.memory_space<vmem_shared>>) dst(%dma_wait3A_82 : memref<128x128xf32, #tpu.memory_space<vmem>>)
      tpu.yield
    }) : () -> ()
    %mul3A_39 = arith.constant 632 : i32
    %mul3A_40 = arith.muli %arg1, %mul3A_39 : i32
    %add3A_41 = arith.constant 128 : i32
    %add3A_42 = arith.addi %mul3A_40, %add3A_41 : i32
    "tpu.region"() ({
      %run_scoped3A = tpu.sem_alloc : memref<!tpu.dma_semaphore, #tpu.memory_space<semaphore_mem>>
      %dma_start3A = arith.constant 0 : i32
      %dma_start3A_67 = arith.constant 0 : i32
      %dma_start3A_68 = tpu.memref_slice %arg8[%dma_start3A, %dma_start3A_67] : memref<128x128xf32, #tpu.memory_space<vmem>> -> memref<128x128xf32, #tpu.memory_space<vmem>>
      %dma_start3A_69 = arith.constant 0 : i32
      %dma_start3A_70 = tpu.memref_slice %arg5[%arg0, %add3A_42, %dma_start3A_69] : memref<2x10112x128xf32, #tpu.memory_space<hbm>> -> memref<1x128x128xf32, #tpu.memory_space<hbm>>
      %dma_start3A_71 = tpu.memref_squeeze %dma_start3A_70 : memref<1x128x128xf32, #tpu.memory_space<hbm>> -> memref<128x128xf32, #tpu.memory_space<hbm>>
      %dma_start3A_72 = arith.constant 0 : i32
      %dma_start3A_73 = tpu.memref_slice %arg5[%arg0, %add3A_42, %dma_start3A_72] : memref<2x10112x128xf32, #tpu.memory_space<hbm>> -> memref<1x128x128xf32, #tpu.memory_space<hbm>>
      %dma_start3A_74 = tpu.memref_squeeze %dma_start3A_73 : memref<1x128x128xf32, #tpu.memory_space<hbm>> -> memref<128x128xf32, #tpu.memory_space<hbm>>
      %dma_start3A_75 = arith.constant 0 : i32
      %dma_start3A_76 = arith.constant 0 : i32
      %dma_start3A_77 = tpu.memref_slice %arg8[%dma_start3A_75, %dma_start3A_76] : memref<128x128xf32, #tpu.memory_space<vmem>> -> memref<128x128xf32, #tpu.memory_space<vmem>>
      tpu.enqueue_dma source(%dma_start3A_77 : memref<128x128xf32, #tpu.memory_space<vmem>>) target(%dma_start3A_74 : memref<128x128xf32, #tpu.memory_space<hbm>>) target_semaphore(%run_scoped3A : memref<!tpu.dma_semaphore, #tpu.memory_space<semaphore_mem>>)
      %dma_wait3A = arith.constant 0 : i32
      %dma_wait3A_78 = arith.constant 0 : i32
      %dma_wait3A_79 = tpu.memref_slice %arg8[%dma_wait3A, %dma_wait3A_78] : memref<128x128xf32, #tpu.memory_space<vmem>> -> memref<128x128xf32, #tpu.memory_space<vmem>>
      %dma_wait3A_80 = arith.constant 0 : i32
      %dma_wait3A_81 = tpu.memref_slice %arg5[%arg0, %add3A_42, %dma_wait3A_80] : memref<2x10112x128xf32, #tpu.memory_space<hbm>> -> memref<1x128x128xf32, #tpu.memory_space<hbm>>
      %dma_wait3A_82 = tpu.memref_squeeze %dma_wait3A_81 : memref<1x128x128xf32, #tpu.memory_space<hbm>> -> memref<128x128xf32, #tpu.memory_space<hbm>>
      %dma_wait3A_83 = arith.constant 0 : i32
      %dma_wait3A_84 = tpu.memref_slice %arg5[%arg0, %add3A_42, %dma_wait3A_83] : memref<2x10112x128xf32, #tpu.memory_space<hbm>> -> memref<1x128x128xf32, #tpu.memory_space<hbm>>
      %dma_wait3A_85 = tpu.memref_squeeze %dma_wait3A_84 : memref<1x128x128xf32, #tpu.memory_space<hbm>> -> memref<128x128xf32, #tpu.memory_space<hbm>>
      %dma_wait3A_86 = arith.constant 0 : i32
      %dma_wait3A_87 = arith.constant 0 : i32
      %dma_wait3A_88 = tpu.memref_slice %arg8[%dma_wait3A_86, %dma_wait3A_87] : memref<128x128xf32, #tpu.memory_space<vmem>> -> memref<128x128xf32, #tpu.memory_space<vmem>>
      tpu.wait_dma2 semaphore(%run_scoped3A : memref<!tpu.dma_semaphore, #tpu.memory_space<semaphore_mem>>) src(%dma_wait3A_88 : memref<128x128xf32, #tpu.memory_space<vmem>>) dst(%dma_wait3A_85 : memref<128x128xf32, #tpu.memory_space<hbm>>)
      tpu.yield
    }) : () -> ()
    %mul3A_43 = arith.constant 632 : i32
    %mul3A_44 = arith.muli %arg1, %mul3A_43 : i32
    %add3A_45 = arith.constant 256 : i32
    %add3A_46 = arith.addi %mul3A_44, %add3A_45 : i32
    "tpu.region"() ({
      %run_scoped3A = tpu.sem_alloc : memref<!tpu.dma_semaphore, #tpu.memory_space<semaphore_mem>>
      %dma_start3A = arith.constant 0 : i32
      %dma_start3A_67 = arith.constant 0 : i32
      %dma_start3A_68 = tpu.memref_slice %arg8[%dma_start3A, %dma_start3A_67] : memref<128x128xf32, #tpu.memory_space<vmem>> -> memref<128x128xf32, #tpu.memory_space<vmem>>
      %dma_start3A_69 = arith.constant 0 : i32
      %dma_start3A_70 = tpu.memref_slice %arg9[%add3A_46, %dma_start3A_69] : memref<10112x128xf32, #tpu.memory_space<vmem_shared>> -> memref<128x128xf32, #tpu.memory_space<vmem_shared>>
      %dma_start3A_71 = arith.constant 0 : i32
      %dma_start3A_72 = arith.constant 0 : i32
      %dma_start3A_73 = tpu.memref_slice %arg8[%dma_start3A_71, %dma_start3A_72] : memref<128x128xf32, #tpu.memory_space<vmem>> -> memref<128x128xf32, #tpu.memory_space<vmem>>
      %dma_start3A_74 = arith.constant 0 : i32
      %dma_start3A_75 = tpu.memref_slice %arg9[%add3A_46, %dma_start3A_74] : memref<10112x128xf32, #tpu.memory_space<vmem_shared>> -> memref<128x128xf32, #tpu.memory_space<vmem_shared>>
      tpu.enqueue_dma source(%dma_start3A_75 : memref<128x128xf32, #tpu.memory_space<vmem_shared>>) target(%dma_start3A_73 : memref<128x128xf32, #tpu.memory_space<vmem>>) target_semaphore(%run_scoped3A : memref<!tpu.dma_semaphore, #tpu.memory_space<semaphore_mem>>)
      %dma_wait3A = arith.constant 0 : i32
      %dma_wait3A_76 = arith.constant 0 : i32
      %dma_wait3A_77 = tpu.memref_slice %arg8[%dma_wait3A, %dma_wait3A_76] : memref<128x128xf32, #tpu.memory_space<vmem>> -> memref<128x128xf32, #tpu.memory_space<vmem>>
      %dma_wait3A_78 = arith.constant 0 : i32
      %dma_wait3A_79 = tpu.memref_slice %arg9[%add3A_46, %dma_wait3A_78] : memref<10112x128xf32, #tpu.memory_space<vmem_shared>> -> memref<128x128xf32, #tpu.memory_space<vmem_shared>>
      %dma_wait3A_80 = arith.constant 0 : i32
      %dma_wait3A_81 = arith.constant 0 : i32
      %dma_wait3A_82 = tpu.memref_slice %arg8[%dma_wait3A_80, %dma_wait3A_81] : memref<128x128xf32, #tpu.memory_space<vmem>> -> memref<128x128xf32, #tpu.memory_space<vmem>>
      %dma_wait3A_83 = arith.constant 0 : i32
      %dma_wait3A_84 = tpu.memref_slice %arg9[%add3A_46, %dma_wait3A_83] : memref<10112x128xf32, #tpu.memory_space<vmem_shared>> -> memref<128x128xf32, #tpu.memory_space<vmem_shared>>
      tpu.wait_dma2 semaphore(%run_scoped3A : memref<!tpu.dma_semaphore, #tpu.memory_space<semaphore_mem>>) src(%dma_wait3A_84 : memref<128x128xf32, #tpu.memory_space<vmem_shared>>) dst(%dma_wait3A_82 : memref<128x128xf32, #tpu.memory_space<vmem>>)
      tpu.yield
    }) : () -> ()
    %mul3A_47 = arith.constant 632 : i32
    %mul3A_48 = arith.muli %arg1, %mul3A_47 : i32
    %add3A_49 = arith.constant 256 : i32
    %add3A_50 = arith.addi %mul3A_48, %add3A_49 : i32
    "tpu.region"() ({
      %run_scoped3A = tpu.sem_alloc : memref<!tpu.dma_semaphore, #tpu.memory_space<semaphore_mem>>
      %dma_start3A = arith.constant 0 : i32
      %dma_start3A_67 = arith.constant 0 : i32
      %dma_start3A_68 = tpu.memref_slice %arg8[%dma_start3A, %dma_start3A_67] : memref<128x128xf32, #tpu.memory_space<vmem>> -> memref<128x128xf32, #tpu.memory_space<vmem>>
      %dma_start3A_69 = arith.constant 0 : i32
      %dma_start3A_70 = tpu.memref_slice %arg5[%arg0, %add3A_50, %dma_start3A_69] : memref<2x10112x128xf32, #tpu.memory_space<hbm>> -> memref<1x128x128xf32, #tpu.memory_space<hbm>>
      %dma_start3A_71 = tpu.memref_squeeze %dma_start3A_70 : memref<1x128x128xf32, #tpu.memory_space<hbm>> -> memref<128x128xf32, #tpu.memory_space<hbm>>
      %dma_start3A_72 = arith.constant 0 : i32
      %dma_start3A_73 = tpu.memref_slice %arg5[%arg0, %add3A_50, %dma_start3A_72] : memref<2x10112x128xf32, #tpu.memory_space<hbm>> -> memref<1x128x128xf32, #tpu.memory_space<hbm>>
      %dma_start3A_74 = tpu.memref_squeeze %dma_start3A_73 : memref<1x128x128xf32, #tpu.memory_space<hbm>> -> memref<128x128xf32, #tpu.memory_space<hbm>>
      %dma_start3A_75 = arith.constant 0 : i32
      %dma_start3A_76 = arith.constant 0 : i32
      %dma_start3A_77 = tpu.memref_slice %arg8[%dma_start3A_75, %dma_start3A_76] : memref<128x128xf32, #tpu.memory_space<vmem>> -> memref<128x128xf32, #tpu.memory_space<vmem>>
      tpu.enqueue_dma source(%dma_start3A_77 : memref<128x128xf32, #tpu.memory_space<vmem>>) target(%dma_start3A_74 : memref<128x128xf32, #tpu.memory_space<hbm>>) target_semaphore(%run_scoped3A : memref<!tpu.dma_semaphore, #tpu.memory_space<semaphore_mem>>)
      %dma_wait3A = arith.constant 0 : i32
      %dma_wait3A_78 = arith.constant 0 : i32
      %dma_wait3A_79 = tpu.memref_slice %arg8[%dma_wait3A, %dma_wait3A_78] : memref<128x128xf32, #tpu.memory_space<vmem>> -> memref<128x128xf32, #tpu.memory_space<vmem>>
      %dma_wait3A_80 = arith.constant 0 : i32
      %dma_wait3A_81 = tpu.memref_slice %arg5[%arg0, %add3A_50, %dma_wait3A_80] : memref<2x10112x128xf32, #tpu.memory_space<hbm>> -> memref<1x128x128xf32, #tpu.memory_space<hbm>>
      %dma_wait3A_82 = tpu.memref_squeeze %dma_wait3A_81 : memref<1x128x128xf32, #tpu.memory_space<hbm>> -> memref<128x128xf32, #tpu.memory_space<hbm>>
      %dma_wait3A_83 = arith.constant 0 : i32
      %dma_wait3A_84 = tpu.memref_slice %arg5[%arg0, %add3A_50, %dma_wait3A_83] : memref<2x10112x128xf32, #tpu.memory_space<hbm>> -> memref<1x128x128xf32, #tpu.memory_space<hbm>>
      %dma_wait3A_85 = tpu.memref_squeeze %dma_wait3A_84 : memref<1x128x128xf32, #tpu.memory_space<hbm>> -> memref<128x128xf32, #tpu.memory_space<hbm>>
      %dma_wait3A_86 = arith.constant 0 : i32
      %dma_wait3A_87 = arith.constant 0 : i32
      %dma_wait3A_88 = tpu.memref_slice %arg8[%dma_wait3A_86, %dma_wait3A_87] : memref<128x128xf32, #tpu.memory_space<vmem>> -> memref<128x128xf32, #tpu.memory_space<vmem>>
      tpu.wait_dma2 semaphore(%run_scoped3A : memref<!tpu.dma_semaphore, #tpu.memory_space<semaphore_mem>>) src(%dma_wait3A_88 : memref<128x128xf32, #tpu.memory_space<vmem>>) dst(%dma_wait3A_85 : memref<128x128xf32, #tpu.memory_space<hbm>>)
      tpu.yield
    }) : () -> ()
    %mul3A_51 = arith.constant 632 : i32
    %mul3A_52 = arith.muli %arg1, %mul3A_51 : i32
    %add3A_53 = arith.constant 384 : i32
    %add3A_54 = arith.addi %mul3A_52, %add3A_53 : i32
    "tpu.region"() ({
      %run_scoped3A = tpu.sem_alloc : memref<!tpu.dma_semaphore, #tpu.memory_space<semaphore_mem>>
      %dma_start3A = arith.constant 0 : i32
      %dma_start3A_67 = arith.constant 0 : i32
      %dma_start3A_68 = tpu.memref_slice %arg8[%dma_start3A, %dma_start3A_67] : memref<128x128xf32, #tpu.memory_space<vmem>> -> memref<128x128xf32, #tpu.memory_space<vmem>>
      %dma_start3A_69 = arith.constant 0 : i32
      %dma_start3A_70 = tpu.memref_slice %arg9[%add3A_54, %dma_start3A_69] : memref<10112x128xf32, #tpu.memory_space<vmem_shared>> -> memref<128x128xf32, #tpu.memory_space<vmem_shared>>
      %dma_start3A_71 = arith.constant 0 : i32
      %dma_start3A_72 = arith.constant 0 : i32
      %dma_start3A_73 = tpu.memref_slice %arg8[%dma_start3A_71, %dma_start3A_72] : memref<128x128xf32, #tpu.memory_space<vmem>> -> memref<128x128xf32, #tpu.memory_space<vmem>>
      %dma_start3A_74 = arith.constant 0 : i32
      %dma_start3A_75 = tpu.memref_slice %arg9[%add3A_54, %dma_start3A_74] : memref<10112x128xf32, #tpu.memory_space<vmem_shared>> -> memref<128x128xf32, #tpu.memory_space<vmem_shared>>
      tpu.enqueue_dma source(%dma_start3A_75 : memref<128x128xf32, #tpu.memory_space<vmem_shared>>) target(%dma_start3A_73 : memref<128x128xf32, #tpu.memory_space<vmem>>) target_semaphore(%run_scoped3A : memref<!tpu.dma_semaphore, #tpu.memory_space<semaphore_mem>>)
      %dma_wait3A = arith.constant 0 : i32
      %dma_wait3A_76 = arith.constant 0 : i32
      %dma_wait3A_77 = tpu.memref_slice %arg8[%dma_wait3A, %dma_wait3A_76] : memref<128x128xf32, #tpu.memory_space<vmem>> -> memref<128x128xf32, #tpu.memory_space<vmem>>
      %dma_wait3A_78 = arith.constant 0 : i32
      %dma_wait3A_79 = tpu.memref_slice %arg9[%add3A_54, %dma_wait3A_78] : memref<10112x128xf32, #tpu.memory_space<vmem_shared>> -> memref<128x128xf32, #tpu.memory_space<vmem_shared>>
      %dma_wait3A_80 = arith.constant 0 : i32
      %dma_wait3A_81 = arith.constant 0 : i32
      %dma_wait3A_82 = tpu.memref_slice %arg8[%dma_wait3A_80, %dma_wait3A_81] : memref<128x128xf32, #tpu.memory_space<vmem>> -> memref<128x128xf32, #tpu.memory_space<vmem>>
      %dma_wait3A_83 = arith.constant 0 : i32
      %dma_wait3A_84 = tpu.memref_slice %arg9[%add3A_54, %dma_wait3A_83] : memref<10112x128xf32, #tpu.memory_space<vmem_shared>> -> memref<128x128xf32, #tpu.memory_space<vmem_shared>>
      tpu.wait_dma2 semaphore(%run_scoped3A : memref<!tpu.dma_semaphore, #tpu.memory_space<semaphore_mem>>) src(%dma_wait3A_84 : memref<128x128xf32, #tpu.memory_space<vmem_shared>>) dst(%dma_wait3A_82 : memref<128x128xf32, #tpu.memory_space<vmem>>)
      tpu.yield
    }) : () -> ()
    %mul3A_55 = arith.constant 632 : i32
    %mul3A_56 = arith.muli %arg1, %mul3A_55 : i32
    %add3A_57 = arith.constant 384 : i32
    %add3A_58 = arith.addi %mul3A_56, %add3A_57 : i32
    "tpu.region"() ({
      %run_scoped3A = tpu.sem_alloc : memref<!tpu.dma_semaphore, #tpu.memory_space<semaphore_mem>>
      %dma_start3A = arith.constant 0 : i32
      %dma_start3A_67 = arith.constant 0 : i32
      %dma_start3A_68 = tpu.memref_slice %arg8[%dma_start3A, %dma_start3A_67] : memref<128x128xf32, #tpu.memory_space<vmem>> -> memref<128x128xf32, #tpu.memory_space<vmem>>
      %dma_start3A_69 = arith.constant 0 : i32
      %dma_start3A_70 = tpu.memref_slice %arg5[%arg0, %add3A_58, %dma_start3A_69] : memref<2x10112x128xf32, #tpu.memory_space<hbm>> -> memref<1x128x128xf32, #tpu.memory_space<hbm>>
      %dma_start3A_71 = tpu.memref_squeeze %dma_start3A_70 : memref<1x128x128xf32, #tpu.memory_space<hbm>> -> memref<128x128xf32, #tpu.memory_space<hbm>>
      %dma_start3A_72 = arith.constant 0 : i32
      %dma_start3A_73 = tpu.memref_slice %arg5[%arg0, %add3A_58, %dma_start3A_72] : memref<2x10112x128xf32, #tpu.memory_space<hbm>> -> memref<1x128x128xf32, #tpu.memory_space<hbm>>
      %dma_start3A_74 = tpu.memref_squeeze %dma_start3A_73 : memref<1x128x128xf32, #tpu.memory_space<hbm>> -> memref<128x128xf32, #tpu.memory_space<hbm>>
      %dma_start3A_75 = arith.constant 0 : i32
      %dma_start3A_76 = arith.constant 0 : i32
      %dma_start3A_77 = tpu.memref_slice %arg8[%dma_start3A_75, %dma_start3A_76] : memref<128x128xf32, #tpu.memory_space<vmem>> -> memref<128x128xf32, #tpu.memory_space<vmem>>
      tpu.enqueue_dma source(%dma_start3A_77 : memref<128x128xf32, #tpu.memory_space<vmem>>) target(%dma_start3A_74 : memref<128x128xf32, #tpu.memory_space<hbm>>) target_semaphore(%run_scoped3A : memref<!tpu.dma_semaphore, #tpu.memory_space<semaphore_mem>>)
      %dma_wait3A = arith.constant 0 : i32
      %dma_wait3A_78 = arith.constant 0 : i32
      %dma_wait3A_79 = tpu.memref_slice %arg8[%dma_wait3A, %dma_wait3A_78] : memref<128x128xf32, #tpu.memory_space<vmem>> -> memref<128x128xf32, #tpu.memory_space<vmem>>
      %dma_wait3A_80 = arith.constant 0 : i32
      %dma_wait3A_81 = tpu.memref_slice %arg5[%arg0, %add3A_58, %dma_wait3A_80] : memref<2x10112x128xf32, #tpu.memory_space<hbm>> -> memref<1x128x128xf32, #tpu.memory_space<hbm>>
      %dma_wait3A_82 = tpu.memref_squeeze %dma_wait3A_81 : memref<1x128x128xf32, #tpu.memory_space<hbm>> -> memref<128x128xf32, #tpu.memory_space<hbm>>
      %dma_wait3A_83 = arith.constant 0 : i32
      %dma_wait3A_84 = tpu.memref_slice %arg5[%arg0, %add3A_58, %dma_wait3A_83] : memref<2x10112x128xf32, #tpu.memory_space<hbm>> -> memref<1x128x128xf32, #tpu.memory_space<hbm>>
      %dma_wait3A_85 = tpu.memref_squeeze %dma_wait3A_84 : memref<1x128x128xf32, #tpu.memory_space<hbm>> -> memref<128x128xf32, #tpu.memory_space<hbm>>
      %dma_wait3A_86 = arith.constant 0 : i32
      %dma_wait3A_87 = arith.constant 0 : i32
      %dma_wait3A_88 = tpu.memref_slice %arg8[%dma_wait3A_86, %dma_wait3A_87] : memref<128x128xf32, #tpu.memory_space<vmem>> -> memref<128x128xf32, #tpu.memory_space<vmem>>
      tpu.wait_dma2 semaphore(%run_scoped3A : memref<!tpu.dma_semaphore, #tpu.memory_space<semaphore_mem>>) src(%dma_wait3A_88 : memref<128x128xf32, #tpu.memory_space<vmem>>) dst(%dma_wait3A_85 : memref<128x128xf32, #tpu.memory_space<hbm>>)
      tpu.yield
    }) : () -> ()
    %mul3A_59 = arith.constant 632 : i32
    %mul3A_60 = arith.muli %arg1, %mul3A_59 : i32
    %add3A_61 = arith.constant 512 : i32
    %add3A_62 = arith.addi %mul3A_60, %add3A_61 : i32
    "tpu.region"() ({
      %run_scoped3A = tpu.sem_alloc : memref<!tpu.dma_semaphore, #tpu.memory_space<semaphore_mem>>
      %dma_start3A = arith.constant 0 : i32
      %dma_start3A_67 = arith.constant 0 : i32
      %dma_start3A_68 = tpu.memref_slice %arg8[%dma_start3A, %dma_start3A_67] : memref<128x128xf32, #tpu.memory_space<vmem>> -> memref<120x128xf32, #tpu.memory_space<vmem>>
      %dma_start3A_69 = arith.constant 0 : i32
      %dma_start3A_70 = tpu.memref_slice %arg9[%add3A_62, %dma_start3A_69] : memref<10112x128xf32, #tpu.memory_space<vmem_shared>> -> memref<120x128xf32, #tpu.memory_space<vmem_shared>>
      %dma_start3A_71 = arith.constant 0 : i32
      %dma_start3A_72 = arith.constant 0 : i32
      %dma_start3A_73 = tpu.memref_slice %arg8[%dma_start3A_71, %dma_start3A_72] : memref<128x128xf32, #tpu.memory_space<vmem>> -> memref<120x128xf32, #tpu.memory_space<vmem>>
      %dma_start3A_74 = arith.constant 0 : i32
      %dma_start3A_75 = tpu.memref_slice %arg9[%add3A_62, %dma_start3A_74] : memref<10112x128xf32, #tpu.memory_space<vmem_shared>> -> memref<120x128xf32, #tpu.memory_space<vmem_shared>>
      tpu.enqueue_dma source(%dma_start3A_75 : memref<120x128xf32, #tpu.memory_space<vmem_shared>>) target(%dma_start3A_73 : memref<120x128xf32, #tpu.memory_space<vmem>>) target_semaphore(%run_scoped3A : memref<!tpu.dma_semaphore, #tpu.memory_space<semaphore_mem>>)
      %dma_wait3A = arith.constant 0 : i32
      %dma_wait3A_76 = arith.constant 0 : i32
      %dma_wait3A_77 = tpu.memref_slice %arg8[%dma_wait3A, %dma_wait3A_76] : memref<128x128xf32, #tpu.memory_space<vmem>> -> memref<120x128xf32, #tpu.memory_space<vmem>>
      %dma_wait3A_78 = arith.constant 0 : i32
      %dma_wait3A_79 = tpu.memref_slice %arg9[%add3A_62, %dma_wait3A_78] : memref<10112x128xf32, #tpu.memory_space<vmem_shared>> -> memref<120x128xf32, #tpu.memory_space<vmem_shared>>
      %dma_wait3A_80 = arith.constant 0 : i32
      %dma_wait3A_81 = arith.constant 0 : i32
      %dma_wait3A_82 = tpu.memref_slice %arg8[%dma_wait3A_80, %dma_wait3A_81] : memref<128x128xf32, #tpu.memory_space<vmem>> -> memref<120x128xf32, #tpu.memory_space<vmem>>
      %dma_wait3A_83 = arith.constant 0 : i32
      %dma_wait3A_84 = tpu.memref_slice %arg9[%add3A_62, %dma_wait3A_83] : memref<10112x128xf32, #tpu.memory_space<vmem_shared>> -> memref<120x128xf32, #tpu.memory_space<vmem_shared>>
      tpu.wait_dma2 semaphore(%run_scoped3A : memref<!tpu.dma_semaphore, #tpu.memory_space<semaphore_mem>>) src(%dma_wait3A_84 : memref<120x128xf32, #tpu.memory_space<vmem_shared>>) dst(%dma_wait3A_82 : memref<120x128xf32, #tpu.memory_space<vmem>>)
      tpu.yield
    }) : () -> ()
    %mul3A_63 = arith.constant 632 : i32
    %mul3A_64 = arith.muli %arg1, %mul3A_63 : i32
    %add3A_65 = arith.constant 512 : i32
    %add3A_66 = arith.addi %mul3A_64, %add3A_65 : i32
    "tpu.region"() ({
      %run_scoped3A = tpu.sem_alloc : memref<!tpu.dma_semaphore, #tpu.memory_space<semaphore_mem>>
      %dma_start3A = arith.constant 0 : i32
      %dma_start3A_67 = arith.constant 0 : i32
      %dma_start3A_68 = tpu.memref_slice %arg8[%dma_start3A, %dma_start3A_67] : memref<128x128xf32, #tpu.memory_space<vmem>> -> memref<120x128xf32, #tpu.memory_space<vmem>>
      %dma_start3A_69 = arith.constant 0 : i32
      %dma_start3A_70 = tpu.memref_slice %arg5[%arg0, %add3A_66, %dma_start3A_69] : memref<2x10112x128xf32, #tpu.memory_space<hbm>> -> memref<1x120x128xf32, #tpu.memory_space<hbm>>
      %dma_start3A_71 = tpu.memref_squeeze %dma_start3A_70 : memref<1x120x128xf32, #tpu.memory_space<hbm>> -> memref<120x128xf32, #tpu.memory_space<hbm>>
      %dma_start3A_72 = arith.constant 0 : i32
      %dma_start3A_73 = tpu.memref_slice %arg5[%arg0, %add3A_66, %dma_start3A_72] : memref<2x10112x128xf32, #tpu.memory_space<hbm>> -> memref<1x120x128xf32, #tpu.memory_space<hbm>>
      %dma_start3A_74 = tpu.memref_squeeze %dma_start3A_73 : memref<1x120x128xf32, #tpu.memory_space<hbm>> -> memref<120x128xf32, #tpu.memory_space<hbm>>
      %dma_start3A_75 = arith.constant 0 : i32
      %dma_start3A_76 = arith.constant 0 : i32
      %dma_start3A_77 = tpu.memref_slice %arg8[%dma_start3A_75, %dma_start3A_76] : memref<128x128xf32, #tpu.memory_space<vmem>> -> memref<120x128xf32, #tpu.memory_space<vmem>>
      tpu.enqueue_dma source(%dma_start3A_77 : memref<120x128xf32, #tpu.memory_space<vmem>>) target(%dma_start3A_74 : memref<120x128xf32, #tpu.memory_space<hbm>>) target_semaphore(%run_scoped3A : memref<!tpu.dma_semaphore, #tpu.memory_space<semaphore_mem>>)
      %dma_wait3A = arith.constant 0 : i32
      %dma_wait3A_78 = arith.constant 0 : i32
      %dma_wait3A_79 = tpu.memref_slice %arg8[%dma_wait3A, %dma_wait3A_78] : memref<128x128xf32, #tpu.memory_space<vmem>> -> memref<120x128xf32, #tpu.memory_space<vmem>>
      %dma_wait3A_80 = arith.constant 0 : i32
      %dma_wait3A_81 = tpu.memref_slice %arg5[%arg0, %add3A_66, %dma_wait3A_80] : memref<2x10112x128xf32, #tpu.memory_space<hbm>> -> memref<1x120x128xf32, #tpu.memory_space<hbm>>
      %dma_wait3A_82 = tpu.memref_squeeze %dma_wait3A_81 : memref<1x120x128xf32, #tpu.memory_space<hbm>> -> memref<120x128xf32, #tpu.memory_space<hbm>>
      %dma_wait3A_83 = arith.constant 0 : i32
      %dma_wait3A_84 = tpu.memref_slice %arg5[%arg0, %add3A_66, %dma_wait3A_83] : memref<2x10112x128xf32, #tpu.memory_space<hbm>> -> memref<1x120x128xf32, #tpu.memory_space<hbm>>
      %dma_wait3A_85 = tpu.memref_squeeze %dma_wait3A_84 : memref<1x120x128xf32, #tpu.memory_space<hbm>> -> memref<120x128xf32, #tpu.memory_space<hbm>>
      %dma_wait3A_86 = arith.constant 0 : i32
      %dma_wait3A_87 = arith.constant 0 : i32
      %dma_wait3A_88 = tpu.memref_slice %arg8[%dma_wait3A_86, %dma_wait3A_87] : memref<128x128xf32, #tpu.memory_space<vmem>> -> memref<120x128xf32, #tpu.memory_space<vmem>>
      tpu.wait_dma2 semaphore(%run_scoped3A : memref<!tpu.dma_semaphore, #tpu.memory_space<semaphore_mem>>) src(%dma_wait3A_88 : memref<120x128xf32, #tpu.memory_space<vmem>>) dst(%dma_wait3A_85 : memref<120x128xf32, #tpu.memory_space<hbm>>)
      tpu.yield
    }) : () -> ()
    return
  }
}

#map = affine_map<(d0, d1) -> (0, 0)>
#map1 = affine_map<(d0, d1) -> (0, 0, 0, 0)>
#map2 = affine_map<(d0, d1) -> (0, 0, 0)>
module attributes {stable_mosaic.version = 14 : i64} {
  func.func @_sc_agg(%arg0: i32, %arg1: i32, %arg2: memref<10000x128xf32, #tpu.memory_space<hbm>>, %arg3: memref<96x2x36x96xi32, #tpu.memory_space<hbm>>, %arg4: memref<96x128xf32, #tpu.memory_space<hbm>>, %arg5: memref<2x10112x128xf32, #tpu.memory_space<hbm>>, %arg6: memref<2x36x96xi32, #tpu.memory_space<vmem>>, %arg7: memref<96x128xf32, #tpu.memory_space<vmem>>, %arg8: memref<96x128xf32, #tpu.memory_space<vmem>>, %arg9: memref<10112x128xf32, #tpu.memory_space<vmem_shared>>, %arg10: memref<!tpu.dma_semaphore, #tpu.memory_space<semaphore_mem>>, %arg11: memref<!tpu.dma_semaphore, #tpu.memory_space<semaphore_mem>>) attributes {dimension_semantics = [#tpu.dimension_semantics<core_parallel>, #tpu.dimension_semantics<subcore_parallel>], iteration_bounds = array<i64: 2, 16>, scalar_prefetch = 0 : i64, scratch_operands = 6 : i64, tpu.core_type = #tpu.core_type<sc_vector_subcore>, window_params = [{transform_indices = #map}, {transform_indices = #map1}, {transform_indices = #map}, {transform_indices = #map2}]} {
    "tpu.region"() ({
      %run_scoped3A = tpu.sem_alloc : memref<!tpu.dma_semaphore, #tpu.memory_space<semaphore_mem>>
      tpu.enqueue_dma source(%arg4 : memref<96x128xf32, #tpu.memory_space<hbm>>) target(%arg7 : memref<96x128xf32, #tpu.memory_space<vmem>>) target_semaphore(%run_scoped3A : memref<!tpu.dma_semaphore, #tpu.memory_space<semaphore_mem>>)
      tpu.wait_dma2 semaphore(%run_scoped3A : memref<!tpu.dma_semaphore, #tpu.memory_space<semaphore_mem>>) src(%arg4 : memref<96x128xf32, #tpu.memory_space<hbm>>) dst(%arg7 : memref<96x128xf32, #tpu.memory_space<vmem>>)
      tpu.yield
    }) : () -> ()
    %mul3A = arith.constant 632 : i32
    %mul3A_0 = arith.muli %arg1, %mul3A : i32
    %add3A = arith.constant 0 : i32
    %add3A_1 = arith.addi %mul3A_0, %add3A : i32
    "tpu.region"() ({
      %run_scoped3A = tpu.sem_alloc : memref<!tpu.dma_semaphore, #tpu.memory_space<semaphore_mem>>
      %dma_start3A = arith.constant 0 : i32
      %dma_start3A_105 = arith.constant 0 : i32
      %dma_start3A_106 = tpu.memref_slice %arg7[%dma_start3A, %dma_start3A_105] : memref<96x128xf32, #tpu.memory_space<vmem>> -> memref<96x128xf32, #tpu.memory_space<vmem>>
      %dma_start3A_107 = arith.constant 0 : i32
      %dma_start3A_108 = tpu.memref_slice %arg9[%add3A_1, %dma_start3A_107] : memref<10112x128xf32, #tpu.memory_space<vmem_shared>> -> memref<96x128xf32, #tpu.memory_space<vmem_shared>>
      %dma_start3A_109 = arith.constant 0 : i32
      %dma_start3A_110 = tpu.memref_slice %arg9[%add3A_1, %dma_start3A_109] : memref<10112x128xf32, #tpu.memory_space<vmem_shared>> -> memref<96x128xf32, #tpu.memory_space<vmem_shared>>
      %dma_start3A_111 = arith.constant 0 : i32
      %dma_start3A_112 = arith.constant 0 : i32
      %dma_start3A_113 = tpu.memref_slice %arg7[%dma_start3A_111, %dma_start3A_112] : memref<96x128xf32, #tpu.memory_space<vmem>> -> memref<96x128xf32, #tpu.memory_space<vmem>>
      tpu.enqueue_dma source(%dma_start3A_113 : memref<96x128xf32, #tpu.memory_space<vmem>>) target(%dma_start3A_110 : memref<96x128xf32, #tpu.memory_space<vmem_shared>>) target_semaphore(%run_scoped3A : memref<!tpu.dma_semaphore, #tpu.memory_space<semaphore_mem>>)
      %dma_wait3A = arith.constant 0 : i32
      %dma_wait3A_114 = arith.constant 0 : i32
      %dma_wait3A_115 = tpu.memref_slice %arg7[%dma_wait3A, %dma_wait3A_114] : memref<96x128xf32, #tpu.memory_space<vmem>> -> memref<96x128xf32, #tpu.memory_space<vmem>>
      %dma_wait3A_116 = arith.constant 0 : i32
      %dma_wait3A_117 = tpu.memref_slice %arg9[%add3A_1, %dma_wait3A_116] : memref<10112x128xf32, #tpu.memory_space<vmem_shared>> -> memref<96x128xf32, #tpu.memory_space<vmem_shared>>
      %dma_wait3A_118 = arith.constant 0 : i32
      %dma_wait3A_119 = tpu.memref_slice %arg9[%add3A_1, %dma_wait3A_118] : memref<10112x128xf32, #tpu.memory_space<vmem_shared>> -> memref<96x128xf32, #tpu.memory_space<vmem_shared>>
      %dma_wait3A_120 = arith.constant 0 : i32
      %dma_wait3A_121 = arith.constant 0 : i32
      %dma_wait3A_122 = tpu.memref_slice %arg7[%dma_wait3A_120, %dma_wait3A_121] : memref<96x128xf32, #tpu.memory_space<vmem>> -> memref<96x128xf32, #tpu.memory_space<vmem>>
      tpu.wait_dma2 semaphore(%run_scoped3A : memref<!tpu.dma_semaphore, #tpu.memory_space<semaphore_mem>>) src(%dma_wait3A_122 : memref<96x128xf32, #tpu.memory_space<vmem>>) dst(%dma_wait3A_119 : memref<96x128xf32, #tpu.memory_space<vmem_shared>>)
      tpu.yield
    }) : () -> ()
    %mul3A_2 = arith.constant 632 : i32
    %mul3A_3 = arith.muli %arg1, %mul3A_2 : i32
    %add3A_4 = arith.constant 96 : i32
    %add3A_5 = arith.addi %mul3A_3, %add3A_4 : i32
    "tpu.region"() ({
      %run_scoped3A = tpu.sem_alloc : memref<!tpu.dma_semaphore, #tpu.memory_space<semaphore_mem>>
      %dma_start3A = arith.constant 0 : i32
      %dma_start3A_105 = arith.constant 0 : i32
      %dma_start3A_106 = tpu.memref_slice %arg7[%dma_start3A, %dma_start3A_105] : memref<96x128xf32, #tpu.memory_space<vmem>> -> memref<96x128xf32, #tpu.memory_space<vmem>>
      %dma_start3A_107 = arith.constant 0 : i32
      %dma_start3A_108 = tpu.memref_slice %arg9[%add3A_5, %dma_start3A_107] : memref<10112x128xf32, #tpu.memory_space<vmem_shared>> -> memref<96x128xf32, #tpu.memory_space<vmem_shared>>
      %dma_start3A_109 = arith.constant 0 : i32
      %dma_start3A_110 = tpu.memref_slice %arg9[%add3A_5, %dma_start3A_109] : memref<10112x128xf32, #tpu.memory_space<vmem_shared>> -> memref<96x128xf32, #tpu.memory_space<vmem_shared>>
      %dma_start3A_111 = arith.constant 0 : i32
      %dma_start3A_112 = arith.constant 0 : i32
      %dma_start3A_113 = tpu.memref_slice %arg7[%dma_start3A_111, %dma_start3A_112] : memref<96x128xf32, #tpu.memory_space<vmem>> -> memref<96x128xf32, #tpu.memory_space<vmem>>
      tpu.enqueue_dma source(%dma_start3A_113 : memref<96x128xf32, #tpu.memory_space<vmem>>) target(%dma_start3A_110 : memref<96x128xf32, #tpu.memory_space<vmem_shared>>) target_semaphore(%run_scoped3A : memref<!tpu.dma_semaphore, #tpu.memory_space<semaphore_mem>>)
      %dma_wait3A = arith.constant 0 : i32
      %dma_wait3A_114 = arith.constant 0 : i32
      %dma_wait3A_115 = tpu.memref_slice %arg7[%dma_wait3A, %dma_wait3A_114] : memref<96x128xf32, #tpu.memory_space<vmem>> -> memref<96x128xf32, #tpu.memory_space<vmem>>
      %dma_wait3A_116 = arith.constant 0 : i32
      %dma_wait3A_117 = tpu.memref_slice %arg9[%add3A_5, %dma_wait3A_116] : memref<10112x128xf32, #tpu.memory_space<vmem_shared>> -> memref<96x128xf32, #tpu.memory_space<vmem_shared>>
      %dma_wait3A_118 = arith.constant 0 : i32
      %dma_wait3A_119 = tpu.memref_slice %arg9[%add3A_5, %dma_wait3A_118] : memref<10112x128xf32, #tpu.memory_space<vmem_shared>> -> memref<96x128xf32, #tpu.memory_space<vmem_shared>>
      %dma_wait3A_120 = arith.constant 0 : i32
      %dma_wait3A_121 = arith.constant 0 : i32
      %dma_wait3A_122 = tpu.memref_slice %arg7[%dma_wait3A_120, %dma_wait3A_121] : memref<96x128xf32, #tpu.memory_space<vmem>> -> memref<96x128xf32, #tpu.memory_space<vmem>>
      tpu.wait_dma2 semaphore(%run_scoped3A : memref<!tpu.dma_semaphore, #tpu.memory_space<semaphore_mem>>) src(%dma_wait3A_122 : memref<96x128xf32, #tpu.memory_space<vmem>>) dst(%dma_wait3A_119 : memref<96x128xf32, #tpu.memory_space<vmem_shared>>)
      tpu.yield
    }) : () -> ()
    %mul3A_6 = arith.constant 632 : i32
    %mul3A_7 = arith.muli %arg1, %mul3A_6 : i32
    %add3A_8 = arith.constant 192 : i32
    %add3A_9 = arith.addi %mul3A_7, %add3A_8 : i32
    "tpu.region"() ({
      %run_scoped3A = tpu.sem_alloc : memref<!tpu.dma_semaphore, #tpu.memory_space<semaphore_mem>>
      %dma_start3A = arith.constant 0 : i32
      %dma_start3A_105 = arith.constant 0 : i32
      %dma_start3A_106 = tpu.memref_slice %arg7[%dma_start3A, %dma_start3A_105] : memref<96x128xf32, #tpu.memory_space<vmem>> -> memref<96x128xf32, #tpu.memory_space<vmem>>
      %dma_start3A_107 = arith.constant 0 : i32
      %dma_start3A_108 = tpu.memref_slice %arg9[%add3A_9, %dma_start3A_107] : memref<10112x128xf32, #tpu.memory_space<vmem_shared>> -> memref<96x128xf32, #tpu.memory_space<vmem_shared>>
      %dma_start3A_109 = arith.constant 0 : i32
      %dma_start3A_110 = tpu.memref_slice %arg9[%add3A_9, %dma_start3A_109] : memref<10112x128xf32, #tpu.memory_space<vmem_shared>> -> memref<96x128xf32, #tpu.memory_space<vmem_shared>>
      %dma_start3A_111 = arith.constant 0 : i32
      %dma_start3A_112 = arith.constant 0 : i32
      %dma_start3A_113 = tpu.memref_slice %arg7[%dma_start3A_111, %dma_start3A_112] : memref<96x128xf32, #tpu.memory_space<vmem>> -> memref<96x128xf32, #tpu.memory_space<vmem>>
      tpu.enqueue_dma source(%dma_start3A_113 : memref<96x128xf32, #tpu.memory_space<vmem>>) target(%dma_start3A_110 : memref<96x128xf32, #tpu.memory_space<vmem_shared>>) target_semaphore(%run_scoped3A : memref<!tpu.dma_semaphore, #tpu.memory_space<semaphore_mem>>)
      %dma_wait3A = arith.constant 0 : i32
      %dma_wait3A_114 = arith.constant 0 : i32
      %dma_wait3A_115 = tpu.memref_slice %arg7[%dma_wait3A, %dma_wait3A_114] : memref<96x128xf32, #tpu.memory_space<vmem>> -> memref<96x128xf32, #tpu.memory_space<vmem>>
      %dma_wait3A_116 = arith.constant 0 : i32
      %dma_wait3A_117 = tpu.memref_slice %arg9[%add3A_9, %dma_wait3A_116] : memref<10112x128xf32, #tpu.memory_space<vmem_shared>> -> memref<96x128xf32, #tpu.memory_space<vmem_shared>>
      %dma_wait3A_118 = arith.constant 0 : i32
      %dma_wait3A_119 = tpu.memref_slice %arg9[%add3A_9, %dma_wait3A_118] : memref<10112x128xf32, #tpu.memory_space<vmem_shared>> -> memref<96x128xf32, #tpu.memory_space<vmem_shared>>
      %dma_wait3A_120 = arith.constant 0 : i32
      %dma_wait3A_121 = arith.constant 0 : i32
      %dma_wait3A_122 = tpu.memref_slice %arg7[%dma_wait3A_120, %dma_wait3A_121] : memref<96x128xf32, #tpu.memory_space<vmem>> -> memref<96x128xf32, #tpu.memory_space<vmem>>
      tpu.wait_dma2 semaphore(%run_scoped3A : memref<!tpu.dma_semaphore, #tpu.memory_space<semaphore_mem>>) src(%dma_wait3A_122 : memref<96x128xf32, #tpu.memory_space<vmem>>) dst(%dma_wait3A_119 : memref<96x128xf32, #tpu.memory_space<vmem_shared>>)
      tpu.yield
    }) : () -> ()
    %mul3A_10 = arith.constant 632 : i32
    %mul3A_11 = arith.muli %arg1, %mul3A_10 : i32
    %add3A_12 = arith.constant 288 : i32
    %add3A_13 = arith.addi %mul3A_11, %add3A_12 : i32
    "tpu.region"() ({
      %run_scoped3A = tpu.sem_alloc : memref<!tpu.dma_semaphore, #tpu.memory_space<semaphore_mem>>
      %dma_start3A = arith.constant 0 : i32
      %dma_start3A_105 = arith.constant 0 : i32
      %dma_start3A_106 = tpu.memref_slice %arg7[%dma_start3A, %dma_start3A_105] : memref<96x128xf32, #tpu.memory_space<vmem>> -> memref<96x128xf32, #tpu.memory_space<vmem>>
      %dma_start3A_107 = arith.constant 0 : i32
      %dma_start3A_108 = tpu.memref_slice %arg9[%add3A_13, %dma_start3A_107] : memref<10112x128xf32, #tpu.memory_space<vmem_shared>> -> memref<96x128xf32, #tpu.memory_space<vmem_shared>>
      %dma_start3A_109 = arith.constant 0 : i32
      %dma_start3A_110 = tpu.memref_slice %arg9[%add3A_13, %dma_start3A_109] : memref<10112x128xf32, #tpu.memory_space<vmem_shared>> -> memref<96x128xf32, #tpu.memory_space<vmem_shared>>
      %dma_start3A_111 = arith.constant 0 : i32
      %dma_start3A_112 = arith.constant 0 : i32
      %dma_start3A_113 = tpu.memref_slice %arg7[%dma_start3A_111, %dma_start3A_112] : memref<96x128xf32, #tpu.memory_space<vmem>> -> memref<96x128xf32, #tpu.memory_space<vmem>>
      tpu.enqueue_dma source(%dma_start3A_113 : memref<96x128xf32, #tpu.memory_space<vmem>>) target(%dma_start3A_110 : memref<96x128xf32, #tpu.memory_space<vmem_shared>>) target_semaphore(%run_scoped3A : memref<!tpu.dma_semaphore, #tpu.memory_space<semaphore_mem>>)
      %dma_wait3A = arith.constant 0 : i32
      %dma_wait3A_114 = arith.constant 0 : i32
      %dma_wait3A_115 = tpu.memref_slice %arg7[%dma_wait3A, %dma_wait3A_114] : memref<96x128xf32, #tpu.memory_space<vmem>> -> memref<96x128xf32, #tpu.memory_space<vmem>>
      %dma_wait3A_116 = arith.constant 0 : i32
      %dma_wait3A_117 = tpu.memref_slice %arg9[%add3A_13, %dma_wait3A_116] : memref<10112x128xf32, #tpu.memory_space<vmem_shared>> -> memref<96x128xf32, #tpu.memory_space<vmem_shared>>
      %dma_wait3A_118 = arith.constant 0 : i32
      %dma_wait3A_119 = tpu.memref_slice %arg9[%add3A_13, %dma_wait3A_118] : memref<10112x128xf32, #tpu.memory_space<vmem_shared>> -> memref<96x128xf32, #tpu.memory_space<vmem_shared>>
      %dma_wait3A_120 = arith.constant 0 : i32
      %dma_wait3A_121 = arith.constant 0 : i32
      %dma_wait3A_122 = tpu.memref_slice %arg7[%dma_wait3A_120, %dma_wait3A_121] : memref<96x128xf32, #tpu.memory_space<vmem>> -> memref<96x128xf32, #tpu.memory_space<vmem>>
      tpu.wait_dma2 semaphore(%run_scoped3A : memref<!tpu.dma_semaphore, #tpu.memory_space<semaphore_mem>>) src(%dma_wait3A_122 : memref<96x128xf32, #tpu.memory_space<vmem>>) dst(%dma_wait3A_119 : memref<96x128xf32, #tpu.memory_space<vmem_shared>>)
      tpu.yield
    }) : () -> ()
    %mul3A_14 = arith.constant 632 : i32
    %mul3A_15 = arith.muli %arg1, %mul3A_14 : i32
    %add3A_16 = arith.constant 384 : i32
    %add3A_17 = arith.addi %mul3A_15, %add3A_16 : i32
    "tpu.region"() ({
      %run_scoped3A = tpu.sem_alloc : memref<!tpu.dma_semaphore, #tpu.memory_space<semaphore_mem>>
      %dma_start3A = arith.constant 0 : i32
      %dma_start3A_105 = arith.constant 0 : i32
      %dma_start3A_106 = tpu.memref_slice %arg7[%dma_start3A, %dma_start3A_105] : memref<96x128xf32, #tpu.memory_space<vmem>> -> memref<96x128xf32, #tpu.memory_space<vmem>>
      %dma_start3A_107 = arith.constant 0 : i32
      %dma_start3A_108 = tpu.memref_slice %arg9[%add3A_17, %dma_start3A_107] : memref<10112x128xf32, #tpu.memory_space<vmem_shared>> -> memref<96x128xf32, #tpu.memory_space<vmem_shared>>
      %dma_start3A_109 = arith.constant 0 : i32
      %dma_start3A_110 = tpu.memref_slice %arg9[%add3A_17, %dma_start3A_109] : memref<10112x128xf32, #tpu.memory_space<vmem_shared>> -> memref<96x128xf32, #tpu.memory_space<vmem_shared>>
      %dma_start3A_111 = arith.constant 0 : i32
      %dma_start3A_112 = arith.constant 0 : i32
      %dma_start3A_113 = tpu.memref_slice %arg7[%dma_start3A_111, %dma_start3A_112] : memref<96x128xf32, #tpu.memory_space<vmem>> -> memref<96x128xf32, #tpu.memory_space<vmem>>
      tpu.enqueue_dma source(%dma_start3A_113 : memref<96x128xf32, #tpu.memory_space<vmem>>) target(%dma_start3A_110 : memref<96x128xf32, #tpu.memory_space<vmem_shared>>) target_semaphore(%run_scoped3A : memref<!tpu.dma_semaphore, #tpu.memory_space<semaphore_mem>>)
      %dma_wait3A = arith.constant 0 : i32
      %dma_wait3A_114 = arith.constant 0 : i32
      %dma_wait3A_115 = tpu.memref_slice %arg7[%dma_wait3A, %dma_wait3A_114] : memref<96x128xf32, #tpu.memory_space<vmem>> -> memref<96x128xf32, #tpu.memory_space<vmem>>
      %dma_wait3A_116 = arith.constant 0 : i32
      %dma_wait3A_117 = tpu.memref_slice %arg9[%add3A_17, %dma_wait3A_116] : memref<10112x128xf32, #tpu.memory_space<vmem_shared>> -> memref<96x128xf32, #tpu.memory_space<vmem_shared>>
      %dma_wait3A_118 = arith.constant 0 : i32
      %dma_wait3A_119 = tpu.memref_slice %arg9[%add3A_17, %dma_wait3A_118] : memref<10112x128xf32, #tpu.memory_space<vmem_shared>> -> memref<96x128xf32, #tpu.memory_space<vmem_shared>>
      %dma_wait3A_120 = arith.constant 0 : i32
      %dma_wait3A_121 = arith.constant 0 : i32
      %dma_wait3A_122 = tpu.memref_slice %arg7[%dma_wait3A_120, %dma_wait3A_121] : memref<96x128xf32, #tpu.memory_space<vmem>> -> memref<96x128xf32, #tpu.memory_space<vmem>>
      tpu.wait_dma2 semaphore(%run_scoped3A : memref<!tpu.dma_semaphore, #tpu.memory_space<semaphore_mem>>) src(%dma_wait3A_122 : memref<96x128xf32, #tpu.memory_space<vmem>>) dst(%dma_wait3A_119 : memref<96x128xf32, #tpu.memory_space<vmem_shared>>)
      tpu.yield
    }) : () -> ()
    %mul3A_18 = arith.constant 632 : i32
    %mul3A_19 = arith.muli %arg1, %mul3A_18 : i32
    %add3A_20 = arith.constant 480 : i32
    %add3A_21 = arith.addi %mul3A_19, %add3A_20 : i32
    "tpu.region"() ({
      %run_scoped3A = tpu.sem_alloc : memref<!tpu.dma_semaphore, #tpu.memory_space<semaphore_mem>>
      %dma_start3A = arith.constant 0 : i32
      %dma_start3A_105 = arith.constant 0 : i32
      %dma_start3A_106 = tpu.memref_slice %arg7[%dma_start3A, %dma_start3A_105] : memref<96x128xf32, #tpu.memory_space<vmem>> -> memref<96x128xf32, #tpu.memory_space<vmem>>
      %dma_start3A_107 = arith.constant 0 : i32
      %dma_start3A_108 = tpu.memref_slice %arg9[%add3A_21, %dma_start3A_107] : memref<10112x128xf32, #tpu.memory_space<vmem_shared>> -> memref<96x128xf32, #tpu.memory_space<vmem_shared>>
      %dma_start3A_109 = arith.constant 0 : i32
      %dma_start3A_110 = tpu.memref_slice %arg9[%add3A_21, %dma_start3A_109] : memref<10112x128xf32, #tpu.memory_space<vmem_shared>> -> memref<96x128xf32, #tpu.memory_space<vmem_shared>>
      %dma_start3A_111 = arith.constant 0 : i32
      %dma_start3A_112 = arith.constant 0 : i32
      %dma_start3A_113 = tpu.memref_slice %arg7[%dma_start3A_111, %dma_start3A_112] : memref<96x128xf32, #tpu.memory_space<vmem>> -> memref<96x128xf32, #tpu.memory_space<vmem>>
      tpu.enqueue_dma source(%dma_start3A_113 : memref<96x128xf32, #tpu.memory_space<vmem>>) target(%dma_start3A_110 : memref<96x128xf32, #tpu.memory_space<vmem_shared>>) target_semaphore(%run_scoped3A : memref<!tpu.dma_semaphore, #tpu.memory_space<semaphore_mem>>)
      %dma_wait3A = arith.constant 0 : i32
      %dma_wait3A_114 = arith.constant 0 : i32
      %dma_wait3A_115 = tpu.memref_slice %arg7[%dma_wait3A, %dma_wait3A_114] : memref<96x128xf32, #tpu.memory_space<vmem>> -> memref<96x128xf32, #tpu.memory_space<vmem>>
      %dma_wait3A_116 = arith.constant 0 : i32
      %dma_wait3A_117 = tpu.memref_slice %arg9[%add3A_21, %dma_wait3A_116] : memref<10112x128xf32, #tpu.memory_space<vmem_shared>> -> memref<96x128xf32, #tpu.memory_space<vmem_shared>>
      %dma_wait3A_118 = arith.constant 0 : i32
      %dma_wait3A_119 = tpu.memref_slice %arg9[%add3A_21, %dma_wait3A_118] : memref<10112x128xf32, #tpu.memory_space<vmem_shared>> -> memref<96x128xf32, #tpu.memory_space<vmem_shared>>
      %dma_wait3A_120 = arith.constant 0 : i32
      %dma_wait3A_121 = arith.constant 0 : i32
      %dma_wait3A_122 = tpu.memref_slice %arg7[%dma_wait3A_120, %dma_wait3A_121] : memref<96x128xf32, #tpu.memory_space<vmem>> -> memref<96x128xf32, #tpu.memory_space<vmem>>
      tpu.wait_dma2 semaphore(%run_scoped3A : memref<!tpu.dma_semaphore, #tpu.memory_space<semaphore_mem>>) src(%dma_wait3A_122 : memref<96x128xf32, #tpu.memory_space<vmem>>) dst(%dma_wait3A_119 : memref<96x128xf32, #tpu.memory_space<vmem_shared>>)
      tpu.yield
    }) : () -> ()
    %mul3A_22 = arith.constant 632 : i32
    %mul3A_23 = arith.muli %arg1, %mul3A_22 : i32
    %add3A_24 = arith.constant 576 : i32
    %add3A_25 = arith.addi %mul3A_23, %add3A_24 : i32
    "tpu.region"() ({
      %run_scoped3A = tpu.sem_alloc : memref<!tpu.dma_semaphore, #tpu.memory_space<semaphore_mem>>
      %dma_start3A = arith.constant 0 : i32
      %dma_start3A_105 = arith.constant 0 : i32
      %dma_start3A_106 = tpu.memref_slice %arg7[%dma_start3A, %dma_start3A_105] : memref<96x128xf32, #tpu.memory_space<vmem>> -> memref<56x128xf32, #tpu.memory_space<vmem>>
      %dma_start3A_107 = arith.constant 0 : i32
      %dma_start3A_108 = tpu.memref_slice %arg9[%add3A_25, %dma_start3A_107] : memref<10112x128xf32, #tpu.memory_space<vmem_shared>> -> memref<56x128xf32, #tpu.memory_space<vmem_shared>>
      %dma_start3A_109 = arith.constant 0 : i32
      %dma_start3A_110 = tpu.memref_slice %arg9[%add3A_25, %dma_start3A_109] : memref<10112x128xf32, #tpu.memory_space<vmem_shared>> -> memref<56x128xf32, #tpu.memory_space<vmem_shared>>
      %dma_start3A_111 = arith.constant 0 : i32
      %dma_start3A_112 = arith.constant 0 : i32
      %dma_start3A_113 = tpu.memref_slice %arg7[%dma_start3A_111, %dma_start3A_112] : memref<96x128xf32, #tpu.memory_space<vmem>> -> memref<56x128xf32, #tpu.memory_space<vmem>>
      tpu.enqueue_dma source(%dma_start3A_113 : memref<56x128xf32, #tpu.memory_space<vmem>>) target(%dma_start3A_110 : memref<56x128xf32, #tpu.memory_space<vmem_shared>>) target_semaphore(%run_scoped3A : memref<!tpu.dma_semaphore, #tpu.memory_space<semaphore_mem>>)
      %dma_wait3A = arith.constant 0 : i32
      %dma_wait3A_114 = arith.constant 0 : i32
      %dma_wait3A_115 = tpu.memref_slice %arg7[%dma_wait3A, %dma_wait3A_114] : memref<96x128xf32, #tpu.memory_space<vmem>> -> memref<56x128xf32, #tpu.memory_space<vmem>>
      %dma_wait3A_116 = arith.constant 0 : i32
      %dma_wait3A_117 = tpu.memref_slice %arg9[%add3A_25, %dma_wait3A_116] : memref<10112x128xf32, #tpu.memory_space<vmem_shared>> -> memref<56x128xf32, #tpu.memory_space<vmem_shared>>
      %dma_wait3A_118 = arith.constant 0 : i32
      %dma_wait3A_119 = tpu.memref_slice %arg9[%add3A_25, %dma_wait3A_118] : memref<10112x128xf32, #tpu.memory_space<vmem_shared>> -> memref<56x128xf32, #tpu.memory_space<vmem_shared>>
      %dma_wait3A_120 = arith.constant 0 : i32
      %dma_wait3A_121 = arith.constant 0 : i32
      %dma_wait3A_122 = tpu.memref_slice %arg7[%dma_wait3A_120, %dma_wait3A_121] : memref<96x128xf32, #tpu.memory_space<vmem>> -> memref<56x128xf32, #tpu.memory_space<vmem>>
      tpu.wait_dma2 semaphore(%run_scoped3A : memref<!tpu.dma_semaphore, #tpu.memory_space<semaphore_mem>>) src(%dma_wait3A_122 : memref<56x128xf32, #tpu.memory_space<vmem>>) dst(%dma_wait3A_119 : memref<56x128xf32, #tpu.memory_space<vmem_shared>>)
      tpu.yield
    }) : () -> ()
    %barrier3A = arith.constant 0 : index
    tpu.barrier barrier_id(%barrier3A)
    %eq3A = arith.constant 0 : i32
    %eq3A_26 = arith.cmpi eq, %arg0, %eq3A : i32
    %jit3A = arith.constant 5 : i32
    %jit3A_27 = arith.constant 1 : i32
    %select_n3A = arith.select %eq3A_26, %jit3A, %jit3A_27 : i32
    %eq3A_28 = arith.constant 0 : i32
    %eq3A_29 = arith.cmpi eq, %arg0, %eq3A_28 : i32
    %mul3A_30 = arith.constant 5 : i32
    %mul3A_31 = arith.muli %arg1, %mul3A_30 : i32
    %mul3A_32 = arith.constant 1 : i32
    %mul3A_33 = arith.muli %arg1, %mul3A_32 : i32
    %add3A_34 = arith.constant 80 : i32
    %add3A_35 = arith.addi %add3A_34, %mul3A_33 : i32
    %select_n3A_36 = arith.select %eq3A_29, %mul3A_31, %add3A_35 : i32
    %while3A = arith.constant 0 : i32
    %while3A_37 = arith.constant 0 : i32
    %while3A_38 = arith.constant 1 : i32
    %while3A_39 = arith.constant 0 : i32
    %while3A_40 = arith.subi %select_n3A, %while3A_39 : i32
    %while3A_41 = arith.addi %while3A_39, %while3A_40 : i32
    %while3A_42 = arith.constant 1 : i32
    %while3A_43 = arith.divsi %while3A_40, %while3A_42 : i32
    %while3A_44 = arith.muli %while3A_43, %while3A_42 : i32
    %while3A_45 = arith.addi %while3A_39, %while3A_44 : i32
    %while3A_46 = arith.constant 1 : i32
    scf.for %while3A_105 = %while3A_39 to %while3A_45 step %while3A_46  : i32 {
      %add3A_106 = arith.addi %select_n3A_36, %while3A_105 : i32
      "tpu.region"() ({
        %run_scoped3A = tpu.sem_alloc : memref<!tpu.dma_semaphore, #tpu.memory_space<semaphore_mem>>
        %dma_start3A_133 = arith.constant 0 : i32
        %dma_start3A_134 = arith.constant 0 : i32
        %dma_start3A_135 = arith.constant 0 : i32
        %dma_start3A_136 = tpu.memref_slice %arg3[%add3A_106, %dma_start3A_133, %dma_start3A_134, %dma_start3A_135] : memref<96x2x36x96xi32, #tpu.memory_space<hbm>> -> memref<1x2x36x96xi32, #tpu.memory_space<hbm>>
        %dma_start3A_137 = tpu.memref_squeeze %dma_start3A_136 : memref<1x2x36x96xi32, #tpu.memory_space<hbm>> -> memref<2x36x96xi32, #tpu.memory_space<hbm>>
        %dma_start3A_138 = arith.constant 0 : i32
        %dma_start3A_139 = arith.constant 0 : i32
        %dma_start3A_140 = arith.constant 0 : i32
        %dma_start3A_141 = tpu.memref_slice %arg3[%add3A_106, %dma_start3A_138, %dma_start3A_139, %dma_start3A_140] : memref<96x2x36x96xi32, #tpu.memory_space<hbm>> -> memref<1x2x36x96xi32, #tpu.memory_space<hbm>>
        %dma_start3A_142 = tpu.memref_squeeze %dma_start3A_141 : memref<1x2x36x96xi32, #tpu.memory_space<hbm>> -> memref<2x36x96xi32, #tpu.memory_space<hbm>>
        tpu.enqueue_dma source(%dma_start3A_142 : memref<2x36x96xi32, #tpu.memory_space<hbm>>) target(%arg6 : memref<2x36x96xi32, #tpu.memory_space<vmem>>) target_semaphore(%run_scoped3A : memref<!tpu.dma_semaphore, #tpu.memory_space<semaphore_mem>>)
        %dma_wait3A = arith.constant 0 : i32
        %dma_wait3A_143 = arith.constant 0 : i32
        %dma_wait3A_144 = arith.constant 0 : i32
        %dma_wait3A_145 = tpu.memref_slice %arg3[%add3A_106, %dma_wait3A, %dma_wait3A_143, %dma_wait3A_144] : memref<96x2x36x96xi32, #tpu.memory_space<hbm>> -> memref<1x2x36x96xi32, #tpu.memory_space<hbm>>
        %dma_wait3A_146 = tpu.memref_squeeze %dma_wait3A_145 : memref<1x2x36x96xi32, #tpu.memory_space<hbm>> -> memref<2x36x96xi32, #tpu.memory_space<hbm>>
        %dma_wait3A_147 = arith.constant 0 : i32
        %dma_wait3A_148 = arith.constant 0 : i32
        %dma_wait3A_149 = arith.constant 0 : i32
        %dma_wait3A_150 = tpu.memref_slice %arg3[%add3A_106, %dma_wait3A_147, %dma_wait3A_148, %dma_wait3A_149] : memref<96x2x36x96xi32, #tpu.memory_space<hbm>> -> memref<1x2x36x96xi32, #tpu.memory_space<hbm>>
        %dma_wait3A_151 = tpu.memref_squeeze %dma_wait3A_150 : memref<1x2x36x96xi32, #tpu.memory_space<hbm>> -> memref<2x36x96xi32, #tpu.memory_space<hbm>>
        tpu.wait_dma2 semaphore(%run_scoped3A : memref<!tpu.dma_semaphore, #tpu.memory_space<semaphore_mem>>) src(%dma_wait3A_151 : memref<2x36x96xi32, #tpu.memory_space<hbm>>) dst(%arg6 : memref<2x36x96xi32, #tpu.memory_space<vmem>>)
        tpu.yield
      }) : () -> ()
      %dma_start3A = arith.constant 0 : i32
      %dma_start3A_107 = arith.constant 0 : i32
      %dma_start3A_108 = arith.constant 0 : i32
      %dma_start3A_109 = tpu.memref_slice %arg6[%while3A_37, %dma_start3A_107, %dma_start3A_108] : memref<2x36x96xi32, #tpu.memory_space<vmem>> -> memref<1x36x96xi32, #tpu.memory_space<vmem>>
      %dma_start3A_110 = tpu.memref_squeeze %dma_start3A_109 : memref<1x36x96xi32, #tpu.memory_space<vmem>> -> memref<36x96xi32, #tpu.memory_space<vmem>>
      %dma_start3A_111 = arith.constant 0 : i32
      %dma_start3A_112 = tpu.memref_slice %dma_start3A_110[%dma_start3A, %dma_start3A_111] : memref<36x96xi32, #tpu.memory_space<vmem>> -> memref<1x96xi32, #tpu.memory_space<vmem>>
      %dma_start3A_113 = tpu.memref_squeeze %dma_start3A_112 : memref<1x96xi32, #tpu.memory_space<vmem>> -> memref<96xi32, #tpu.memory_space<vmem>>
      %dma_start3A_114 = arith.constant 0 : i32
      %dma_start3A_115 = arith.constant 0 : i32
      %dma_start3A_116 = tpu.memref_slice %arg2[%dma_start3A_114, %dma_start3A_115] : memref<10000x128xf32, #tpu.memory_space<hbm>> -> memref<10000x128xf32, #tpu.memory_space<hbm>>
      tpu.enqueue_indirect_dma source(%dma_start3A_116 : memref<10000x128xf32, #tpu.memory_space<hbm>>) target(%arg7 : memref<96x128xf32, #tpu.memory_space<vmem>>) offsets(%dma_start3A_113 : memref<96xi32, #tpu.memory_space<vmem>>) semaphore(%arg10 : memref<!tpu.dma_semaphore, #tpu.memory_space<semaphore_mem>>)
      %dma_start3A_117 = arith.constant 1 : i32
      %dma_start3A_118 = arith.constant 0 : i32
      %dma_start3A_119 = arith.constant 0 : i32
      %dma_start3A_120 = tpu.memref_slice %arg6[%while3A_37, %dma_start3A_118, %dma_start3A_119] : memref<2x36x96xi32, #tpu.memory_space<vmem>> -> memref<1x36x96xi32, #tpu.memory_space<vmem>>
      %dma_start3A_121 = tpu.memref_squeeze %dma_start3A_120 : memref<1x36x96xi32, #tpu.memory_space<vmem>> -> memref<36x96xi32, #tpu.memory_space<vmem>>
      %dma_start3A_122 = arith.constant 0 : i32
      %dma_start3A_123 = tpu.memref_slice %dma_start3A_121[%dma_start3A_117, %dma_start3A_122] : memref<36x96xi32, #tpu.memory_space<vmem>> -> memref<1x96xi32, #tpu.memory_space<vmem>>
      %dma_start3A_124 = tpu.memref_squeeze %dma_start3A_123 : memref<1x96xi32, #tpu.memory_space<vmem>> -> memref<96xi32, #tpu.memory_space<vmem>>
      %dma_start3A_125 = arith.constant 0 : i32
      %dma_start3A_126 = arith.constant 0 : i32
      %dma_start3A_127 = tpu.memref_slice %arg2[%dma_start3A_125, %dma_start3A_126] : memref<10000x128xf32, #tpu.memory_space<hbm>> -> memref<10000x128xf32, #tpu.memory_space<hbm>>
      tpu.enqueue_indirect_dma source(%dma_start3A_127 : memref<10000x128xf32, #tpu.memory_space<hbm>>) target(%arg8 : memref<96x128xf32, #tpu.memory_space<vmem>>) offsets(%dma_start3A_124 : memref<96xi32, #tpu.memory_space<vmem>>) semaphore(%arg11 : memref<!tpu.dma_semaphore, #tpu.memory_space<semaphore_mem>>)
      %scan3A = arith.constant 0 : i32
      %scan3A_128 = arith.constant 0 : i32
      %scan3A_129 = arith.constant 18 : i32
      %scan3A_130 = arith.addi %scan3A_128, %scan3A_129 : i32
      %scan3A_131 = arith.constant 1 : i32
      scf.for %scan3A_133 = %scan3A_128 to %scan3A_130 step %scan3A_131  : i32 {
        %mul3A_134 = arith.constant 2 : i32
        %mul3A_135 = arith.muli %scan3A_133, %mul3A_134 : i32
        %add3A_136 = arith.constant 0 : i32
        %add3A_137 = arith.addi %mul3A_135, %add3A_136 : i32
        %dma_wait3A = arith.constant 0 : i32
        %dma_wait3A_138 = arith.constant 0 : i32
        %dma_wait3A_139 = tpu.memref_slice %arg6[%while3A_37, %dma_wait3A, %dma_wait3A_138] : memref<2x36x96xi32, #tpu.memory_space<vmem>> -> memref<1x36x96xi32, #tpu.memory_space<vmem>>
        %dma_wait3A_140 = tpu.memref_squeeze %dma_wait3A_139 : memref<1x36x96xi32, #tpu.memory_space<vmem>> -> memref<36x96xi32, #tpu.memory_space<vmem>>
        %dma_wait3A_141 = arith.constant 0 : i32
        %dma_wait3A_142 = tpu.memref_slice %dma_wait3A_140[%add3A_137, %dma_wait3A_141] : memref<36x96xi32, #tpu.memory_space<vmem>> -> memref<1x96xi32, #tpu.memory_space<vmem>>
        %dma_wait3A_143 = tpu.memref_squeeze %dma_wait3A_142 : memref<1x96xi32, #tpu.memory_space<vmem>> -> memref<96xi32, #tpu.memory_space<vmem>>
        %dma_wait3A_144 = arith.constant 0 : i32
        %dma_wait3A_145 = arith.constant 0 : i32
        %dma_wait3A_146 = tpu.memref_slice %arg2[%dma_wait3A_144, %dma_wait3A_145] : memref<10000x128xf32, #tpu.memory_space<hbm>> -> memref<10000x128xf32, #tpu.memory_space<hbm>>
        tpu.wait_indirect_dma semaphore(%arg10 : memref<!tpu.dma_semaphore, #tpu.memory_space<semaphore_mem>>) src(%dma_wait3A_146 : memref<10000x128xf32, #tpu.memory_space<hbm>>) dst(%arg7 : memref<96x128xf32, #tpu.memory_space<vmem>>)
        "tpu.region"() ({
          %run_scoped3A = tpu.sem_alloc : memref<!tpu.dma_semaphore, #tpu.memory_space<semaphore_mem>>
          %dma_start3A_170 = arith.constant 0 : i32
          %dma_start3A_171 = arith.constant 0 : i32
          %dma_start3A_172 = tpu.memref_slice %arg6[%while3A_38, %dma_start3A_170, %dma_start3A_171] : memref<2x36x96xi32, #tpu.memory_space<vmem>> -> memref<1x36x96xi32, #tpu.memory_space<vmem>>
          %dma_start3A_173 = tpu.memref_squeeze %dma_start3A_172 : memref<1x36x96xi32, #tpu.memory_space<vmem>> -> memref<36x96xi32, #tpu.memory_space<vmem>>
          %dma_start3A_174 = arith.constant 0 : i32
          %dma_start3A_175 = tpu.memref_slice %dma_start3A_173[%add3A_137, %dma_start3A_174] : memref<36x96xi32, #tpu.memory_space<vmem>> -> memref<1x96xi32, #tpu.memory_space<vmem>>
          %dma_start3A_176 = tpu.memref_squeeze %dma_start3A_175 : memref<1x96xi32, #tpu.memory_space<vmem>> -> memref<96xi32, #tpu.memory_space<vmem>>
          %dma_start3A_177 = arith.constant 0 : i32
          %dma_start3A_178 = arith.constant 0 : i32
          %dma_start3A_179 = tpu.memref_slice %arg9[%dma_start3A_177, %dma_start3A_178] : memref<10112x128xf32, #tpu.memory_space<vmem_shared>> -> memref<10112x128xf32, #tpu.memory_space<vmem_shared>>
          tpu.enqueue_indirect_dma source(%arg7 : memref<96x128xf32, #tpu.memory_space<vmem>>) target(%dma_start3A_179 : memref<10112x128xf32, #tpu.memory_space<vmem_shared>>) offsets(%dma_start3A_176 : memref<96xi32, #tpu.memory_space<vmem>>) semaphore(%run_scoped3A : memref<!tpu.dma_semaphore, #tpu.memory_space<semaphore_mem>>) {add = true}
          %dma_wait3A_180 = arith.constant 0 : i32
          %dma_wait3A_181 = arith.constant 0 : i32
          %dma_wait3A_182 = tpu.memref_slice %arg6[%while3A_38, %dma_wait3A_180, %dma_wait3A_181] : memref<2x36x96xi32, #tpu.memory_space<vmem>> -> memref<1x36x96xi32, #tpu.memory_space<vmem>>
          %dma_wait3A_183 = tpu.memref_squeeze %dma_wait3A_182 : memref<1x36x96xi32, #tpu.memory_space<vmem>> -> memref<36x96xi32, #tpu.memory_space<vmem>>
          %dma_wait3A_184 = arith.constant 0 : i32
          %dma_wait3A_185 = tpu.memref_slice %dma_wait3A_183[%add3A_137, %dma_wait3A_184] : memref<36x96xi32, #tpu.memory_space<vmem>> -> memref<1x96xi32, #tpu.memory_space<vmem>>
          %dma_wait3A_186 = tpu.memref_squeeze %dma_wait3A_185 : memref<1x96xi32, #tpu.memory_space<vmem>> -> memref<96xi32, #tpu.memory_space<vmem>>
          %dma_wait3A_187 = arith.constant 0 : i32
          %dma_wait3A_188 = arith.constant 0 : i32
          %dma_wait3A_189 = tpu.memref_slice %arg9[%dma_wait3A_187, %dma_wait3A_188] : memref<10112x128xf32, #tpu.memory_space<vmem_shared>> -> memref<10112x128xf32, #tpu.memory_space<vmem_shared>>
          tpu.wait_indirect_dma semaphore(%run_scoped3A : memref<!tpu.dma_semaphore, #tpu.memory_space<semaphore_mem>>) src(%arg7 : memref<96x128xf32, #tpu.memory_space<vmem>>) dst(%dma_wait3A_189 : memref<10112x128xf32, #tpu.memory_space<vmem_shared>>)
          tpu.yield
        }) : () -> ()
        %add3A_147 = arith.constant 2 : i32
        %add3A_148 = arith.addi %add3A_137, %add3A_147 : i32
        %lt3A = arith.constant 36 : i32
        %lt3A_149 = arith.cmpi slt, %add3A_148, %lt3A : i32
        %convert_element_type3A = arith.extui %lt3A_149 : i1 to i32
        %cond3A = arith.constant 0 : i32
        %cond3A_150 = arith.cmpi ne, %convert_element_type3A, %cond3A : i32
        scf.if %cond3A_150 {
          %dma_start3A_170 = arith.constant 0 : i32
          %dma_start3A_171 = arith.constant 0 : i32
          %dma_start3A_172 = tpu.memref_slice %arg6[%while3A_37, %dma_start3A_170, %dma_start3A_171] : memref<2x36x96xi32, #tpu.memory_space<vmem>> -> memref<1x36x96xi32, #tpu.memory_space<vmem>>
          %dma_start3A_173 = tpu.memref_squeeze %dma_start3A_172 : memref<1x36x96xi32, #tpu.memory_space<vmem>> -> memref<36x96xi32, #tpu.memory_space<vmem>>
          %dma_start3A_174 = arith.constant 0 : i32
          %dma_start3A_175 = tpu.memref_slice %dma_start3A_173[%add3A_148, %dma_start3A_174] : memref<36x96xi32, #tpu.memory_space<vmem>> -> memref<1x96xi32, #tpu.memory_space<vmem>>
          %dma_start3A_176 = tpu.memref_squeeze %dma_start3A_175 : memref<1x96xi32, #tpu.memory_space<vmem>> -> memref<96xi32, #tpu.memory_space<vmem>>
          %dma_start3A_177 = arith.constant 0 : i32
          %dma_start3A_178 = arith.constant 0 : i32
          %dma_start3A_179 = tpu.memref_slice %arg2[%dma_start3A_177, %dma_start3A_178] : memref<10000x128xf32, #tpu.memory_space<hbm>> -> memref<10000x128xf32, #tpu.memory_space<hbm>>
          tpu.enqueue_indirect_dma source(%dma_start3A_179 : memref<10000x128xf32, #tpu.memory_space<hbm>>) target(%arg7 : memref<96x128xf32, #tpu.memory_space<vmem>>) offsets(%dma_start3A_176 : memref<96xi32, #tpu.memory_space<vmem>>) semaphore(%arg10 : memref<!tpu.dma_semaphore, #tpu.memory_space<semaphore_mem>>)
        } else {
        }
        %add3A_151 = arith.constant 1 : i32
        %add3A_152 = arith.addi %mul3A_135, %add3A_151 : i32
        %dma_wait3A_153 = arith.constant 0 : i32
        %dma_wait3A_154 = arith.constant 0 : i32
        %dma_wait3A_155 = tpu.memref_slice %arg6[%while3A_37, %dma_wait3A_153, %dma_wait3A_154] : memref<2x36x96xi32, #tpu.memory_space<vmem>> -> memref<1x36x96xi32, #tpu.memory_space<vmem>>
        %dma_wait3A_156 = tpu.memref_squeeze %dma_wait3A_155 : memref<1x36x96xi32, #tpu.memory_space<vmem>> -> memref<36x96xi32, #tpu.memory_space<vmem>>
        %dma_wait3A_157 = arith.constant 0 : i32
        %dma_wait3A_158 = tpu.memref_slice %dma_wait3A_156[%add3A_152, %dma_wait3A_157] : memref<36x96xi32, #tpu.memory_space<vmem>> -> memref<1x96xi32, #tpu.memory_space<vmem>>
        %dma_wait3A_159 = tpu.memref_squeeze %dma_wait3A_158 : memref<1x96xi32, #tpu.memory_space<vmem>> -> memref<96xi32, #tpu.memory_space<vmem>>
        %dma_wait3A_160 = arith.constant 0 : i32
        %dma_wait3A_161 = arith.constant 0 : i32
        %dma_wait3A_162 = tpu.memref_slice %arg2[%dma_wait3A_160, %dma_wait3A_161] : memref<10000x128xf32, #tpu.memory_space<hbm>> -> memref<10000x128xf32, #tpu.memory_space<hbm>>
        tpu.wait_indirect_dma semaphore(%arg11 : memref<!tpu.dma_semaphore, #tpu.memory_space<semaphore_mem>>) src(%dma_wait3A_162 : memref<10000x128xf32, #tpu.memory_space<hbm>>) dst(%arg8 : memref<96x128xf32, #tpu.memory_space<vmem>>)
        "tpu.region"() ({
          %run_scoped3A = tpu.sem_alloc : memref<!tpu.dma_semaphore, #tpu.memory_space<semaphore_mem>>
          %dma_start3A_170 = arith.constant 0 : i32
          %dma_start3A_171 = arith.constant 0 : i32
          %dma_start3A_172 = tpu.memref_slice %arg6[%while3A_38, %dma_start3A_170, %dma_start3A_171] : memref<2x36x96xi32, #tpu.memory_space<vmem>> -> memref<1x36x96xi32, #tpu.memory_space<vmem>>
          %dma_start3A_173 = tpu.memref_squeeze %dma_start3A_172 : memref<1x36x96xi32, #tpu.memory_space<vmem>> -> memref<36x96xi32, #tpu.memory_space<vmem>>
          %dma_start3A_174 = arith.constant 0 : i32
          %dma_start3A_175 = tpu.memref_slice %dma_start3A_173[%add3A_152, %dma_start3A_174] : memref<36x96xi32, #tpu.memory_space<vmem>> -> memref<1x96xi32, #tpu.memory_space<vmem>>
          %dma_start3A_176 = tpu.memref_squeeze %dma_start3A_175 : memref<1x96xi32, #tpu.memory_space<vmem>> -> memref<96xi32, #tpu.memory_space<vmem>>
          %dma_start3A_177 = arith.constant 0 : i32
          %dma_start3A_178 = arith.constant 0 : i32
          %dma_start3A_179 = tpu.memref_slice %arg9[%dma_start3A_177, %dma_start3A_178] : memref<10112x128xf32, #tpu.memory_space<vmem_shared>> -> memref<10112x128xf32, #tpu.memory_space<vmem_shared>>
          tpu.enqueue_indirect_dma source(%arg8 : memref<96x128xf32, #tpu.memory_space<vmem>>) target(%dma_start3A_179 : memref<10112x128xf32, #tpu.memory_space<vmem_shared>>) offsets(%dma_start3A_176 : memref<96xi32, #tpu.memory_space<vmem>>) semaphore(%run_scoped3A : memref<!tpu.dma_semaphore, #tpu.memory_space<semaphore_mem>>) {add = true}
          %dma_wait3A_180 = arith.constant 0 : i32
          %dma_wait3A_181 = arith.constant 0 : i32
          %dma_wait3A_182 = tpu.memref_slice %arg6[%while3A_38, %dma_wait3A_180, %dma_wait3A_181] : memref<2x36x96xi32, #tpu.memory_space<vmem>> -> memref<1x36x96xi32, #tpu.memory_space<vmem>>
          %dma_wait3A_183 = tpu.memref_squeeze %dma_wait3A_182 : memref<1x36x96xi32, #tpu.memory_space<vmem>> -> memref<36x96xi32, #tpu.memory_space<vmem>>
          %dma_wait3A_184 = arith.constant 0 : i32
          %dma_wait3A_185 = tpu.memref_slice %dma_wait3A_183[%add3A_152, %dma_wait3A_184] : memref<36x96xi32, #tpu.memory_space<vmem>> -> memref<1x96xi32, #tpu.memory_space<vmem>>
          %dma_wait3A_186 = tpu.memref_squeeze %dma_wait3A_185 : memref<1x96xi32, #tpu.memory_space<vmem>> -> memref<96xi32, #tpu.memory_space<vmem>>
          %dma_wait3A_187 = arith.constant 0 : i32
          %dma_wait3A_188 = arith.constant 0 : i32
          %dma_wait3A_189 = tpu.memref_slice %arg9[%dma_wait3A_187, %dma_wait3A_188] : memref<10112x128xf32, #tpu.memory_space<vmem_shared>> -> memref<10112x128xf32, #tpu.memory_space<vmem_shared>>
          tpu.wait_indirect_dma semaphore(%run_scoped3A : memref<!tpu.dma_semaphore, #tpu.memory_space<semaphore_mem>>) src(%arg8 : memref<96x128xf32, #tpu.memory_space<vmem>>) dst(%dma_wait3A_189 : memref<10112x128xf32, #tpu.memory_space<vmem_shared>>)
          tpu.yield
        }) : () -> ()
        %add3A_163 = arith.constant 2 : i32
        %add3A_164 = arith.addi %add3A_152, %add3A_163 : i32
        %lt3A_165 = arith.constant 36 : i32
        %lt3A_166 = arith.cmpi slt, %add3A_164, %lt3A_165 : i32
        %convert_element_type3A_167 = arith.extui %lt3A_166 : i1 to i32
        %cond3A_168 = arith.constant 0 : i32
        %cond3A_169 = arith.cmpi ne, %convert_element_type3A_167, %cond3A_168 : i32
        scf.if %cond3A_169 {
          %dma_start3A_170 = arith.constant 0 : i32
          %dma_start3A_171 = arith.constant 0 : i32
          %dma_start3A_172 = tpu.memref_slice %arg6[%while3A_37, %dma_start3A_170, %dma_start3A_171] : memref<2x36x96xi32, #tpu.memory_space<vmem>> -> memref<1x36x96xi32, #tpu.memory_space<vmem>>
          %dma_start3A_173 = tpu.memref_squeeze %dma_start3A_172 : memref<1x36x96xi32, #tpu.memory_space<vmem>> -> memref<36x96xi32, #tpu.memory_space<vmem>>
          %dma_start3A_174 = arith.constant 0 : i32
          %dma_start3A_175 = tpu.memref_slice %dma_start3A_173[%add3A_164, %dma_start3A_174] : memref<36x96xi32, #tpu.memory_space<vmem>> -> memref<1x96xi32, #tpu.memory_space<vmem>>
          %dma_start3A_176 = tpu.memref_squeeze %dma_start3A_175 : memref<1x96xi32, #tpu.memory_space<vmem>> -> memref<96xi32, #tpu.memory_space<vmem>>
          %dma_start3A_177 = arith.constant 0 : i32
          %dma_start3A_178 = arith.constant 0 : i32
          %dma_start3A_179 = tpu.memref_slice %arg2[%dma_start3A_177, %dma_start3A_178] : memref<10000x128xf32, #tpu.memory_space<hbm>> -> memref<10000x128xf32, #tpu.memory_space<hbm>>
          tpu.enqueue_indirect_dma source(%dma_start3A_179 : memref<10000x128xf32, #tpu.memory_space<hbm>>) target(%arg8 : memref<96x128xf32, #tpu.memory_space<vmem>>) offsets(%dma_start3A_176 : memref<96xi32, #tpu.memory_space<vmem>>) semaphore(%arg11 : memref<!tpu.dma_semaphore, #tpu.memory_space<semaphore_mem>>)
        } else {
        }
      }
      %scan3A_132 = arith.constant 18 : i32
    }
    %while3A_47 = arith.constant 1 : i32
    scf.for %while3A_105 = %while3A_45 to %while3A_41 step %while3A_47  : i32 {
      %add3A_106 = arith.addi %select_n3A_36, %while3A_105 : i32
      "tpu.region"() ({
        %run_scoped3A = tpu.sem_alloc : memref<!tpu.dma_semaphore, #tpu.memory_space<semaphore_mem>>
        %dma_start3A_133 = arith.constant 0 : i32
        %dma_start3A_134 = arith.constant 0 : i32
        %dma_start3A_135 = arith.constant 0 : i32
        %dma_start3A_136 = tpu.memref_slice %arg3[%add3A_106, %dma_start3A_133, %dma_start3A_134, %dma_start3A_135] : memref<96x2x36x96xi32, #tpu.memory_space<hbm>> -> memref<1x2x36x96xi32, #tpu.memory_space<hbm>>
        %dma_start3A_137 = tpu.memref_squeeze %dma_start3A_136 : memref<1x2x36x96xi32, #tpu.memory_space<hbm>> -> memref<2x36x96xi32, #tpu.memory_space<hbm>>
        %dma_start3A_138 = arith.constant 0 : i32
        %dma_start3A_139 = arith.constant 0 : i32
        %dma_start3A_140 = arith.constant 0 : i32
        %dma_start3A_141 = tpu.memref_slice %arg3[%add3A_106, %dma_start3A_138, %dma_start3A_139, %dma_start3A_140] : memref<96x2x36x96xi32, #tpu.memory_space<hbm>> -> memref<1x2x36x96xi32, #tpu.memory_space<hbm>>
        %dma_start3A_142 = tpu.memref_squeeze %dma_start3A_141 : memref<1x2x36x96xi32, #tpu.memory_space<hbm>> -> memref<2x36x96xi32, #tpu.memory_space<hbm>>
        tpu.enqueue_dma source(%dma_start3A_142 : memref<2x36x96xi32, #tpu.memory_space<hbm>>) target(%arg6 : memref<2x36x96xi32, #tpu.memory_space<vmem>>) target_semaphore(%run_scoped3A : memref<!tpu.dma_semaphore, #tpu.memory_space<semaphore_mem>>)
        %dma_wait3A = arith.constant 0 : i32
        %dma_wait3A_143 = arith.constant 0 : i32
        %dma_wait3A_144 = arith.constant 0 : i32
        %dma_wait3A_145 = tpu.memref_slice %arg3[%add3A_106, %dma_wait3A, %dma_wait3A_143, %dma_wait3A_144] : memref<96x2x36x96xi32, #tpu.memory_space<hbm>> -> memref<1x2x36x96xi32, #tpu.memory_space<hbm>>
        %dma_wait3A_146 = tpu.memref_squeeze %dma_wait3A_145 : memref<1x2x36x96xi32, #tpu.memory_space<hbm>> -> memref<2x36x96xi32, #tpu.memory_space<hbm>>
        %dma_wait3A_147 = arith.constant 0 : i32
        %dma_wait3A_148 = arith.constant 0 : i32
        %dma_wait3A_149 = arith.constant 0 : i32
        %dma_wait3A_150 = tpu.memref_slice %arg3[%add3A_106, %dma_wait3A_147, %dma_wait3A_148, %dma_wait3A_149] : memref<96x2x36x96xi32, #tpu.memory_space<hbm>> -> memref<1x2x36x96xi32, #tpu.memory_space<hbm>>
        %dma_wait3A_151 = tpu.memref_squeeze %dma_wait3A_150 : memref<1x2x36x96xi32, #tpu.memory_space<hbm>> -> memref<2x36x96xi32, #tpu.memory_space<hbm>>
        tpu.wait_dma2 semaphore(%run_scoped3A : memref<!tpu.dma_semaphore, #tpu.memory_space<semaphore_mem>>) src(%dma_wait3A_151 : memref<2x36x96xi32, #tpu.memory_space<hbm>>) dst(%arg6 : memref<2x36x96xi32, #tpu.memory_space<vmem>>)
        tpu.yield
      }) : () -> ()
      %dma_start3A = arith.constant 0 : i32
      %dma_start3A_107 = arith.constant 0 : i32
      %dma_start3A_108 = arith.constant 0 : i32
      %dma_start3A_109 = tpu.memref_slice %arg6[%while3A_37, %dma_start3A_107, %dma_start3A_108] : memref<2x36x96xi32, #tpu.memory_space<vmem>> -> memref<1x36x96xi32, #tpu.memory_space<vmem>>
      %dma_start3A_110 = tpu.memref_squeeze %dma_start3A_109 : memref<1x36x96xi32, #tpu.memory_space<vmem>> -> memref<36x96xi32, #tpu.memory_space<vmem>>
      %dma_start3A_111 = arith.constant 0 : i32
      %dma_start3A_112 = tpu.memref_slice %dma_start3A_110[%dma_start3A, %dma_start3A_111] : memref<36x96xi32, #tpu.memory_space<vmem>> -> memref<1x96xi32, #tpu.memory_space<vmem>>
      %dma_start3A_113 = tpu.memref_squeeze %dma_start3A_112 : memref<1x96xi32, #tpu.memory_space<vmem>> -> memref<96xi32, #tpu.memory_space<vmem>>
      %dma_start3A_114 = arith.constant 0 : i32
      %dma_start3A_115 = arith.constant 0 : i32
      %dma_start3A_116 = tpu.memref_slice %arg2[%dma_start3A_114, %dma_start3A_115] : memref<10000x128xf32, #tpu.memory_space<hbm>> -> memref<10000x128xf32, #tpu.memory_space<hbm>>
      tpu.enqueue_indirect_dma source(%dma_start3A_116 : memref<10000x128xf32, #tpu.memory_space<hbm>>) target(%arg7 : memref<96x128xf32, #tpu.memory_space<vmem>>) offsets(%dma_start3A_113 : memref<96xi32, #tpu.memory_space<vmem>>) semaphore(%arg10 : memref<!tpu.dma_semaphore, #tpu.memory_space<semaphore_mem>>)
      %dma_start3A_117 = arith.constant 1 : i32
      %dma_start3A_118 = arith.constant 0 : i32
      %dma_start3A_119 = arith.constant 0 : i32
      %dma_start3A_120 = tpu.memref_slice %arg6[%while3A_37, %dma_start3A_118, %dma_start3A_119] : memref<2x36x96xi32, #tpu.memory_space<vmem>> -> memref<1x36x96xi32, #tpu.memory_space<vmem>>
      %dma_start3A_121 = tpu.memref_squeeze %dma_start3A_120 : memref<1x36x96xi32, #tpu.memory_space<vmem>> -> memref<36x96xi32, #tpu.memory_space<vmem>>
      %dma_start3A_122 = arith.constant 0 : i32
      %dma_start3A_123 = tpu.memref_slice %dma_start3A_121[%dma_start3A_117, %dma_start3A_122] : memref<36x96xi32, #tpu.memory_space<vmem>> -> memref<1x96xi32, #tpu.memory_space<vmem>>
      %dma_start3A_124 = tpu.memref_squeeze %dma_start3A_123 : memref<1x96xi32, #tpu.memory_space<vmem>> -> memref<96xi32, #tpu.memory_space<vmem>>
      %dma_start3A_125 = arith.constant 0 : i32
      %dma_start3A_126 = arith.constant 0 : i32
      %dma_start3A_127 = tpu.memref_slice %arg2[%dma_start3A_125, %dma_start3A_126] : memref<10000x128xf32, #tpu.memory_space<hbm>> -> memref<10000x128xf32, #tpu.memory_space<hbm>>
      tpu.enqueue_indirect_dma source(%dma_start3A_127 : memref<10000x128xf32, #tpu.memory_space<hbm>>) target(%arg8 : memref<96x128xf32, #tpu.memory_space<vmem>>) offsets(%dma_start3A_124 : memref<96xi32, #tpu.memory_space<vmem>>) semaphore(%arg11 : memref<!tpu.dma_semaphore, #tpu.memory_space<semaphore_mem>>)
      %scan3A = arith.constant 0 : i32
      %scan3A_128 = arith.constant 0 : i32
      %scan3A_129 = arith.constant 18 : i32
      %scan3A_130 = arith.addi %scan3A_128, %scan3A_129 : i32
      %scan3A_131 = arith.constant 1 : i32
      scf.for %scan3A_133 = %scan3A_128 to %scan3A_130 step %scan3A_131  : i32 {
        %mul3A_134 = arith.constant 2 : i32
        %mul3A_135 = arith.muli %scan3A_133, %mul3A_134 : i32
        %add3A_136 = arith.constant 0 : i32
        %add3A_137 = arith.addi %mul3A_135, %add3A_136 : i32
        %dma_wait3A = arith.constant 0 : i32
        %dma_wait3A_138 = arith.constant 0 : i32
        %dma_wait3A_139 = tpu.memref_slice %arg6[%while3A_37, %dma_wait3A, %dma_wait3A_138] : memref<2x36x96xi32, #tpu.memory_space<vmem>> -> memref<1x36x96xi32, #tpu.memory_space<vmem>>
        %dma_wait3A_140 = tpu.memref_squeeze %dma_wait3A_139 : memref<1x36x96xi32, #tpu.memory_space<vmem>> -> memref<36x96xi32, #tpu.memory_space<vmem>>
        %dma_wait3A_141 = arith.constant 0 : i32
        %dma_wait3A_142 = tpu.memref_slice %dma_wait3A_140[%add3A_137, %dma_wait3A_141] : memref<36x96xi32, #tpu.memory_space<vmem>> -> memref<1x96xi32, #tpu.memory_space<vmem>>
        %dma_wait3A_143 = tpu.memref_squeeze %dma_wait3A_142 : memref<1x96xi32, #tpu.memory_space<vmem>> -> memref<96xi32, #tpu.memory_space<vmem>>
        %dma_wait3A_144 = arith.constant 0 : i32
        %dma_wait3A_145 = arith.constant 0 : i32
        %dma_wait3A_146 = tpu.memref_slice %arg2[%dma_wait3A_144, %dma_wait3A_145] : memref<10000x128xf32, #tpu.memory_space<hbm>> -> memref<10000x128xf32, #tpu.memory_space<hbm>>
        tpu.wait_indirect_dma semaphore(%arg10 : memref<!tpu.dma_semaphore, #tpu.memory_space<semaphore_mem>>) src(%dma_wait3A_146 : memref<10000x128xf32, #tpu.memory_space<hbm>>) dst(%arg7 : memref<96x128xf32, #tpu.memory_space<vmem>>)
        "tpu.region"() ({
          %run_scoped3A = tpu.sem_alloc : memref<!tpu.dma_semaphore, #tpu.memory_space<semaphore_mem>>
          %dma_start3A_170 = arith.constant 0 : i32
          %dma_start3A_171 = arith.constant 0 : i32
          %dma_start3A_172 = tpu.memref_slice %arg6[%while3A_38, %dma_start3A_170, %dma_start3A_171] : memref<2x36x96xi32, #tpu.memory_space<vmem>> -> memref<1x36x96xi32, #tpu.memory_space<vmem>>
          %dma_start3A_173 = tpu.memref_squeeze %dma_start3A_172 : memref<1x36x96xi32, #tpu.memory_space<vmem>> -> memref<36x96xi32, #tpu.memory_space<vmem>>
          %dma_start3A_174 = arith.constant 0 : i32
          %dma_start3A_175 = tpu.memref_slice %dma_start3A_173[%add3A_137, %dma_start3A_174] : memref<36x96xi32, #tpu.memory_space<vmem>> -> memref<1x96xi32, #tpu.memory_space<vmem>>
          %dma_start3A_176 = tpu.memref_squeeze %dma_start3A_175 : memref<1x96xi32, #tpu.memory_space<vmem>> -> memref<96xi32, #tpu.memory_space<vmem>>
          %dma_start3A_177 = arith.constant 0 : i32
          %dma_start3A_178 = arith.constant 0 : i32
          %dma_start3A_179 = tpu.memref_slice %arg9[%dma_start3A_177, %dma_start3A_178] : memref<10112x128xf32, #tpu.memory_space<vmem_shared>> -> memref<10112x128xf32, #tpu.memory_space<vmem_shared>>
          tpu.enqueue_indirect_dma source(%arg7 : memref<96x128xf32, #tpu.memory_space<vmem>>) target(%dma_start3A_179 : memref<10112x128xf32, #tpu.memory_space<vmem_shared>>) offsets(%dma_start3A_176 : memref<96xi32, #tpu.memory_space<vmem>>) semaphore(%run_scoped3A : memref<!tpu.dma_semaphore, #tpu.memory_space<semaphore_mem>>) {add = true}
          %dma_wait3A_180 = arith.constant 0 : i32
          %dma_wait3A_181 = arith.constant 0 : i32
          %dma_wait3A_182 = tpu.memref_slice %arg6[%while3A_38, %dma_wait3A_180, %dma_wait3A_181] : memref<2x36x96xi32, #tpu.memory_space<vmem>> -> memref<1x36x96xi32, #tpu.memory_space<vmem>>
          %dma_wait3A_183 = tpu.memref_squeeze %dma_wait3A_182 : memref<1x36x96xi32, #tpu.memory_space<vmem>> -> memref<36x96xi32, #tpu.memory_space<vmem>>
          %dma_wait3A_184 = arith.constant 0 : i32
          %dma_wait3A_185 = tpu.memref_slice %dma_wait3A_183[%add3A_137, %dma_wait3A_184] : memref<36x96xi32, #tpu.memory_space<vmem>> -> memref<1x96xi32, #tpu.memory_space<vmem>>
          %dma_wait3A_186 = tpu.memref_squeeze %dma_wait3A_185 : memref<1x96xi32, #tpu.memory_space<vmem>> -> memref<96xi32, #tpu.memory_space<vmem>>
          %dma_wait3A_187 = arith.constant 0 : i32
          %dma_wait3A_188 = arith.constant 0 : i32
          %dma_wait3A_189 = tpu.memref_slice %arg9[%dma_wait3A_187, %dma_wait3A_188] : memref<10112x128xf32, #tpu.memory_space<vmem_shared>> -> memref<10112x128xf32, #tpu.memory_space<vmem_shared>>
          tpu.wait_indirect_dma semaphore(%run_scoped3A : memref<!tpu.dma_semaphore, #tpu.memory_space<semaphore_mem>>) src(%arg7 : memref<96x128xf32, #tpu.memory_space<vmem>>) dst(%dma_wait3A_189 : memref<10112x128xf32, #tpu.memory_space<vmem_shared>>)
          tpu.yield
        }) : () -> ()
        %add3A_147 = arith.constant 2 : i32
        %add3A_148 = arith.addi %add3A_137, %add3A_147 : i32
        %lt3A = arith.constant 36 : i32
        %lt3A_149 = arith.cmpi slt, %add3A_148, %lt3A : i32
        %convert_element_type3A = arith.extui %lt3A_149 : i1 to i32
        %cond3A = arith.constant 0 : i32
        %cond3A_150 = arith.cmpi ne, %convert_element_type3A, %cond3A : i32
        scf.if %cond3A_150 {
          %dma_start3A_170 = arith.constant 0 : i32
          %dma_start3A_171 = arith.constant 0 : i32
          %dma_start3A_172 = tpu.memref_slice %arg6[%while3A_37, %dma_start3A_170, %dma_start3A_171] : memref<2x36x96xi32, #tpu.memory_space<vmem>> -> memref<1x36x96xi32, #tpu.memory_space<vmem>>
          %dma_start3A_173 = tpu.memref_squeeze %dma_start3A_172 : memref<1x36x96xi32, #tpu.memory_space<vmem>> -> memref<36x96xi32, #tpu.memory_space<vmem>>
          %dma_start3A_174 = arith.constant 0 : i32
          %dma_start3A_175 = tpu.memref_slice %dma_start3A_173[%add3A_148, %dma_start3A_174] : memref<36x96xi32, #tpu.memory_space<vmem>> -> memref<1x96xi32, #tpu.memory_space<vmem>>
          %dma_start3A_176 = tpu.memref_squeeze %dma_start3A_175 : memref<1x96xi32, #tpu.memory_space<vmem>> -> memref<96xi32, #tpu.memory_space<vmem>>
          %dma_start3A_177 = arith.constant 0 : i32
          %dma_start3A_178 = arith.constant 0 : i32
          %dma_start3A_179 = tpu.memref_slice %arg2[%dma_start3A_177, %dma_start3A_178] : memref<10000x128xf32, #tpu.memory_space<hbm>> -> memref<10000x128xf32, #tpu.memory_space<hbm>>
          tpu.enqueue_indirect_dma source(%dma_start3A_179 : memref<10000x128xf32, #tpu.memory_space<hbm>>) target(%arg7 : memref<96x128xf32, #tpu.memory_space<vmem>>) offsets(%dma_start3A_176 : memref<96xi32, #tpu.memory_space<vmem>>) semaphore(%arg10 : memref<!tpu.dma_semaphore, #tpu.memory_space<semaphore_mem>>)
        } else {
        }
        %add3A_151 = arith.constant 1 : i32
        %add3A_152 = arith.addi %mul3A_135, %add3A_151 : i32
        %dma_wait3A_153 = arith.constant 0 : i32
        %dma_wait3A_154 = arith.constant 0 : i32
        %dma_wait3A_155 = tpu.memref_slice %arg6[%while3A_37, %dma_wait3A_153, %dma_wait3A_154] : memref<2x36x96xi32, #tpu.memory_space<vmem>> -> memref<1x36x96xi32, #tpu.memory_space<vmem>>
        %dma_wait3A_156 = tpu.memref_squeeze %dma_wait3A_155 : memref<1x36x96xi32, #tpu.memory_space<vmem>> -> memref<36x96xi32, #tpu.memory_space<vmem>>
        %dma_wait3A_157 = arith.constant 0 : i32
        %dma_wait3A_158 = tpu.memref_slice %dma_wait3A_156[%add3A_152, %dma_wait3A_157] : memref<36x96xi32, #tpu.memory_space<vmem>> -> memref<1x96xi32, #tpu.memory_space<vmem>>
        %dma_wait3A_159 = tpu.memref_squeeze %dma_wait3A_158 : memref<1x96xi32, #tpu.memory_space<vmem>> -> memref<96xi32, #tpu.memory_space<vmem>>
        %dma_wait3A_160 = arith.constant 0 : i32
        %dma_wait3A_161 = arith.constant 0 : i32
        %dma_wait3A_162 = tpu.memref_slice %arg2[%dma_wait3A_160, %dma_wait3A_161] : memref<10000x128xf32, #tpu.memory_space<hbm>> -> memref<10000x128xf32, #tpu.memory_space<hbm>>
        tpu.wait_indirect_dma semaphore(%arg11 : memref<!tpu.dma_semaphore, #tpu.memory_space<semaphore_mem>>) src(%dma_wait3A_162 : memref<10000x128xf32, #tpu.memory_space<hbm>>) dst(%arg8 : memref<96x128xf32, #tpu.memory_space<vmem>>)
        "tpu.region"() ({
          %run_scoped3A = tpu.sem_alloc : memref<!tpu.dma_semaphore, #tpu.memory_space<semaphore_mem>>
          %dma_start3A_170 = arith.constant 0 : i32
          %dma_start3A_171 = arith.constant 0 : i32
          %dma_start3A_172 = tpu.memref_slice %arg6[%while3A_38, %dma_start3A_170, %dma_start3A_171] : memref<2x36x96xi32, #tpu.memory_space<vmem>> -> memref<1x36x96xi32, #tpu.memory_space<vmem>>
          %dma_start3A_173 = tpu.memref_squeeze %dma_start3A_172 : memref<1x36x96xi32, #tpu.memory_space<vmem>> -> memref<36x96xi32, #tpu.memory_space<vmem>>
          %dma_start3A_174 = arith.constant 0 : i32
          %dma_start3A_175 = tpu.memref_slice %dma_start3A_173[%add3A_152, %dma_start3A_174] : memref<36x96xi32, #tpu.memory_space<vmem>> -> memref<1x96xi32, #tpu.memory_space<vmem>>
          %dma_start3A_176 = tpu.memref_squeeze %dma_start3A_175 : memref<1x96xi32, #tpu.memory_space<vmem>> -> memref<96xi32, #tpu.memory_space<vmem>>
          %dma_start3A_177 = arith.constant 0 : i32
          %dma_start3A_178 = arith.constant 0 : i32
          %dma_start3A_179 = tpu.memref_slice %arg9[%dma_start3A_177, %dma_start3A_178] : memref<10112x128xf32, #tpu.memory_space<vmem_shared>> -> memref<10112x128xf32, #tpu.memory_space<vmem_shared>>
          tpu.enqueue_indirect_dma source(%arg8 : memref<96x128xf32, #tpu.memory_space<vmem>>) target(%dma_start3A_179 : memref<10112x128xf32, #tpu.memory_space<vmem_shared>>) offsets(%dma_start3A_176 : memref<96xi32, #tpu.memory_space<vmem>>) semaphore(%run_scoped3A : memref<!tpu.dma_semaphore, #tpu.memory_space<semaphore_mem>>) {add = true}
          %dma_wait3A_180 = arith.constant 0 : i32
          %dma_wait3A_181 = arith.constant 0 : i32
          %dma_wait3A_182 = tpu.memref_slice %arg6[%while3A_38, %dma_wait3A_180, %dma_wait3A_181] : memref<2x36x96xi32, #tpu.memory_space<vmem>> -> memref<1x36x96xi32, #tpu.memory_space<vmem>>
          %dma_wait3A_183 = tpu.memref_squeeze %dma_wait3A_182 : memref<1x36x96xi32, #tpu.memory_space<vmem>> -> memref<36x96xi32, #tpu.memory_space<vmem>>
          %dma_wait3A_184 = arith.constant 0 : i32
          %dma_wait3A_185 = tpu.memref_slice %dma_wait3A_183[%add3A_152, %dma_wait3A_184] : memref<36x96xi32, #tpu.memory_space<vmem>> -> memref<1x96xi32, #tpu.memory_space<vmem>>
          %dma_wait3A_186 = tpu.memref_squeeze %dma_wait3A_185 : memref<1x96xi32, #tpu.memory_space<vmem>> -> memref<96xi32, #tpu.memory_space<vmem>>
          %dma_wait3A_187 = arith.constant 0 : i32
          %dma_wait3A_188 = arith.constant 0 : i32
          %dma_wait3A_189 = tpu.memref_slice %arg9[%dma_wait3A_187, %dma_wait3A_188] : memref<10112x128xf32, #tpu.memory_space<vmem_shared>> -> memref<10112x128xf32, #tpu.memory_space<vmem_shared>>
          tpu.wait_indirect_dma semaphore(%run_scoped3A : memref<!tpu.dma_semaphore, #tpu.memory_space<semaphore_mem>>) src(%arg8 : memref<96x128xf32, #tpu.memory_space<vmem>>) dst(%dma_wait3A_189 : memref<10112x128xf32, #tpu.memory_space<vmem_shared>>)
          tpu.yield
        }) : () -> ()
        %add3A_163 = arith.constant 2 : i32
        %add3A_164 = arith.addi %add3A_152, %add3A_163 : i32
        %lt3A_165 = arith.constant 36 : i32
        %lt3A_166 = arith.cmpi slt, %add3A_164, %lt3A_165 : i32
        %convert_element_type3A_167 = arith.extui %lt3A_166 : i1 to i32
        %cond3A_168 = arith.constant 0 : i32
        %cond3A_169 = arith.cmpi ne, %convert_element_type3A_167, %cond3A_168 : i32
        scf.if %cond3A_169 {
          %dma_start3A_170 = arith.constant 0 : i32
          %dma_start3A_171 = arith.constant 0 : i32
          %dma_start3A_172 = tpu.memref_slice %arg6[%while3A_37, %dma_start3A_170, %dma_start3A_171] : memref<2x36x96xi32, #tpu.memory_space<vmem>> -> memref<1x36x96xi32, #tpu.memory_space<vmem>>
          %dma_start3A_173 = tpu.memref_squeeze %dma_start3A_172 : memref<1x36x96xi32, #tpu.memory_space<vmem>> -> memref<36x96xi32, #tpu.memory_space<vmem>>
          %dma_start3A_174 = arith.constant 0 : i32
          %dma_start3A_175 = tpu.memref_slice %dma_start3A_173[%add3A_164, %dma_start3A_174] : memref<36x96xi32, #tpu.memory_space<vmem>> -> memref<1x96xi32, #tpu.memory_space<vmem>>
          %dma_start3A_176 = tpu.memref_squeeze %dma_start3A_175 : memref<1x96xi32, #tpu.memory_space<vmem>> -> memref<96xi32, #tpu.memory_space<vmem>>
          %dma_start3A_177 = arith.constant 0 : i32
          %dma_start3A_178 = arith.constant 0 : i32
          %dma_start3A_179 = tpu.memref_slice %arg2[%dma_start3A_177, %dma_start3A_178] : memref<10000x128xf32, #tpu.memory_space<hbm>> -> memref<10000x128xf32, #tpu.memory_space<hbm>>
          tpu.enqueue_indirect_dma source(%dma_start3A_179 : memref<10000x128xf32, #tpu.memory_space<hbm>>) target(%arg8 : memref<96x128xf32, #tpu.memory_space<vmem>>) offsets(%dma_start3A_176 : memref<96xi32, #tpu.memory_space<vmem>>) semaphore(%arg11 : memref<!tpu.dma_semaphore, #tpu.memory_space<semaphore_mem>>)
        } else {
        }
      }
      %scan3A_132 = arith.constant 18 : i32
    }
    %barrier3A_48 = arith.constant 0 : index
    tpu.barrier barrier_id(%barrier3A_48)
    %mul3A_49 = arith.constant 632 : i32
    %mul3A_50 = arith.muli %arg1, %mul3A_49 : i32
    %add3A_51 = arith.constant 0 : i32
    %add3A_52 = arith.addi %mul3A_50, %add3A_51 : i32
    "tpu.region"() ({
      %run_scoped3A = tpu.sem_alloc : memref<!tpu.dma_semaphore, #tpu.memory_space<semaphore_mem>>
      %dma_start3A = arith.constant 0 : i32
      %dma_start3A_105 = arith.constant 0 : i32
      %dma_start3A_106 = tpu.memref_slice %arg7[%dma_start3A, %dma_start3A_105] : memref<96x128xf32, #tpu.memory_space<vmem>> -> memref<96x128xf32, #tpu.memory_space<vmem>>
      %dma_start3A_107 = arith.constant 0 : i32
      %dma_start3A_108 = tpu.memref_slice %arg9[%add3A_52, %dma_start3A_107] : memref<10112x128xf32, #tpu.memory_space<vmem_shared>> -> memref<96x128xf32, #tpu.memory_space<vmem_shared>>
      %dma_start3A_109 = arith.constant 0 : i32
      %dma_start3A_110 = arith.constant 0 : i32
      %dma_start3A_111 = tpu.memref_slice %arg7[%dma_start3A_109, %dma_start3A_110] : memref<96x128xf32, #tpu.memory_space<vmem>> -> memref<96x128xf32, #tpu.memory_space<vmem>>
      %dma_start3A_112 = arith.constant 0 : i32
      %dma_start3A_113 = tpu.memref_slice %arg9[%add3A_52, %dma_start3A_112] : memref<10112x128xf32, #tpu.memory_space<vmem_shared>> -> memref<96x128xf32, #tpu.memory_space<vmem_shared>>
      tpu.enqueue_dma source(%dma_start3A_113 : memref<96x128xf32, #tpu.memory_space<vmem_shared>>) target(%dma_start3A_111 : memref<96x128xf32, #tpu.memory_space<vmem>>) target_semaphore(%run_scoped3A : memref<!tpu.dma_semaphore, #tpu.memory_space<semaphore_mem>>)
      %dma_wait3A = arith.constant 0 : i32
      %dma_wait3A_114 = arith.constant 0 : i32
      %dma_wait3A_115 = tpu.memref_slice %arg7[%dma_wait3A, %dma_wait3A_114] : memref<96x128xf32, #tpu.memory_space<vmem>> -> memref<96x128xf32, #tpu.memory_space<vmem>>
      %dma_wait3A_116 = arith.constant 0 : i32
      %dma_wait3A_117 = tpu.memref_slice %arg9[%add3A_52, %dma_wait3A_116] : memref<10112x128xf32, #tpu.memory_space<vmem_shared>> -> memref<96x128xf32, #tpu.memory_space<vmem_shared>>
      %dma_wait3A_118 = arith.constant 0 : i32
      %dma_wait3A_119 = arith.constant 0 : i32
      %dma_wait3A_120 = tpu.memref_slice %arg7[%dma_wait3A_118, %dma_wait3A_119] : memref<96x128xf32, #tpu.memory_space<vmem>> -> memref<96x128xf32, #tpu.memory_space<vmem>>
      %dma_wait3A_121 = arith.constant 0 : i32
      %dma_wait3A_122 = tpu.memref_slice %arg9[%add3A_52, %dma_wait3A_121] : memref<10112x128xf32, #tpu.memory_space<vmem_shared>> -> memref<96x128xf32, #tpu.memory_space<vmem_shared>>
      tpu.wait_dma2 semaphore(%run_scoped3A : memref<!tpu.dma_semaphore, #tpu.memory_space<semaphore_mem>>) src(%dma_wait3A_122 : memref<96x128xf32, #tpu.memory_space<vmem_shared>>) dst(%dma_wait3A_120 : memref<96x128xf32, #tpu.memory_space<vmem>>)
      tpu.yield
    }) : () -> ()
    %mul3A_53 = arith.constant 632 : i32
    %mul3A_54 = arith.muli %arg1, %mul3A_53 : i32
    %add3A_55 = arith.constant 0 : i32
    %add3A_56 = arith.addi %mul3A_54, %add3A_55 : i32
    "tpu.region"() ({
      %run_scoped3A = tpu.sem_alloc : memref<!tpu.dma_semaphore, #tpu.memory_space<semaphore_mem>>
      %dma_start3A = arith.constant 0 : i32
      %dma_start3A_105 = arith.constant 0 : i32
      %dma_start3A_106 = tpu.memref_slice %arg7[%dma_start3A, %dma_start3A_105] : memref<96x128xf32, #tpu.memory_space<vmem>> -> memref<96x128xf32, #tpu.memory_space<vmem>>
      %dma_start3A_107 = arith.constant 0 : i32
      %dma_start3A_108 = tpu.memref_slice %arg5[%arg0, %add3A_56, %dma_start3A_107] : memref<2x10112x128xf32, #tpu.memory_space<hbm>> -> memref<1x96x128xf32, #tpu.memory_space<hbm>>
      %dma_start3A_109 = tpu.memref_squeeze %dma_start3A_108 : memref<1x96x128xf32, #tpu.memory_space<hbm>> -> memref<96x128xf32, #tpu.memory_space<hbm>>
      %dma_start3A_110 = arith.constant 0 : i32
      %dma_start3A_111 = tpu.memref_slice %arg5[%arg0, %add3A_56, %dma_start3A_110] : memref<2x10112x128xf32, #tpu.memory_space<hbm>> -> memref<1x96x128xf32, #tpu.memory_space<hbm>>
      %dma_start3A_112 = tpu.memref_squeeze %dma_start3A_111 : memref<1x96x128xf32, #tpu.memory_space<hbm>> -> memref<96x128xf32, #tpu.memory_space<hbm>>
      %dma_start3A_113 = arith.constant 0 : i32
      %dma_start3A_114 = arith.constant 0 : i32
      %dma_start3A_115 = tpu.memref_slice %arg7[%dma_start3A_113, %dma_start3A_114] : memref<96x128xf32, #tpu.memory_space<vmem>> -> memref<96x128xf32, #tpu.memory_space<vmem>>
      tpu.enqueue_dma source(%dma_start3A_115 : memref<96x128xf32, #tpu.memory_space<vmem>>) target(%dma_start3A_112 : memref<96x128xf32, #tpu.memory_space<hbm>>) target_semaphore(%run_scoped3A : memref<!tpu.dma_semaphore, #tpu.memory_space<semaphore_mem>>)
      %dma_wait3A = arith.constant 0 : i32
      %dma_wait3A_116 = arith.constant 0 : i32
      %dma_wait3A_117 = tpu.memref_slice %arg7[%dma_wait3A, %dma_wait3A_116] : memref<96x128xf32, #tpu.memory_space<vmem>> -> memref<96x128xf32, #tpu.memory_space<vmem>>
      %dma_wait3A_118 = arith.constant 0 : i32
      %dma_wait3A_119 = tpu.memref_slice %arg5[%arg0, %add3A_56, %dma_wait3A_118] : memref<2x10112x128xf32, #tpu.memory_space<hbm>> -> memref<1x96x128xf32, #tpu.memory_space<hbm>>
      %dma_wait3A_120 = tpu.memref_squeeze %dma_wait3A_119 : memref<1x96x128xf32, #tpu.memory_space<hbm>> -> memref<96x128xf32, #tpu.memory_space<hbm>>
      %dma_wait3A_121 = arith.constant 0 : i32
      %dma_wait3A_122 = tpu.memref_slice %arg5[%arg0, %add3A_56, %dma_wait3A_121] : memref<2x10112x128xf32, #tpu.memory_space<hbm>> -> memref<1x96x128xf32, #tpu.memory_space<hbm>>
      %dma_wait3A_123 = tpu.memref_squeeze %dma_wait3A_122 : memref<1x96x128xf32, #tpu.memory_space<hbm>> -> memref<96x128xf32, #tpu.memory_space<hbm>>
      %dma_wait3A_124 = arith.constant 0 : i32
      %dma_wait3A_125 = arith.constant 0 : i32
      %dma_wait3A_126 = tpu.memref_slice %arg7[%dma_wait3A_124, %dma_wait3A_125] : memref<96x128xf32, #tpu.memory_space<vmem>> -> memref<96x128xf32, #tpu.memory_space<vmem>>
      tpu.wait_dma2 semaphore(%run_scoped3A : memref<!tpu.dma_semaphore, #tpu.memory_space<semaphore_mem>>) src(%dma_wait3A_126 : memref<96x128xf32, #tpu.memory_space<vmem>>) dst(%dma_wait3A_123 : memref<96x128xf32, #tpu.memory_space<hbm>>)
      tpu.yield
    }) : () -> ()
    %mul3A_57 = arith.constant 632 : i32
    %mul3A_58 = arith.muli %arg1, %mul3A_57 : i32
    %add3A_59 = arith.constant 96 : i32
    %add3A_60 = arith.addi %mul3A_58, %add3A_59 : i32
    "tpu.region"() ({
      %run_scoped3A = tpu.sem_alloc : memref<!tpu.dma_semaphore, #tpu.memory_space<semaphore_mem>>
      %dma_start3A = arith.constant 0 : i32
      %dma_start3A_105 = arith.constant 0 : i32
      %dma_start3A_106 = tpu.memref_slice %arg7[%dma_start3A, %dma_start3A_105] : memref<96x128xf32, #tpu.memory_space<vmem>> -> memref<96x128xf32, #tpu.memory_space<vmem>>
      %dma_start3A_107 = arith.constant 0 : i32
      %dma_start3A_108 = tpu.memref_slice %arg9[%add3A_60, %dma_start3A_107] : memref<10112x128xf32, #tpu.memory_space<vmem_shared>> -> memref<96x128xf32, #tpu.memory_space<vmem_shared>>
      %dma_start3A_109 = arith.constant 0 : i32
      %dma_start3A_110 = arith.constant 0 : i32
      %dma_start3A_111 = tpu.memref_slice %arg7[%dma_start3A_109, %dma_start3A_110] : memref<96x128xf32, #tpu.memory_space<vmem>> -> memref<96x128xf32, #tpu.memory_space<vmem>>
      %dma_start3A_112 = arith.constant 0 : i32
      %dma_start3A_113 = tpu.memref_slice %arg9[%add3A_60, %dma_start3A_112] : memref<10112x128xf32, #tpu.memory_space<vmem_shared>> -> memref<96x128xf32, #tpu.memory_space<vmem_shared>>
      tpu.enqueue_dma source(%dma_start3A_113 : memref<96x128xf32, #tpu.memory_space<vmem_shared>>) target(%dma_start3A_111 : memref<96x128xf32, #tpu.memory_space<vmem>>) target_semaphore(%run_scoped3A : memref<!tpu.dma_semaphore, #tpu.memory_space<semaphore_mem>>)
      %dma_wait3A = arith.constant 0 : i32
      %dma_wait3A_114 = arith.constant 0 : i32
      %dma_wait3A_115 = tpu.memref_slice %arg7[%dma_wait3A, %dma_wait3A_114] : memref<96x128xf32, #tpu.memory_space<vmem>> -> memref<96x128xf32, #tpu.memory_space<vmem>>
      %dma_wait3A_116 = arith.constant 0 : i32
      %dma_wait3A_117 = tpu.memref_slice %arg9[%add3A_60, %dma_wait3A_116] : memref<10112x128xf32, #tpu.memory_space<vmem_shared>> -> memref<96x128xf32, #tpu.memory_space<vmem_shared>>
      %dma_wait3A_118 = arith.constant 0 : i32
      %dma_wait3A_119 = arith.constant 0 : i32
      %dma_wait3A_120 = tpu.memref_slice %arg7[%dma_wait3A_118, %dma_wait3A_119] : memref<96x128xf32, #tpu.memory_space<vmem>> -> memref<96x128xf32, #tpu.memory_space<vmem>>
      %dma_wait3A_121 = arith.constant 0 : i32
      %dma_wait3A_122 = tpu.memref_slice %arg9[%add3A_60, %dma_wait3A_121] : memref<10112x128xf32, #tpu.memory_space<vmem_shared>> -> memref<96x128xf32, #tpu.memory_space<vmem_shared>>
      tpu.wait_dma2 semaphore(%run_scoped3A : memref<!tpu.dma_semaphore, #tpu.memory_space<semaphore_mem>>) src(%dma_wait3A_122 : memref<96x128xf32, #tpu.memory_space<vmem_shared>>) dst(%dma_wait3A_120 : memref<96x128xf32, #tpu.memory_space<vmem>>)
      tpu.yield
    }) : () -> ()
    %mul3A_61 = arith.constant 632 : i32
    %mul3A_62 = arith.muli %arg1, %mul3A_61 : i32
    %add3A_63 = arith.constant 96 : i32
    %add3A_64 = arith.addi %mul3A_62, %add3A_63 : i32
    "tpu.region"() ({
      %run_scoped3A = tpu.sem_alloc : memref<!tpu.dma_semaphore, #tpu.memory_space<semaphore_mem>>
      %dma_start3A = arith.constant 0 : i32
      %dma_start3A_105 = arith.constant 0 : i32
      %dma_start3A_106 = tpu.memref_slice %arg7[%dma_start3A, %dma_start3A_105] : memref<96x128xf32, #tpu.memory_space<vmem>> -> memref<96x128xf32, #tpu.memory_space<vmem>>
      %dma_start3A_107 = arith.constant 0 : i32
      %dma_start3A_108 = tpu.memref_slice %arg5[%arg0, %add3A_64, %dma_start3A_107] : memref<2x10112x128xf32, #tpu.memory_space<hbm>> -> memref<1x96x128xf32, #tpu.memory_space<hbm>>
      %dma_start3A_109 = tpu.memref_squeeze %dma_start3A_108 : memref<1x96x128xf32, #tpu.memory_space<hbm>> -> memref<96x128xf32, #tpu.memory_space<hbm>>
      %dma_start3A_110 = arith.constant 0 : i32
      %dma_start3A_111 = tpu.memref_slice %arg5[%arg0, %add3A_64, %dma_start3A_110] : memref<2x10112x128xf32, #tpu.memory_space<hbm>> -> memref<1x96x128xf32, #tpu.memory_space<hbm>>
      %dma_start3A_112 = tpu.memref_squeeze %dma_start3A_111 : memref<1x96x128xf32, #tpu.memory_space<hbm>> -> memref<96x128xf32, #tpu.memory_space<hbm>>
      %dma_start3A_113 = arith.constant 0 : i32
      %dma_start3A_114 = arith.constant 0 : i32
      %dma_start3A_115 = tpu.memref_slice %arg7[%dma_start3A_113, %dma_start3A_114] : memref<96x128xf32, #tpu.memory_space<vmem>> -> memref<96x128xf32, #tpu.memory_space<vmem>>
      tpu.enqueue_dma source(%dma_start3A_115 : memref<96x128xf32, #tpu.memory_space<vmem>>) target(%dma_start3A_112 : memref<96x128xf32, #tpu.memory_space<hbm>>) target_semaphore(%run_scoped3A : memref<!tpu.dma_semaphore, #tpu.memory_space<semaphore_mem>>)
      %dma_wait3A = arith.constant 0 : i32
      %dma_wait3A_116 = arith.constant 0 : i32
      %dma_wait3A_117 = tpu.memref_slice %arg7[%dma_wait3A, %dma_wait3A_116] : memref<96x128xf32, #tpu.memory_space<vmem>> -> memref<96x128xf32, #tpu.memory_space<vmem>>
      %dma_wait3A_118 = arith.constant 0 : i32
      %dma_wait3A_119 = tpu.memref_slice %arg5[%arg0, %add3A_64, %dma_wait3A_118] : memref<2x10112x128xf32, #tpu.memory_space<hbm>> -> memref<1x96x128xf32, #tpu.memory_space<hbm>>
      %dma_wait3A_120 = tpu.memref_squeeze %dma_wait3A_119 : memref<1x96x128xf32, #tpu.memory_space<hbm>> -> memref<96x128xf32, #tpu.memory_space<hbm>>
      %dma_wait3A_121 = arith.constant 0 : i32
      %dma_wait3A_122 = tpu.memref_slice %arg5[%arg0, %add3A_64, %dma_wait3A_121] : memref<2x10112x128xf32, #tpu.memory_space<hbm>> -> memref<1x96x128xf32, #tpu.memory_space<hbm>>
      %dma_wait3A_123 = tpu.memref_squeeze %dma_wait3A_122 : memref<1x96x128xf32, #tpu.memory_space<hbm>> -> memref<96x128xf32, #tpu.memory_space<hbm>>
      %dma_wait3A_124 = arith.constant 0 : i32
      %dma_wait3A_125 = arith.constant 0 : i32
      %dma_wait3A_126 = tpu.memref_slice %arg7[%dma_wait3A_124, %dma_wait3A_125] : memref<96x128xf32, #tpu.memory_space<vmem>> -> memref<96x128xf32, #tpu.memory_space<vmem>>
      tpu.wait_dma2 semaphore(%run_scoped3A : memref<!tpu.dma_semaphore, #tpu.memory_space<semaphore_mem>>) src(%dma_wait3A_126 : memref<96x128xf32, #tpu.memory_space<vmem>>) dst(%dma_wait3A_123 : memref<96x128xf32, #tpu.memory_space<hbm>>)
      tpu.yield
    }) : () -> ()
    %mul3A_65 = arith.constant 632 : i32
    %mul3A_66 = arith.muli %arg1, %mul3A_65 : i32
    %add3A_67 = arith.constant 192 : i32
    %add3A_68 = arith.addi %mul3A_66, %add3A_67 : i32
    "tpu.region"() ({
      %run_scoped3A = tpu.sem_alloc : memref<!tpu.dma_semaphore, #tpu.memory_space<semaphore_mem>>
      %dma_start3A = arith.constant 0 : i32
      %dma_start3A_105 = arith.constant 0 : i32
      %dma_start3A_106 = tpu.memref_slice %arg7[%dma_start3A, %dma_start3A_105] : memref<96x128xf32, #tpu.memory_space<vmem>> -> memref<96x128xf32, #tpu.memory_space<vmem>>
      %dma_start3A_107 = arith.constant 0 : i32
      %dma_start3A_108 = tpu.memref_slice %arg9[%add3A_68, %dma_start3A_107] : memref<10112x128xf32, #tpu.memory_space<vmem_shared>> -> memref<96x128xf32, #tpu.memory_space<vmem_shared>>
      %dma_start3A_109 = arith.constant 0 : i32
      %dma_start3A_110 = arith.constant 0 : i32
      %dma_start3A_111 = tpu.memref_slice %arg7[%dma_start3A_109, %dma_start3A_110] : memref<96x128xf32, #tpu.memory_space<vmem>> -> memref<96x128xf32, #tpu.memory_space<vmem>>
      %dma_start3A_112 = arith.constant 0 : i32
      %dma_start3A_113 = tpu.memref_slice %arg9[%add3A_68, %dma_start3A_112] : memref<10112x128xf32, #tpu.memory_space<vmem_shared>> -> memref<96x128xf32, #tpu.memory_space<vmem_shared>>
      tpu.enqueue_dma source(%dma_start3A_113 : memref<96x128xf32, #tpu.memory_space<vmem_shared>>) target(%dma_start3A_111 : memref<96x128xf32, #tpu.memory_space<vmem>>) target_semaphore(%run_scoped3A : memref<!tpu.dma_semaphore, #tpu.memory_space<semaphore_mem>>)
      %dma_wait3A = arith.constant 0 : i32
      %dma_wait3A_114 = arith.constant 0 : i32
      %dma_wait3A_115 = tpu.memref_slice %arg7[%dma_wait3A, %dma_wait3A_114] : memref<96x128xf32, #tpu.memory_space<vmem>> -> memref<96x128xf32, #tpu.memory_space<vmem>>
      %dma_wait3A_116 = arith.constant 0 : i32
      %dma_wait3A_117 = tpu.memref_slice %arg9[%add3A_68, %dma_wait3A_116] : memref<10112x128xf32, #tpu.memory_space<vmem_shared>> -> memref<96x128xf32, #tpu.memory_space<vmem_shared>>
      %dma_wait3A_118 = arith.constant 0 : i32
      %dma_wait3A_119 = arith.constant 0 : i32
      %dma_wait3A_120 = tpu.memref_slice %arg7[%dma_wait3A_118, %dma_wait3A_119] : memref<96x128xf32, #tpu.memory_space<vmem>> -> memref<96x128xf32, #tpu.memory_space<vmem>>
      %dma_wait3A_121 = arith.constant 0 : i32
      %dma_wait3A_122 = tpu.memref_slice %arg9[%add3A_68, %dma_wait3A_121] : memref<10112x128xf32, #tpu.memory_space<vmem_shared>> -> memref<96x128xf32, #tpu.memory_space<vmem_shared>>
      tpu.wait_dma2 semaphore(%run_scoped3A : memref<!tpu.dma_semaphore, #tpu.memory_space<semaphore_mem>>) src(%dma_wait3A_122 : memref<96x128xf32, #tpu.memory_space<vmem_shared>>) dst(%dma_wait3A_120 : memref<96x128xf32, #tpu.memory_space<vmem>>)
      tpu.yield
    }) : () -> ()
    %mul3A_69 = arith.constant 632 : i32
    %mul3A_70 = arith.muli %arg1, %mul3A_69 : i32
    %add3A_71 = arith.constant 192 : i32
    %add3A_72 = arith.addi %mul3A_70, %add3A_71 : i32
    "tpu.region"() ({
      %run_scoped3A = tpu.sem_alloc : memref<!tpu.dma_semaphore, #tpu.memory_space<semaphore_mem>>
      %dma_start3A = arith.constant 0 : i32
      %dma_start3A_105 = arith.constant 0 : i32
      %dma_start3A_106 = tpu.memref_slice %arg7[%dma_start3A, %dma_start3A_105] : memref<96x128xf32, #tpu.memory_space<vmem>> -> memref<96x128xf32, #tpu.memory_space<vmem>>
      %dma_start3A_107 = arith.constant 0 : i32
      %dma_start3A_108 = tpu.memref_slice %arg5[%arg0, %add3A_72, %dma_start3A_107] : memref<2x10112x128xf32, #tpu.memory_space<hbm>> -> memref<1x96x128xf32, #tpu.memory_space<hbm>>
      %dma_start3A_109 = tpu.memref_squeeze %dma_start3A_108 : memref<1x96x128xf32, #tpu.memory_space<hbm>> -> memref<96x128xf32, #tpu.memory_space<hbm>>
      %dma_start3A_110 = arith.constant 0 : i32
      %dma_start3A_111 = tpu.memref_slice %arg5[%arg0, %add3A_72, %dma_start3A_110] : memref<2x10112x128xf32, #tpu.memory_space<hbm>> -> memref<1x96x128xf32, #tpu.memory_space<hbm>>
      %dma_start3A_112 = tpu.memref_squeeze %dma_start3A_111 : memref<1x96x128xf32, #tpu.memory_space<hbm>> -> memref<96x128xf32, #tpu.memory_space<hbm>>
      %dma_start3A_113 = arith.constant 0 : i32
      %dma_start3A_114 = arith.constant 0 : i32
      %dma_start3A_115 = tpu.memref_slice %arg7[%dma_start3A_113, %dma_start3A_114] : memref<96x128xf32, #tpu.memory_space<vmem>> -> memref<96x128xf32, #tpu.memory_space<vmem>>
      tpu.enqueue_dma source(%dma_start3A_115 : memref<96x128xf32, #tpu.memory_space<vmem>>) target(%dma_start3A_112 : memref<96x128xf32, #tpu.memory_space<hbm>>) target_semaphore(%run_scoped3A : memref<!tpu.dma_semaphore, #tpu.memory_space<semaphore_mem>>)
      %dma_wait3A = arith.constant 0 : i32
      %dma_wait3A_116 = arith.constant 0 : i32
      %dma_wait3A_117 = tpu.memref_slice %arg7[%dma_wait3A, %dma_wait3A_116] : memref<96x128xf32, #tpu.memory_space<vmem>> -> memref<96x128xf32, #tpu.memory_space<vmem>>
      %dma_wait3A_118 = arith.constant 0 : i32
      %dma_wait3A_119 = tpu.memref_slice %arg5[%arg0, %add3A_72, %dma_wait3A_118] : memref<2x10112x128xf32, #tpu.memory_space<hbm>> -> memref<1x96x128xf32, #tpu.memory_space<hbm>>
      %dma_wait3A_120 = tpu.memref_squeeze %dma_wait3A_119 : memref<1x96x128xf32, #tpu.memory_space<hbm>> -> memref<96x128xf32, #tpu.memory_space<hbm>>
      %dma_wait3A_121 = arith.constant 0 : i32
      %dma_wait3A_122 = tpu.memref_slice %arg5[%arg0, %add3A_72, %dma_wait3A_121] : memref<2x10112x128xf32, #tpu.memory_space<hbm>> -> memref<1x96x128xf32, #tpu.memory_space<hbm>>
      %dma_wait3A_123 = tpu.memref_squeeze %dma_wait3A_122 : memref<1x96x128xf32, #tpu.memory_space<hbm>> -> memref<96x128xf32, #tpu.memory_space<hbm>>
      %dma_wait3A_124 = arith.constant 0 : i32
      %dma_wait3A_125 = arith.constant 0 : i32
      %dma_wait3A_126 = tpu.memref_slice %arg7[%dma_wait3A_124, %dma_wait3A_125] : memref<96x128xf32, #tpu.memory_space<vmem>> -> memref<96x128xf32, #tpu.memory_space<vmem>>
      tpu.wait_dma2 semaphore(%run_scoped3A : memref<!tpu.dma_semaphore, #tpu.memory_space<semaphore_mem>>) src(%dma_wait3A_126 : memref<96x128xf32, #tpu.memory_space<vmem>>) dst(%dma_wait3A_123 : memref<96x128xf32, #tpu.memory_space<hbm>>)
      tpu.yield
    }) : () -> ()
    %mul3A_73 = arith.constant 632 : i32
    %mul3A_74 = arith.muli %arg1, %mul3A_73 : i32
    %add3A_75 = arith.constant 288 : i32
    %add3A_76 = arith.addi %mul3A_74, %add3A_75 : i32
    "tpu.region"() ({
      %run_scoped3A = tpu.sem_alloc : memref<!tpu.dma_semaphore, #tpu.memory_space<semaphore_mem>>
      %dma_start3A = arith.constant 0 : i32
      %dma_start3A_105 = arith.constant 0 : i32
      %dma_start3A_106 = tpu.memref_slice %arg7[%dma_start3A, %dma_start3A_105] : memref<96x128xf32, #tpu.memory_space<vmem>> -> memref<96x128xf32, #tpu.memory_space<vmem>>
      %dma_start3A_107 = arith.constant 0 : i32
      %dma_start3A_108 = tpu.memref_slice %arg9[%add3A_76, %dma_start3A_107] : memref<10112x128xf32, #tpu.memory_space<vmem_shared>> -> memref<96x128xf32, #tpu.memory_space<vmem_shared>>
      %dma_start3A_109 = arith.constant 0 : i32
      %dma_start3A_110 = arith.constant 0 : i32
      %dma_start3A_111 = tpu.memref_slice %arg7[%dma_start3A_109, %dma_start3A_110] : memref<96x128xf32, #tpu.memory_space<vmem>> -> memref<96x128xf32, #tpu.memory_space<vmem>>
      %dma_start3A_112 = arith.constant 0 : i32
      %dma_start3A_113 = tpu.memref_slice %arg9[%add3A_76, %dma_start3A_112] : memref<10112x128xf32, #tpu.memory_space<vmem_shared>> -> memref<96x128xf32, #tpu.memory_space<vmem_shared>>
      tpu.enqueue_dma source(%dma_start3A_113 : memref<96x128xf32, #tpu.memory_space<vmem_shared>>) target(%dma_start3A_111 : memref<96x128xf32, #tpu.memory_space<vmem>>) target_semaphore(%run_scoped3A : memref<!tpu.dma_semaphore, #tpu.memory_space<semaphore_mem>>)
      %dma_wait3A = arith.constant 0 : i32
      %dma_wait3A_114 = arith.constant 0 : i32
      %dma_wait3A_115 = tpu.memref_slice %arg7[%dma_wait3A, %dma_wait3A_114] : memref<96x128xf32, #tpu.memory_space<vmem>> -> memref<96x128xf32, #tpu.memory_space<vmem>>
      %dma_wait3A_116 = arith.constant 0 : i32
      %dma_wait3A_117 = tpu.memref_slice %arg9[%add3A_76, %dma_wait3A_116] : memref<10112x128xf32, #tpu.memory_space<vmem_shared>> -> memref<96x128xf32, #tpu.memory_space<vmem_shared>>
      %dma_wait3A_118 = arith.constant 0 : i32
      %dma_wait3A_119 = arith.constant 0 : i32
      %dma_wait3A_120 = tpu.memref_slice %arg7[%dma_wait3A_118, %dma_wait3A_119] : memref<96x128xf32, #tpu.memory_space<vmem>> -> memref<96x128xf32, #tpu.memory_space<vmem>>
      %dma_wait3A_121 = arith.constant 0 : i32
      %dma_wait3A_122 = tpu.memref_slice %arg9[%add3A_76, %dma_wait3A_121] : memref<10112x128xf32, #tpu.memory_space<vmem_shared>> -> memref<96x128xf32, #tpu.memory_space<vmem_shared>>
      tpu.wait_dma2 semaphore(%run_scoped3A : memref<!tpu.dma_semaphore, #tpu.memory_space<semaphore_mem>>) src(%dma_wait3A_122 : memref<96x128xf32, #tpu.memory_space<vmem_shared>>) dst(%dma_wait3A_120 : memref<96x128xf32, #tpu.memory_space<vmem>>)
      tpu.yield
    }) : () -> ()
    %mul3A_77 = arith.constant 632 : i32
    %mul3A_78 = arith.muli %arg1, %mul3A_77 : i32
    %add3A_79 = arith.constant 288 : i32
    %add3A_80 = arith.addi %mul3A_78, %add3A_79 : i32
    "tpu.region"() ({
      %run_scoped3A = tpu.sem_alloc : memref<!tpu.dma_semaphore, #tpu.memory_space<semaphore_mem>>
      %dma_start3A = arith.constant 0 : i32
      %dma_start3A_105 = arith.constant 0 : i32
      %dma_start3A_106 = tpu.memref_slice %arg7[%dma_start3A, %dma_start3A_105] : memref<96x128xf32, #tpu.memory_space<vmem>> -> memref<96x128xf32, #tpu.memory_space<vmem>>
      %dma_start3A_107 = arith.constant 0 : i32
      %dma_start3A_108 = tpu.memref_slice %arg5[%arg0, %add3A_80, %dma_start3A_107] : memref<2x10112x128xf32, #tpu.memory_space<hbm>> -> memref<1x96x128xf32, #tpu.memory_space<hbm>>
      %dma_start3A_109 = tpu.memref_squeeze %dma_start3A_108 : memref<1x96x128xf32, #tpu.memory_space<hbm>> -> memref<96x128xf32, #tpu.memory_space<hbm>>
      %dma_start3A_110 = arith.constant 0 : i32
      %dma_start3A_111 = tpu.memref_slice %arg5[%arg0, %add3A_80, %dma_start3A_110] : memref<2x10112x128xf32, #tpu.memory_space<hbm>> -> memref<1x96x128xf32, #tpu.memory_space<hbm>>
      %dma_start3A_112 = tpu.memref_squeeze %dma_start3A_111 : memref<1x96x128xf32, #tpu.memory_space<hbm>> -> memref<96x128xf32, #tpu.memory_space<hbm>>
      %dma_start3A_113 = arith.constant 0 : i32
      %dma_start3A_114 = arith.constant 0 : i32
      %dma_start3A_115 = tpu.memref_slice %arg7[%dma_start3A_113, %dma_start3A_114] : memref<96x128xf32, #tpu.memory_space<vmem>> -> memref<96x128xf32, #tpu.memory_space<vmem>>
      tpu.enqueue_dma source(%dma_start3A_115 : memref<96x128xf32, #tpu.memory_space<vmem>>) target(%dma_start3A_112 : memref<96x128xf32, #tpu.memory_space<hbm>>) target_semaphore(%run_scoped3A : memref<!tpu.dma_semaphore, #tpu.memory_space<semaphore_mem>>)
      %dma_wait3A = arith.constant 0 : i32
      %dma_wait3A_116 = arith.constant 0 : i32
      %dma_wait3A_117 = tpu.memref_slice %arg7[%dma_wait3A, %dma_wait3A_116] : memref<96x128xf32, #tpu.memory_space<vmem>> -> memref<96x128xf32, #tpu.memory_space<vmem>>
      %dma_wait3A_118 = arith.constant 0 : i32
      %dma_wait3A_119 = tpu.memref_slice %arg5[%arg0, %add3A_80, %dma_wait3A_118] : memref<2x10112x128xf32, #tpu.memory_space<hbm>> -> memref<1x96x128xf32, #tpu.memory_space<hbm>>
      %dma_wait3A_120 = tpu.memref_squeeze %dma_wait3A_119 : memref<1x96x128xf32, #tpu.memory_space<hbm>> -> memref<96x128xf32, #tpu.memory_space<hbm>>
      %dma_wait3A_121 = arith.constant 0 : i32
      %dma_wait3A_122 = tpu.memref_slice %arg5[%arg0, %add3A_80, %dma_wait3A_121] : memref<2x10112x128xf32, #tpu.memory_space<hbm>> -> memref<1x96x128xf32, #tpu.memory_space<hbm>>
      %dma_wait3A_123 = tpu.memref_squeeze %dma_wait3A_122 : memref<1x96x128xf32, #tpu.memory_space<hbm>> -> memref<96x128xf32, #tpu.memory_space<hbm>>
      %dma_wait3A_124 = arith.constant 0 : i32
      %dma_wait3A_125 = arith.constant 0 : i32
      %dma_wait3A_126 = tpu.memref_slice %arg7[%dma_wait3A_124, %dma_wait3A_125] : memref<96x128xf32, #tpu.memory_space<vmem>> -> memref<96x128xf32, #tpu.memory_space<vmem>>
      tpu.wait_dma2 semaphore(%run_scoped3A : memref<!tpu.dma_semaphore, #tpu.memory_space<semaphore_mem>>) src(%dma_wait3A_126 : memref<96x128xf32, #tpu.memory_space<vmem>>) dst(%dma_wait3A_123 : memref<96x128xf32, #tpu.memory_space<hbm>>)
      tpu.yield
    }) : () -> ()
    %mul3A_81 = arith.constant 632 : i32
    %mul3A_82 = arith.muli %arg1, %mul3A_81 : i32
    %add3A_83 = arith.constant 384 : i32
    %add3A_84 = arith.addi %mul3A_82, %add3A_83 : i32
    "tpu.region"() ({
      %run_scoped3A = tpu.sem_alloc : memref<!tpu.dma_semaphore, #tpu.memory_space<semaphore_mem>>
      %dma_start3A = arith.constant 0 : i32
      %dma_start3A_105 = arith.constant 0 : i32
      %dma_start3A_106 = tpu.memref_slice %arg7[%dma_start3A, %dma_start3A_105] : memref<96x128xf32, #tpu.memory_space<vmem>> -> memref<96x128xf32, #tpu.memory_space<vmem>>
      %dma_start3A_107 = arith.constant 0 : i32
      %dma_start3A_108 = tpu.memref_slice %arg9[%add3A_84, %dma_start3A_107] : memref<10112x128xf32, #tpu.memory_space<vmem_shared>> -> memref<96x128xf32, #tpu.memory_space<vmem_shared>>
      %dma_start3A_109 = arith.constant 0 : i32
      %dma_start3A_110 = arith.constant 0 : i32
      %dma_start3A_111 = tpu.memref_slice %arg7[%dma_start3A_109, %dma_start3A_110] : memref<96x128xf32, #tpu.memory_space<vmem>> -> memref<96x128xf32, #tpu.memory_space<vmem>>
      %dma_start3A_112 = arith.constant 0 : i32
      %dma_start3A_113 = tpu.memref_slice %arg9[%add3A_84, %dma_start3A_112] : memref<10112x128xf32, #tpu.memory_space<vmem_shared>> -> memref<96x128xf32, #tpu.memory_space<vmem_shared>>
      tpu.enqueue_dma source(%dma_start3A_113 : memref<96x128xf32, #tpu.memory_space<vmem_shared>>) target(%dma_start3A_111 : memref<96x128xf32, #tpu.memory_space<vmem>>) target_semaphore(%run_scoped3A : memref<!tpu.dma_semaphore, #tpu.memory_space<semaphore_mem>>)
      %dma_wait3A = arith.constant 0 : i32
      %dma_wait3A_114 = arith.constant 0 : i32
      %dma_wait3A_115 = tpu.memref_slice %arg7[%dma_wait3A, %dma_wait3A_114] : memref<96x128xf32, #tpu.memory_space<vmem>> -> memref<96x128xf32, #tpu.memory_space<vmem>>
      %dma_wait3A_116 = arith.constant 0 : i32
      %dma_wait3A_117 = tpu.memref_slice %arg9[%add3A_84, %dma_wait3A_116] : memref<10112x128xf32, #tpu.memory_space<vmem_shared>> -> memref<96x128xf32, #tpu.memory_space<vmem_shared>>
      %dma_wait3A_118 = arith.constant 0 : i32
      %dma_wait3A_119 = arith.constant 0 : i32
      %dma_wait3A_120 = tpu.memref_slice %arg7[%dma_wait3A_118, %dma_wait3A_119] : memref<96x128xf32, #tpu.memory_space<vmem>> -> memref<96x128xf32, #tpu.memory_space<vmem>>
      %dma_wait3A_121 = arith.constant 0 : i32
      %dma_wait3A_122 = tpu.memref_slice %arg9[%add3A_84, %dma_wait3A_121] : memref<10112x128xf32, #tpu.memory_space<vmem_shared>> -> memref<96x128xf32, #tpu.memory_space<vmem_shared>>
      tpu.wait_dma2 semaphore(%run_scoped3A : memref<!tpu.dma_semaphore, #tpu.memory_space<semaphore_mem>>) src(%dma_wait3A_122 : memref<96x128xf32, #tpu.memory_space<vmem_shared>>) dst(%dma_wait3A_120 : memref<96x128xf32, #tpu.memory_space<vmem>>)
      tpu.yield
    }) : () -> ()
    %mul3A_85 = arith.constant 632 : i32
    %mul3A_86 = arith.muli %arg1, %mul3A_85 : i32
    %add3A_87 = arith.constant 384 : i32
    %add3A_88 = arith.addi %mul3A_86, %add3A_87 : i32
    "tpu.region"() ({
      %run_scoped3A = tpu.sem_alloc : memref<!tpu.dma_semaphore, #tpu.memory_space<semaphore_mem>>
      %dma_start3A = arith.constant 0 : i32
      %dma_start3A_105 = arith.constant 0 : i32
      %dma_start3A_106 = tpu.memref_slice %arg7[%dma_start3A, %dma_start3A_105] : memref<96x128xf32, #tpu.memory_space<vmem>> -> memref<96x128xf32, #tpu.memory_space<vmem>>
      %dma_start3A_107 = arith.constant 0 : i32
      %dma_start3A_108 = tpu.memref_slice %arg5[%arg0, %add3A_88, %dma_start3A_107] : memref<2x10112x128xf32, #tpu.memory_space<hbm>> -> memref<1x96x128xf32, #tpu.memory_space<hbm>>
      %dma_start3A_109 = tpu.memref_squeeze %dma_start3A_108 : memref<1x96x128xf32, #tpu.memory_space<hbm>> -> memref<96x128xf32, #tpu.memory_space<hbm>>
      %dma_start3A_110 = arith.constant 0 : i32
      %dma_start3A_111 = tpu.memref_slice %arg5[%arg0, %add3A_88, %dma_start3A_110] : memref<2x10112x128xf32, #tpu.memory_space<hbm>> -> memref<1x96x128xf32, #tpu.memory_space<hbm>>
      %dma_start3A_112 = tpu.memref_squeeze %dma_start3A_111 : memref<1x96x128xf32, #tpu.memory_space<hbm>> -> memref<96x128xf32, #tpu.memory_space<hbm>>
      %dma_start3A_113 = arith.constant 0 : i32
      %dma_start3A_114 = arith.constant 0 : i32
      %dma_start3A_115 = tpu.memref_slice %arg7[%dma_start3A_113, %dma_start3A_114] : memref<96x128xf32, #tpu.memory_space<vmem>> -> memref<96x128xf32, #tpu.memory_space<vmem>>
      tpu.enqueue_dma source(%dma_start3A_115 : memref<96x128xf32, #tpu.memory_space<vmem>>) target(%dma_start3A_112 : memref<96x128xf32, #tpu.memory_space<hbm>>) target_semaphore(%run_scoped3A : memref<!tpu.dma_semaphore, #tpu.memory_space<semaphore_mem>>)
      %dma_wait3A = arith.constant 0 : i32
      %dma_wait3A_116 = arith.constant 0 : i32
      %dma_wait3A_117 = tpu.memref_slice %arg7[%dma_wait3A, %dma_wait3A_116] : memref<96x128xf32, #tpu.memory_space<vmem>> -> memref<96x128xf32, #tpu.memory_space<vmem>>
      %dma_wait3A_118 = arith.constant 0 : i32
      %dma_wait3A_119 = tpu.memref_slice %arg5[%arg0, %add3A_88, %dma_wait3A_118] : memref<2x10112x128xf32, #tpu.memory_space<hbm>> -> memref<1x96x128xf32, #tpu.memory_space<hbm>>
      %dma_wait3A_120 = tpu.memref_squeeze %dma_wait3A_119 : memref<1x96x128xf32, #tpu.memory_space<hbm>> -> memref<96x128xf32, #tpu.memory_space<hbm>>
      %dma_wait3A_121 = arith.constant 0 : i32
      %dma_wait3A_122 = tpu.memref_slice %arg5[%arg0, %add3A_88, %dma_wait3A_121] : memref<2x10112x128xf32, #tpu.memory_space<hbm>> -> memref<1x96x128xf32, #tpu.memory_space<hbm>>
      %dma_wait3A_123 = tpu.memref_squeeze %dma_wait3A_122 : memref<1x96x128xf32, #tpu.memory_space<hbm>> -> memref<96x128xf32, #tpu.memory_space<hbm>>
      %dma_wait3A_124 = arith.constant 0 : i32
      %dma_wait3A_125 = arith.constant 0 : i32
      %dma_wait3A_126 = tpu.memref_slice %arg7[%dma_wait3A_124, %dma_wait3A_125] : memref<96x128xf32, #tpu.memory_space<vmem>> -> memref<96x128xf32, #tpu.memory_space<vmem>>
      tpu.wait_dma2 semaphore(%run_scoped3A : memref<!tpu.dma_semaphore, #tpu.memory_space<semaphore_mem>>) src(%dma_wait3A_126 : memref<96x128xf32, #tpu.memory_space<vmem>>) dst(%dma_wait3A_123 : memref<96x128xf32, #tpu.memory_space<hbm>>)
      tpu.yield
    }) : () -> ()
    %mul3A_89 = arith.constant 632 : i32
    %mul3A_90 = arith.muli %arg1, %mul3A_89 : i32
    %add3A_91 = arith.constant 480 : i32
    %add3A_92 = arith.addi %mul3A_90, %add3A_91 : i32
    "tpu.region"() ({
      %run_scoped3A = tpu.sem_alloc : memref<!tpu.dma_semaphore, #tpu.memory_space<semaphore_mem>>
      %dma_start3A = arith.constant 0 : i32
      %dma_start3A_105 = arith.constant 0 : i32
      %dma_start3A_106 = tpu.memref_slice %arg7[%dma_start3A, %dma_start3A_105] : memref<96x128xf32, #tpu.memory_space<vmem>> -> memref<96x128xf32, #tpu.memory_space<vmem>>
      %dma_start3A_107 = arith.constant 0 : i32
      %dma_start3A_108 = tpu.memref_slice %arg9[%add3A_92, %dma_start3A_107] : memref<10112x128xf32, #tpu.memory_space<vmem_shared>> -> memref<96x128xf32, #tpu.memory_space<vmem_shared>>
      %dma_start3A_109 = arith.constant 0 : i32
      %dma_start3A_110 = arith.constant 0 : i32
      %dma_start3A_111 = tpu.memref_slice %arg7[%dma_start3A_109, %dma_start3A_110] : memref<96x128xf32, #tpu.memory_space<vmem>> -> memref<96x128xf32, #tpu.memory_space<vmem>>
      %dma_start3A_112 = arith.constant 0 : i32
      %dma_start3A_113 = tpu.memref_slice %arg9[%add3A_92, %dma_start3A_112] : memref<10112x128xf32, #tpu.memory_space<vmem_shared>> -> memref<96x128xf32, #tpu.memory_space<vmem_shared>>
      tpu.enqueue_dma source(%dma_start3A_113 : memref<96x128xf32, #tpu.memory_space<vmem_shared>>) target(%dma_start3A_111 : memref<96x128xf32, #tpu.memory_space<vmem>>) target_semaphore(%run_scoped3A : memref<!tpu.dma_semaphore, #tpu.memory_space<semaphore_mem>>)
      %dma_wait3A = arith.constant 0 : i32
      %dma_wait3A_114 = arith.constant 0 : i32
      %dma_wait3A_115 = tpu.memref_slice %arg7[%dma_wait3A, %dma_wait3A_114] : memref<96x128xf32, #tpu.memory_space<vmem>> -> memref<96x128xf32, #tpu.memory_space<vmem>>
      %dma_wait3A_116 = arith.constant 0 : i32
      %dma_wait3A_117 = tpu.memref_slice %arg9[%add3A_92, %dma_wait3A_116] : memref<10112x128xf32, #tpu.memory_space<vmem_shared>> -> memref<96x128xf32, #tpu.memory_space<vmem_shared>>
      %dma_wait3A_118 = arith.constant 0 : i32
      %dma_wait3A_119 = arith.constant 0 : i32
      %dma_wait3A_120 = tpu.memref_slice %arg7[%dma_wait3A_118, %dma_wait3A_119] : memref<96x128xf32, #tpu.memory_space<vmem>> -> memref<96x128xf32, #tpu.memory_space<vmem>>
      %dma_wait3A_121 = arith.constant 0 : i32
      %dma_wait3A_122 = tpu.memref_slice %arg9[%add3A_92, %dma_wait3A_121] : memref<10112x128xf32, #tpu.memory_space<vmem_shared>> -> memref<96x128xf32, #tpu.memory_space<vmem_shared>>
      tpu.wait_dma2 semaphore(%run_scoped3A : memref<!tpu.dma_semaphore, #tpu.memory_space<semaphore_mem>>) src(%dma_wait3A_122 : memref<96x128xf32, #tpu.memory_space<vmem_shared>>) dst(%dma_wait3A_120 : memref<96x128xf32, #tpu.memory_space<vmem>>)
      tpu.yield
    }) : () -> ()
    %mul3A_93 = arith.constant 632 : i32
    %mul3A_94 = arith.muli %arg1, %mul3A_93 : i32
    %add3A_95 = arith.constant 480 : i32
    %add3A_96 = arith.addi %mul3A_94, %add3A_95 : i32
    "tpu.region"() ({
      %run_scoped3A = tpu.sem_alloc : memref<!tpu.dma_semaphore, #tpu.memory_space<semaphore_mem>>
      %dma_start3A = arith.constant 0 : i32
      %dma_start3A_105 = arith.constant 0 : i32
      %dma_start3A_106 = tpu.memref_slice %arg7[%dma_start3A, %dma_start3A_105] : memref<96x128xf32, #tpu.memory_space<vmem>> -> memref<96x128xf32, #tpu.memory_space<vmem>>
      %dma_start3A_107 = arith.constant 0 : i32
      %dma_start3A_108 = tpu.memref_slice %arg5[%arg0, %add3A_96, %dma_start3A_107] : memref<2x10112x128xf32, #tpu.memory_space<hbm>> -> memref<1x96x128xf32, #tpu.memory_space<hbm>>
      %dma_start3A_109 = tpu.memref_squeeze %dma_start3A_108 : memref<1x96x128xf32, #tpu.memory_space<hbm>> -> memref<96x128xf32, #tpu.memory_space<hbm>>
      %dma_start3A_110 = arith.constant 0 : i32
      %dma_start3A_111 = tpu.memref_slice %arg5[%arg0, %add3A_96, %dma_start3A_110] : memref<2x10112x128xf32, #tpu.memory_space<hbm>> -> memref<1x96x128xf32, #tpu.memory_space<hbm>>
      %dma_start3A_112 = tpu.memref_squeeze %dma_start3A_111 : memref<1x96x128xf32, #tpu.memory_space<hbm>> -> memref<96x128xf32, #tpu.memory_space<hbm>>
      %dma_start3A_113 = arith.constant 0 : i32
      %dma_start3A_114 = arith.constant 0 : i32
      %dma_start3A_115 = tpu.memref_slice %arg7[%dma_start3A_113, %dma_start3A_114] : memref<96x128xf32, #tpu.memory_space<vmem>> -> memref<96x128xf32, #tpu.memory_space<vmem>>
      tpu.enqueue_dma source(%dma_start3A_115 : memref<96x128xf32, #tpu.memory_space<vmem>>) target(%dma_start3A_112 : memref<96x128xf32, #tpu.memory_space<hbm>>) target_semaphore(%run_scoped3A : memref<!tpu.dma_semaphore, #tpu.memory_space<semaphore_mem>>)
      %dma_wait3A = arith.constant 0 : i32
      %dma_wait3A_116 = arith.constant 0 : i32
      %dma_wait3A_117 = tpu.memref_slice %arg7[%dma_wait3A, %dma_wait3A_116] : memref<96x128xf32, #tpu.memory_space<vmem>> -> memref<96x128xf32, #tpu.memory_space<vmem>>
      %dma_wait3A_118 = arith.constant 0 : i32
      %dma_wait3A_119 = tpu.memref_slice %arg5[%arg0, %add3A_96, %dma_wait3A_118] : memref<2x10112x128xf32, #tpu.memory_space<hbm>> -> memref<1x96x128xf32, #tpu.memory_space<hbm>>
      %dma_wait3A_120 = tpu.memref_squeeze %dma_wait3A_119 : memref<1x96x128xf32, #tpu.memory_space<hbm>> -> memref<96x128xf32, #tpu.memory_space<hbm>>
      %dma_wait3A_121 = arith.constant 0 : i32
      %dma_wait3A_122 = tpu.memref_slice %arg5[%arg0, %add3A_96, %dma_wait3A_121] : memref<2x10112x128xf32, #tpu.memory_space<hbm>> -> memref<1x96x128xf32, #tpu.memory_space<hbm>>
      %dma_wait3A_123 = tpu.memref_squeeze %dma_wait3A_122 : memref<1x96x128xf32, #tpu.memory_space<hbm>> -> memref<96x128xf32, #tpu.memory_space<hbm>>
      %dma_wait3A_124 = arith.constant 0 : i32
      %dma_wait3A_125 = arith.constant 0 : i32
      %dma_wait3A_126 = tpu.memref_slice %arg7[%dma_wait3A_124, %dma_wait3A_125] : memref<96x128xf32, #tpu.memory_space<vmem>> -> memref<96x128xf32, #tpu.memory_space<vmem>>
      tpu.wait_dma2 semaphore(%run_scoped3A : memref<!tpu.dma_semaphore, #tpu.memory_space<semaphore_mem>>) src(%dma_wait3A_126 : memref<96x128xf32, #tpu.memory_space<vmem>>) dst(%dma_wait3A_123 : memref<96x128xf32, #tpu.memory_space<hbm>>)
      tpu.yield
    }) : () -> ()
    %mul3A_97 = arith.constant 632 : i32
    %mul3A_98 = arith.muli %arg1, %mul3A_97 : i32
    %add3A_99 = arith.constant 576 : i32
    %add3A_100 = arith.addi %mul3A_98, %add3A_99 : i32
    "tpu.region"() ({
      %run_scoped3A = tpu.sem_alloc : memref<!tpu.dma_semaphore, #tpu.memory_space<semaphore_mem>>
      %dma_start3A = arith.constant 0 : i32
      %dma_start3A_105 = arith.constant 0 : i32
      %dma_start3A_106 = tpu.memref_slice %arg7[%dma_start3A, %dma_start3A_105] : memref<96x128xf32, #tpu.memory_space<vmem>> -> memref<56x128xf32, #tpu.memory_space<vmem>>
      %dma_start3A_107 = arith.constant 0 : i32
      %dma_start3A_108 = tpu.memref_slice %arg9[%add3A_100, %dma_start3A_107] : memref<10112x128xf32, #tpu.memory_space<vmem_shared>> -> memref<56x128xf32, #tpu.memory_space<vmem_shared>>
      %dma_start3A_109 = arith.constant 0 : i32
      %dma_start3A_110 = arith.constant 0 : i32
      %dma_start3A_111 = tpu.memref_slice %arg7[%dma_start3A_109, %dma_start3A_110] : memref<96x128xf32, #tpu.memory_space<vmem>> -> memref<56x128xf32, #tpu.memory_space<vmem>>
      %dma_start3A_112 = arith.constant 0 : i32
      %dma_start3A_113 = tpu.memref_slice %arg9[%add3A_100, %dma_start3A_112] : memref<10112x128xf32, #tpu.memory_space<vmem_shared>> -> memref<56x128xf32, #tpu.memory_space<vmem_shared>>
      tpu.enqueue_dma source(%dma_start3A_113 : memref<56x128xf32, #tpu.memory_space<vmem_shared>>) target(%dma_start3A_111 : memref<56x128xf32, #tpu.memory_space<vmem>>) target_semaphore(%run_scoped3A : memref<!tpu.dma_semaphore, #tpu.memory_space<semaphore_mem>>)
      %dma_wait3A = arith.constant 0 : i32
      %dma_wait3A_114 = arith.constant 0 : i32
      %dma_wait3A_115 = tpu.memref_slice %arg7[%dma_wait3A, %dma_wait3A_114] : memref<96x128xf32, #tpu.memory_space<vmem>> -> memref<56x128xf32, #tpu.memory_space<vmem>>
      %dma_wait3A_116 = arith.constant 0 : i32
      %dma_wait3A_117 = tpu.memref_slice %arg9[%add3A_100, %dma_wait3A_116] : memref<10112x128xf32, #tpu.memory_space<vmem_shared>> -> memref<56x128xf32, #tpu.memory_space<vmem_shared>>
      %dma_wait3A_118 = arith.constant 0 : i32
      %dma_wait3A_119 = arith.constant 0 : i32
      %dma_wait3A_120 = tpu.memref_slice %arg7[%dma_wait3A_118, %dma_wait3A_119] : memref<96x128xf32, #tpu.memory_space<vmem>> -> memref<56x128xf32, #tpu.memory_space<vmem>>
      %dma_wait3A_121 = arith.constant 0 : i32
      %dma_wait3A_122 = tpu.memref_slice %arg9[%add3A_100, %dma_wait3A_121] : memref<10112x128xf32, #tpu.memory_space<vmem_shared>> -> memref<56x128xf32, #tpu.memory_space<vmem_shared>>
      tpu.wait_dma2 semaphore(%run_scoped3A : memref<!tpu.dma_semaphore, #tpu.memory_space<semaphore_mem>>) src(%dma_wait3A_122 : memref<56x128xf32, #tpu.memory_space<vmem_shared>>) dst(%dma_wait3A_120 : memref<56x128xf32, #tpu.memory_space<vmem>>)
      tpu.yield
    }) : () -> ()
    %mul3A_101 = arith.constant 632 : i32
    %mul3A_102 = arith.muli %arg1, %mul3A_101 : i32
    %add3A_103 = arith.constant 576 : i32
    %add3A_104 = arith.addi %mul3A_102, %add3A_103 : i32
    "tpu.region"() ({
      %run_scoped3A = tpu.sem_alloc : memref<!tpu.dma_semaphore, #tpu.memory_space<semaphore_mem>>
      %dma_start3A = arith.constant 0 : i32
      %dma_start3A_105 = arith.constant 0 : i32
      %dma_start3A_106 = tpu.memref_slice %arg7[%dma_start3A, %dma_start3A_105] : memref<96x128xf32, #tpu.memory_space<vmem>> -> memref<56x128xf32, #tpu.memory_space<vmem>>
      %dma_start3A_107 = arith.constant 0 : i32
      %dma_start3A_108 = tpu.memref_slice %arg5[%arg0, %add3A_104, %dma_start3A_107] : memref<2x10112x128xf32, #tpu.memory_space<hbm>> -> memref<1x56x128xf32, #tpu.memory_space<hbm>>
      %dma_start3A_109 = tpu.memref_squeeze %dma_start3A_108 : memref<1x56x128xf32, #tpu.memory_space<hbm>> -> memref<56x128xf32, #tpu.memory_space<hbm>>
      %dma_start3A_110 = arith.constant 0 : i32
      %dma_start3A_111 = tpu.memref_slice %arg5[%arg0, %add3A_104, %dma_start3A_110] : memref<2x10112x128xf32, #tpu.memory_space<hbm>> -> memref<1x56x128xf32, #tpu.memory_space<hbm>>
      %dma_start3A_112 = tpu.memref_squeeze %dma_start3A_111 : memref<1x56x128xf32, #tpu.memory_space<hbm>> -> memref<56x128xf32, #tpu.memory_space<hbm>>
      %dma_start3A_113 = arith.constant 0 : i32
      %dma_start3A_114 = arith.constant 0 : i32
      %dma_start3A_115 = tpu.memref_slice %arg7[%dma_start3A_113, %dma_start3A_114] : memref<96x128xf32, #tpu.memory_space<vmem>> -> memref<56x128xf32, #tpu.memory_space<vmem>>
      tpu.enqueue_dma source(%dma_start3A_115 : memref<56x128xf32, #tpu.memory_space<vmem>>) target(%dma_start3A_112 : memref<56x128xf32, #tpu.memory_space<hbm>>) target_semaphore(%run_scoped3A : memref<!tpu.dma_semaphore, #tpu.memory_space<semaphore_mem>>)
      %dma_wait3A = arith.constant 0 : i32
      %dma_wait3A_116 = arith.constant 0 : i32
      %dma_wait3A_117 = tpu.memref_slice %arg7[%dma_wait3A, %dma_wait3A_116] : memref<96x128xf32, #tpu.memory_space<vmem>> -> memref<56x128xf32, #tpu.memory_space<vmem>>
      %dma_wait3A_118 = arith.constant 0 : i32
      %dma_wait3A_119 = tpu.memref_slice %arg5[%arg0, %add3A_104, %dma_wait3A_118] : memref<2x10112x128xf32, #tpu.memory_space<hbm>> -> memref<1x56x128xf32, #tpu.memory_space<hbm>>
      %dma_wait3A_120 = tpu.memref_squeeze %dma_wait3A_119 : memref<1x56x128xf32, #tpu.memory_space<hbm>> -> memref<56x128xf32, #tpu.memory_space<hbm>>
      %dma_wait3A_121 = arith.constant 0 : i32
      %dma_wait3A_122 = tpu.memref_slice %arg5[%arg0, %add3A_104, %dma_wait3A_121] : memref<2x10112x128xf32, #tpu.memory_space<hbm>> -> memref<1x56x128xf32, #tpu.memory_space<hbm>>
      %dma_wait3A_123 = tpu.memref_squeeze %dma_wait3A_122 : memref<1x56x128xf32, #tpu.memory_space<hbm>> -> memref<56x128xf32, #tpu.memory_space<hbm>>
      %dma_wait3A_124 = arith.constant 0 : i32
      %dma_wait3A_125 = arith.constant 0 : i32
      %dma_wait3A_126 = tpu.memref_slice %arg7[%dma_wait3A_124, %dma_wait3A_125] : memref<96x128xf32, #tpu.memory_space<vmem>> -> memref<56x128xf32, #tpu.memory_space<vmem>>
      tpu.wait_dma2 semaphore(%run_scoped3A : memref<!tpu.dma_semaphore, #tpu.memory_space<semaphore_mem>>) src(%dma_wait3A_126 : memref<56x128xf32, #tpu.memory_space<vmem>>) dst(%dma_wait3A_123 : memref<56x128xf32, #tpu.memory_space<hbm>>)
      tpu.yield
    }) : () -> ()
    return
  }
}

module attributes {stable_mosaic.version = 14 : i64} {
  func.func @_m1_body(%arg0: i32, %arg1: memref<1000x128xf32, #tpu.memory_space<vmem>>, %arg2: memref<128x128xf32, #tpu.memory_space<vmem>>, %arg3: memref<2x1000x1xf32, #tpu.memory_space<vmem>>, %arg4: memref<1000x128xf32, #tpu.memory_space<vmem>>) attributes {dimension_semantics = [#tpu.dimension_semantics<arbitrary>], iteration_bounds = array<i64: 10>, scalar_prefetch = 0 : i64, scratch_operands = 0 : i64, tpu.core_type = #tpu.core_type<tc>, window_params = [{transform_indices = @transform_0, window_bounds = array<i64: 1000, 128>}, {pipeline_mode = #tpu.pipeline_mode<synchronous>, transform_indices = @transform_1, window_bounds = array<i64: 128, 128>}, {transform_indices = @transform_2, window_bounds = array<i64: 2, 1000, 1>}, {transform_indices = @transform_3, window_bounds = array<i64: 1000, 128>}]} {
    %get3A = arith.constant 0 : index
    %get3A_0 = arith.constant 0 : index
    %get3A_1 = arith.constant 0 : index
    %get3A_2 = vector.load %arg3[%get3A, %get3A_0, %get3A_1] : memref<2x1000x1xf32, #tpu.memory_space<vmem>>, vector<2x1000x1xf32>
    %slice3A = vector.extract_strided_slice %get3A_2 {offsets = [0, 0, 0], sizes = [1, 1000, 1], strides = [1, 1, 1]} : vector<2x1000x1xf32> to vector<1x1000x1xf32>
    %squeeze3A = vector.shape_cast %slice3A : vector<1x1000x1xf32> to vector<1000x1xf32>
    %slice3A_3 = vector.extract_strided_slice %get3A_2 {offsets = [1, 0, 0], sizes = [1, 1000, 1], strides = [1, 1, 1]} : vector<2x1000x1xf32> to vector<1x1000x1xf32>
    %squeeze3A_4 = vector.shape_cast %slice3A_3 : vector<1x1000x1xf32> to vector<1000x1xf32>
    %add3A = arith.addf %squeeze3A, %squeeze3A_4 : vector<1000x1xf32>
    %add3A_5 = arith.constant 1.000000e+00 : f32
    %add3A_6 = vector.broadcast %add3A_5 : f32 to vector<1000x1xf32>
    %add3A_7 = arith.addf %add3A, %add3A_6 : vector<1000x1xf32>
    %rsqrt3A = math.rsqrt %add3A_7 : vector<1000x1xf32>
    %get3A_8 = arith.constant 0 : index
    %get3A_9 = arith.constant 0 : index
    %get3A_10 = vector.load %arg1[%get3A_8, %get3A_9] : memref<1000x128xf32, #tpu.memory_space<vmem>>, vector<1000x128xf32>
    %get3A_11 = arith.constant 0 : index
    %get3A_12 = arith.constant 0 : index
    %get3A_13 = vector.load %arg2[%get3A_11, %get3A_12] : memref<128x128xf32, #tpu.memory_space<vmem>>, vector<128x128xf32>
    %dot_general3A = arith.constant dense<0.000000e+00> : vector<1000x128xf32>
    %dot_general3A_14 = tpu.matmul %get3A_10, %get3A_13, %dot_general3A {dimension_numbers = #tpu.dot_dimension_numbers<[1], [0], [0], [1], [0, 0, 1, 1], [], []>, transpose_lhs_hint = false} : vector<1000x128xf32>, vector<128x128xf32>, vector<1000x128xf32> -> vector<1000x128xf32>
    %mul3A = vector.broadcast %rsqrt3A : vector<1000x1xf32> to vector<1000x128xf32>
    %mul3A_15 = arith.mulf %dot_general3A_14, %mul3A : vector<1000x128xf32>
    %swap3A = arith.constant 0 : index
    %swap3A_16 = arith.constant 0 : index
    %swap3A_17 = vector.load %arg4[%swap3A, %swap3A_16] : memref<1000x128xf32, #tpu.memory_space<vmem>>, vector<1000x128xf32>
    tpu.vector_store %arg4[%swap3A, %swap3A_16], %mul3A_15 {strides = array<i32>} : memref<1000x128xf32, #tpu.memory_space<vmem>>, vector<1000x128xf32>,
    return
  }
  func.func @transform_0(%arg0: i32) -> (i32, i32) {
    %c0_i32 = arith.constant 0 : i32
    %c0_i32_0 = arith.constant 0 : i32
    return %arg0, %c0_i32 : i32, i32
  }
  func.func @transform_1(%arg0: i32) -> (i32, i32) {
    %c0_i32 = arith.constant 0 : i32
    %c0_i32_0 = arith.constant 0 : i32
    %c0_i32_1 = arith.constant 0 : i32
    return %c0_i32, %c0_i32_0 : i32, i32
  }
  func.func @transform_2(%arg0: i32) -> (i32, i32, i32) {
    %c0_i32 = arith.constant 0 : i32
    %c0_i32_0 = arith.constant 0 : i32
    %c0_i32_1 = arith.constant 0 : i32
    return %c0_i32, %arg0, %c0_i32_0 : i32, i32, i32
  }
  func.func @transform_3(%arg0: i32) -> (i32, i32) {
    %c0_i32 = arith.constant 0 : i32
    %c0_i32_0 = arith.constant 0 : i32
    return %arg0, %c0_i32 : i32, i32
  }
}

module attributes {stable_mosaic.version = 14 : i64} {
  func.func @_mlayer_body(%arg0: i32, %arg1: memref<2x1000x128xf32, #tpu.memory_space<vmem>>, %arg2: memref<1000x128xf32, #tpu.memory_space<vmem>>, %arg3: memref<2x1000x1xf32, #tpu.memory_space<vmem>>, %arg4: memref<1x128xf32, #tpu.memory_space<vmem>>, %arg5: memref<128x128xf32, #tpu.memory_space<vmem>>, %arg6: memref<1000x128xf32, #tpu.memory_space<vmem>>) attributes {dimension_semantics = [#tpu.dimension_semantics<arbitrary>], iteration_bounds = array<i64: 10>, scalar_prefetch = 0 : i64, scratch_operands = 0 : i64, tpu.core_type = #tpu.core_type<tc>, window_params = [{transform_indices = @transform_0, window_bounds = array<i64: 2, 1000, 128>}, {transform_indices = @transform_1, window_bounds = array<i64: 1000, 128>}, {transform_indices = @transform_2, window_bounds = array<i64: 2, 1000, 1>}, {pipeline_mode = #tpu.pipeline_mode<synchronous>, transform_indices = @transform_3, window_bounds = array<i64: 1, 128>}, {pipeline_mode = #tpu.pipeline_mode<synchronous>, transform_indices = @transform_4, window_bounds = array<i64: 128, 128>}, {transform_indices = @transform_5, window_bounds = array<i64: 1000, 128>}]} {
    %get3A = arith.constant 0 : index
    %get3A_0 = arith.constant 0 : index
    %get3A_1 = arith.constant 0 : index
    %get3A_2 = vector.load %arg3[%get3A, %get3A_0, %get3A_1] : memref<2x1000x1xf32, #tpu.memory_space<vmem>>, vector<2x1000x1xf32>
    %slice3A = vector.extract_strided_slice %get3A_2 {offsets = [0, 0, 0], sizes = [1, 1000, 1], strides = [1, 1, 1]} : vector<2x1000x1xf32> to vector<1x1000x1xf32>
    %squeeze3A = vector.shape_cast %slice3A : vector<1x1000x1xf32> to vector<1000x1xf32>
    %slice3A_3 = vector.extract_strided_slice %get3A_2 {offsets = [1, 0, 0], sizes = [1, 1000, 1], strides = [1, 1, 1]} : vector<2x1000x1xf32> to vector<1x1000x1xf32>
    %squeeze3A_4 = vector.shape_cast %slice3A_3 : vector<1x1000x1xf32> to vector<1000x1xf32>
    %add3A = arith.addf %squeeze3A, %squeeze3A_4 : vector<1000x1xf32>
    %add3A_5 = arith.constant 1.000000e+00 : f32
    %add3A_6 = vector.broadcast %add3A_5 : f32 to vector<1000x1xf32>
    %add3A_7 = arith.addf %add3A, %add3A_6 : vector<1000x1xf32>
    %rsqrt3A = math.rsqrt %add3A_7 : vector<1000x1xf32>
    %get3A_8 = arith.constant 0 : index
    %get3A_9 = arith.constant 0 : index
    %get3A_10 = arith.constant 0 : index
    %get3A_11 = vector.load %arg1[%get3A_8, %get3A_9, %get3A_10] : memref<2x1000x128xf32, #tpu.memory_space<vmem>>, vector<1x1000x128xf32>
    %get3A_12 = vector.shape_cast %get3A_11 : vector<1x1000x128xf32> to vector<1000x128xf32>
    %get3A_13 = arith.constant 1 : index
    %get3A_14 = arith.constant 0 : index
    %get3A_15 = arith.constant 0 : index
    %get3A_16 = vector.load %arg1[%get3A_13, %get3A_14, %get3A_15] : memref<2x1000x128xf32, #tpu.memory_space<vmem>>, vector<1x1000x128xf32>
    %get3A_17 = vector.shape_cast %get3A_16 : vector<1x1000x128xf32> to vector<1000x128xf32>
    %add3A_18 = arith.addf %get3A_12, %get3A_17 : vector<1000x128xf32>
    %get3A_19 = arith.constant 0 : index
    %get3A_20 = arith.constant 0 : index
    %get3A_21 = vector.load %arg2[%get3A_19, %get3A_20] : memref<1000x128xf32, #tpu.memory_space<vmem>>, vector<1000x128xf32>
    %add3A_22 = arith.addf %add3A_18, %get3A_21 : vector<1000x128xf32>
    %mul3A = vector.broadcast %rsqrt3A : vector<1000x1xf32> to vector<1000x128xf32>
    %mul3A_23 = arith.mulf %mul3A, %add3A_22 : vector<1000x128xf32>
    %get3A_24 = arith.constant 0 : index
    %get3A_25 = arith.constant 0 : index
    %get3A_26 = vector.load %arg4[%get3A_24, %get3A_25] : memref<1x128xf32, #tpu.memory_space<vmem>>, vector<1x128xf32>
    %add3A_27 = vector.broadcast %get3A_26 : vector<1x128xf32> to vector<1000x128xf32>
    %add3A_28 = arith.addf %mul3A_23, %add3A_27 : vector<1000x128xf32>
    %max3A = arith.constant 0.000000e+00 : f32
    %max3A_29 = vector.broadcast %max3A : f32 to vector<1000x128xf32>
    %max3A_30 = arith.maximumf %add3A_28, %max3A_29 : vector<1000x128xf32>
    %get3A_31 = arith.constant 0 : index
    %get3A_32 = arith.constant 0 : index
    %get3A_33 = vector.load %arg5[%get3A_31, %get3A_32] : memref<128x128xf32, #tpu.memory_space<vmem>>, vector<128x128xf32>
    %dot_general3A = arith.constant dense<0.000000e+00> : vector<1000x128xf32>
    %dot_general3A_34 = tpu.matmul %max3A_30, %get3A_33, %dot_general3A {dimension_numbers = #tpu.dot_dimension_numbers<[1], [0], [0], [1], [0, 0, 1, 1], [], []>, transpose_lhs_hint = false} : vector<1000x128xf32>, vector<128x128xf32>, vector<1000x128xf32> -> vector<1000x128xf32>
    %mul3A_35 = vector.broadcast %rsqrt3A : vector<1000x1xf32> to vector<1000x128xf32>
    %mul3A_36 = arith.mulf %dot_general3A_34, %mul3A_35 : vector<1000x128xf32>
    %swap3A = arith.constant 0 : index
    %swap3A_37 = arith.constant 0 : index
    %swap3A_38 = vector.load %arg6[%swap3A, %swap3A_37] : memref<1000x128xf32, #tpu.memory_space<vmem>>, vector<1000x128xf32>
    tpu.vector_store %arg6[%swap3A, %swap3A_37], %mul3A_36 {strides = array<i32>} : memref<1000x128xf32, #tpu.memory_space<vmem>>, vector<1000x128xf32>,
    return
  }
  func.func @transform_0(%arg0: i32) -> (i32, i32, i32) {
    %c0_i32 = arith.constant 0 : i32
    %c0_i32_0 = arith.constant 0 : i32
    %c0_i32_1 = arith.constant 0 : i32
    return %c0_i32, %arg0, %c0_i32_0 : i32, i32, i32
  }
  func.func @transform_1(%arg0: i32) -> (i32, i32) {
    %c0_i32 = arith.constant 0 : i32
    %c0_i32_0 = arith.constant 0 : i32
    return %arg0, %c0_i32 : i32, i32
  }
  func.func @transform_2(%arg0: i32) -> (i32, i32, i32) {
    %c0_i32 = arith.constant 0 : i32
    %c0_i32_0 = arith.constant 0 : i32
    %c0_i32_1 = arith.constant 0 : i32
    return %c0_i32, %arg0, %c0_i32_0 : i32, i32, i32
  }
  func.func @transform_3(%arg0: i32) -> (i32, i32) {
    %c0_i32 = arith.constant 0 : i32
    %c0_i32_0 = arith.constant 0 : i32
    %c0_i32_1 = arith.constant 0 : i32
    return %c0_i32, %c0_i32_0 : i32, i32
  }
  func.func @transform_4(%arg0: i32) -> (i32, i32) {
    %c0_i32 = arith.constant 0 : i32
    %c0_i32_0 = arith.constant 0 : i32
    %c0_i32_1 = arith.constant 0 : i32
    return %c0_i32, %c0_i32_0 : i32, i32
  }
  func.func @transform_5(%arg0: i32) -> (i32, i32) {
    %c0_i32 = arith.constant 0 : i32
    %c0_i32_0 = arith.constant 0 : i32
    return %arg0, %c0_i32 : i32, i32
  }
}

module attributes {stable_mosaic.version = 14 : i64} {
  func.func @_pool_body(%arg0: i32, %arg1: memref<2x1000x128xf32, #tpu.memory_space<vmem>>, %arg2: memref<1000x128xf32, #tpu.memory_space<vmem>>, %arg3: memref<2x1000x1xf32, #tpu.memory_space<vmem>>, %arg4: memref<1x128xf32, #tpu.memory_space<vmem>>, %arg5: memref<1000x1xf32, #tpu.memory_space<vmem>>, %arg6: memref<128x2xf32, #tpu.memory_space<vmem>>, %arg7: memref<1x2xf32, #tpu.memory_space<vmem>>, %arg8: memref<16x2xf32, #tpu.memory_space<vmem>>, %arg9: memref<16x128xf32, #tpu.memory_space<vmem>>) attributes {dimension_semantics = [#tpu.dimension_semantics<arbitrary>], iteration_bounds = array<i64: 10>, scalar_prefetch = 0 : i64, scratch_operands = 1 : i64, tpu.core_type = #tpu.core_type<tc>, window_params = [{transform_indices = @transform_0, window_bounds = array<i64: 2, 1000, 128>}, {transform_indices = @transform_1, window_bounds = array<i64: 1000, 128>}, {transform_indices = @transform_2, window_bounds = array<i64: 2, 1000, 1>}, {pipeline_mode = #tpu.pipeline_mode<synchronous>, transform_indices = @transform_3, window_bounds = array<i64: 1, 128>}, {transform_indices = @transform_4, window_bounds = array<i64: 1000, 1>}, {pipeline_mode = #tpu.pipeline_mode<synchronous>, transform_indices = @transform_5, window_bounds = array<i64: 128, 2>}, {pipeline_mode = #tpu.pipeline_mode<synchronous>, transform_indices = @transform_6, window_bounds = array<i64: 1, 2>}, {pipeline_mode = #tpu.pipeline_mode<synchronous>, transform_indices = @transform_7, window_bounds = array<i64: 16, 2>}]} {
    %eq3A = arith.constant 0 : i32
    %eq3A_0 = arith.cmpi eq, %arg0, %eq3A : i32
    %convert_element_type3A = arith.extui %eq3A_0 : i1 to i32
    %cond3A = arith.constant 0 : i32
    %cond3A_1 = arith.cmpi ne, %convert_element_type3A, %cond3A : i32
    scf.if %cond3A_1 {
      %broadcast_in_dim3A_216 = arith.constant 0xFF800000 : f32
      %broadcast_in_dim3A_217 = vector.broadcast %broadcast_in_dim3A_216 : f32 to vector<16x128xf32>
      %swap3A_218 = arith.constant 0 : index
      %swap3A_219 = arith.constant 0 : index
      %swap3A_220 = vector.load %arg9[%swap3A_218, %swap3A_219] : memref<16x128xf32, #tpu.memory_space<vmem>>, vector<16x128xf32>
      tpu.vector_store %arg9[%swap3A_218, %swap3A_219], %broadcast_in_dim3A_217 {strides = array<i32>} : memref<16x128xf32, #tpu.memory_space<vmem>>, vector<16x128xf32>,
    } else {
    }
    %get3A = arith.constant 0 : index
    %get3A_2 = arith.constant 0 : index
    %get3A_3 = arith.constant 0 : index
    %get3A_4 = vector.load %arg3[%get3A, %get3A_2, %get3A_3] : memref<2x1000x1xf32, #tpu.memory_space<vmem>>, vector<2x1000x1xf32>
    %slice3A = vector.extract_strided_slice %get3A_4 {offsets = [0, 0, 0], sizes = [1, 1000, 1], strides = [1, 1, 1]} : vector<2x1000x1xf32> to vector<1x1000x1xf32>
    %squeeze3A = vector.shape_cast %slice3A : vector<1x1000x1xf32> to vector<1000x1xf32>
    %slice3A_5 = vector.extract_strided_slice %get3A_4 {offsets = [1, 0, 0], sizes = [1, 1000, 1], strides = [1, 1, 1]} : vector<2x1000x1xf32> to vector<1x1000x1xf32>
    %squeeze3A_6 = vector.shape_cast %slice3A_5 : vector<1x1000x1xf32> to vector<1000x1xf32>
    %add3A = arith.addf %squeeze3A, %squeeze3A_6 : vector<1000x1xf32>
    %add3A_7 = arith.constant 1.000000e+00 : f32
    %add3A_8 = vector.broadcast %add3A_7 : f32 to vector<1000x1xf32>
    %add3A_9 = arith.addf %add3A, %add3A_8 : vector<1000x1xf32>
    %rsqrt3A = math.rsqrt %add3A_9 : vector<1000x1xf32>
    %get3A_10 = arith.constant 0 : index
    %get3A_11 = arith.constant 0 : index
    %get3A_12 = arith.constant 0 : index
    %get3A_13 = vector.load %arg1[%get3A_10, %get3A_11, %get3A_12] : memref<2x1000x128xf32, #tpu.memory_space<vmem>>, vector<1x1000x128xf32>
    %get3A_14 = vector.shape_cast %get3A_13 : vector<1x1000x128xf32> to vector<1000x128xf32>
    %get3A_15 = arith.constant 1 : index
    %get3A_16 = arith.constant 0 : index
    %get3A_17 = arith.constant 0 : index
    %get3A_18 = vector.load %arg1[%get3A_15, %get3A_16, %get3A_17] : memref<2x1000x128xf32, #tpu.memory_space<vmem>>, vector<1x1000x128xf32>
    %get3A_19 = vector.shape_cast %get3A_18 : vector<1x1000x128xf32> to vector<1000x128xf32>
    %add3A_20 = arith.addf %get3A_14, %get3A_19 : vector<1000x128xf32>
    %get3A_21 = arith.constant 0 : index
    %get3A_22 = arith.constant 0 : index
    %get3A_23 = vector.load %arg2[%get3A_21, %get3A_22] : memref<1000x128xf32, #tpu.memory_space<vmem>>, vector<1000x128xf32>
    %add3A_24 = arith.addf %add3A_20, %get3A_23 : vector<1000x128xf32>
    %mul3A = vector.broadcast %rsqrt3A : vector<1000x1xf32> to vector<1000x128xf32>
    %mul3A_25 = arith.mulf %mul3A, %add3A_24 : vector<1000x128xf32>
    %get3A_26 = arith.constant 0 : index
    %get3A_27 = arith.constant 0 : index
    %get3A_28 = vector.load %arg4[%get3A_26, %get3A_27] : memref<1x128xf32, #tpu.memory_space<vmem>>, vector<1x128xf32>
    %add3A_29 = vector.broadcast %get3A_28 : vector<1x128xf32> to vector<1000x128xf32>
    %add3A_30 = arith.addf %mul3A_25, %add3A_29 : vector<1000x128xf32>
    %get3A_31 = arith.constant 0 : index
    %get3A_32 = arith.constant 0 : index
    %get3A_33 = vector.load %arg5[%get3A_31, %get3A_32] : memref<1000x1xf32, #tpu.memory_space<vmem>>, vector<1000x1xf32>
    %get3A_34 = arith.constant 0 : index
    %get3A_35 = arith.constant 0 : index
    %get3A_36 = vector.load %arg9[%get3A_34, %get3A_35] : memref<16x128xf32, #tpu.memory_space<vmem>>, vector<16x128xf32>
    %eq3A_37 = arith.constant 0.000000e+00 : f32
    %eq3A_38 = vector.broadcast %eq3A_37 : f32 to vector<1000x1xf32>
    %eq3A_39 = arith.cmpf oeq, %get3A_33, %eq3A_38 : vector<1000x1xf32>
    %jit3A = arith.constant 0xFF800000 : f32
    %broadcast_in_dim3A = vector.shape_cast %eq3A_39 : vector<1000x1xi1> to vector<1000x1xi1>
    %broadcast_in_dim3A_40 = vector.broadcast %broadcast_in_dim3A : vector<1000x1xi1> to vector<1000x128xi1>
    %broadcast_in_dim3A_41 = vector.broadcast %jit3A : f32 to vector<1000x128xf32>
    %select_n3A = arith.select %broadcast_in_dim3A_40, %add3A_30, %broadcast_in_dim3A_41 : vector<1000x128xi1>, vector<1000x128xf32>
    %reduce_max3A = arith.constant dense<0xFF800000> : vector<128xf32>
    %reduce_max3A_42 = vector.multi_reduction <maximumf>, %select_n3A, %reduce_max3A [0] : vector<1000x128xf32> to vector<128xf32>
    %eq3A_43 = arith.constant 1.000000e+00 : f32
    %eq3A_44 = vector.broadcast %eq3A_43 : f32 to vector<1000x1xf32>
    %eq3A_45 = arith.cmpf oeq, %get3A_33, %eq3A_44 : vector<1000x1xf32>
    %jit3A_46 = arith.constant 0xFF800000 : f32
    %broadcast_in_dim3A_47 = vector.shape_cast %eq3A_45 : vector<1000x1xi1> to vector<1000x1xi1>
    %broadcast_in_dim3A_48 = vector.broadcast %broadcast_in_dim3A_47 : vector<1000x1xi1> to vector<1000x128xi1>
    %broadcast_in_dim3A_49 = vector.broadcast %jit3A_46 : f32 to vector<1000x128xf32>
    %select_n3A_50 = arith.select %broadcast_in_dim3A_48, %add3A_30, %broadcast_in_dim3A_49 : vector<1000x128xi1>, vector<1000x128xf32>
    %reduce_max3A_51 = arith.constant dense<0xFF800000> : vector<128xf32>
    %reduce_max3A_52 = vector.multi_reduction <maximumf>, %select_n3A_50, %reduce_max3A_51 [0] : vector<1000x128xf32> to vector<128xf32>
    %eq3A_53 = arith.constant 2.000000e+00 : f32
    %eq3A_54 = vector.broadcast %eq3A_53 : f32 to vector<1000x1xf32>
    %eq3A_55 = arith.cmpf oeq, %get3A_33, %eq3A_54 : vector<1000x1xf32>
    %jit3A_56 = arith.constant 0xFF800000 : f32
    %broadcast_in_dim3A_57 = vector.shape_cast %eq3A_55 : vector<1000x1xi1> to vector<1000x1xi1>
    %broadcast_in_dim3A_58 = vector.broadcast %broadcast_in_dim3A_57 : vector<1000x1xi1> to vector<1000x128xi1>
    %broadcast_in_dim3A_59 = vector.broadcast %jit3A_56 : f32 to vector<1000x128xf32>
    %select_n3A_60 = arith.select %broadcast_in_dim3A_58, %add3A_30, %broadcast_in_dim3A_59 : vector<1000x128xi1>, vector<1000x128xf32>
    %reduce_max3A_61 = arith.constant dense<0xFF800000> : vector<128xf32>
    %reduce_max3A_62 = vector.multi_reduction <maximumf>, %select_n3A_60, %reduce_max3A_61 [0] : vector<1000x128xf32> to vector<128xf32>
    %eq3A_63 = arith.constant 3.000000e+00 : f32
    %eq3A_64 = vector.broadcast %eq3A_63 : f32 to vector<1000x1xf32>
    %eq3A_65 = arith.cmpf oeq, %get3A_33, %eq3A_64 : vector<1000x1xf32>
    %jit3A_66 = arith.constant 0xFF800000 : f32
    %broadcast_in_dim3A_67 = vector.shape_cast %eq3A_65 : vector<1000x1xi1> to vector<1000x1xi1>
    %broadcast_in_dim3A_68 = vector.broadcast %broadcast_in_dim3A_67 : vector<1000x1xi1> to vector<1000x128xi1>
    %broadcast_in_dim3A_69 = vector.broadcast %jit3A_66 : f32 to vector<1000x128xf32>
    %select_n3A_70 = arith.select %broadcast_in_dim3A_68, %add3A_30, %broadcast_in_dim3A_69 : vector<1000x128xi1>, vector<1000x128xf32>
    %reduce_max3A_71 = arith.constant dense<0xFF800000> : vector<128xf32>
    %reduce_max3A_72 = vector.multi_reduction <maximumf>, %select_n3A_70, %reduce_max3A_71 [0] : vector<1000x128xf32> to vector<128xf32>
    %eq3A_73 = arith.constant 4.000000e+00 : f32
    %eq3A_74 = vector.broadcast %eq3A_73 : f32 to vector<1000x1xf32>
    %eq3A_75 = arith.cmpf oeq, %get3A_33, %eq3A_74 : vector<1000x1xf32>
    %jit3A_76 = arith.constant 0xFF800000 : f32
    %broadcast_in_dim3A_77 = vector.shape_cast %eq3A_75 : vector<1000x1xi1> to vector<1000x1xi1>
    %broadcast_in_dim3A_78 = vector.broadcast %broadcast_in_dim3A_77 : vector<1000x1xi1> to vector<1000x128xi1>
    %broadcast_in_dim3A_79 = vector.broadcast %jit3A_76 : f32 to vector<1000x128xf32>
    %select_n3A_80 = arith.select %broadcast_in_dim3A_78, %add3A_30, %broadcast_in_dim3A_79 : vector<1000x128xi1>, vector<1000x128xf32>
    %reduce_max3A_81 = arith.constant dense<0xFF800000> : vector<128xf32>
    %reduce_max3A_82 = vector.multi_reduction <maximumf>, %select_n3A_80, %reduce_max3A_81 [0] : vector<1000x128xf32> to vector<128xf32>
    %eq3A_83 = arith.constant 5.000000e+00 : f32
    %eq3A_84 = vector.broadcast %eq3A_83 : f32 to vector<1000x1xf32>
    %eq3A_85 = arith.cmpf oeq, %get3A_33, %eq3A_84 : vector<1000x1xf32>
    %jit3A_86 = arith.constant 0xFF800000 : f32
    %broadcast_in_dim3A_87 = vector.shape_cast %eq3A_85 : vector<1000x1xi1> to vector<1000x1xi1>
    %broadcast_in_dim3A_88 = vector.broadcast %broadcast_in_dim3A_87 : vector<1000x1xi1> to vector<1000x128xi1>
    %broadcast_in_dim3A_89 = vector.broadcast %jit3A_86 : f32 to vector<1000x128xf32>
    %select_n3A_90 = arith.select %broadcast_in_dim3A_88, %add3A_30, %broadcast_in_dim3A_89 : vector<1000x128xi1>, vector<1000x128xf32>
    %reduce_max3A_91 = arith.constant dense<0xFF800000> : vector<128xf32>
    %reduce_max3A_92 = vector.multi_reduction <maximumf>, %select_n3A_90, %reduce_max3A_91 [0] : vector<1000x128xf32> to vector<128xf32>
    %eq3A_93 = arith.constant 6.000000e+00 : f32
    %eq3A_94 = vector.broadcast %eq3A_93 : f32 to vector<1000x1xf32>
    %eq3A_95 = arith.cmpf oeq, %get3A_33, %eq3A_94 : vector<1000x1xf32>
    %jit3A_96 = arith.constant 0xFF800000 : f32
    %broadcast_in_dim3A_97 = vector.shape_cast %eq3A_95 : vector<1000x1xi1> to vector<1000x1xi1>
    %broadcast_in_dim3A_98 = vector.broadcast %broadcast_in_dim3A_97 : vector<1000x1xi1> to vector<1000x128xi1>
    %broadcast_in_dim3A_99 = vector.broadcast %jit3A_96 : f32 to vector<1000x128xf32>
    %select_n3A_100 = arith.select %broadcast_in_dim3A_98, %add3A_30, %broadcast_in_dim3A_99 : vector<1000x128xi1>, vector<1000x128xf32>
    %reduce_max3A_101 = arith.constant dense<0xFF800000> : vector<128xf32>
    %reduce_max3A_102 = vector.multi_reduction <maximumf>, %select_n3A_100, %reduce_max3A_101 [0] : vector<1000x128xf32> to vector<128xf32>
    %eq3A_103 = arith.constant 7.000000e+00 : f32
    %eq3A_104 = vector.broadcast %eq3A_103 : f32 to vector<1000x1xf32>
    %eq3A_105 = arith.cmpf oeq, %get3A_33, %eq3A_104 : vector<1000x1xf32>
    %jit3A_106 = arith.constant 0xFF800000 : f32
    %broadcast_in_dim3A_107 = vector.shape_cast %eq3A_105 : vector<1000x1xi1> to vector<1000x1xi1>
    %broadcast_in_dim3A_108 = vector.broadcast %broadcast_in_dim3A_107 : vector<1000x1xi1> to vector<1000x128xi1>
    %broadcast_in_dim3A_109 = vector.broadcast %jit3A_106 : f32 to vector<1000x128xf32>
    %select_n3A_110 = arith.select %broadcast_in_dim3A_108, %add3A_30, %broadcast_in_dim3A_109 : vector<1000x128xi1>, vector<1000x128xf32>
    %reduce_max3A_111 = arith.constant dense<0xFF800000> : vector<128xf32>
    %reduce_max3A_112 = vector.multi_reduction <maximumf>, %select_n3A_110, %reduce_max3A_111 [0] : vector<1000x128xf32> to vector<128xf32>
    %eq3A_113 = arith.constant 8.000000e+00 : f32
    %eq3A_114 = vector.broadcast %eq3A_113 : f32 to vector<1000x1xf32>
    %eq3A_115 = arith.cmpf oeq, %get3A_33, %eq3A_114 : vector<1000x1xf32>
    %jit3A_116 = arith.constant 0xFF800000 : f32
    %broadcast_in_dim3A_117 = vector.shape_cast %eq3A_115 : vector<1000x1xi1> to vector<1000x1xi1>
    %broadcast_in_dim3A_118 = vector.broadcast %broadcast_in_dim3A_117 : vector<1000x1xi1> to vector<1000x128xi1>
    %broadcast_in_dim3A_119 = vector.broadcast %jit3A_116 : f32 to vector<1000x128xf32>
    %select_n3A_120 = arith.select %broadcast_in_dim3A_118, %add3A_30, %broadcast_in_dim3A_119 : vector<1000x128xi1>, vector<1000x128xf32>
    %reduce_max3A_121 = arith.constant dense<0xFF800000> : vector<128xf32>
    %reduce_max3A_122 = vector.multi_reduction <maximumf>, %select_n3A_120, %reduce_max3A_121 [0] : vector<1000x128xf32> to vector<128xf32>
    %eq3A_123 = arith.constant 9.000000e+00 : f32
    %eq3A_124 = vector.broadcast %eq3A_123 : f32 to vector<1000x1xf32>
    %eq3A_125 = arith.cmpf oeq, %get3A_33, %eq3A_124 : vector<1000x1xf32>
    %jit3A_126 = arith.constant 0xFF800000 : f32
    %broadcast_in_dim3A_127 = vector.shape_cast %eq3A_125 : vector<1000x1xi1> to vector<1000x1xi1>
    %broadcast_in_dim3A_128 = vector.broadcast %broadcast_in_dim3A_127 : vector<1000x1xi1> to vector<1000x128xi1>
    %broadcast_in_dim3A_129 = vector.broadcast %jit3A_126 : f32 to vector<1000x128xf32>
    %select_n3A_130 = arith.select %broadcast_in_dim3A_128, %add3A_30, %broadcast_in_dim3A_129 : vector<1000x128xi1>, vector<1000x128xf32>
    %reduce_max3A_131 = arith.constant dense<0xFF800000> : vector<128xf32>
    %reduce_max3A_132 = vector.multi_reduction <maximumf>, %select_n3A_130, %reduce_max3A_131 [0] : vector<1000x128xf32> to vector<128xf32>
    %eq3A_133 = arith.constant 1.000000e+01 : f32
    %eq3A_134 = vector.broadcast %eq3A_133 : f32 to vector<1000x1xf32>
    %eq3A_135 = arith.cmpf oeq, %get3A_33, %eq3A_134 : vector<1000x1xf32>
    %jit3A_136 = arith.constant 0xFF800000 : f32
    %broadcast_in_dim3A_137 = vector.shape_cast %eq3A_135 : vector<1000x1xi1> to vector<1000x1xi1>
    %broadcast_in_dim3A_138 = vector.broadcast %broadcast_in_dim3A_137 : vector<1000x1xi1> to vector<1000x128xi1>
    %broadcast_in_dim3A_139 = vector.broadcast %jit3A_136 : f32 to vector<1000x128xf32>
    %select_n3A_140 = arith.select %broadcast_in_dim3A_138, %add3A_30, %broadcast_in_dim3A_139 : vector<1000x128xi1>, vector<1000x128xf32>
    %reduce_max3A_141 = arith.constant dense<0xFF800000> : vector<128xf32>
    %reduce_max3A_142 = vector.multi_reduction <maximumf>, %select_n3A_140, %reduce_max3A_141 [0] : vector<1000x128xf32> to vector<128xf32>
    %eq3A_143 = arith.constant 1.100000e+01 : f32
    %eq3A_144 = vector.broadcast %eq3A_143 : f32 to vector<1000x1xf32>
    %eq3A_145 = arith.cmpf oeq, %get3A_33, %eq3A_144 : vector<1000x1xf32>
    %jit3A_146 = arith.constant 0xFF800000 : f32
    %broadcast_in_dim3A_147 = vector.shape_cast %eq3A_145 : vector<1000x1xi1> to vector<1000x1xi1>
    %broadcast_in_dim3A_148 = vector.broadcast %broadcast_in_dim3A_147 : vector<1000x1xi1> to vector<1000x128xi1>
    %broadcast_in_dim3A_149 = vector.broadcast %jit3A_146 : f32 to vector<1000x128xf32>
    %select_n3A_150 = arith.select %broadcast_in_dim3A_148, %add3A_30, %broadcast_in_dim3A_149 : vector<1000x128xi1>, vector<1000x128xf32>
    %reduce_max3A_151 = arith.constant dense<0xFF800000> : vector<128xf32>
    %reduce_max3A_152 = vector.multi_reduction <maximumf>, %select_n3A_150, %reduce_max3A_151 [0] : vector<1000x128xf32> to vector<128xf32>
    %eq3A_153 = arith.constant 1.200000e+01 : f32
    %eq3A_154 = vector.broadcast %eq3A_153 : f32 to vector<1000x1xf32>
    %eq3A_155 = arith.cmpf oeq, %get3A_33, %eq3A_154 : vector<1000x1xf32>
    %jit3A_156 = arith.constant 0xFF800000 : f32
    %broadcast_in_dim3A_157 = vector.shape_cast %eq3A_155 : vector<1000x1xi1> to vector<1000x1xi1>
    %broadcast_in_dim3A_158 = vector.broadcast %broadcast_in_dim3A_157 : vector<1000x1xi1> to vector<1000x128xi1>
    %broadcast_in_dim3A_159 = vector.broadcast %jit3A_156 : f32 to vector<1000x128xf32>
    %select_n3A_160 = arith.select %broadcast_in_dim3A_158, %add3A_30, %broadcast_in_dim3A_159 : vector<1000x128xi1>, vector<1000x128xf32>
    %reduce_max3A_161 = arith.constant dense<0xFF800000> : vector<128xf32>
    %reduce_max3A_162 = vector.multi_reduction <maximumf>, %select_n3A_160, %reduce_max3A_161 [0] : vector<1000x128xf32> to vector<128xf32>
    %eq3A_163 = arith.constant 1.300000e+01 : f32
    %eq3A_164 = vector.broadcast %eq3A_163 : f32 to vector<1000x1xf32>
    %eq3A_165 = arith.cmpf oeq, %get3A_33, %eq3A_164 : vector<1000x1xf32>
    %jit3A_166 = arith.constant 0xFF800000 : f32
    %broadcast_in_dim3A_167 = vector.shape_cast %eq3A_165 : vector<1000x1xi1> to vector<1000x1xi1>
    %broadcast_in_dim3A_168 = vector.broadcast %broadcast_in_dim3A_167 : vector<1000x1xi1> to vector<1000x128xi1>
    %broadcast_in_dim3A_169 = vector.broadcast %jit3A_166 : f32 to vector<1000x128xf32>
    %select_n3A_170 = arith.select %broadcast_in_dim3A_168, %add3A_30, %broadcast_in_dim3A_169 : vector<1000x128xi1>, vector<1000x128xf32>
    %reduce_max3A_171 = arith.constant dense<0xFF800000> : vector<128xf32>
    %reduce_max3A_172 = vector.multi_reduction <maximumf>, %select_n3A_170, %reduce_max3A_171 [0] : vector<1000x128xf32> to vector<128xf32>
    %eq3A_173 = arith.constant 1.400000e+01 : f32
    %eq3A_174 = vector.broadcast %eq3A_173 : f32 to vector<1000x1xf32>
    %eq3A_175 = arith.cmpf oeq, %get3A_33, %eq3A_174 : vector<1000x1xf32>
    %jit3A_176 = arith.constant 0xFF800000 : f32
    %broadcast_in_dim3A_177 = vector.shape_cast %eq3A_175 : vector<1000x1xi1> to vector<1000x1xi1>
    %broadcast_in_dim3A_178 = vector.broadcast %broadcast_in_dim3A_177 : vector<1000x1xi1> to vector<1000x128xi1>
    %broadcast_in_dim3A_179 = vector.broadcast %jit3A_176 : f32 to vector<1000x128xf32>
    %select_n3A_180 = arith.select %broadcast_in_dim3A_178, %add3A_30, %broadcast_in_dim3A_179 : vector<1000x128xi1>, vector<1000x128xf32>
    %reduce_max3A_181 = arith.constant dense<0xFF800000> : vector<128xf32>
    %reduce_max3A_182 = vector.multi_reduction <maximumf>, %select_n3A_180, %reduce_max3A_181 [0] : vector<1000x128xf32> to vector<128xf32>
    %eq3A_183 = arith.constant 1.500000e+01 : f32
    %eq3A_184 = vector.broadcast %eq3A_183 : f32 to vector<1000x1xf32>
    %eq3A_185 = arith.cmpf oeq, %get3A_33, %eq3A_184 : vector<1000x1xf32>
    %jit3A_186 = arith.constant 0xFF800000 : f32
    %broadcast_in_dim3A_187 = vector.shape_cast %eq3A_185 : vector<1000x1xi1> to vector<1000x1xi1>
    %broadcast_in_dim3A_188 = vector.broadcast %broadcast_in_dim3A_187 : vector<1000x1xi1> to vector<1000x128xi1>
    %broadcast_in_dim3A_189 = vector.broadcast %jit3A_186 : f32 to vector<1000x128xf32>
    %select_n3A_190 = arith.select %broadcast_in_dim3A_188, %add3A_30, %broadcast_in_dim3A_189 : vector<1000x128xi1>, vector<1000x128xf32>
    %reduce_max3A_191 = arith.constant dense<0xFF800000> : vector<128xf32>
    %reduce_max3A_192 = vector.multi_reduction <maximumf>, %select_n3A_190, %reduce_max3A_191 [0] : vector<1000x128xf32> to vector<128xf32>
    %stack3A = vector.shape_cast %reduce_max3A_42 : vector<128xf32> to vector<1x128xf32>
    %stack3A_193 = vector.shape_cast %reduce_max3A_52 : vector<128xf32> to vector<1x128xf32>
    %stack3A_194 = vector.shape_cast %reduce_max3A_62 : vector<128xf32> to vector<1x128xf32>
    %stack3A_195 = vector.shape_cast %reduce_max3A_72 : vector<128xf32> to vector<1x128xf32>
    %stack3A_196 = vector.shape_cast %reduce_max3A_82 : vector<128xf32> to vector<1x128xf32>
    %stack3A_197 = vector.shape_cast %reduce_max3A_92 : vector<128xf32> to vector<1x128xf32>
    %stack3A_198 = vector.shape_cast %reduce_max3A_102 : vector<128xf32> to vector<1x128xf32>
    %stack3A_199 = vector.shape_cast %reduce_max3A_112 : vector<128xf32> to vector<1x128xf32>
    %stack3A_200 = vector.shape_cast %reduce_max3A_122 : vector<128xf32> to vector<1x128xf32>
    %stack3A_201 = vector.shape_cast %reduce_max3A_132 : vector<128xf32> to vector<1x128xf32>
    %stack3A_202 = vector.shape_cast %reduce_max3A_142 : vector<128xf32> to vector<1x128xf32>
    %stack3A_203 = vector.shape_cast %reduce_max3A_152 : vector<128xf32> to vector<1x128xf32>
    %stack3A_204 = vector.shape_cast %reduce_max3A_162 : vector<128xf32> to vector<1x128xf32>
    %stack3A_205 = vector.shape_cast %reduce_max3A_172 : vector<128xf32> to vector<1x128xf32>
    %stack3A_206 = vector.shape_cast %reduce_max3A_182 : vector<128xf32> to vector<1x128xf32>
    %stack3A_207 = vector.shape_cast %reduce_max3A_192 : vector<128xf32> to vector<1x128xf32>
    %stack3A_208 = tpu.concatenate %stack3A, %stack3A_193, %stack3A_194, %stack3A_195, %stack3A_196, %stack3A_197, %stack3A_198, %stack3A_199, %stack3A_200, %stack3A_201, %stack3A_202, %stack3A_203, %stack3A_204, %stack3A_205, %stack3A_206, %stack3A_207 in 0 : vector<1x128xf32>, vector<1x128xf32>, vector<1x128xf32>, vector<1x128xf32>, vector<1x128xf32>, vector<1x128xf32>, vector<1x128xf32>, vector<1x128xf32>, vector<1x128xf32>, vector<1x128xf32>, vector<1x128xf32>, vector<1x128xf32>, vector<1x128xf32>, vector<1x128xf32>, vector<1x128xf32>, vector<1x128xf32> -> vector<16x128xf32>
    %max3A = arith.maximumf %get3A_36, %stack3A_208 : vector<16x128xf32>
    %swap3A = arith.constant 0 : index
    %swap3A_209 = arith.constant 0 : index
    %swap3A_210 = vector.load %arg9[%swap3A, %swap3A_209] : memref<16x128xf32, #tpu.memory_space<vmem>>, vector<16x128xf32>
    tpu.vector_store %arg9[%swap3A, %swap3A_209], %max3A {strides = array<i32>} : memref<16x128xf32, #tpu.memory_space<vmem>>, vector<16x128xf32>,
    %eq3A_211 = arith.constant 9 : i32
    %eq3A_212 = arith.cmpi eq, %arg0, %eq3A_211 : i32
    %convert_element_type3A_213 = arith.extui %eq3A_212 : i1 to i32
    %cond3A_214 = arith.constant 0 : i32
    %cond3A_215 = arith.cmpi ne, %convert_element_type3A_213, %cond3A_214 : i32
    scf.if %cond3A_215 {
      %is_finite3A = tpu.weird %max3A : vector<16x128xf32> -> vector<16x128xi1>
      %is_finite3A_216 = arith.constant dense<true> : vector<16x128xi1>
      %is_finite3A_217 = arith.xori %is_finite3A, %is_finite3A_216 : vector<16x128xi1>
      %jit3A_218 = arith.constant 0.000000e+00 : f32
      %broadcast_in_dim3A_219 = vector.broadcast %jit3A_218 : f32 to vector<16x128xf32>
      %select_n3A_220 = arith.select %is_finite3A_217, %max3A, %broadcast_in_dim3A_219 : vector<16x128xi1>, vector<16x128xf32>
      %get3A_221 = arith.constant 0 : index
      %get3A_222 = arith.constant 0 : index
      %get3A_223 = vector.load %arg6[%get3A_221, %get3A_222] : memref<128x2xf32, #tpu.memory_space<vmem>>, vector<128x2xf32>
      %dot_general3A = arith.constant dense<0.000000e+00> : vector<16x2xf32>
      %dot_general3A_224 = tpu.matmul %select_n3A_220, %get3A_223, %dot_general3A {dimension_numbers = #tpu.dot_dimension_numbers<[1], [0], [0], [1], [0, 0, 1, 1], [], []>, transpose_lhs_hint = false} : vector<16x128xf32>, vector<128x2xf32>, vector<16x2xf32> -> vector<16x2xf32>
      %get3A_225 = arith.constant 0 : index
      %get3A_226 = arith.constant 0 : index
      %get3A_227 = vector.load %arg7[%get3A_225, %get3A_226] : memref<1x2xf32, #tpu.memory_space<vmem>>, vector<1x2xf32>
      %add3A_228 = vector.broadcast %get3A_227 : vector<1x2xf32> to vector<16x2xf32>
      %add3A_229 = arith.addf %dot_general3A_224, %add3A_228 : vector<16x2xf32>
      %swap3A_230 = arith.constant 0 : index
      %swap3A_231 = arith.constant 0 : index
      %swap3A_232 = vector.load %arg8[%swap3A_230, %swap3A_231] : memref<16x2xf32, #tpu.memory_space<vmem>>, vector<16x2xf32>
      tpu.vector_store %arg8[%swap3A_230, %swap3A_231], %add3A_229 {strides = array<i32>} : memref<16x2xf32, #tpu.memory_space<vmem>>, vector<16x2xf32>,
    } else {
    }
    return
  }
  func.func @transform_0(%arg0: i32) -> (i32, i32, i32) {
    %c0_i32 = arith.constant 0 : i32
    %c0_i32_0 = arith.constant 0 : i32
    %c0_i32_1 = arith.constant 0 : i32
    return %c0_i32, %arg0, %c0_i32_0 : i32, i32, i32
  }
  func.func @transform_1(%arg0: i32) -> (i32, i32) {
    %c0_i32 = arith.constant 0 : i32
    %c0_i32_0 = arith.constant 0 : i32
    return %arg0, %c0_i32 : i32, i32
  }
  func.func @transform_2(%arg0: i32) -> (i32, i32, i32) {
    %c0_i32 = arith.constant 0 : i32
    %c0_i32_0 = arith.constant 0 : i32
    %c0_i32_1 = arith.constant 0 : i32
    return %c0_i32, %arg0, %c0_i32_0 : i32, i32, i32
  }
  func.func @transform_3(%arg0: i32) -> (i32, i32) {
    %c0_i32 = arith.constant 0 : i32
    %c0_i32_0 = arith.constant 0 : i32
    %c0_i32_1 = arith.constant 0 : i32
    return %c0_i32, %c0_i32_0 : i32, i32
  }
  func.func @transform_4(%arg0: i32) -> (i32, i32) {
    %c0_i32 = arith.constant 0 : i32
    %c0_i32_0 = arith.constant 0 : i32
    return %arg0, %c0_i32 : i32, i32
  }
  func.func @transform_5(%arg0: i32) -> (i32, i32) {
    %c0_i32 = arith.constant 0 : i32
    %c0_i32_0 = arith.constant 0 : i32
    %c0_i32_1 = arith.constant 0 : i32
    return %c0_i32, %c0_i32_0 : i32, i32
  }
  func.func @transform_6(%arg0: i32) -> (i32, i32) {
    %c0_i32 = arith.constant 0 : i32
    %c0_i32_0 = arith.constant 0 : i32
    %c0_i32_1 = arith.constant 0 : i32
    return %c0_i32, %c0_i32_0 : i32, i32
  }
  func.func @transform_7(%arg0: i32) -> (i32, i32) {
    %c0_i32 = arith.constant 0 : i32
    %c0_i32_0 = arith.constant 0 : i32
    %c0_i32_1 = arith.constant 0 : i32
    return %c0_i32, %c0_i32_0 : i32, i32
  }
}

</mosaic_0001>

<sc_bundles>
// kernel: kernel.10.cloned.1.call-start
scs
__scs_entry_jumppad:
0x0: {  	(pc) =	sbr.rel $0x88, $3  }
0x1: {  	(tag) =	ssettag $0x0;
	lr =	simm.s32 $0x1  }
0x2: {  	[smem:$0x3F96] =	sst lr;
	_ =	strace $0xD0000000  }
0x3: {  	_ = 	snop  }
0x4: {  	_ = 	snop  }
0x5: {  	_ = 	snop  }
0x6: {  	_ = 	snop  }
0x7: {  	_ = 	snop  }
__scs_overlays_trampoline_lowered:
0x8: {  	[smem:$0x3FA5] =	sst s0  }
0x9: {  	[smem:$0x3FA6] =	sst s1  }
0xa: {  	[smem:$0x3FA7] =	sst s2  }
0xb: {  	[smem:$0x3FA8] =	sst s3  }
0xc: {  	[smem:$0x3FA9] =	sst s4  }
0xd: {  	[smem:$0x3FAA] =	sst s5  }
0xe: {  	[smem:$0x3FAB] =	sst s6  }
0xf: {  	[smem:$0x3FAC] =	sst s7  }
0x10: {  	[smem:$0x3FAD] =	sst s8  }
0x11: {  	[smem:$0x3FAE] =	sst s9;
	s0 =	simm.s32 @!p0 $0x0  }
0x12: {  	s1 =	sld [smem:$0x3F94];
	s0 =	simm.s32 @p0 $0x1  }
0x13: {  	[smem:$0x3FAF] =	sst s0;
	s0 =	simm.s32 @!p1 $0x0  }
0x14: {  	s2 =	sld [smem:$0x3F93];
	s0 =	simm.s32 @p1 $0x1  }
0x15: {  	[smem:$0x3FB0] =	sst s0;
	s0 =	simm.s32 @!p2 $0x0  }
0x16: {  	s3 =	sld [smem:$0x3FDB];
	s0 =	simm.s32 @p2 $0x1  }
0x17: {  	s4 =	simm.s32 $0x1BF5;
	[smem:$0x3FB2] =	sst s0  }
0x18: {  	s0 =	sld [smem:$0x3F95];
	_ =	swait.ge [sflag:s4], $0x0  }
0x19: {  	s7 =	sld [smem:$0x3F96]  }
0x1a: {  	s8 =	sadd.s32 $0xFFFFE003, lr  }
0x1b: {  	s9 =	sadd.s32 $0xFFFFFEF7, lr;
	s5 =	simm.s32 $0xFFFFFFFF;
	p2 =	slt.u32 s8, $0xFFFFF086  }
0x1c: {  	p1 =	slt.u32 s9, $0xF7A;
	s5 =	simm.s32 @!p2 $0x0  }
0x1d: {  	s5 =	simm.s32 @p1 $0x1;
	p0 =	seq.s32 s7, s2  }
0x1e: {  	s7 =	smul.u32 @!p0 $0xF7A, s2;
	p2 =	seq.s32 @!p0 s5, $0x0  }
0x1f: {  	s9 =	smul.u32 $0xF7A, s1;
	s8 =	simm.s32 @!p0 $0x1BF5;
	p2 =	por !p2, p0  }
0x20: {  	[sflag:s8] =	ssyncset.s32 @!p0 $0xFFFFF086;
	s6 =	sadd.s32 @!p0 s3, s7;
	s7 =	simm.s32 @!p0 $0x108  }
0x21: {  	s3 =	sadd.s32 s3, s9;
	s6 =	sadd.s32 @!p0 $0x88, s6;
	s7 =	simm.s32 @p2 $0x1082  }
0x22: {  	[simem:s7], [sflag:s8] =	dma.local @!p0 [hbm:s6], $0xF7A  }
0x23: {  	s9 =	sor.u32 $0xD0000000, s2;
	s6 =	simm.s32 $0x108;
	_ =	swait.ge @!p0 [sflag:s8], $0x0  }
0x24: {  	s3 =	sadd.s32 $0x88, s3;
	s6 =	simm.s32 @!p1 $0x1082;
	[sflag:s4] =	ssyncset.s32 $0xFFFFF086  }
0x25: {  	[simem:s6], [sflag:s4] =	dma.local [hbm:s3], $0xF7A  }
0x26: {  	[smem:$0x3F96] =	sst s1;
	(tag) =	ssettag s2;
	_ =	strace s9  }
0x27: {  	s1 =	sld [smem:$0x3FA6]  }
0x28: {  	s2 =	sld [smem:$0x3FA7]  }
0x29: {  	s4 =	sld [smem:$0x3FA9]  }
0x2a: {  	p0 =	seq.s32 s5, $0x0;
	s5 =	sld [smem:$0x3FAA]  }
0x2b: {  	s6 =	sld [smem:$0x3FAB]  }
0x2c: {  	s7 =	sld [smem:$0x3FAC]  }
0x2d: {  	s3 =	simm.s32 $0x108;
	s8 =	sld [smem:$0x3FAD]  }
0x2e: {  	s3 =	simm.s32 @!p0 $0x1082;
	s9 =	sld [smem:$0x3FAE]  }
0x2f: {  	lr =	sadd.s32 s0, s3;
	s0 =	sld [smem:$0x3FA5]  }
0x30: {  	s3 =	sld [smem:$0x3FA8]  }
0x31: {  	[smem:$0x3FB1] =	sst s10  }
0x32: {  	s10 =	sld [smem:$0x3FAF];
	_ =	sdelay $0x3  }
0x33: {  	p0 =	seq.s32 s10, $0x1;
	s10 =	sld [smem:$0x3FB1];
	_ =	sdelay $0x3  }
0x34: {  	[smem:$0x3FB1] =	sst s10  }
0x35: {  	s10 =	sld [smem:$0x3FB0];
	_ =	sdelay $0x3  }
0x36: {  	p1 =	seq.s32 s10, $0x1;
	s10 =	sld [smem:$0x3FB1];
	_ =	sdelay $0x3  }
0x37: {  	[smem:$0x3FB1] =	sst s10  }
0x38: {  	s10 =	sld [smem:$0x3FB2]  }
0x39: {  	_ = 	snop;
	(pc) =	sbr.ind lr, $3  }
0x3a: {  	_ = 	snop  }
0x3b: {  	_ = 	snop  }
0x3c: {  	p2 =	seq.s32 s10, $0x1;
	s10 =	sld [smem:$0x3FB1]  }
0x3d: {  	_ =	shalt  }
0x3e: {  	_ =	shalt  }
0x3f: {  	_ =	shalt  }
0x40: {  	_ =	shalt  }
0x41: {  	_ =	shalt  }
0x42: {  	_ =	shalt  }
0x43: {  	_ =	shalt  }
0x44: {  	_ =	shalt  }
0x45: {  	_ =	shalt  }
0x46: {  	_ =	shalt  }
0x47: {  	_ =	shalt  }
0x48: {  	_ =	shalt  }
0x49: {  	_ =	shalt  }
0x4a: {  	_ =	shalt  }
0x4b: {  	_ =	shalt  }
0x4c: {  	_ =	shalt  }
0x4d: {  	_ =	shalt  }
0x4e: {  	_ =	shalt  }
0x4f: {  	_ =	shalt  }
0x50: {  	_ =	shalt  }
0x51: {  	_ =	shalt  }
0x52: {  	_ =	shalt  }
0x53: {  	_ =	shalt  }
0x54: {  	_ =	shalt  }
0x55: {  	_ =	shalt  }
0x56: {  	_ =	shalt  }
0x57: {  	_ =	shalt  }
0x58: {  	_ =	shalt  }
0x59: {  	_ =	shalt  }
0x5a: {  	_ =	shalt  }
0x5b: {  	_ =	shalt  }
0x5c: {  	_ =	shalt  }
0x5d: {  	_ =	shalt  }
0x5e: {  	_ =	shalt  }
0x5f: {  	_ =	shalt  }
0x60: {  	_ =	shalt  }
0x61: {  	_ =	shalt  }
0x62: {  	_ =	shalt  }
0x63: {  	_ =	shalt  }
0x64: {  	_ =	shalt  }
0x65: {  	_ =	shalt  }
0x66: {  	_ =	shalt  }
0x67: {  	_ =	shalt  }
0x68: {  	_ =	shalt  }
0x69: {  	_ =	shalt  }
0x6a: {  	_ =	shalt  }
0x6b: {  	_ =	shalt  }
0x6c: {  	_ =	shalt  }
0x6d: {  	_ =	shalt  }
0x6e: {  	_ =	shalt  }
0x6f: {  	_ =	shalt  }
0x70: {  	_ =	shalt  }
0x71: {  	_ =	shalt  }
0x72: {  	_ =	shalt  }
0x73: {  	_ =	shalt  }
0x74: {  	_ =	shalt  }
0x75: {  	_ =	shalt  }
0x76: {  	_ =	shalt  }
0x77: {  	_ =	shalt  }
0x78: {  	_ =	shalt  }
0x79: {  	_ =	shalt  }
0x7a: {  	_ =	shalt  }
0x7b: {  	_ =	shalt  }
0x7c: {  	_ =	shalt  }
0x7d: {  	_ =	shalt  }
0x7e: {  	_ =	shalt  }
0x7f: {  	_ =	shalt  }
0x80: {  	_ =	shalt  }
0x81: {  	_ =	shalt  }
0x82: {  	_ =	shalt  }
0x83: {  	_ =	shalt  }
0x84: {  	_ =	shalt  }
0x85: {  	_ =	shalt  }
0x86: {  	_ =	shalt  }
0x87: {  	_ =	shalt  }
.Lfunc_end0:
.L_simem_size_0:
called_computation_lowered:
.L_overlay_start_0:
0x88: {  	s2 =	sld [smem:$0x3FD9]  }
0x89: {  	s3 =	sld [smem:$0x3FFE];
	_ =	sdelay $0x1  }
0x8a: {  	s1 =	srdreg.scid  }
0x8b: {  	s0 =	sand.u32 $0x1, s1  }
0x8c: {  	s16 =	sshll.u32 s0, $0xA;
	s2 =	sadd.s32 s3, s2  }
0x8d: {  	s2 =	sadd.s32 s2, s16  }
0x8e: {  	[smem:$0x3FBD] =	sst s2  }
0x8f: {  	_ = 	snop  }
0x90: {  	(tm) =	ssettm $0x1  }
0x91: {  	s17 =	sld [smem:$0x3FFB];
	_ =	sdelay $0x3  }
0x92: {  	_ =	strace s17  }
0x93: {  	s2 =	sld [smem:$0x3FFC];
	_ =	sdelay $0x3  }
0x94: {  	_ =	strace s2  }
0x95: {  	s2 =	sld [smem:$0x3FFD];
	_ =	sdelay $0x3  }
0x96: {  	_ =	strace s2  }
0x97: {  	_ =	strace $0x8FFFFFFF  }
0x98: {  	s18 =	sld [smem:$0x3FDB];
	_ =	sdelay $0x1  }
0x99: {  	s19 =	simm.s32 $_scs_section_size  }
0x9a: {  	s4 =	simm.s32 $_size__tile_overlayer_lowered;
	s5 =	simm.s32 $_tile_overlayer_lowered  }
0x9b: {  	s22 =	simm.s32 $0x1BFF;
	s21 =	sshll.u32 s5, $0x1;
	s2 =	sadd.s32 s19, s18  }
0x9c: {  	s6 =	simm.s32 $0x0;
	s20 =	sshll.u32 s4, $0x1;
	s4 =	sadd.s32 s21, s2  }
0x9d: {  	[timem:s6], [sflag:s22] =	dma.local [hbm:s4], s20  }
0x9e: {  	_ =	swait.ge [sflag:s22], s20  }
0x9f: {  	s3 =	ssub.s32 $0x0, s20;
	[sflag:s22] =	ssyncset.done $0x0  }
0xa0: {  	[sflag:s22] =	ssyncadd.s32 s3;
	_ =	sdelay $0x1  }
0xa1: {  	s23 =	simm.s32 $0x1B8B  }
0xa2: {  	_ =	swait.ge [sflag:s23], $0x1  }
0xa3: {  	[sflag:s23] =	ssyncset.done $0x0  }
0xa4: {  	s25 =	simm.s32 $0x1B8E;
	s24 =	sld [smem:$0x3FFE];
	[sflag:s23] =	ssyncadd.s32 $0xFFFFFFFF  }
0xa5: {  	s26 =	simm.s32 $execute0_lowered;
	[smem:$0x3FD2] =	sst s25  }
0xa6: {  	s4 =	sshll.u32 s26, $0x1;
	_ =	strace $0x80000046;
	[dreg:$0x1] =	wrdreg $0xFFFFFFFF  }
0xa7: {  	s28 =	simm.s32 $_size_execute0_lowered;
	s2 =	sadd.s32 s2, s4;
	[dreg:$0x0] =	wrdreg $0x0  }
0xa8: {  	s4 =	sshll.u32 s28, $0x1;
	[dreg:$0x2] =	wrdreg s2  }
0xa9: {  	[dreg:$0x3] =	wrdreg s4  }
0xaa: {  	[dreg:$0x4] =	wrdreg $0xC0  }
0xab: {  	_ =	task [dreg:s6], $0x5FFFF  }
0xac: {  	[dreg:$0x1] =	wrdreg $0xFFFFFFFF  }
0xad: {  	[dreg:$0x0] =	wrdreg $0x60  }
0xae: {  	[dreg:$0x2] =	wrdreg s24  }
0xaf: {  	[dreg:$0x3] =	wrdreg $0xA8000  }
0xb0: {  	[dreg:$0x4] =	wrdreg $0x9  }
0xb1: {  	_ =	task.clear_ibuf [dreg:s6], $0x5FFFF;
	_ =	strace $0x90000046  }
0xb2: {  	s29 =	simm.s32 $0x9;
	_ =	strace $0x80000048  }
0xb3: {  	_ =	swait.ge [sflag:s29], $0x1  }
0xb4: {  	[sflag:s29] =	ssyncadd.s32 $0xFFFFFFFF  }
0xb5: {  	_ =	strace $0x90000048  }
0xb6: {  	_ =	sfence  }
0xb7: {  	s30 =	sld [smem:$0x0];
	_ =	sdelay $0x2  }
0xb8: {  	s31 =	sshll.u32 s1, $0xD;
	s1 =	sshrl.u32 s1, $0x2  }
0xb9: {  	s3 =	sand.u32 $0x4000, s31;
	s1 =	sadd.s32 s1, s30  }
0xba: {  	s0 =	sor.u32 s3, s0;
	s1 =	sshll.u32 s1, $0x11  }
0xbb: {  	s0 =	sor.u32 s1, s0  }
0xbc: {  	s0 =	sadd.s32 $0x8F2B, s0  }
0xbd: {  	[sflag:s0] =	ssyncadd.remote.s32 $0x1  }
0xbe: {  	_ =	sfence.sel $0xFFFF  }
0xbf: {  	[dreg:$0x0] =	wrdreg $0xFFFFFFFF;
	(pc) =	sbr.abs _section_cstart, $3  }
0xc0: {  	[dreg:$0x1] =	wrdreg $0xFFFFFFFF  }
0xc1: {  	_ =	task.clear_ibuf [dreg:s6], $0x2FFFF;
	_ =	strace $0x9FFFFFFF  }
0xc2: {  	(tm) =	ssettm $0x7FFFFFFF  }
0xc3: {  	_ =	shalt  }
tec
execute0_lowered:
.L_overlay_start_1:
0x0: {  	(tag) =	ssettag $0x1  }
0x1: {  	s6 =	rddreg [dreg:$0x0]  }
0x2: {  	s0 =	srdreg.scid;
	s2 =	rddreg [dreg:$0x1]  }
0x3: {  	s1 =	stileid.u32;
	s3 =	simm.s32 $0x0;
	s21 =	simm.s32 $0x80  }
0x4: {  	s22 =	simm.s32 $0x0;
	s8 =	sand.u32 $0x1, s0;
	s0 =	rddreg [dreg:$0x2]  }
0x5: {  	[smem:$0x7FF] =	sst s3;
	s9 =	smul.u32 $0x4F000, s1;
	s5 =	sadd.s32 $0xD400, s6  }
0x6: {  	s16 =	sadd.s32 $0xE400, s6;
	s11 =	smul.u32 $0x13C00, s1;
	s4 =	sshll.u32 s8, $0x4  }
0x7: {  	_ =	strace $0x80000047;
	s31 =	ssub.s32 $0x2, s8;
	s15 =	smul.u32 $0x13C000, s8  }
0x8: {  	s4 =	sor.u32 s1, s4;
	s10 =	sshrl.u32 s31, $0x1;
	s9 =	sshrl.u32 s9, $0x2  }
0x9: {  	s12 =	sadd.s32 $0x4000, s11;
	s14 =	sadd.s32 $0x8000, s11;
	s18 =	sadd.s32 $0xC000, s11  }
0xa: {  	s19 =	sadd.s32 $0x10000, s11;
	s4 =	smul.u32 $0x500, s4;
	s17 =	ssub.s32 s31, s10  }
0xb: {  	s8 =	sadd.s32 s12, s2;
	s10 =	sadd.s32 s18, s2;
	s13 =	sadd.s32 s11, s15  }
0xc: {  	s12 =	sadd.s32 s15, s12;
	s11 =	sadd.s32 s19, s2;
	s18 =	sadd.s32 s15, s18  }
0xd: {  	s13 =	sshrl.u32 s13, $0x3;
	s20 =	sshrl.u32 s12, $0x3;
	s18 =	sshrl.u32 s18, $0x3  }
0xe: {  	s17 =	smax.u32 s17, $0x1;
	s7 =	sadd.s32 s4, s6;
	s4 =	sadd.s32 $0xDC00, s6  }
0xf: {  	s12 =	sadd.s32 s16, s13;
	s13 =	sadd.s32 s16, s20;
	s6 =	sadd.s32 $0x3400, s7  }
0x10: {  	s7 =	sadd.s32 s9, s2;
	s9 =	sadd.s32 s14, s2;
	s14 =	sadd.s32 s15, s14  }
0x11: {  	s20 =	simm.s32 $0x6800;
	s15 =	sadd.s32 s15, s19;
	s14 =	sshrl.u32 s14, $0x3  }
0x12: {  	s19 =	sshrl.u32 s15, $0x3;
	s15 =	sadd.s32 s16, s18;
	s18 =	simm.s32 $0x1  }
0x13: {  	s14 =	sadd.s32 s16, s14;
	s16 =	sadd.s32 s16, s19;
	s19 =	simm.s32 $0x2800  }
.LBB2_1:
0x14: {  	[tilespmem:s3], [sflag:$0x1] =	stream.linear.gather [hbm4b:s6+s3], $0x2800, $0x38;
	[tilespmem:$0x1E400] =	vst v63  }
0x15: {  	_ =	swait.ge [sflag:s18], $0x2800  }
0x16: {  	[sflag:s18] =	ssyncset.done $0x0  }
0x17: {  	[sflag:s18] =	ssyncadd.s32 $0xFFFFD800  }
0x18: {  	[tilespmem:s19], [sflag:$0x1] =	stream.linear.gather [hbm4b:s4+s3], $0x4000, $0x38;
	[tilespmem:$0x1E400] =	vst v63  }
0x19: {  	_ =	swait.ge [sflag:s18], $0x4000  }
0x1a: {  	[sflag:s18] =	ssyncset.done $0x0  }
0x1b: {  	[sflag:s18] =	ssyncadd.s32 $0xFFFFC000  }
0x1c: {  	[tilespmem:s20], [sflag:$0x1] =	stream.linear.gather [hbm4b:s5+s3], $0x4000, $0x38;
	[tilespmem:$0x1E400] =	vst v63  }
0x1d: {  	_ =	swait.ge [sflag:s18], $0x4000  }
0x1e: {  	[sflag:s18] =	ssyncset.done $0x0  }
0x1f: {  	[sflag:s18] =	ssyncadd.s32 $0xFFFFC000  }
0x20: {  	[spmem:s7] =	stream.linear.scatter [tilespmem:s20], [sflag:$0x1], $0x4000, $0x38;
	[tilespmem:$0x1E400] =	vst v63  }
0x21: {  	_ =	swait.ge [sflag:s18], $0x4000  }
0x22: {  	[sflag:s18] =	ssyncset.done $0x0  }
0x23: {  	[sflag:s18] =	ssyncadd.s32 $0xFFFFC000  }
0x24: {  	[spmem:s8] =	stream.linear.scatter [tilespmem:s20], [sflag:$0x1], $0x4000, $0x38;
	[tilespmem:$0x1E400] =	vst v63  }
0x25: {  	_ =	swait.ge [sflag:s18], $0x4000  }
0x26: {  	[sflag:s18] =	ssyncset.done $0x0  }
0x27: {  	[sflag:s18] =	ssyncadd.s32 $0xFFFFC000  }
0x28: {  	[spmem:s9] =	stream.linear.scatter [tilespmem:s20], [sflag:$0x1], $0x4000, $0x38;
	[tilespmem:$0x1E400] =	vst v63  }
0x29: {  	_ =	swait.ge [sflag:s18], $0x4000  }
0x2a: {  	[sflag:s18] =	ssyncset.done $0x0  }
0x2b: {  	[sflag:s18] =	ssyncadd.s32 $0xFFFFC000  }
0x2c: {  	[spmem:s10] =	stream.linear.scatter [tilespmem:s20], [sflag:$0x1], $0x4000, $0x38;
	[tilespmem:$0x1E400] =	vst v63  }
0x2d: {  	_ =	swait.ge [sflag:s18], $0x4000  }
0x2e: {  	[sflag:s18] =	ssyncset.done $0x0  }
0x2f: {  	[sflag:s18] =	ssyncadd.s32 $0xFFFFC000  }
0x30: {  	[spmem:s11] =	stream.linear.scatter [tilespmem:s20], [sflag:$0x1], $0x3C00, $0x38;
	[tilespmem:$0x1E400] =	vst v63  }
0x31: {  	_ =	swait.ge [sflag:s18], $0x3C00  }
0x32: {  	[sflag:s18] =	ssyncset.done $0x0  }
0x33: {  	[sflag:s18] =	ssyncadd.s32 $0xFFFFC400  }
0x34: {  	s23 =	simm.s32 $0x0;
	[bflag:$0x0] =	sbarrier.arrive $0xFFFF  }
0x35: {  	[spmem:s2] =	stream.indirect.scatter.add.f32 [tilespmem:s19], [sflag:$0x1], $0x80, s23, s21, $0xb8;
	[tilespmem:$0x1E400] =	vst v63  }
0x36: {  	_ =	swait.ge [sflag:s18], $0x4000  }
0x37: {  	s23 =	simm.s32 $0x200;
	[sflag:s18] =	ssyncset.done $0x0  }
.LBB2_2:
0x38: {  	s24 =	sshra.s32 s23, $0x2;
	[sflag:s18] =	ssyncadd.s32 $0xFFFFC000;
	p0 =	sne.s32 s23, $0x9E00  }
0x39: {  	[spmem:s2] =	stream.indirect.scatter.add.f32 [tilespmem:s19], [sflag:$0x1], $0x80, s24, s21, $0xb8;
	[tilespmem:$0x1E400] =	vst v63  }
.Ltmp0:
0x3a: {  	_ = 	snop;
	(pc) =	sbr.rel @p0 .LBB2_2-.Ltmp0, $4  }
0x3b: {  	_ = 	snop  }
0x3c: {  	s23 =	sadd.s32 $0x200, s23  }
0x3d: {  	_ =	swait.ge [sflag:s18], $0x4000  }
0x3e: {  	[sflag:s18] =	ssyncset.done $0x0  }
0x3f: {  	[sflag:s18] =	ssyncadd.s32 $0xFFFFC000  }
0x40: {  	[bflag:$0x0] =	sbarrier.arrive $0xFFFF  }
0x41: {  	[tilespmem:s20], [sflag:$0x1] =	stream.linear.gather [spmem:s7], $0x4000, $0x38;
	[tilespmem:$0x1E400] =	vst v63  }
0x42: {  	_ =	swait.ge [sflag:s18], $0x4000  }
0x43: {  	[sflag:s18] =	ssyncset.done $0x0  }
0x44: {  	[sflag:s18] =	ssyncadd.s32 $0xFFFFC000  }
0x45: {  	[hbm4b:s12+s3] =	stream.linear.scatter [tilespmem:s20], [sflag:$0x1], $0x4000, $0x38;
	[tilespmem:$0x1E400] =	vst v63  }
0x46: {  	_ =	swait.ge [sflag:s18], $0x4000  }
0x47: {  	[sflag:s18] =	ssyncset.done $0x0  }
0x48: {  	[sflag:s18] =	ssyncadd.s32 $0xFFFFC000  }
0x49: {  	[tilespmem:s20], [sflag:$0x1] =	stream.linear.gather [spmem:s8], $0x4000, $0x38;
	[tilespmem:$0x1E400] =	vst v63  }
0x4a: {  	_ =	swait.ge [sflag:s18], $0x4000  }
0x4b: {  	[sflag:s18] =	ssyncset.done $0x0  }
0x4c: {  	[sflag:s18] =	ssyncadd.s32 $0xFFFFC000  }
0x4d: {  	[hbm4b:s13+s3] =	stream.linear.scatter [tilespmem:s20], [sflag:$0x1], $0x4000, $0x38;
	[tilespmem:$0x1E400] =	vst v63  }
0x4e: {  	_ =	swait.ge [sflag:s18], $0x4000  }
0x4f: {  	[sflag:s18] =	ssyncset.done $0x0  }
0x50: {  	[sflag:s18] =	ssyncadd.s32 $0xFFFFC000  }
0x51: {  	[tilespmem:s20], [sflag:$0x1] =	stream.linear.gather [spmem:s9], $0x4000, $0x38;
	[tilespmem:$0x1E400] =	vst v63  }
0x52: {  	_ =	swait.ge [sflag:s18], $0x4000  }
0x53: {  	[sflag:s18] =	ssyncset.done $0x0  }
0x54: {  	[sflag:s18] =	ssyncadd.s32 $0xFFFFC000  }
0x55: {  	[hbm4b:s14+s3] =	stream.linear.scatter [tilespmem:s20], [sflag:$0x1], $0x4000, $0x38;
	[tilespmem:$0x1E400] =	vst v63  }
0x56: {  	_ =	swait.ge [sflag:s18], $0x4000  }
0x57: {  	[sflag:s18] =	ssyncset.done $0x0  }
0x58: {  	[sflag:s18] =	ssyncadd.s32 $0xFFFFC000  }
0x59: {  	[tilespmem:s20], [sflag:$0x1] =	stream.linear.gather [spmem:s10], $0x4000, $0x38;
	[tilespmem:$0x1E400] =	vst v63  }
0x5a: {  	_ =	swait.ge [sflag:s18], $0x4000  }
0x5b: {  	[sflag:s18] =	ssyncset.done $0x0  }
0x5c: {  	[sflag:s18] =	ssyncadd.s32 $0xFFFFC000  }
0x5d: {  	[hbm4b:s15+s3] =	stream.linear.scatter [tilespmem:s20], [sflag:$0x1], $0x4000, $0x38;
	[tilespmem:$0x1E400] =	vst v63  }
0x5e: {  	_ =	swait.ge [sflag:s18], $0x4000  }
0x5f: {  	[sflag:s18] =	ssyncset.done $0x0  }
0x60: {  	[sflag:s18] =	ssyncadd.s32 $0xFFFFC000  }
0x61: {  	[tilespmem:s20], [sflag:$0x1] =	stream.linear.gather [spmem:s11], $0x3C00, $0x38;
	[tilespmem:$0x1E400] =	vst v63  }
0x62: {  	s22 =	sadd.s32 $0x1, s22;
	_ =	swait.ge [sflag:s18], $0x3C00  }
0x63: {  	p0 =	sne.s32 s22, s17;
	[sflag:s18] =	ssyncset.done $0x0  }
.Ltmp1:
0x64: {  	[sflag:s18] =	ssyncadd.s32 $0xFFFFC400;
	(pc) =	sbr.rel @p0 .LBB2_1-.Ltmp1, $4  }
0x65: {  	[hbm4b:s16+s3] =	stream.linear.scatter [tilespmem:s20], [sflag:$0x1], $0x3C00, $0x38;
	[tilespmem:$0x1E400] =	vst v63  }
0x66: {  	_ =	swait.ge [sflag:s18], $0x3C00  }
0x67: {  	[sflag:s18] =	ssyncset.done $0x0  }
0x68: {  	[sflag:s18] =	ssyncadd.s32 $0xFFFFC400  }
0x69: {  	_ =	sfence.sel $0x180000  }
0x6a: {  	[bflag:$0x0] =	sbarrier.arrive $0xFFFF  }
0x6b: {  	p0 =	sne.s32 s1, $0x0;
	_ =	strace $0x90000047  }
0x6c: {  	s0 =	sadd.s32 @!p0 $0x100000, s0;
	[bflag:$0x2] =	sbarrier.arrive $0xFFFF  }
0x6d: {  	[sflag:s0] =	ssyncadd.tile.s32 @!p0 $0x1;
	_ =	shalt  }
.Lfunc_end2:
_tile_overlayer_lowered:
.L_overlay_start_2:
0x6e: {  	(tag) =	ssettag $0x2  }
0x6f: {  	s0 =	rddreg [dreg:$0x0];
	s2 =	stileid.u32  }
0x70: {  	s1 =	rddreg [dreg:$0x1];
	p0 =	sne.s32 s2, $0x0  }
0x71: {  	s3 =	rddreg [dreg:$0x2];
	[bflag:$0x3] =	sbarrier.arrive $0xFFFF;
	s2 =	simm.s32 @!p0 $0x1C01  }
0x72: {  	[timem:s3], [sflag:s2] =	dma.local @!p0 [hbm:s0], s1  }
0x73: {  	s0 =	simm.s32 @!p0 $0x1  }
0x74: {  	_ =	swait.ge @!p0 [sflag:s0], s1  }
0x75: {  	s1 =	ssub.s32 @!p0 $0x0, s1;
	[sflag:s0] =	ssyncset.done @!p0 $0x0  }
0x76: {  	[sflag:s0] =	ssyncadd.s32 @!p0 s1  }
0x77: {  	[bflag:$0x3] =	sbarrier.arrive $0xFFFF  }
0x78: {  	_ =	shalt  }

// kernel: kernel.13.cloned.1.call-start
scs
__scs_entry_jumppad:
0x0: {  	(pc) =	sbr.rel $0x88, $3  }
0x1: {  	(tag) =	ssettag $0x0;
	lr =	simm.s32 $0x1  }
0x2: {  	[smem:$0x3F96] =	sst lr;
	_ =	strace $0xD0000000  }
0x3: {  	_ = 	snop  }
0x4: {  	_ = 	snop  }
0x5: {  	_ = 	snop  }
0x6: {  	_ = 	snop  }
0x7: {  	_ = 	snop  }
__scs_overlays_trampoline_lowered:
0x8: {  	[smem:$0x3FA5] =	sst s0  }
0x9: {  	[smem:$0x3FA6] =	sst s1  }
0xa: {  	[smem:$0x3FA7] =	sst s2  }
0xb: {  	[smem:$0x3FA8] =	sst s3  }
0xc: {  	[smem:$0x3FA9] =	sst s4  }
0xd: {  	[smem:$0x3FAA] =	sst s5  }
0xe: {  	[smem:$0x3FAB] =	sst s6  }
0xf: {  	[smem:$0x3FAC] =	sst s7  }
0x10: {  	[smem:$0x3FAD] =	sst s8  }
0x11: {  	[smem:$0x3FAE] =	sst s9;
	s0 =	simm.s32 @!p0 $0x0  }
0x12: {  	s1 =	sld [smem:$0x3F94];
	s0 =	simm.s32 @p0 $0x1  }
0x13: {  	[smem:$0x3FAF] =	sst s0;
	s0 =	simm.s32 @!p1 $0x0  }
0x14: {  	s2 =	sld [smem:$0x3F93];
	s0 =	simm.s32 @p1 $0x1  }
0x15: {  	[smem:$0x3FB0] =	sst s0;
	s0 =	simm.s32 @!p2 $0x0  }
0x16: {  	s3 =	sld [smem:$0x3FDB];
	s0 =	simm.s32 @p2 $0x1  }
0x17: {  	s4 =	simm.s32 $0x1BF5;
	[smem:$0x3FB2] =	sst s0  }
0x18: {  	s0 =	sld [smem:$0x3F95];
	_ =	swait.ge [sflag:s4], $0x0  }
0x19: {  	s7 =	sld [smem:$0x3F96]  }
0x1a: {  	s8 =	sadd.s32 $0xFFFFE003, lr  }
0x1b: {  	s9 =	sadd.s32 $0xFFFFFEF7, lr;
	s5 =	simm.s32 $0xFFFFFFFF;
	p2 =	slt.u32 s8, $0xFFFFF086  }
0x1c: {  	p1 =	slt.u32 s9, $0xF7A;
	s5 =	simm.s32 @!p2 $0x0  }
0x1d: {  	s5 =	simm.s32 @p1 $0x1;
	p0 =	seq.s32 s7, s2  }
0x1e: {  	s7 =	smul.u32 @!p0 $0xF7A, s2;
	p2 =	seq.s32 @!p0 s5, $0x0  }
0x1f: {  	s9 =	smul.u32 $0xF7A, s1;
	s8 =	simm.s32 @!p0 $0x1BF5;
	p2 =	por !p2, p0  }
0x20: {  	[sflag:s8] =	ssyncset.s32 @!p0 $0xFFFFF086;
	s6 =	sadd.s32 @!p0 s3, s7;
	s7 =	simm.s32 @!p0 $0x108  }
0x21: {  	s3 =	sadd.s32 s3, s9;
	s6 =	sadd.s32 @!p0 $0x88, s6;
	s7 =	simm.s32 @p2 $0x1082  }
0x22: {  	[simem:s7], [sflag:s8] =	dma.local @!p0 [hbm:s6], $0xF7A  }
0x23: {  	s9 =	sor.u32 $0xD0000000, s2;
	s6 =	simm.s32 $0x108;
	_ =	swait.ge @!p0 [sflag:s8], $0x0  }
0x24: {  	s3 =	sadd.s32 $0x88, s3;
	s6 =	simm.s32 @!p1 $0x1082;
	[sflag:s4] =	ssyncset.s32 $0xFFFFF086  }
0x25: {  	[simem:s6], [sflag:s4] =	dma.local [hbm:s3], $0xF7A  }
0x26: {  	[smem:$0x3F96] =	sst s1;
	(tag) =	ssettag s2;
	_ =	strace s9  }
0x27: {  	s1 =	sld [smem:$0x3FA6]  }
0x28: {  	s2 =	sld [smem:$0x3FA7]  }
0x29: {  	s4 =	sld [smem:$0x3FA9]  }
0x2a: {  	p0 =	seq.s32 s5, $0x0;
	s5 =	sld [smem:$0x3FAA]  }
0x2b: {  	s6 =	sld [smem:$0x3FAB]  }
0x2c: {  	s7 =	sld [smem:$0x3FAC]  }
0x2d: {  	s3 =	simm.s32 $0x108;
	s8 =	sld [smem:$0x3FAD]  }
0x2e: {  	s3 =	simm.s32 @!p0 $0x1082;
	s9 =	sld [smem:$0x3FAE]  }
0x2f: {  	lr =	sadd.s32 s0, s3;
	s0 =	sld [smem:$0x3FA5]  }
0x30: {  	s3 =	sld [smem:$0x3FA8]  }
0x31: {  	[smem:$0x3FB1] =	sst s10  }
0x32: {  	s10 =	sld [smem:$0x3FAF];
	_ =	sdelay $0x3  }
0x33: {  	p0 =	seq.s32 s10, $0x1;
	s10 =	sld [smem:$0x3FB1];
	_ =	sdelay $0x3  }
0x34: {  	[smem:$0x3FB1] =	sst s10  }
0x35: {  	s10 =	sld [smem:$0x3FB0];
	_ =	sdelay $0x3  }
0x36: {  	p1 =	seq.s32 s10, $0x1;
	s10 =	sld [smem:$0x3FB1];
	_ =	sdelay $0x3  }
0x37: {  	[smem:$0x3FB1] =	sst s10  }
0x38: {  	s10 =	sld [smem:$0x3FB2]  }
0x39: {  	_ = 	snop;
	(pc) =	sbr.ind lr, $3  }
0x3a: {  	_ = 	snop  }
0x3b: {  	_ = 	snop  }
0x3c: {  	p2 =	seq.s32 s10, $0x1;
	s10 =	sld [smem:$0x3FB1]  }
0x3d: {  	_ =	shalt  }
0x3e: {  	_ =	shalt  }
0x3f: {  	_ =	shalt  }
0x40: {  	_ =	shalt  }
0x41: {  	_ =	shalt  }
0x42: {  	_ =	shalt  }
0x43: {  	_ =	shalt  }
0x44: {  	_ =	shalt  }
0x45: {  	_ =	shalt  }
0x46: {  	_ =	shalt  }
0x47: {  	_ =	shalt  }
0x48: {  	_ =	shalt  }
0x49: {  	_ =	shalt  }
0x4a: {  	_ =	shalt  }
0x4b: {  	_ =	shalt  }
0x4c: {  	_ =	shalt  }
0x4d: {  	_ =	shalt  }
0x4e: {  	_ =	shalt  }
0x4f: {  	_ =	shalt  }
0x50: {  	_ =	shalt  }
0x51: {  	_ =	shalt  }
0x52: {  	_ =	shalt  }
0x53: {  	_ =	shalt  }
0x54: {  	_ =	shalt  }
0x55: {  	_ =	shalt  }
0x56: {  	_ =	shalt  }
0x57: {  	_ =	shalt  }
0x58: {  	_ =	shalt  }
0x59: {  	_ =	shalt  }
0x5a: {  	_ =	shalt  }
0x5b: {  	_ =	shalt  }
0x5c: {  	_ =	shalt  }
0x5d: {  	_ =	shalt  }
0x5e: {  	_ =	shalt  }
0x5f: {  	_ =	shalt  }
0x60: {  	_ =	shalt  }
0x61: {  	_ =	shalt  }
0x62: {  	_ =	shalt  }
0x63: {  	_ =	shalt  }
0x64: {  	_ =	shalt  }
0x65: {  	_ =	shalt  }
0x66: {  	_ =	shalt  }
0x67: {  	_ =	shalt  }
0x68: {  	_ =	shalt  }
0x69: {  	_ =	shalt  }
0x6a: {  	_ =	shalt  }
0x6b: {  	_ =	shalt  }
0x6c: {  	_ =	shalt  }
0x6d: {  	_ =	shalt  }
0x6e: {  	_ =	shalt  }
0x6f: {  	_ =	shalt  }
0x70: {  	_ =	shalt  }
0x71: {  	_ =	shalt  }
0x72: {  	_ =	shalt  }
0x73: {  	_ =	shalt  }
0x74: {  	_ =	shalt  }
0x75: {  	_ =	shalt  }
0x76: {  	_ =	shalt  }
0x77: {  	_ =	shalt  }
0x78: {  	_ =	shalt  }
0x79: {  	_ =	shalt  }
0x7a: {  	_ =	shalt  }
0x7b: {  	_ =	shalt  }
0x7c: {  	_ =	shalt  }
0x7d: {  	_ =	shalt  }
0x7e: {  	_ =	shalt  }
0x7f: {  	_ =	shalt  }
0x80: {  	_ =	shalt  }
0x81: {  	_ =	shalt  }
0x82: {  	_ =	shalt  }
0x83: {  	_ =	shalt  }
0x84: {  	_ =	shalt  }
0x85: {  	_ =	shalt  }
0x86: {  	_ =	shalt  }
0x87: {  	_ =	shalt  }
.Lfunc_end0:
.L_simem_size_0:
called_computation.1_lowered:
.L_overlay_start_0:
0x88: {  	s2 =	sld [smem:$0x3FD9]  }
0x89: {  	s3 =	sld [smem:$0x3FFE];
	_ =	sdelay $0x1  }
0x8a: {  	s1 =	srdreg.scid  }
0x8b: {  	s0 =	sand.u32 $0x1, s1  }
0x8c: {  	s16 =	sshll.u32 s0, $0xA;
	s2 =	sadd.s32 s3, s2  }
0x8d: {  	s2 =	sadd.s32 s2, s16  }
0x8e: {  	[smem:$0x3FBD] =	sst s2  }
0x8f: {  	_ = 	snop  }
0x90: {  	(tm) =	ssettm $0x1  }
0x91: {  	s17 =	sld [smem:$0x3FFB];
	_ =	sdelay $0x3  }
0x92: {  	_ =	strace s17  }
0x93: {  	s2 =	sld [smem:$0x3FFC];
	_ =	sdelay $0x3  }
0x94: {  	_ =	strace s2  }
0x95: {  	s2 =	sld [smem:$0x3FFD];
	_ =	sdelay $0x3  }
0x96: {  	_ =	strace s2  }
0x97: {  	_ =	strace $0x8FFFFFFF  }
0x98: {  	s18 =	sld [smem:$0x3FDB];
	_ =	sdelay $0x1  }
0x99: {  	s19 =	simm.s32 $_scs_section_size  }
0x9a: {  	s4 =	simm.s32 $_size__tile_overlayer_lowered;
	s5 =	simm.s32 $_tile_overlayer_lowered  }
0x9b: {  	s22 =	simm.s32 $0x1BFF;
	s21 =	sshll.u32 s5, $0x1;
	s2 =	sadd.s32 s19, s18  }
0x9c: {  	s6 =	simm.s32 $0x0;
	s20 =	sshll.u32 s4, $0x1;
	s4 =	sadd.s32 s21, s2  }
0x9d: {  	[timem:s6], [sflag:s22] =	dma.local [hbm:s4], s20  }
0x9e: {  	_ =	swait.ge [sflag:s22], s20  }
0x9f: {  	s3 =	ssub.s32 $0x0, s20;
	[sflag:s22] =	ssyncset.done $0x0  }
0xa0: {  	[sflag:s22] =	ssyncadd.s32 s3;
	_ =	sdelay $0x1  }
0xa1: {  	s23 =	simm.s32 $0x1B8B  }
0xa2: {  	_ =	swait.ge [sflag:s23], $0x1  }
0xa3: {  	[sflag:s23] =	ssyncset.done $0x0  }
0xa4: {  	s25 =	simm.s32 $0x1B8E;
	s24 =	sld [smem:$0x3FFE];
	[sflag:s23] =	ssyncadd.s32 $0xFFFFFFFF  }
0xa5: {  	s26 =	simm.s32 $execute0_lowered;
	[smem:$0x3FD2] =	sst s25  }
0xa6: {  	s4 =	sshll.u32 s26, $0x1;
	_ =	strace $0x80000049;
	[dreg:$0x1] =	wrdreg $0xFFFFFFFF  }
0xa7: {  	s28 =	simm.s32 $_size_execute0_lowered;
	s2 =	sadd.s32 s2, s4;
	[dreg:$0x0] =	wrdreg $0x0  }
0xa8: {  	s4 =	sshll.u32 s28, $0x1;
	[dreg:$0x2] =	wrdreg s2  }
0xa9: {  	[dreg:$0x3] =	wrdreg s4  }
0xaa: {  	[dreg:$0x4] =	wrdreg $0xC0  }
0xab: {  	_ =	task [dreg:s6], $0x5FFFF  }
0xac: {  	[dreg:$0x1] =	wrdreg $0xFFFFFFFF  }
0xad: {  	[dreg:$0x0] =	wrdreg $0x60  }
0xae: {  	[dreg:$0x2] =	wrdreg s24  }
0xaf: {  	[dreg:$0x3] =	wrdreg $0x88000  }
0xb0: {  	[dreg:$0x4] =	wrdreg $0x9  }
0xb1: {  	_ =	task.clear_ibuf [dreg:s6], $0x5FFFF;
	_ =	strace $0x90000049  }
0xb2: {  	s29 =	simm.s32 $0x9;
	_ =	strace $0x8000004B  }
0xb3: {  	_ =	swait.ge [sflag:s29], $0x1  }
0xb4: {  	[sflag:s29] =	ssyncadd.s32 $0xFFFFFFFF  }
0xb5: {  	_ =	strace $0x9000004B  }
0xb6: {  	_ =	sfence  }
0xb7: {  	s30 =	sld [smem:$0x0];
	_ =	sdelay $0x2  }
0xb8: {  	s31 =	sshll.u32 s1, $0xD;
	s1 =	sshrl.u32 s1, $0x2  }
0xb9: {  	s3 =	sand.u32 $0x4000, s31;
	s1 =	sadd.s32 s1, s30  }
0xba: {  	s0 =	sor.u32 s3, s0;
	s1 =	sshll.u32 s1, $0x11  }
0xbb: {  	s0 =	sor.u32 s1, s0  }
0xbc: {  	s0 =	sadd.s32 $0x8F2B, s0  }
0xbd: {  	[sflag:s0] =	ssyncadd.remote.s32 $0x1  }
0xbe: {  	_ =	sfence.sel $0xFFFF  }
0xbf: {  	[dreg:$0x0] =	wrdreg $0xFFFFFFFF;
	(pc) =	sbr.abs _section_cstart, $3  }
0xc0: {  	[dreg:$0x1] =	wrdreg $0xFFFFFFFF  }
0xc1: {  	_ =	task.clear_ibuf [dreg:s6], $0x2FFFF;
	_ =	strace $0x9FFFFFFF  }
0xc2: {  	(tm) =	ssettm $0x7FFFFFFF  }
0xc3: {  	_ =	shalt  }
tec
execute0_lowered:
.L_overlay_start_1:
0x0: {  	(tag) =	ssettag $0x1  }
0x1: {  	s0 =	rddreg [dreg:$0x0]  }
0x2: {  	s1 =	rddreg [dreg:$0x1];
	s3 =	simm.s32 $0x0  }
0x3: {  	s2 =	srdreg.scid;
	s13 =	stileid.u32;
	s28 =	simm.s32 $0x80  }
0x4: {  	s29 =	simm.s32 $0x5800;
	s30 =	simm.s32 $0x1;
	s31 =	simm.s32 $0x2  }
0x5: {  	[smem:$0x7FF] =	sst s3;
	s4 =	sadd.s32 $0x3400, s0;
	s6 =	smul.u32 $0x4F000, s13  }
0x6: {  	s2 =	sand.u32 $0x1, s2;
	s5 =	sadd.s32 $0x5D400, s0;
	s14 =	smul.u32 $0x13C00, s13  }
0x7: {  	s7 =	sadd.s32 $0x2A600, s0;
	s0 =	sadd.s32 $0x7B400, s0;
	s18 =	smul.u32 $0x5, s13  }
0x8: {  	s13 =	sor.u32 $0x50, s13;
	_ =	strace $0x8000004A;
	[dreg:$0x3] =	wrdreg s7  }
0x9: {  	s24 =	ssub.s32 $0x2, s2;
	s21 =	smul.u32 $0x13C000, s2;
	p0 =	seq.s32 s2, $0x0  }
0xa: {  	s8 =	sshrl.u32 s24, $0x1;
	s6 =	sshrl.u32 s6, $0x2;
	s25 =	sadd.s32 $0x3000, s14  }
0xb: {  	s16 =	sadd.s32 $0x6000, s14;
	s17 =	sadd.s32 $0x9000, s14;
	s19 =	sadd.s32 $0xC000, s14  }
0xc: {  	s20 =	sadd.s32 $0xF000, s14;
	s23 =	sadd.s32 $0x12000, s14;
	s13 =	smov.u32 @p0 s18  }
0xd: {  	p0 =	sne.s32 s2, $0x0;
	s2 =	simm.s32 $0x2580;
	s15 =	ssub.s32 s24, s8  }
0xe: {  	s7 =	sadd.s32 s6, s1;
	s8 =	sadd.s32 s25, s1;
	s9 =	sadd.s32 s16, s1  }
0xf: {  	s10 =	sadd.s32 s17, s1;
	s11 =	sadd.s32 s19, s1;
	s12 =	sadd.s32 s20, s1  }
0x10: {  	s22 =	sadd.s32 s14, s21;
	s14 =	sadd.s32 s23, s1;
	s6 =	sadd.s32 s21, s25  }
0x11: {  	s16 =	sadd.s32 s21, s16;
	s17 =	sadd.s32 s21, s17;
	s19 =	sadd.s32 s21, s19  }
0x12: {  	s24 =	sadd.s32 s21, s23;
	s23 =	simm.s32 $0x2800;
	s26 =	sshrl.u32 s22, $0x3  }
0x13: {  	s6 =	sshrl.u32 s6, $0x3;
	s16 =	sshrl.u32 s16, $0x3;
	s17 =	sshrl.u32 s17, $0x3  }
0x14: {  	s22 =	sadd.s32 s21, s20;
	s18 =	sadd.s32 s0, s26;
	s6 =	sadd.s32 s0, s6  }
0x15: {  	s25 =	sshrl.u32 s22, $0x3;
	s26 =	sshrl.u32 s24, $0x3;
	[dreg:$0x4] =	wrdreg s18  }
0x16: {  	s22 =	smax.u32 s15, $0x1;
	s24 =	simm.s32 $0x3;
	[dreg:$0x5] =	wrdreg s6  }
0x17: {  	s6 =	sadd.s32 s0, s16;
	s18 =	sadd.s32 s0, s17;
	s20 =	sadd.s32 s0, s25  }
0x18: {  	s21 =	sadd.s32 s0, s26;
	s25 =	simm.s32 $0x1400;
	[dreg:$0x6] =	wrdreg s6  }
0x19: {  	s26 =	simm.s32 $0x60;
	[dreg:$0x7] =	wrdreg s18;
	s6 =	sshrl.u32 s19, $0x3  }
0x1a: {  	s19 =	sadd.s32 s0, s6;
	s0 =	simm.s32 $0x2500;
	s6 =	simm.s32 $0x0  }
.LBB2_1:
0x1b: {  	s15 =	rddreg [dreg:$0x3]  }
0x1c: {  	[tilespmem:s23], [sflag:$0x3] =	stream.linear.gather [hbm4b:s15+s3], $0x3000, $0x38;
	[tilespmem:$0x1C400] =	vst v63  }
0x1d: {  	_ =	swait.ge [sflag:s24], $0x3000  }
0x1e: {  	[sflag:s24] =	ssyncset.done $0x0  }
0x1f: {  	[sflag:s24] =	ssyncadd.s32 $0xFFFFD000  }
0x20: {  	[spmem:s7] =	stream.linear.scatter [tilespmem:s23], [sflag:$0x3], $0x3000, $0x38;
	[tilespmem:$0x1C400] =	vst v63  }
0x21: {  	_ =	swait.ge [sflag:s24], $0x3000  }
0x22: {  	[sflag:s24] =	ssyncset.done $0x0  }
0x23: {  	[sflag:s24] =	ssyncadd.s32 $0xFFFFD000  }
0x24: {  	[spmem:s8] =	stream.linear.scatter [tilespmem:s23], [sflag:$0x3], $0x3000, $0x38;
	[tilespmem:$0x1C400] =	vst v63  }
0x25: {  	_ =	swait.ge [sflag:s24], $0x3000  }
0x26: {  	[sflag:s24] =	ssyncset.done $0x0  }
0x27: {  	[sflag:s24] =	ssyncadd.s32 $0xFFFFD000  }
0x28: {  	[spmem:s9] =	stream.linear.scatter [tilespmem:s23], [sflag:$0x3], $0x3000, $0x38;
	[tilespmem:$0x1C400] =	vst v63  }
0x29: {  	_ =	swait.ge [sflag:s24], $0x3000  }
0x2a: {  	[sflag:s24] =	ssyncset.done $0x0  }
0x2b: {  	[sflag:s24] =	ssyncadd.s32 $0xFFFFD000  }
0x2c: {  	[spmem:s10] =	stream.linear.scatter [tilespmem:s23], [sflag:$0x3], $0x3000, $0x38;
	[tilespmem:$0x1C400] =	vst v63  }
0x2d: {  	_ =	swait.ge [sflag:s24], $0x3000  }
0x2e: {  	[sflag:s24] =	ssyncset.done $0x0  }
0x2f: {  	[sflag:s24] =	ssyncadd.s32 $0xFFFFD000  }
0x30: {  	[spmem:s11] =	stream.linear.scatter [tilespmem:s23], [sflag:$0x3], $0x3000, $0x38;
	[tilespmem:$0x1C400] =	vst v63  }
0x31: {  	_ =	swait.ge [sflag:s24], $0x3000  }
0x32: {  	[sflag:s24] =	ssyncset.done $0x0  }
0x33: {  	[sflag:s24] =	ssyncadd.s32 $0xFFFFD000  }
0x34: {  	[spmem:s12] =	stream.linear.scatter [tilespmem:s23], [sflag:$0x3], $0x3000, $0x38;
	[tilespmem:$0x1C400] =	vst v63  }
0x35: {  	_ =	swait.ge [sflag:s24], $0x3000  }
0x36: {  	[sflag:s24] =	ssyncset.done $0x0  }
0x37: {  	[sflag:s24] =	ssyncadd.s32 $0xFFFFD000  }
0x38: {  	[spmem:s14] =	stream.linear.scatter [tilespmem:s23], [sflag:$0x3], $0x1C00, $0x38;
	[tilespmem:$0x1C400] =	vst v63  }
0x39: {  	_ =	swait.ge [sflag:s24], $0x1C00  }
0x3a: {  	[sflag:s24] =	ssyncset.done $0x0  }
0x3b: {  	[sflag:s24] =	ssyncadd.s32 $0xFFFFE400  }
0x3c: {  	s15 =	simm.s32 $0x0;
	[bflag:$0x0] =	sbarrier.arrive $0xFFFF  }
.LBB2_2:
0x3d: {  	s16 =	sadd.s32 s13, s15  }
0x3e: {  	s16 =	smul.u32 $0x500, s16;
	_ =	sdelay $0x1  }
0x3f: {  	s16 =	sadd.s32 s5, s16  }
0x40: {  	[tilespmem:s3], [sflag:$0x3] =	stream.linear.gather [hbm4b:s16+s3], $0x1200, $0x38;
	[tilespmem:$0x1C400] =	vst v63  }
0x41: {  	s16 =	sadd.s32 $0x280, s16  }
0x42: {  	[tilespmem:s25], [sflag:$0x3] =	stream.linear.gather [hbm4b:s16+s3], $0x1200, $0x38;
	[tilespmem:$0x1C400] =	vst v63  }
0x43: {  	_ =	swait.ge [sflag:s24], $0x2400  }
0x44: {  	[sflag:s24] =	ssyncset.done $0x0  }
0x45: {  	[sflag:s24] =	ssyncadd.s32 $0xFFFFDC00  }
0x46: {  	[tilespmem:s23], [sflag:$0x1] =	stream.indirect.gather [hbm4b:s4+s26], $0x80, s3, s26, $0xb8;
	[tilespmem:$0x1C400] =	vst v63  }
0x47: {  	_ = 	snop  }
0x48: {  	[tilespmem:s29], [sflag:$0x2] =	stream.indirect.gather [hbm4b:s4+s26], $0x80, s28, s26, $0xb8;
	[tilespmem:$0x1C400] =	vst v63  }
0x49: {  	_ =	swait.ge [sflag:s30], $0x3000  }
0x4a: {  	[sflag:s30] =	ssyncset.done $0x0  }
0x4b: {  	s18 =	simm.s32 $0x1400;
	[sflag:s30] =	ssyncadd.s32 $0xFFFFD000  }
0x4c: {  	[spmem:s1] =	stream.indirect.scatter.add.f32 [tilespmem:s23], [sflag:$0x3], $0x80, s18, s26, $0xb8;
	[tilespmem:$0x1C400] =	vst v63  }
0x4d: {  	_ =	swait.ge [sflag:s24], $0x3000  }
0x4e: {  	[sflag:s24] =	ssyncset.done $0x0  }
0x4f: {  	s17 =	simm.s32 $0x100;
	[sflag:s24] =	ssyncadd.s32 $0xFFFFD000  }
0x50: {  	[tilespmem:s23], [sflag:$0x1] =	stream.indirect.gather [hbm4b:s4+s26], $0x80, s17, s26, $0xb8;
	[tilespmem:$0x1C400] =	vst v63  }
0x51: {  	_ =	swait.ge [sflag:s31], $0x3000  }
0x52: {  	[sflag:s31] =	ssyncset.done $0x0  }
0x53: {  	s18 =	simm.s32 $0x1480;
	[sflag:s31] =	ssyncadd.s32 $0xFFFFD000  }
0x54: {  	[spmem:s1] =	stream.indirect.scatter.add.f32 [tilespmem:s29], [sflag:$0x3], $0x80, s18, s26, $0xb8;
	[tilespmem:$0x1C400] =	vst v63  }
0x55: {  	_ =	swait.ge [sflag:s24], $0x3000  }
0x56: {  	[sflag:s24] =	ssyncset.done $0x0  }
0x57: {  	s16 =	simm.s32 $0xFFFFC000;
	s17 =	simm.s32 $0x180;
	[sflag:s24] =	ssyncadd.s32 $0xFFFFD000  }
.LBB2_3:
0x58: {  	[tilespmem:s29], [sflag:$0x2] =	stream.indirect.gather [hbm4b:s4+s26], $0x80, s17, s26, $0xb8;
	[tilespmem:$0x1C400] =	vst v63  }
0x59: {  	s17 =	smov.u32 s16  }
0x5a: {  	p1 =	sne.s32 s16, $0xFFFFFC00;
	s16 =	sadd.s32 $0x400, s16;
	_ =	swait.ge [sflag:s30], $0x3000  }
0x5b: {  	s17 =	sshra.s32 s17, $0x2;
	[sflag:s30] =	ssyncset.done $0x0  }
0x5c: {  	s18 =	sadd.s32 $0x2500, s17;
	[sflag:s30] =	ssyncadd.s32 $0xFFFFD000  }
0x5d: {  	[spmem:s1] =	stream.indirect.scatter.add.f32 [tilespmem:s23], [sflag:$0x3], $0x80, s18, s26, $0xb8;
	[tilespmem:$0x1C400] =	vst v63  }
0x5e: {  	_ =	swait.ge [sflag:s24], $0x3000  }
0x5f: {  	[sflag:s24] =	ssyncset.done $0x0  }
0x60: {  	s18 =	sadd.s32 $0x1200, s17;
	[sflag:s24] =	ssyncadd.s32 $0xFFFFD000  }
0x61: {  	[tilespmem:s23], [sflag:$0x1] =	stream.indirect.gather [hbm4b:s4+s26], $0x80, s18, s26, $0xb8;
	[tilespmem:$0x1C400] =	vst v63  }
0x62: {  	_ =	swait.ge [sflag:s31], $0x3000  }
0x63: {  	[sflag:s31] =	ssyncset.done $0x0  }
.Ltmp0:
0x64: {  	s18 =	sadd.s32 $0x2580, s17;
	[sflag:s31] =	ssyncadd.s32 $0xFFFFD000;
	(pc) =	sbr.rel @p1 .LBB2_3-.Ltmp0, $4  }
0x65: {  	[spmem:s1] =	stream.indirect.scatter.add.f32 [tilespmem:s29], [sflag:$0x3], $0x80, s18, s26, $0xb8;
	[tilespmem:$0x1C400] =	vst v63  }
0x66: {  	_ =	swait.ge [sflag:s24], $0x3000  }
0x67: {  	[sflag:s24] =	ssyncset.done $0x0  }
0x68: {  	s17 =	sadd.s32 $0x1280, s17;
	[sflag:s24] =	ssyncadd.s32 $0xFFFFD000  }
0x69: {  	[tilespmem:s29], [sflag:$0x2] =	stream.indirect.gather [hbm4b:s4+s26], $0x80, s17, s26, $0xb8;
	[tilespmem:$0x1C400] =	vst v63  }
0x6a: {  	_ =	swait.ge [sflag:s30], $0x3000  }
0x6b: {  	[sflag:s30] =	ssyncset.done $0x0  }
0x6c: {  	[sflag:s30] =	ssyncadd.s32 $0xFFFFD000  }
0x6d: {  	[spmem:s1] =	stream.indirect.scatter.add.f32 [tilespmem:s23], [sflag:$0x3], $0x80, s0, s26, $0xb8;
	[tilespmem:$0x1C400] =	vst v63  }
0x6e: {  	_ =	swait.ge [sflag:s24], $0x3000  }
0x6f: {  	[sflag:s24] =	ssyncset.done $0x0  }
0x70: {  	[sflag:s24] =	ssyncadd.s32 $0xFFFFD000  }
0x71: {  	p1 =	slt.u32 @!p0 s15, $0x4;
	_ =	swait.ge [sflag:s31], $0x3000  }
0x72: {  	p1 =	por p0, !p1;
	[sflag:s31] =	ssyncset.done $0x0  }
.Ltmp1:
0x73: {  	[sflag:s31] =	ssyncadd.s32 $0xFFFFD000;
	(pc) =	sbr.rel @!p1 .LBB2_2-.Ltmp1, $4  }
0x74: {  	[spmem:s1] =	stream.indirect.scatter.add.f32 [tilespmem:s29], [sflag:$0x3], $0x80, s2, s26, $0xb8;
	[tilespmem:$0x1C400] =	vst v63  }
0x75: {  	_ =	swait.ge [sflag:s24], $0x3000  }
0x76: {  	[sflag:s24] =	ssyncset.done $0x0  }
0x77: {  	s15 =	sadd.s32 $0x1, s15;
	[sflag:s24] =	ssyncadd.s32 $0xFFFFD000  }
0x78: {  	[bflag:$0x0] =	sbarrier.arrive $0xFFFF  }
0x79: {  	[tilespmem:s23], [sflag:$0x3] =	stream.linear.gather [spmem:s7], $0x3000, $0x38;
	[tilespmem:$0x1C400] =	vst v63  }
0x7a: {  	_ =	swait.ge [sflag:s24], $0x3000  }
0x7b: {  	[sflag:s24] =	ssyncset.done $0x0  }
0x7c: {  	s15 =	rddreg [dreg:$0x4];
	[sflag:s24] =	ssyncadd.s32 $0xFFFFD000  }
0x7d: {  	[hbm4b:s15+s3] =	stream.linear.scatter [tilespmem:s23], [sflag:$0x3], $0x3000, $0x38;
	[tilespmem:$0x1C400] =	vst v63  }
0x7e: {  	_ =	swait.ge [sflag:s24], $0x3000  }
0x7f: {  	[sflag:s24] =	ssyncset.done $0x0  }
0x80: {  	[sflag:s24] =	ssyncadd.s32 $0xFFFFD000  }
0x81: {  	[tilespmem:s23], [sflag:$0x3] =	stream.linear.gather [spmem:s8], $0x3000, $0x38;
	[tilespmem:$0x1C400] =	vst v63  }
0x82: {  	_ =	swait.ge [sflag:s24], $0x3000  }
0x83: {  	[sflag:s24] =	ssyncset.done $0x0  }
0x84: {  	s16 =	rddreg [dreg:$0x5];
	[sflag:s24] =	ssyncadd.s32 $0xFFFFD000  }
0x85: {  	[hbm4b:s16+s3] =	stream.linear.scatter [tilespmem:s23], [sflag:$0x3], $0x3000, $0x38;
	[tilespmem:$0x1C400] =	vst v63  }
0x86: {  	_ =	swait.ge [sflag:s24], $0x3000  }
0x87: {  	[sflag:s24] =	ssyncset.done $0x0  }
0x88: {  	[sflag:s24] =	ssyncadd.s32 $0xFFFFD000  }
0x89: {  	[tilespmem:s23], [sflag:$0x3] =	stream.linear.gather [spmem:s9], $0x3000, $0x38;
	[tilespmem:$0x1C400] =	vst v63  }
0x8a: {  	_ =	swait.ge [sflag:s24], $0x3000  }
0x8b: {  	[sflag:s24] =	ssyncset.done $0x0  }
0x8c: {  	s17 =	rddreg [dreg:$0x6];
	[sflag:s24] =	ssyncadd.s32 $0xFFFFD000  }
0x8d: {  	[hbm4b:s17+s3] =	stream.linear.scatter [tilespmem:s23], [sflag:$0x3], $0x3000, $0x38;
	[tilespmem:$0x1C400] =	vst v63  }
0x8e: {  	_ =	swait.ge [sflag:s24], $0x3000  }
0x8f: {  	[sflag:s24] =	ssyncset.done $0x0  }
0x90: {  	[sflag:s24] =	ssyncadd.s32 $0xFFFFD000  }
0x91: {  	[tilespmem:s23], [sflag:$0x3] =	stream.linear.gather [spmem:s10], $0x3000, $0x38;
	[tilespmem:$0x1C400] =	vst v63  }
0x92: {  	_ =	swait.ge [sflag:s24], $0x3000  }
0x93: {  	[sflag:s24] =	ssyncset.done $0x0  }
0x94: {  	s18 =	rddreg [dreg:$0x7];
	[sflag:s24] =	ssyncadd.s32 $0xFFFFD000  }
0x95: {  	[hbm4b:s18+s3] =	stream.linear.scatter [tilespmem:s23], [sflag:$0x3], $0x3000, $0x38;
	[tilespmem:$0x1C400] =	vst v63  }
0x96: {  	_ =	swait.ge [sflag:s24], $0x3000  }
0x97: {  	[sflag:s24] =	ssyncset.done $0x0  }
0x98: {  	[sflag:s24] =	ssyncadd.s32 $0xFFFFD000  }
0x99: {  	[tilespmem:s23], [sflag:$0x3] =	stream.linear.gather [spmem:s11], $0x3000, $0x38;
	[tilespmem:$0x1C400] =	vst v63  }
0x9a: {  	_ =	swait.ge [sflag:s24], $0x3000  }
0x9b: {  	[sflag:s24] =	ssyncset.done $0x0  }
0x9c: {  	[sflag:s24] =	ssyncadd.s32 $0xFFFFD000  }
0x9d: {  	[hbm4b:s19+s3] =	stream.linear.scatter [tilespmem:s23], [sflag:$0x3], $0x3000, $0x38;
	[tilespmem:$0x1C400] =	vst v63  }
0x9e: {  	_ =	swait.ge [sflag:s24], $0x3000  }
0x9f: {  	[sflag:s24] =	ssyncset.done $0x0  }
0xa0: {  	[sflag:s24] =	ssyncadd.s32 $0xFFFFD000  }
0xa1: {  	[tilespmem:s23], [sflag:$0x3] =	stream.linear.gather [spmem:s12], $0x3000, $0x38;
	[tilespmem:$0x1C400] =	vst v63  }
0xa2: {  	_ =	swait.ge [sflag:s24], $0x3000  }
0xa3: {  	[sflag:s24] =	ssyncset.done $0x0  }
0xa4: {  	[sflag:s24] =	ssyncadd.s32 $0xFFFFD000  }
0xa5: {  	[hbm4b:s20+s3] =	stream.linear.scatter [tilespmem:s23], [sflag:$0x3], $0x3000, $0x38;
	[tilespmem:$0x1C400] =	vst v63  }
0xa6: {  	_ =	swait.ge [sflag:s24], $0x3000  }
0xa7: {  	[sflag:s24] =	ssyncset.done $0x0  }
0xa8: {  	[sflag:s24] =	ssyncadd.s32 $0xFFFFD000  }
0xa9: {  	[tilespmem:s23], [sflag:$0x3] =	stream.linear.gather [spmem:s14], $0x1C00, $0x38;
	[tilespmem:$0x1C400] =	vst v63  }
0xaa: {  	s6 =	sadd.s32 $0x1, s6;
	_ =	swait.ge [sflag:s24], $0x1C00  }
0xab: {  	p1 =	sne.s32 s6, s22;
	[sflag:s24] =	ssyncset.done $0x0  }
.Ltmp2:
0xac: {  	[sflag:s24] =	ssyncadd.s32 $0xFFFFE400;
	(pc) =	sbr.rel @p1 .LBB2_1-.Ltmp2, $4  }
0xad: {  	[hbm4b:s21+s3] =	stream.linear.scatter [tilespmem:s23], [sflag:$0x3], $0x1C00, $0x38;
	[tilespmem:$0x1C400] =	vst v63  }
0xae: {  	_ =	swait.ge [sflag:s24], $0x1C00  }
0xaf: {  	[sflag:s24] =	ssyncset.done $0x0  }
0xb0: {  	[sflag:s24] =	ssyncadd.s32 $0xFFFFE400  }
0xb1: {  	_ =	sfence.sel $0x180000  }
0xb2: {  	[bflag:$0x0] =	sbarrier.arrive $0xFFFF  }
0xb3: {  	_ =	strace $0x9000004A  }
0xb4: {  	s0 =	stileid.u32;
	[bflag:$0x2] =	sbarrier.arrive $0xFFFF  }
0xb5: {  	p0 =	sne.s32 s0, $0x0;
	s0 =	rddreg [dreg:$0x2]  }
0xb6: {  	s0 =	sadd.s32 @!p0 $0x100000, s0  }
0xb7: {  	[sflag:s0] =	ssyncadd.tile.s32 @!p0 $0x1;
	_ =	shalt  }
.Lfunc_end2:
_tile_overlayer_lowered:
.L_overlay_start_2:
0xb8: {  	(tag) =	ssettag $0x2  }
0xb9: {  	s0 =	rddreg [dreg:$0x0];
	s2 =	stileid.u32  }
0xba: {  	s1 =	rddreg [dreg:$0x1];
	p0 =	sne.s32 s2, $0x0  }
0xbb: {  	s3 =	rddreg [dreg:$0x2];
	[bflag:$0x3] =	sbarrier.arrive $0xFFFF;
	s2 =	simm.s32 @!p0 $0x1C03  }
0xbc: {  	[timem:s3], [sflag:s2] =	dma.local @!p0 [hbm:s0], s1  }
0xbd: {  	s0 =	simm.s32 @!p0 $0x3  }
0xbe: {  	_ =	swait.ge @!p0 [sflag:s0], s1  }
0xbf: {  	s1 =	ssub.s32 @!p0 $0x0, s1;
	[sflag:s0] =	ssyncset.done @!p0 $0x0  }
0xc0: {  	[sflag:s0] =	ssyncadd.s32 @!p0 s1  }
0xc1: {  	[bflag:$0x3] =	sbarrier.arrive $0xFFFF  }
0xc2: {  	_ =	shalt  }

// kernel: kernel.16.cloned.1.call-start
scs
__scs_entry_jumppad:
0x0: {  	(pc) =	sbr.rel $0x88, $3  }
0x1: {  	(tag) =	ssettag $0x0;
	lr =	simm.s32 $0x1  }
0x2: {  	[smem:$0x3F96] =	sst lr;
	_ =	strace $0xD0000000  }
0x3: {  	_ = 	snop  }
0x4: {  	_ = 	snop  }
0x5: {  	_ = 	snop  }
0x6: {  	_ = 	snop  }
0x7: {  	_ = 	snop  }
__scs_overlays_trampoline_lowered:
0x8: {  	[smem:$0x3FA5] =	sst s0  }
0x9: {  	[smem:$0x3FA6] =	sst s1  }
0xa: {  	[smem:$0x3FA7] =	sst s2  }
0xb: {  	[smem:$0x3FA8] =	sst s3  }
0xc: {  	[smem:$0x3FA9] =	sst s4  }
0xd: {  	[smem:$0x3FAA] =	sst s5  }
0xe: {  	[smem:$0x3FAB] =	sst s6  }
0xf: {  	[smem:$0x3FAC] =	sst s7  }
0x10: {  	[smem:$0x3FAD] =	sst s8  }
0x11: {  	[smem:$0x3FAE] =	sst s9;
	s0 =	simm.s32 @!p0 $0x0  }
0x12: {  	s1 =	sld [smem:$0x3F94];
	s0 =	simm.s32 @p0 $0x1  }
0x13: {  	[smem:$0x3FAF] =	sst s0;
	s0 =	simm.s32 @!p1 $0x0  }
0x14: {  	s2 =	sld [smem:$0x3F93];
	s0 =	simm.s32 @p1 $0x1  }
0x15: {  	[smem:$0x3FB0] =	sst s0;
	s0 =	simm.s32 @!p2 $0x0  }
0x16: {  	s3 =	sld [smem:$0x3FDB];
	s0 =	simm.s32 @p2 $0x1  }
0x17: {  	s4 =	simm.s32 $0x1BF5;
	[smem:$0x3FB2] =	sst s0  }
0x18: {  	s0 =	sld [smem:$0x3F95];
	_ =	swait.ge [sflag:s4], $0x0  }
0x19: {  	s7 =	sld [smem:$0x3F96]  }
0x1a: {  	s8 =	sadd.s32 $0xFFFFE003, lr  }
0x1b: {  	s9 =	sadd.s32 $0xFFFFFEF7, lr;
	s5 =	simm.s32 $0xFFFFFFFF;
	p2 =	slt.u32 s8, $0xFFFFF086  }
0x1c: {  	p1 =	slt.u32 s9, $0xF7A;
	s5 =	simm.s32 @!p2 $0x0  }
0x1d: {  	s5 =	simm.s32 @p1 $0x1;
	p0 =	seq.s32 s7, s2  }
0x1e: {  	s7 =	smul.u32 @!p0 $0xF7A, s2;
	p2 =	seq.s32 @!p0 s5, $0x0  }
0x1f: {  	s9 =	smul.u32 $0xF7A, s1;
	s8 =	simm.s32 @!p0 $0x1BF5;
	p2 =	por !p2, p0  }
0x20: {  	[sflag:s8] =	ssyncset.s32 @!p0 $0xFFFFF086;
	s6 =	sadd.s32 @!p0 s3, s7;
	s7 =	simm.s32 @!p0 $0x108  }
0x21: {  	s3 =	sadd.s32 s3, s9;
	s6 =	sadd.s32 @!p0 $0x88, s6;
	s7 =	simm.s32 @p2 $0x1082  }
0x22: {  	[simem:s7], [sflag:s8] =	dma.local @!p0 [hbm:s6], $0xF7A  }
0x23: {  	s9 =	sor.u32 $0xD0000000, s2;
	s6 =	simm.s32 $0x108;
	_ =	swait.ge @!p0 [sflag:s8], $0x0  }
0x24: {  	s3 =	sadd.s32 $0x88, s3;
	s6 =	simm.s32 @!p1 $0x1082;
	[sflag:s4] =	ssyncset.s32 $0xFFFFF086  }
0x25: {  	[simem:s6], [sflag:s4] =	dma.local [hbm:s3], $0xF7A  }
0x26: {  	[smem:$0x3F96] =	sst s1;
	(tag) =	ssettag s2;
	_ =	strace s9  }
0x27: {  	s1 =	sld [smem:$0x3FA6]  }
0x28: {  	s2 =	sld [smem:$0x3FA7]  }
0x29: {  	s4 =	sld [smem:$0x3FA9]  }
0x2a: {  	p0 =	seq.s32 s5, $0x0;
	s5 =	sld [smem:$0x3FAA]  }
0x2b: {  	s6 =	sld [smem:$0x3FAB]  }
0x2c: {  	s7 =	sld [smem:$0x3FAC]  }
0x2d: {  	s3 =	simm.s32 $0x108;
	s8 =	sld [smem:$0x3FAD]  }
0x2e: {  	s3 =	simm.s32 @!p0 $0x1082;
	s9 =	sld [smem:$0x3FAE]  }
0x2f: {  	lr =	sadd.s32 s0, s3;
	s0 =	sld [smem:$0x3FA5]  }
0x30: {  	s3 =	sld [smem:$0x3FA8]  }
0x31: {  	[smem:$0x3FB1] =	sst s10  }
0x32: {  	s10 =	sld [smem:$0x3FAF];
	_ =	sdelay $0x3  }
0x33: {  	p0 =	seq.s32 s10, $0x1;
	s10 =	sld [smem:$0x3FB1];
	_ =	sdelay $0x3  }
0x34: {  	[smem:$0x3FB1] =	sst s10  }
0x35: {  	s10 =	sld [smem:$0x3FB0];
	_ =	sdelay $0x3  }
0x36: {  	p1 =	seq.s32 s10, $0x1;
	s10 =	sld [smem:$0x3FB1];
	_ =	sdelay $0x3  }
0x37: {  	[smem:$0x3FB1] =	sst s10  }
0x38: {  	s10 =	sld [smem:$0x3FB2]  }
0x39: {  	_ = 	snop;
	(pc) =	sbr.ind lr, $3  }
0x3a: {  	_ = 	snop  }
0x3b: {  	_ = 	snop  }
0x3c: {  	p2 =	seq.s32 s10, $0x1;
	s10 =	sld [smem:$0x3FB1]  }
0x3d: {  	_ =	shalt  }
0x3e: {  	_ =	shalt  }
0x3f: {  	_ =	shalt  }
0x40: {  	_ =	shalt  }
0x41: {  	_ =	shalt  }
0x42: {  	_ =	shalt  }
0x43: {  	_ =	shalt  }
0x44: {  	_ =	shalt  }
0x45: {  	_ =	shalt  }
0x46: {  	_ =	shalt  }
0x47: {  	_ =	shalt  }
0x48: {  	_ =	shalt  }
0x49: {  	_ =	shalt  }
0x4a: {  	_ =	shalt  }
0x4b: {  	_ =	shalt  }
0x4c: {  	_ =	shalt  }
0x4d: {  	_ =	shalt  }
0x4e: {  	_ =	shalt  }
0x4f: {  	_ =	shalt  }
0x50: {  	_ =	shalt  }
0x51: {  	_ =	shalt  }
0x52: {  	_ =	shalt  }
0x53: {  	_ =	shalt  }
0x54: {  	_ =	shalt  }
0x55: {  	_ =	shalt  }
0x56: {  	_ =	shalt  }
0x57: {  	_ =	shalt  }
0x58: {  	_ =	shalt  }
0x59: {  	_ =	shalt  }
0x5a: {  	_ =	shalt  }
0x5b: {  	_ =	shalt  }
0x5c: {  	_ =	shalt  }
0x5d: {  	_ =	shalt  }
0x5e: {  	_ =	shalt  }
0x5f: {  	_ =	shalt  }
0x60: {  	_ =	shalt  }
0x61: {  	_ =	shalt  }
0x62: {  	_ =	shalt  }
0x63: {  	_ =	shalt  }
0x64: {  	_ =	shalt  }
0x65: {  	_ =	shalt  }
0x66: {  	_ =	shalt  }
0x67: {  	_ =	shalt  }
0x68: {  	_ =	shalt  }
0x69: {  	_ =	shalt  }
0x6a: {  	_ =	shalt  }
0x6b: {  	_ =	shalt  }
0x6c: {  	_ =	shalt  }
0x6d: {  	_ =	shalt  }
0x6e: {  	_ =	shalt  }
0x6f: {  	_ =	shalt  }
0x70: {  	_ =	shalt  }
0x71: {  	_ =	shalt  }
0x72: {  	_ =	shalt  }
0x73: {  	_ =	shalt  }
0x74: {  	_ =	shalt  }
0x75: {  	_ =	shalt  }
0x76: {  	_ =	shalt  }
0x77: {  	_ =	shalt  }
0x78: {  	_ =	shalt  }
0x79: {  	_ =	shalt  }
0x7a: {  	_ =	shalt  }
0x7b: {  	_ =	shalt  }
0x7c: {  	_ =	shalt  }
0x7d: {  	_ =	shalt  }
0x7e: {  	_ =	shalt  }
0x7f: {  	_ =	shalt  }
0x80: {  	_ =	shalt  }
0x81: {  	_ =	shalt  }
0x82: {  	_ =	shalt  }
0x83: {  	_ =	shalt  }
0x84: {  	_ =	shalt  }
0x85: {  	_ =	shalt  }
0x86: {  	_ =	shalt  }
0x87: {  	_ =	shalt  }
.Lfunc_end0:
.L_simem_size_0:
called_computation.2_lowered:
.L_overlay_start_0:
0x88: {  	s2 =	sld [smem:$0x3FD9]  }
0x89: {  	s3 =	sld [smem:$0x3FFE];
	_ =	sdelay $0x1  }
0x8a: {  	s1 =	srdreg.scid  }
0x8b: {  	s0 =	sand.u32 $0x1, s1  }
0x8c: {  	s16 =	sshll.u32 s0, $0xA;
	s2 =	sadd.s32 s3, s2  }
0x8d: {  	s2 =	sadd.s32 s2, s16  }
0x8e: {  	[smem:$0x3FBD] =	sst s2  }
0x8f: {  	_ = 	snop  }
0x90: {  	(tm) =	ssettm $0x1  }
0x91: {  	s17 =	sld [smem:$0x3FFB];
	_ =	sdelay $0x3  }
0x92: {  	_ =	strace s17  }
0x93: {  	s2 =	sld [smem:$0x3FFC];
	_ =	sdelay $0x3  }
0x94: {  	_ =	strace s2  }
0x95: {  	s2 =	sld [smem:$0x3FFD];
	_ =	sdelay $0x3  }
0x96: {  	_ =	strace s2  }
0x97: {  	_ =	strace $0x8FFFFFFF  }
0x98: {  	s18 =	sld [smem:$0x3FDB];
	_ =	sdelay $0x1  }
0x99: {  	s19 =	simm.s32 $_scs_section_size  }
0x9a: {  	s4 =	simm.s32 $_size__tile_overlayer_lowered;
	s5 =	simm.s32 $_tile_overlayer_lowered  }
0x9b: {  	s22 =	simm.s32 $0x1BFF;
	s21 =	sshll.u32 s5, $0x1;
	s2 =	sadd.s32 s19, s18  }
0x9c: {  	s6 =	simm.s32 $0x0;
	s20 =	sshll.u32 s4, $0x1;
	s4 =	sadd.s32 s21, s2  }
0x9d: {  	[timem:s6], [sflag:s22] =	dma.local [hbm:s4], s20  }
0x9e: {  	_ =	swait.ge [sflag:s22], s20  }
0x9f: {  	s3 =	ssub.s32 $0x0, s20;
	[sflag:s22] =	ssyncset.done $0x0  }
0xa0: {  	[sflag:s22] =	ssyncadd.s32 s3;
	_ =	sdelay $0x1  }
0xa1: {  	s23 =	simm.s32 $0x1B8B  }
0xa2: {  	_ =	swait.ge [sflag:s23], $0x1  }
0xa3: {  	[sflag:s23] =	ssyncset.done $0x0  }
0xa4: {  	s25 =	simm.s32 $0x1B8E;
	s24 =	sld [smem:$0x3FFE];
	[sflag:s23] =	ssyncadd.s32 $0xFFFFFFFF  }
0xa5: {  	s26 =	simm.s32 $execute0_lowered;
	[smem:$0x3FD2] =	sst s25  }
0xa6: {  	s4 =	sshll.u32 s26, $0x1;
	_ =	strace $0x8000004C;
	[dreg:$0x1] =	wrdreg $0xFFFFFFFF  }
0xa7: {  	s28 =	simm.s32 $_size_execute0_lowered;
	s2 =	sadd.s32 s2, s4;
	[dreg:$0x0] =	wrdreg $0x0  }
0xa8: {  	s4 =	sshll.u32 s28, $0x1;
	[dreg:$0x2] =	wrdreg s2  }
0xa9: {  	[dreg:$0x3] =	wrdreg s4  }
0xaa: {  	[dreg:$0x4] =	wrdreg $0xC0  }
0xab: {  	_ =	task [dreg:s6], $0x5FFFF  }
0xac: {  	[dreg:$0x1] =	wrdreg $0xFFFFFFFF  }
0xad: {  	[dreg:$0x0] =	wrdreg $0x60  }
0xae: {  	[dreg:$0x2] =	wrdreg s24  }
0xaf: {  	[dreg:$0x3] =	wrdreg $0x88000  }
0xb0: {  	[dreg:$0x4] =	wrdreg $0x9  }
0xb1: {  	_ =	task.clear_ibuf [dreg:s6], $0x5FFFF;
	_ =	strace $0x9000004C  }
0xb2: {  	s29 =	simm.s32 $0x9;
	_ =	strace $0x8000004E  }
0xb3: {  	_ =	swait.ge [sflag:s29], $0x1  }
0xb4: {  	[sflag:s29] =	ssyncadd.s32 $0xFFFFFFFF  }
0xb5: {  	_ =	strace $0x9000004E  }
0xb6: {  	_ =	sfence  }
0xb7: {  	s30 =	sld [smem:$0x0];
	_ =	sdelay $0x2  }
0xb8: {  	s31 =	sshll.u32 s1, $0xD;
	s1 =	sshrl.u32 s1, $0x2  }
0xb9: {  	s3 =	sand.u32 $0x4000, s31;
	s1 =	sadd.s32 s1, s30  }
0xba: {  	s0 =	sor.u32 s3, s0;
	s1 =	sshll.u32 s1, $0x11  }
0xbb: {  	s0 =	sor.u32 s1, s0  }
0xbc: {  	s0 =	sadd.s32 $0x8F2B, s0  }
0xbd: {  	[sflag:s0] =	ssyncadd.remote.s32 $0x1  }
0xbe: {  	_ =	sfence.sel $0xFFFF  }
0xbf: {  	[dreg:$0x0] =	wrdreg $0xFFFFFFFF;
	(pc) =	sbr.abs _section_cstart, $3  }
0xc0: {  	[dreg:$0x1] =	wrdreg $0xFFFFFFFF  }
0xc1: {  	_ =	task.clear_ibuf [dreg:s6], $0x2FFFF;
	_ =	strace $0x9FFFFFFF  }
0xc2: {  	(tm) =	ssettm $0x7FFFFFFF  }
0xc3: {  	_ =	shalt  }
tec
execute0_lowered:
.L_overlay_start_1:
0x0: {  	(tag) =	ssettag $0x1  }
0x1: {  	s0 =	rddreg [dreg:$0x0]  }
0x2: {  	s1 =	rddreg [dreg:$0x1];
	s3 =	simm.s32 $0x0  }
0x3: {  	s2 =	srdreg.scid;
	s13 =	stileid.u32;
	s28 =	simm.s32 $0x80  }
0x4: {  	s29 =	simm.s32 $0x5800;
	s30 =	simm.s32 $0x1;
	s31 =	simm.s32 $0x2  }
0x5: {  	[smem:$0x7FF] =	sst s3;
	s4 =	sadd.s32 $0x3400, s0;
	s6 =	smul.u32 $0x4F000, s13  }
0x6: {  	s2 =	sand.u32 $0x1, s2;
	s5 =	sadd.s32 $0x5D400, s0;
	s14 =	smul.u32 $0x13C00, s13  }
0x7: {  	s7 =	sadd.s32 $0x2A600, s0;
	s0 =	sadd.s32 $0x7B400, s0;
	s18 =	smul.u32 $0x5, s13  }
0x8: {  	s13 =	sor.u32 $0x50, s13;
	_ =	strace $0x8000004D;
	[dreg:$0x3] =	wrdreg s7  }
0x9: {  	s24 =	ssub.s32 $0x2, s2;
	s21 =	smul.u32 $0x13C000, s2;
	p0 =	seq.s32 s2, $0x0  }
0xa: {  	s8 =	sshrl.u32 s24, $0x1;
	s6 =	sshrl.u32 s6, $0x2;
	s25 =	sadd.s32 $0x3000, s14  }
0xb: {  	s16 =	sadd.s32 $0x6000, s14;
	s17 =	sadd.s32 $0x9000, s14;
	s19 =	sadd.s32 $0xC000, s14  }
0xc: {  	s20 =	sadd.s32 $0xF000, s14;
	s23 =	sadd.s32 $0x12000, s14;
	s13 =	smov.u32 @p0 s18  }
0xd: {  	p0 =	sne.s32 s2, $0x0;
	s2 =	simm.s32 $0x2580;
	s15 =	ssub.s32 s24, s8  }
0xe: {  	s7 =	sadd.s32 s6, s1;
	s8 =	sadd.s32 s25, s1;
	s9 =	sadd.s32 s16, s1  }
0xf: {  	s10 =	sadd.s32 s17, s1;
	s11 =	sadd.s32 s19, s1;
	s12 =	sadd.s32 s20, s1  }
0x10: {  	s22 =	sadd.s32 s14, s21;
	s14 =	sadd.s32 s23, s1;
	s6 =	sadd.s32 s21, s25  }
0x11: {  	s16 =	sadd.s32 s21, s16;
	s17 =	sadd.s32 s21, s17;
	s19 =	sadd.s32 s21, s19  }
0x12: {  	s24 =	sadd.s32 s21, s23;
	s23 =	simm.s32 $0x2800;
	s26 =	sshrl.u32 s22, $0x3  }
0x13: {  	s6 =	sshrl.u32 s6, $0x3;
	s16 =	sshrl.u32 s16, $0x3;
	s17 =	sshrl.u32 s17, $0x3  }
0x14: {  	s22 =	sadd.s32 s21, s20;
	s18 =	sadd.s32 s0, s26;
	s6 =	sadd.s32 s0, s6  }
0x15: {  	s25 =	sshrl.u32 s22, $0x3;
	s26 =	sshrl.u32 s24, $0x3;
	[dreg:$0x4] =	wrdreg s18  }
0x16: {  	s22 =	smax.u32 s15, $0x1;
	s24 =	simm.s32 $0x3;
	[dreg:$0x5] =	wrdreg s6  }
0x17: {  	s6 =	sadd.s32 s0, s16;
	s18 =	sadd.s32 s0, s17;
	s20 =	sadd.s32 s0, s25  }
0x18: {  	s21 =	sadd.s32 s0, s26;
	s25 =	simm.s32 $0x1400;
	[dreg:$0x6] =	wrdreg s6  }
0x19: {  	s26 =	simm.s32 $0x60;
	[dreg:$0x7] =	wrdreg s18;
	s6 =	sshrl.u32 s19, $0x3  }
0x1a: {  	s19 =	sadd.s32 s0, s6;
	s0 =	simm.s32 $0x2500;
	s6 =	simm.s32 $0x0  }
.LBB2_1:
0x1b: {  	s15 =	rddreg [dreg:$0x3]  }
0x1c: {  	[tilespmem:s23], [sflag:$0x3] =	stream.linear.gather [hbm4b:s15+s3], $0x3000, $0x38;
	[tilespmem:$0x1C400] =	vst v63  }
0x1d: {  	_ =	swait.ge [sflag:s24], $0x3000  }
0x1e: {  	[sflag:s24] =	ssyncset.done $0x0  }
0x1f: {  	[sflag:s24] =	ssyncadd.s32 $0xFFFFD000  }
0x20: {  	[spmem:s7] =	stream.linear.scatter [tilespmem:s23], [sflag:$0x3], $0x3000, $0x38;
	[tilespmem:$0x1C400] =	vst v63  }
0x21: {  	_ =	swait.ge [sflag:s24], $0x3000  }
0x22: {  	[sflag:s24] =	ssyncset.done $0x0  }
0x23: {  	[sflag:s24] =	ssyncadd.s32 $0xFFFFD000  }
0x24: {  	[spmem:s8] =	stream.linear.scatter [tilespmem:s23], [sflag:$0x3], $0x3000, $0x38;
	[tilespmem:$0x1C400] =	vst v63  }
0x25: {  	_ =	swait.ge [sflag:s24], $0x3000  }
0x26: {  	[sflag:s24] =	ssyncset.done $0x0  }
0x27: {  	[sflag:s24] =	ssyncadd.s32 $0xFFFFD000  }
0x28: {  	[spmem:s9] =	stream.linear.scatter [tilespmem:s23], [sflag:$0x3], $0x3000, $0x38;
	[tilespmem:$0x1C400] =	vst v63  }
0x29: {  	_ =	swait.ge [sflag:s24], $0x3000  }
0x2a: {  	[sflag:s24] =	ssyncset.done $0x0  }
0x2b: {  	[sflag:s24] =	ssyncadd.s32 $0xFFFFD000  }
0x2c: {  	[spmem:s10] =	stream.linear.scatter [tilespmem:s23], [sflag:$0x3], $0x3000, $0x38;
	[tilespmem:$0x1C400] =	vst v63  }
0x2d: {  	_ =	swait.ge [sflag:s24], $0x3000  }
0x2e: {  	[sflag:s24] =	ssyncset.done $0x0  }
0x2f: {  	[sflag:s24] =	ssyncadd.s32 $0xFFFFD000  }
0x30: {  	[spmem:s11] =	stream.linear.scatter [tilespmem:s23], [sflag:$0x3], $0x3000, $0x38;
	[tilespmem:$0x1C400] =	vst v63  }
0x31: {  	_ =	swait.ge [sflag:s24], $0x3000  }
0x32: {  	[sflag:s24] =	ssyncset.done $0x0  }
0x33: {  	[sflag:s24] =	ssyncadd.s32 $0xFFFFD000  }
0x34: {  	[spmem:s12] =	stream.linear.scatter [tilespmem:s23], [sflag:$0x3], $0x3000, $0x38;
	[tilespmem:$0x1C400] =	vst v63  }
0x35: {  	_ =	swait.ge [sflag:s24], $0x3000  }
0x36: {  	[sflag:s24] =	ssyncset.done $0x0  }
0x37: {  	[sflag:s24] =	ssyncadd.s32 $0xFFFFD000  }
0x38: {  	[spmem:s14] =	stream.linear.scatter [tilespmem:s23], [sflag:$0x3], $0x1C00, $0x38;
	[tilespmem:$0x1C400] =	vst v63  }
0x39: {  	_ =	swait.ge [sflag:s24], $0x1C00  }
0x3a: {  	[sflag:s24] =	ssyncset.done $0x0  }
0x3b: {  	[sflag:s24] =	ssyncadd.s32 $0xFFFFE400  }
0x3c: {  	s15 =	simm.s32 $0x0;
	[bflag:$0x0] =	sbarrier.arrive $0xFFFF  }
.LBB2_2:
0x3d: {  	s16 =	sadd.s32 s13, s15  }
0x3e: {  	s16 =	smul.u32 $0x500, s16;
	_ =	sdelay $0x1  }
0x3f: {  	s16 =	sadd.s32 s5, s16  }
0x40: {  	[tilespmem:s3], [sflag:$0x3] =	stream.linear.gather [hbm4b:s16+s3], $0x1200, $0x38;
	[tilespmem:$0x1C400] =	vst v63  }
0x41: {  	s16 =	sadd.s32 $0x280, s16  }
0x42: {  	[tilespmem:s25], [sflag:$0x3] =	stream.linear.gather [hbm4b:s16+s3], $0x1200, $0x38;
	[tilespmem:$0x1C400] =	vst v63  }
0x43: {  	_ =	swait.ge [sflag:s24], $0x2400  }
0x44: {  	[sflag:s24] =	ssyncset.done $0x0  }
0x45: {  	[sflag:s24] =	ssyncadd.s32 $0xFFFFDC00  }
0x46: {  	[tilespmem:s23], [sflag:$0x1] =	stream.indirect.gather [hbm4b:s4+s26], $0x80, s3, s26, $0xb8;
	[tilespmem:$0x1C400] =	vst v63  }
0x47: {  	_ = 	snop  }
0x48: {  	[tilespmem:s29], [sflag:$0x2] =	stream.indirect.gather [hbm4b:s4+s26], $0x80, s28, s26, $0xb8;
	[tilespmem:$0x1C400] =	vst v63  }
0x49: {  	_ =	swait.ge [sflag:s30], $0x3000  }
0x4a: {  	[sflag:s30] =	ssyncset.done $0x0  }
0x4b: {  	s18 =	simm.s32 $0x1400;
	[sflag:s30] =	ssyncadd.s32 $0xFFFFD000  }
0x4c: {  	[spmem:s1] =	stream.indirect.scatter.add.f32 [tilespmem:s23], [sflag:$0x3], $0x80, s18, s26, $0xb8;
	[tilespmem:$0x1C400] =	vst v63  }
0x4d: {  	_ =	swait.ge [sflag:s24], $0x3000  }
0x4e: {  	[sflag:s24] =	ssyncset.done $0x0  }
0x4f: {  	s17 =	simm.s32 $0x100;
	[sflag:s24] =	ssyncadd.s32 $0xFFFFD000  }
0x50: {  	[tilespmem:s23], [sflag:$0x1] =	stream.indirect.gather [hbm4b:s4+s26], $0x80, s17, s26, $0xb8;
	[tilespmem:$0x1C400] =	vst v63  }
0x51: {  	_ =	swait.ge [sflag:s31], $0x3000  }
0x52: {  	[sflag:s31] =	ssyncset.done $0x0  }
0x53: {  	s18 =	simm.s32 $0x1480;
	[sflag:s31] =	ssyncadd.s32 $0xFFFFD000  }
0x54: {  	[spmem:s1] =	stream.indirect.scatter.add.f32 [tilespmem:s29], [sflag:$0x3], $0x80, s18, s26, $0xb8;
	[tilespmem:$0x1C400] =	vst v63  }
0x55: {  	_ =	swait.ge [sflag:s24], $0x3000  }
0x56: {  	[sflag:s24] =	ssyncset.done $0x0  }
0x57: {  	s16 =	simm.s32 $0xFFFFC000;
	s17 =	simm.s32 $0x180;
	[sflag:s24] =	ssyncadd.s32 $0xFFFFD000  }
.LBB2_3:
0x58: {  	[tilespmem:s29], [sflag:$0x2] =	stream.indirect.gather [hbm4b:s4+s26], $0x80, s17, s26, $0xb8;
	[tilespmem:$0x1C400] =	vst v63  }
0x59: {  	s17 =	smov.u32 s16  }
0x5a: {  	p1 =	sne.s32 s16, $0xFFFFFC00;
	s16 =	sadd.s32 $0x400, s16;
	_ =	swait.ge [sflag:s30], $0x3000  }
0x5b: {  	s17 =	sshra.s32 s17, $0x2;
	[sflag:s30] =	ssyncset.done $0x0  }
0x5c: {  	s18 =	sadd.s32 $0x2500, s17;
	[sflag:s30] =	ssyncadd.s32 $0xFFFFD000  }
0x5d: {  	[spmem:s1] =	stream.indirect.scatter.add.f32 [tilespmem:s23], [sflag:$0x3], $0x80, s18, s26, $0xb8;
	[tilespmem:$0x1C400] =	vst v63  }
0x5e: {  	_ =	swait.ge [sflag:s24], $0x3000  }
0x5f: {  	[sflag:s24] =	ssyncset.done $0x0  }
0x60: {  	s18 =	sadd.s32 $0x1200, s17;
	[sflag:s24] =	ssyncadd.s32 $0xFFFFD000  }
0x61: {  	[tilespmem:s23], [sflag:$0x1] =	stream.indirect.gather [hbm4b:s4+s26], $0x80, s18, s26, $0xb8;
	[tilespmem:$0x1C400] =	vst v63  }
0x62: {  	_ =	swait.ge [sflag:s31], $0x3000  }
0x63: {  	[sflag:s31] =	ssyncset.done $0x0  }
.Ltmp0:
0x64: {  	s18 =	sadd.s32 $0x2580, s17;
	[sflag:s31] =	ssyncadd.s32 $0xFFFFD000;
	(pc) =	sbr.rel @p1 .LBB2_3-.Ltmp0, $4  }
0x65: {  	[spmem:s1] =	stream.indirect.scatter.add.f32 [tilespmem:s29], [sflag:$0x3], $0x80, s18, s26, $0xb8;
	[tilespmem:$0x1C400] =	vst v63  }
0x66: {  	_ =	swait.ge [sflag:s24], $0x3000  }
0x67: {  	[sflag:s24] =	ssyncset.done $0x0  }
0x68: {  	s17 =	sadd.s32 $0x1280, s17;
	[sflag:s24] =	ssyncadd.s32 $0xFFFFD000  }
0x69: {  	[tilespmem:s29], [sflag:$0x2] =	stream.indirect.gather [hbm4b:s4+s26], $0x80, s17, s26, $0xb8;
	[tilespmem:$0x1C400] =	vst v63  }
0x6a: {  	_ =	swait.ge [sflag:s30], $0x3000  }
0x6b: {  	[sflag:s30] =	ssyncset.done $0x0  }
0x6c: {  	[sflag:s30] =	ssyncadd.s32 $0xFFFFD000  }
0x6d: {  	[spmem:s1] =	stream.indirect.scatter.add.f32 [tilespmem:s23], [sflag:$0x3], $0x80, s0, s26, $0xb8;
	[tilespmem:$0x1C400] =	vst v63  }
0x6e: {  	_ =	swait.ge [sflag:s24], $0x3000  }
0x6f: {  	[sflag:s24] =	ssyncset.done $0x0  }
0x70: {  	[sflag:s24] =	ssyncadd.s32 $0xFFFFD000  }
0x71: {  	p1 =	slt.u32 @!p0 s15, $0x4;
	_ =	swait.ge [sflag:s31], $0x3000  }
0x72: {  	p1 =	por p0, !p1;
	[sflag:s31] =	ssyncset.done $0x0  }
.Ltmp1:
0x73: {  	[sflag:s31] =	ssyncadd.s32 $0xFFFFD000;
	(pc) =	sbr.rel @!p1 .LBB2_2-.Ltmp1, $4  }
0x74: {  	[spmem:s1] =	stream.indirect.scatter.add.f32 [tilespmem:s29], [sflag:$0x3], $0x80, s2, s26, $0xb8;
	[tilespmem:$0x1C400] =	vst v63  }
0x75: {  	_ =	swait.ge [sflag:s24], $0x3000  }
0x76: {  	[sflag:s24] =	ssyncset.done $0x0  }
0x77: {  	s15 =	sadd.s32 $0x1, s15;
	[sflag:s24] =	ssyncadd.s32 $0xFFFFD000  }
0x78: {  	[bflag:$0x0] =	sbarrier.arrive $0xFFFF  }
0x79: {  	[tilespmem:s23], [sflag:$0x3] =	stream.linear.gather [spmem:s7], $0x3000, $0x38;
	[tilespmem:$0x1C400] =	vst v63  }
0x7a: {  	_ =	swait.ge [sflag:s24], $0x3000  }
0x7b: {  	[sflag:s24] =	ssyncset.done $0x0  }
0x7c: {  	s15 =	rddreg [dreg:$0x4];
	[sflag:s24] =	ssyncadd.s32 $0xFFFFD000  }
0x7d: {  	[hbm4b:s15+s3] =	stream.linear.scatter [tilespmem:s23], [sflag:$0x3], $0x3000, $0x38;
	[tilespmem:$0x1C400] =	vst v63  }
0x7e: {  	_ =	swait.ge [sflag:s24], $0x3000  }
0x7f: {  	[sflag:s24] =	ssyncset.done $0x0  }
0x80: {  	[sflag:s24] =	ssyncadd.s32 $0xFFFFD000  }
0x81: {  	[tilespmem:s23], [sflag:$0x3] =	stream.linear.gather [spmem:s8], $0x3000, $0x38;
	[tilespmem:$0x1C400] =	vst v63  }
0x82: {  	_ =	swait.ge [sflag:s24], $0x3000  }
0x83: {  	[sflag:s24] =	ssyncset.done $0x0  }
0x84: {  	s16 =	rddreg [dreg:$0x5];
	[sflag:s24] =	ssyncadd.s32 $0xFFFFD000  }
0x85: {  	[hbm4b:s16+s3] =	stream.linear.scatter [tilespmem:s23], [sflag:$0x3], $0x3000, $0x38;
	[tilespmem:$0x1C400] =	vst v63  }
0x86: {  	_ =	swait.ge [sflag:s24], $0x3000  }
0x87: {  	[sflag:s24] =	ssyncset.done $0x0  }
0x88: {  	[sflag:s24] =	ssyncadd.s32 $0xFFFFD000  }
0x89: {  	[tilespmem:s23], [sflag:$0x3] =	stream.linear.gather [spmem:s9], $0x3000, $0x38;
	[tilespmem:$0x1C400] =	vst v63  }
0x8a: {  	_ =	swait.ge [sflag:s24], $0x3000  }
0x8b: {  	[sflag:s24] =	ssyncset.done $0x0  }
0x8c: {  	s17 =	rddreg [dreg:$0x6];
	[sflag:s24] =	ssyncadd.s32 $0xFFFFD000  }
0x8d: {  	[hbm4b:s17+s3] =	stream.linear.scatter [tilespmem:s23], [sflag:$0x3], $0x3000, $0x38;
	[tilespmem:$0x1C400] =	vst v63  }
0x8e: {  	_ =	swait.ge [sflag:s24], $0x3000  }
0x8f: {  	[sflag:s24] =	ssyncset.done $0x0  }
0x90: {  	[sflag:s24] =	ssyncadd.s32 $0xFFFFD000  }
0x91: {  	[tilespmem:s23], [sflag:$0x3] =	stream.linear.gather [spmem:s10], $0x3000, $0x38;
	[tilespmem:$0x1C400] =	vst v63  }
0x92: {  	_ =	swait.ge [sflag:s24], $0x3000  }
0x93: {  	[sflag:s24] =	ssyncset.done $0x0  }
0x94: {  	s18 =	rddreg [dreg:$0x7];
	[sflag:s24] =	ssyncadd.s32 $0xFFFFD000  }
0x95: {  	[hbm4b:s18+s3] =	stream.linear.scatter [tilespmem:s23], [sflag:$0x3], $0x3000, $0x38;
	[tilespmem:$0x1C400] =	vst v63  }
0x96: {  	_ =	swait.ge [sflag:s24], $0x3000  }
0x97: {  	[sflag:s24] =	ssyncset.done $0x0  }
0x98: {  	[sflag:s24] =	ssyncadd.s32 $0xFFFFD000  }
0x99: {  	[tilespmem:s23], [sflag:$0x3] =	stream.linear.gather [spmem:s11], $0x3000, $0x38;
	[tilespmem:$0x1C400] =	vst v63  }
0x9a: {  	_ =	swait.ge [sflag:s24], $0x3000  }
0x9b: {  	[sflag:s24] =	ssyncset.done $0x0  }
0x9c: {  	[sflag:s24] =	ssyncadd.s32 $0xFFFFD000  }
0x9d: {  	[hbm4b:s19+s3] =	stream.linear.scatter [tilespmem:s23], [sflag:$0x3], $0x3000, $0x38;
	[tilespmem:$0x1C400] =	vst v63  }
0x9e: {  	_ =	swait.ge [sflag:s24], $0x3000  }
0x9f: {  	[sflag:s24] =	ssyncset.done $0x0  }
0xa0: {  	[sflag:s24] =	ssyncadd.s32 $0xFFFFD000  }
0xa1: {  	[tilespmem:s23], [sflag:$0x3] =	stream.linear.gather [spmem:s12], $0x3000, $0x38;
	[tilespmem:$0x1C400] =	vst v63  }
0xa2: {  	_ =	swait.ge [sflag:s24], $0x3000  }
0xa3: {  	[sflag:s24] =	ssyncset.done $0x0  }
0xa4: {  	[sflag:s24] =	ssyncadd.s32 $0xFFFFD000  }
0xa5: {  	[hbm4b:s20+s3] =	stream.linear.scatter [tilespmem:s23], [sflag:$0x3], $0x3000, $0x38;
	[tilespmem:$0x1C400] =	vst v63  }
0xa6: {  	_ =	swait.ge [sflag:s24], $0x3000  }
0xa7: {  	[sflag:s24] =	ssyncset.done $0x0  }
0xa8: {  	[sflag:s24] =	ssyncadd.s32 $0xFFFFD000  }
0xa9: {  	[tilespmem:s23], [sflag:$0x3] =	stream.linear.gather [spmem:s14], $0x1C00, $0x38;
	[tilespmem:$0x1C400] =	vst v63  }
0xaa: {  	s6 =	sadd.s32 $0x1, s6;
	_ =	swait.ge [sflag:s24], $0x1C00  }
0xab: {  	p1 =	sne.s32 s6, s22;
	[sflag:s24] =	ssyncset.done $0x0  }
.Ltmp2:
0xac: {  	[sflag:s24] =	ssyncadd.s32 $0xFFFFE400;
	(pc) =	sbr.rel @p1 .LBB2_1-.Ltmp2, $4  }
0xad: {  	[hbm4b:s21+s3] =	stream.linear.scatter [tilespmem:s23], [sflag:$0x3], $0x1C00, $0x38;
	[tilespmem:$0x1C400] =	vst v63  }
0xae: {  	_ =	swait.ge [sflag:s24], $0x1C00  }
0xaf: {  	[sflag:s24] =	ssyncset.done $0x0  }
0xb0: {  	[sflag:s24] =	ssyncadd.s32 $0xFFFFE400  }
0xb1: {  	_ =	sfence.sel $0x180000  }
0xb2: {  	[bflag:$0x0] =	sbarrier.arrive $0xFFFF  }
0xb3: {  	_ =	strace $0x9000004D  }
0xb4: {  	s0 =	stileid.u32;
	[bflag:$0x2] =	sbarrier.arrive $0xFFFF  }
0xb5: {  	p0 =	sne.s32 s0, $0x0;
	s0 =	rddreg [dreg:$0x2]  }
0xb6: {  	s0 =	sadd.s32 @!p0 $0x100000, s0  }
0xb7: {  	[sflag:s0] =	ssyncadd.tile.s32 @!p0 $0x1;
	_ =	shalt  }
.Lfunc_end2:
_tile_overlayer_lowered:
.L_overlay_start_2:
0xb8: {  	(tag) =	ssettag $0x2  }
0xb9: {  	s0 =	rddreg [dreg:$0x0];
	s2 =	stileid.u32  }
0xba: {  	s1 =	rddreg [dreg:$0x1];
	p0 =	sne.s32 s2, $0x0  }
0xbb: {  	s3 =	rddreg [dreg:$0x2];
	[bflag:$0x3] =	sbarrier.arrive $0xFFFF;
	s2 =	simm.s32 @!p0 $0x1C03  }
0xbc: {  	[timem:s3], [sflag:s2] =	dma.local @!p0 [hbm:s0], s1  }
0xbd: {  	s0 =	simm.s32 @!p0 $0x3  }
0xbe: {  	_ =	swait.ge @!p0 [sflag:s0], s1  }
0xbf: {  	s1 =	ssub.s32 @!p0 $0x0, s1;
	[sflag:s0] =	ssyncset.done @!p0 $0x0  }
0xc0: {  	[sflag:s0] =	ssyncadd.s32 @!p0 s1  }
0xc1: {  	[bflag:$0x3] =	sbarrier.arrive $0xFFFF  }
0xc2: {  	_ =	shalt  }

// kernel: kernel.19.cloned.1.call-start
scs
__scs_entry_jumppad:
0x0: {  	(pc) =	sbr.rel $0x88, $3  }
0x1: {  	(tag) =	ssettag $0x0;
	lr =	simm.s32 $0x1  }
0x2: {  	[smem:$0x3F96] =	sst lr;
	_ =	strace $0xD0000000  }
0x3: {  	_ = 	snop  }
0x4: {  	_ = 	snop  }
0x5: {  	_ = 	snop  }
0x6: {  	_ = 	snop  }
0x7: {  	_ = 	snop  }
__scs_overlays_trampoline_lowered:
0x8: {  	[smem:$0x3FA5] =	sst s0  }
0x9: {  	[smem:$0x3FA6] =	sst s1  }
0xa: {  	[smem:$0x3FA7] =	sst s2  }
0xb: {  	[smem:$0x3FA8] =	sst s3  }
0xc: {  	[smem:$0x3FA9] =	sst s4  }
0xd: {  	[smem:$0x3FAA] =	sst s5  }
0xe: {  	[smem:$0x3FAB] =	sst s6  }
0xf: {  	[smem:$0x3FAC] =	sst s7  }
0x10: {  	[smem:$0x3FAD] =	sst s8  }
0x11: {  	[smem:$0x3FAE] =	sst s9;
	s0 =	simm.s32 @!p0 $0x0  }
0x12: {  	s1 =	sld [smem:$0x3F94];
	s0 =	simm.s32 @p0 $0x1  }
0x13: {  	[smem:$0x3FAF] =	sst s0;
	s0 =	simm.s32 @!p1 $0x0  }
0x14: {  	s2 =	sld [smem:$0x3F93];
	s0 =	simm.s32 @p1 $0x1  }
0x15: {  	[smem:$0x3FB0] =	sst s0;
	s0 =	simm.s32 @!p2 $0x0  }
0x16: {  	s3 =	sld [smem:$0x3FDB];
	s0 =	simm.s32 @p2 $0x1  }
0x17: {  	s4 =	simm.s32 $0x1BF5;
	[smem:$0x3FB2] =	sst s0  }
0x18: {  	s0 =	sld [smem:$0x3F95];
	_ =	swait.ge [sflag:s4], $0x0  }
0x19: {  	s7 =	sld [smem:$0x3F96]  }
0x1a: {  	s8 =	sadd.s32 $0xFFFFE003, lr  }
0x1b: {  	s9 =	sadd.s32 $0xFFFFFEF7, lr;
	s5 =	simm.s32 $0xFFFFFFFF;
	p2 =	slt.u32 s8, $0xFFFFF086  }
0x1c: {  	p1 =	slt.u32 s9, $0xF7A;
	s5 =	simm.s32 @!p2 $0x0  }
0x1d: {  	s5 =	simm.s32 @p1 $0x1;
	p0 =	seq.s32 s7, s2  }
0x1e: {  	s7 =	smul.u32 @!p0 $0xF7A, s2;
	p2 =	seq.s32 @!p0 s5, $0x0  }
0x1f: {  	s9 =	smul.u32 $0xF7A, s1;
	s8 =	simm.s32 @!p0 $0x1BF5;
	p2 =	por !p2, p0  }
0x20: {  	[sflag:s8] =	ssyncset.s32 @!p0 $0xFFFFF086;
	s6 =	sadd.s32 @!p0 s3, s7;
	s7 =	simm.s32 @!p0 $0x108  }
0x21: {  	s3 =	sadd.s32 s3, s9;
	s6 =	sadd.s32 @!p0 $0x88, s6;
	s7 =	simm.s32 @p2 $0x1082  }
0x22: {  	[simem:s7], [sflag:s8] =	dma.local @!p0 [hbm:s6], $0xF7A  }
0x23: {  	s9 =	sor.u32 $0xD0000000, s2;
	s6 =	simm.s32 $0x108;
	_ =	swait.ge @!p0 [sflag:s8], $0x0  }
0x24: {  	s3 =	sadd.s32 $0x88, s3;
	s6 =	simm.s32 @!p1 $0x1082;
	[sflag:s4] =	ssyncset.s32 $0xFFFFF086  }
0x25: {  	[simem:s6], [sflag:s4] =	dma.local [hbm:s3], $0xF7A  }
0x26: {  	[smem:$0x3F96] =	sst s1;
	(tag) =	ssettag s2;
	_ =	strace s9  }
0x27: {  	s1 =	sld [smem:$0x3FA6]  }
0x28: {  	s2 =	sld [smem:$0x3FA7]  }
0x29: {  	s4 =	sld [smem:$0x3FA9]  }
0x2a: {  	p0 =	seq.s32 s5, $0x0;
	s5 =	sld [smem:$0x3FAA]  }
0x2b: {  	s6 =	sld [smem:$0x3FAB]  }
0x2c: {  	s7 =	sld [smem:$0x3FAC]  }
0x2d: {  	s3 =	simm.s32 $0x108;
	s8 =	sld [smem:$0x3FAD]  }
0x2e: {  	s3 =	simm.s32 @!p0 $0x1082;
	s9 =	sld [smem:$0x3FAE]  }
0x2f: {  	lr =	sadd.s32 s0, s3;
	s0 =	sld [smem:$0x3FA5]  }
0x30: {  	s3 =	sld [smem:$0x3FA8]  }
0x31: {  	[smem:$0x3FB1] =	sst s10  }
0x32: {  	s10 =	sld [smem:$0x3FAF];
	_ =	sdelay $0x3  }
0x33: {  	p0 =	seq.s32 s10, $0x1;
	s10 =	sld [smem:$0x3FB1];
	_ =	sdelay $0x3  }
0x34: {  	[smem:$0x3FB1] =	sst s10  }
0x35: {  	s10 =	sld [smem:$0x3FB0];
	_ =	sdelay $0x3  }
0x36: {  	p1 =	seq.s32 s10, $0x1;
	s10 =	sld [smem:$0x3FB1];
	_ =	sdelay $0x3  }
0x37: {  	[smem:$0x3FB1] =	sst s10  }
0x38: {  	s10 =	sld [smem:$0x3FB2]  }
0x39: {  	_ = 	snop;
	(pc) =	sbr.ind lr, $3  }
0x3a: {  	_ = 	snop  }
0x3b: {  	_ = 	snop  }
0x3c: {  	p2 =	seq.s32 s10, $0x1;
	s10 =	sld [smem:$0x3FB1]  }
0x3d: {  	_ =	shalt  }
0x3e: {  	_ =	shalt  }
0x3f: {  	_ =	shalt  }
0x40: {  	_ =	shalt  }
0x41: {  	_ =	shalt  }
0x42: {  	_ =	shalt  }
0x43: {  	_ =	shalt  }
0x44: {  	_ =	shalt  }
0x45: {  	_ =	shalt  }
0x46: {  	_ =	shalt  }
0x47: {  	_ =	shalt  }
0x48: {  	_ =	shalt  }
0x49: {  	_ =	shalt  }
0x4a: {  	_ =	shalt  }
0x4b: {  	_ =	shalt  }
0x4c: {  	_ =	shalt  }
0x4d: {  	_ =	shalt  }
0x4e: {  	_ =	shalt  }
0x4f: {  	_ =	shalt  }
0x50: {  	_ =	shalt  }
0x51: {  	_ =	shalt  }
0x52: {  	_ =	shalt  }
0x53: {  	_ =	shalt  }
0x54: {  	_ =	shalt  }
0x55: {  	_ =	shalt  }
0x56: {  	_ =	shalt  }
0x57: {  	_ =	shalt  }
0x58: {  	_ =	shalt  }
0x59: {  	_ =	shalt  }
0x5a: {  	_ =	shalt  }
0x5b: {  	_ =	shalt  }
0x5c: {  	_ =	shalt  }
0x5d: {  	_ =	shalt  }
0x5e: {  	_ =	shalt  }
0x5f: {  	_ =	shalt  }
0x60: {  	_ =	shalt  }
0x61: {  	_ =	shalt  }
0x62: {  	_ =	shalt  }
0x63: {  	_ =	shalt  }
0x64: {  	_ =	shalt  }
0x65: {  	_ =	shalt  }
0x66: {  	_ =	shalt  }
0x67: {  	_ =	shalt  }
0x68: {  	_ =	shalt  }
0x69: {  	_ =	shalt  }
0x6a: {  	_ =	shalt  }
0x6b: {  	_ =	shalt  }
0x6c: {  	_ =	shalt  }
0x6d: {  	_ =	shalt  }
0x6e: {  	_ =	shalt  }
0x6f: {  	_ =	shalt  }
0x70: {  	_ =	shalt  }
0x71: {  	_ =	shalt  }
0x72: {  	_ =	shalt  }
0x73: {  	_ =	shalt  }
0x74: {  	_ =	shalt  }
0x75: {  	_ =	shalt  }
0x76: {  	_ =	shalt  }
0x77: {  	_ =	shalt  }
0x78: {  	_ =	shalt  }
0x79: {  	_ =	shalt  }
0x7a: {  	_ =	shalt  }
0x7b: {  	_ =	shalt  }
0x7c: {  	_ =	shalt  }
0x7d: {  	_ =	shalt  }
0x7e: {  	_ =	shalt  }
0x7f: {  	_ =	shalt  }
0x80: {  	_ =	shalt  }
0x81: {  	_ =	shalt  }
0x82: {  	_ =	shalt  }
0x83: {  	_ =	shalt  }
0x84: {  	_ =	shalt  }
0x85: {  	_ =	shalt  }
0x86: {  	_ =	shalt  }
0x87: {  	_ =	shalt  }
.Lfunc_end0:
.L_simem_size_0:
called_computation.3_lowered:
.L_overlay_start_0:
0x88: {  	s2 =	sld [smem:$0x3FD9]  }
0x89: {  	s3 =	sld [smem:$0x3FFE];
	_ =	sdelay $0x1  }
0x8a: {  	s1 =	srdreg.scid  }
0x8b: {  	s0 =	sand.u32 $0x1, s1  }
0x8c: {  	s16 =	sshll.u32 s0, $0xA;
	s2 =	sadd.s32 s3, s2  }
0x8d: {  	s2 =	sadd.s32 s2, s16  }
0x8e: {  	[smem:$0x3FBD] =	sst s2  }
0x8f: {  	_ = 	snop  }
0x90: {  	(tm) =	ssettm $0x1  }
0x91: {  	s17 =	sld [smem:$0x3FFB];
	_ =	sdelay $0x3  }
0x92: {  	_ =	strace s17  }
0x93: {  	s2 =	sld [smem:$0x3FFC];
	_ =	sdelay $0x3  }
0x94: {  	_ =	strace s2  }
0x95: {  	s2 =	sld [smem:$0x3FFD];
	_ =	sdelay $0x3  }
0x96: {  	_ =	strace s2  }
0x97: {  	_ =	strace $0x8FFFFFFF  }
0x98: {  	s18 =	sld [smem:$0x3FDB];
	_ =	sdelay $0x1  }
0x99: {  	s19 =	simm.s32 $_scs_section_size  }
0x9a: {  	s4 =	simm.s32 $_size__tile_overlayer_lowered;
	s5 =	simm.s32 $_tile_overlayer_lowered  }
0x9b: {  	s22 =	simm.s32 $0x1BFF;
	s21 =	sshll.u32 s5, $0x1;
	s2 =	sadd.s32 s19, s18  }
0x9c: {  	s6 =	simm.s32 $0x0;
	s20 =	sshll.u32 s4, $0x1;
	s4 =	sadd.s32 s21, s2  }
0x9d: {  	[timem:s6], [sflag:s22] =	dma.local [hbm:s4], s20  }
0x9e: {  	_ =	swait.ge [sflag:s22], s20  }
0x9f: {  	s3 =	ssub.s32 $0x0, s20;
	[sflag:s22] =	ssyncset.done $0x0  }
0xa0: {  	[sflag:s22] =	ssyncadd.s32 s3;
	_ =	sdelay $0x1  }
0xa1: {  	s23 =	simm.s32 $0x1B8B  }
0xa2: {  	_ =	swait.ge [sflag:s23], $0x1  }
0xa3: {  	[sflag:s23] =	ssyncset.done $0x0  }
0xa4: {  	s25 =	simm.s32 $0x1B8E;
	s24 =	sld [smem:$0x3FFE];
	[sflag:s23] =	ssyncadd.s32 $0xFFFFFFFF  }
0xa5: {  	s26 =	simm.s32 $execute0_lowered;
	[smem:$0x3FD2] =	sst s25  }
0xa6: {  	s4 =	sshll.u32 s26, $0x1;
	_ =	strace $0x8000004F;
	[dreg:$0x1] =	wrdreg $0xFFFFFFFF  }
0xa7: {  	s28 =	simm.s32 $_size_execute0_lowered;
	s2 =	sadd.s32 s2, s4;
	[dreg:$0x0] =	wrdreg $0x0  }
0xa8: {  	s4 =	sshll.u32 s28, $0x1;
	[dreg:$0x2] =	wrdreg s2  }
0xa9: {  	[dreg:$0x3] =	wrdreg s4  }
0xaa: {  	[dreg:$0x4] =	wrdreg $0xC0  }
0xab: {  	_ =	task [dreg:s6], $0x5FFFF  }
0xac: {  	[dreg:$0x1] =	wrdreg $0xFFFFFFFF  }
0xad: {  	[dreg:$0x0] =	wrdreg $0x60  }
0xae: {  	[dreg:$0x2] =	wrdreg s24  }
0xaf: {  	[dreg:$0x3] =	wrdreg $0x88000  }
0xb0: {  	[dreg:$0x4] =	wrdreg $0x9  }
0xb1: {  	_ =	task.clear_ibuf [dreg:s6], $0x5FFFF;
	_ =	strace $0x9000004F  }
0xb2: {  	s29 =	simm.s32 $0x9;
	_ =	strace $0x80000051  }
0xb3: {  	_ =	swait.ge [sflag:s29], $0x1  }
0xb4: {  	[sflag:s29] =	ssyncadd.s32 $0xFFFFFFFF  }
0xb5: {  	_ =	strace $0x90000051  }
0xb6: {  	_ =	sfence  }
0xb7: {  	s30 =	sld [smem:$0x0];
	_ =	sdelay $0x2  }
0xb8: {  	s31 =	sshll.u32 s1, $0xD;
	s1 =	sshrl.u32 s1, $0x2  }
0xb9: {  	s3 =	sand.u32 $0x4000, s31;
	s1 =	sadd.s32 s1, s30  }
0xba: {  	s0 =	sor.u32 s3, s0;
	s1 =	sshll.u32 s1, $0x11  }
0xbb: {  	s0 =	sor.u32 s1, s0  }
0xbc: {  	s0 =	sadd.s32 $0x8F2B, s0  }
0xbd: {  	[sflag:s0] =	ssyncadd.remote.s32 $0x1  }
0xbe: {  	_ =	sfence.sel $0xFFFF  }
0xbf: {  	[dreg:$0x0] =	wrdreg $0xFFFFFFFF;
	(pc) =	sbr.abs _section_cstart, $3  }
0xc0: {  	[dreg:$0x1] =	wrdreg $0xFFFFFFFF  }
0xc1: {  	_ =	task.clear_ibuf [dreg:s6], $0x2FFFF;
	_ =	strace $0x9FFFFFFF  }
0xc2: {  	(tm) =	ssettm $0x7FFFFFFF  }
0xc3: {  	_ =	shalt  }
tec
execute0_lowered:
.L_overlay_start_1:
0x0: {  	(tag) =	ssettag $0x1  }
0x1: {  	s0 =	rddreg [dreg:$0x0]  }
0x2: {  	s1 =	rddreg [dreg:$0x1];
	s3 =	simm.s32 $0x0  }
0x3: {  	s2 =	srdreg.scid;
	s13 =	stileid.u32;
	s28 =	simm.s32 $0x80  }
0x4: {  	s29 =	simm.s32 $0x5800;
	s30 =	simm.s32 $0x1;
	s31 =	simm.s32 $0x2  }
0x5: {  	[smem:$0x7FF] =	sst s3;
	s4 =	sadd.s32 $0x3400, s0;
	s6 =	smul.u32 $0x4F000, s13  }
0x6: {  	s2 =	sand.u32 $0x1, s2;
	s5 =	sadd.s32 $0x5D400, s0;
	s14 =	smul.u32 $0x13C00, s13  }
0x7: {  	s7 =	sadd.s32 $0x2A600, s0;
	s0 =	sadd.s32 $0x7B400, s0;
	s18 =	smul.u32 $0x5, s13  }
0x8: {  	s13 =	sor.u32 $0x50, s13;
	_ =	strace $0x80000050;
	[dreg:$0x3] =	wrdreg s7  }
0x9: {  	s24 =	ssub.s32 $0x2, s2;
	s21 =	smul.u32 $0x13C000, s2;
	p0 =	seq.s32 s2, $0x0  }
0xa: {  	s8 =	sshrl.u32 s24, $0x1;
	s6 =	sshrl.u32 s6, $0x2;
	s25 =	sadd.s32 $0x3000, s14  }
0xb: {  	s16 =	sadd.s32 $0x6000, s14;
	s17 =	sadd.s32 $0x9000, s14;
	s19 =	sadd.s32 $0xC000, s14  }
0xc: {  	s20 =	sadd.s32 $0xF000, s14;
	s23 =	sadd.s32 $0x12000, s14;
	s13 =	smov.u32 @p0 s18  }
0xd: {  	p0 =	sne.s32 s2, $0x0;
	s2 =	simm.s32 $0x2580;
	s15 =	ssub.s32 s24, s8  }
0xe: {  	s7 =	sadd.s32 s6, s1;
	s8 =	sadd.s32 s25, s1;
	s9 =	sadd.s32 s16, s1  }
0xf: {  	s10 =	sadd.s32 s17, s1;
	s11 =	sadd.s32 s19, s1;
	s12 =	sadd.s32 s20, s1  }
0x10: {  	s22 =	sadd.s32 s14, s21;
	s14 =	sadd.s32 s23, s1;
	s6 =	sadd.s32 s21, s25  }
0x11: {  	s16 =	sadd.s32 s21, s16;
	s17 =	sadd.s32 s21, s17;
	s19 =	sadd.s32 s21, s19  }
0x12: {  	s24 =	sadd.s32 s21, s23;
	s23 =	simm.s32 $0x2800;
	s26 =	sshrl.u32 s22, $0x3  }
0x13: {  	s6 =	sshrl.u32 s6, $0x3;
	s16 =	sshrl.u32 s16, $0x3;
	s17 =	sshrl.u32 s17, $0x3  }
0x14: {  	s22 =	sadd.s32 s21, s20;
	s18 =	sadd.s32 s0, s26;
	s6 =	sadd.s32 s0, s6  }
0x15: {  	s25 =	sshrl.u32 s22, $0x3;
	s26 =	sshrl.u32 s24, $0x3;
	[dreg:$0x4] =	wrdreg s18  }
0x16: {  	s22 =	smax.u32 s15, $0x1;
	s24 =	simm.s32 $0x3;
	[dreg:$0x5] =	wrdreg s6  }
0x17: {  	s6 =	sadd.s32 s0, s16;
	s18 =	sadd.s32 s0, s17;
	s20 =	sadd.s32 s0, s25  }
0x18: {  	s21 =	sadd.s32 s0, s26;
	s25 =	simm.s32 $0x1400;
	[dreg:$0x6] =	wrdreg s6  }
0x19: {  	s26 =	simm.s32 $0x60;
	[dreg:$0x7] =	wrdreg s18;
	s6 =	sshrl.u32 s19, $0x3  }
0x1a: {  	s19 =	sadd.s32 s0, s6;
	s0 =	simm.s32 $0x2500;
	s6 =	simm.s32 $0x0  }
.LBB2_1:
0x1b: {  	s15 =	rddreg [dreg:$0x3]  }
0x1c: {  	[tilespmem:s23], [sflag:$0x3] =	stream.linear.gather [hbm4b:s15+s3], $0x3000, $0x38;
	[tilespmem:$0x1C400] =	vst v63  }
0x1d: {  	_ =	swait.ge [sflag:s24], $0x3000  }
0x1e: {  	[sflag:s24] =	ssyncset.done $0x0  }
0x1f: {  	[sflag:s24] =	ssyncadd.s32 $0xFFFFD000  }
0x20: {  	[spmem:s7] =	stream.linear.scatter [tilespmem:s23], [sflag:$0x3], $0x3000, $0x38;
	[tilespmem:$0x1C400] =	vst v63  }
0x21: {  	_ =	swait.ge [sflag:s24], $0x3000  }
0x22: {  	[sflag:s24] =	ssyncset.done $0x0  }
0x23: {  	[sflag:s24] =	ssyncadd.s32 $0xFFFFD000  }
0x24: {  	[spmem:s8] =	stream.linear.scatter [tilespmem:s23], [sflag:$0x3], $0x3000, $0x38;
	[tilespmem:$0x1C400] =	vst v63  }
0x25: {  	_ =	swait.ge [sflag:s24], $0x3000  }
0x26: {  	[sflag:s24] =	ssyncset.done $0x0  }
0x27: {  	[sflag:s24] =	ssyncadd.s32 $0xFFFFD000  }
0x28: {  	[spmem:s9] =	stream.linear.scatter [tilespmem:s23], [sflag:$0x3], $0x3000, $0x38;
	[tilespmem:$0x1C400] =	vst v63  }
0x29: {  	_ =	swait.ge [sflag:s24], $0x3000  }
0x2a: {  	[sflag:s24] =	ssyncset.done $0x0  }
0x2b: {  	[sflag:s24] =	ssyncadd.s32 $0xFFFFD000  }
0x2c: {  	[spmem:s10] =	stream.linear.scatter [tilespmem:s23], [sflag:$0x3], $0x3000, $0x38;
	[tilespmem:$0x1C400] =	vst v63  }
0x2d: {  	_ =	swait.ge [sflag:s24], $0x3000  }
0x2e: {  	[sflag:s24] =	ssyncset.done $0x0  }
0x2f: {  	[sflag:s24] =	ssyncadd.s32 $0xFFFFD000  }
0x30: {  	[spmem:s11] =	stream.linear.scatter [tilespmem:s23], [sflag:$0x3], $0x3000, $0x38;
	[tilespmem:$0x1C400] =	vst v63  }
0x31: {  	_ =	swait.ge [sflag:s24], $0x3000  }
0x32: {  	[sflag:s24] =	ssyncset.done $0x0  }
0x33: {  	[sflag:s24] =	ssyncadd.s32 $0xFFFFD000  }
0x34: {  	[spmem:s12] =	stream.linear.scatter [tilespmem:s23], [sflag:$0x3], $0x3000, $0x38;
	[tilespmem:$0x1C400] =	vst v63  }
0x35: {  	_ =	swait.ge [sflag:s24], $0x3000  }
0x36: {  	[sflag:s24] =	ssyncset.done $0x0  }
0x37: {  	[sflag:s24] =	ssyncadd.s32 $0xFFFFD000  }
0x38: {  	[spmem:s14] =	stream.linear.scatter [tilespmem:s23], [sflag:$0x3], $0x1C00, $0x38;
	[tilespmem:$0x1C400] =	vst v63  }
0x39: {  	_ =	swait.ge [sflag:s24], $0x1C00  }
0x3a: {  	[sflag:s24] =	ssyncset.done $0x0  }
0x3b: {  	[sflag:s24] =	ssyncadd.s32 $0xFFFFE400  }
0x3c: {  	s15 =	simm.s32 $0x0;
	[bflag:$0x0] =	sbarrier.arrive $0xFFFF  }
.LBB2_2:
0x3d: {  	s16 =	sadd.s32 s13, s15  }
0x3e: {  	s16 =	smul.u32 $0x500, s16;
	_ =	sdelay $0x1  }
0x3f: {  	s16 =	sadd.s32 s5, s16  }
0x40: {  	[tilespmem:s3], [sflag:$0x3] =	stream.linear.gather [hbm4b:s16+s3], $0x1200, $0x38;
	[tilespmem:$0x1C400] =	vst v63  }
0x41: {  	s16 =	sadd.s32 $0x280, s16  }
0x42: {  	[tilespmem:s25], [sflag:$0x3] =	stream.linear.gather [hbm4b:s16+s3], $0x1200, $0x38;
	[tilespmem:$0x1C400] =	vst v63  }
0x43: {  	_ =	swait.ge [sflag:s24], $0x2400  }
0x44: {  	[sflag:s24] =	ssyncset.done $0x0  }
0x45: {  	[sflag:s24] =	ssyncadd.s32 $0xFFFFDC00  }
0x46: {  	[tilespmem:s23], [sflag:$0x1] =	stream.indirect.gather [hbm4b:s4+s26], $0x80, s3, s26, $0xb8;
	[tilespmem:$0x1C400] =	vst v63  }
0x47: {  	_ = 	snop  }
0x48: {  	[tilespmem:s29], [sflag:$0x2] =	stream.indirect.gather [hbm4b:s4+s26], $0x80, s28, s26, $0xb8;
	[tilespmem:$0x1C400] =	vst v63  }
0x49: {  	_ =	swait.ge [sflag:s30], $0x3000  }
0x4a: {  	[sflag:s30] =	ssyncset.done $0x0  }
0x4b: {  	s18 =	simm.s32 $0x1400;
	[sflag:s30] =	ssyncadd.s32 $0xFFFFD000  }
0x4c: {  	[spmem:s1] =	stream.indirect.scatter.add.f32 [tilespmem:s23], [sflag:$0x3], $0x80, s18, s26, $0xb8;
	[tilespmem:$0x1C400] =	vst v63  }
0x4d: {  	_ =	swait.ge [sflag:s24], $0x3000  }
0x4e: {  	[sflag:s24] =	ssyncset.done $0x0  }
0x4f: {  	s17 =	simm.s32 $0x100;
	[sflag:s24] =	ssyncadd.s32 $0xFFFFD000  }
0x50: {  	[tilespmem:s23], [sflag:$0x1] =	stream.indirect.gather [hbm4b:s4+s26], $0x80, s17, s26, $0xb8;
	[tilespmem:$0x1C400] =	vst v63  }
0x51: {  	_ =	swait.ge [sflag:s31], $0x3000  }
0x52: {  	[sflag:s31] =	ssyncset.done $0x0  }
0x53: {  	s18 =	simm.s32 $0x1480;
	[sflag:s31] =	ssyncadd.s32 $0xFFFFD000  }
0x54: {  	[spmem:s1] =	stream.indirect.scatter.add.f32 [tilespmem:s29], [sflag:$0x3], $0x80, s18, s26, $0xb8;
	[tilespmem:$0x1C400] =	vst v63  }
0x55: {  	_ =	swait.ge [sflag:s24], $0x3000  }
0x56: {  	[sflag:s24] =	ssyncset.done $0x0  }
0x57: {  	s16 =	simm.s32 $0xFFFFC000;
	s17 =	simm.s32 $0x180;
	[sflag:s24] =	ssyncadd.s32 $0xFFFFD000  }
.LBB2_3:
0x58: {  	[tilespmem:s29], [sflag:$0x2] =	stream.indirect.gather [hbm4b:s4+s26], $0x80, s17, s26, $0xb8;
	[tilespmem:$0x1C400] =	vst v63  }
0x59: {  	s17 =	smov.u32 s16  }
0x5a: {  	p1 =	sne.s32 s16, $0xFFFFFC00;
	s16 =	sadd.s32 $0x400, s16;
	_ =	swait.ge [sflag:s30], $0x3000  }
0x5b: {  	s17 =	sshra.s32 s17, $0x2;
	[sflag:s30] =	ssyncset.done $0x0  }
0x5c: {  	s18 =	sadd.s32 $0x2500, s17;
	[sflag:s30] =	ssyncadd.s32 $0xFFFFD000  }
0x5d: {  	[spmem:s1] =	stream.indirect.scatter.add.f32 [tilespmem:s23], [sflag:$0x3], $0x80, s18, s26, $0xb8;
	[tilespmem:$0x1C400] =	vst v63  }
0x5e: {  	_ =	swait.ge [sflag:s24], $0x3000  }
0x5f: {  	[sflag:s24] =	ssyncset.done $0x0  }
0x60: {  	s18 =	sadd.s32 $0x1200, s17;
	[sflag:s24] =	ssyncadd.s32 $0xFFFFD000  }
0x61: {  	[tilespmem:s23], [sflag:$0x1] =	stream.indirect.gather [hbm4b:s4+s26], $0x80, s18, s26, $0xb8;
	[tilespmem:$0x1C400] =	vst v63  }
0x62: {  	_ =	swait.ge [sflag:s31], $0x3000  }
0x63: {  	[sflag:s31] =	ssyncset.done $0x0  }
.Ltmp0:
0x64: {  	s18 =	sadd.s32 $0x2580, s17;
	[sflag:s31] =	ssyncadd.s32 $0xFFFFD000;
	(pc) =	sbr.rel @p1 .LBB2_3-.Ltmp0, $4  }
0x65: {  	[spmem:s1] =	stream.indirect.scatter.add.f32 [tilespmem:s29], [sflag:$0x3], $0x80, s18, s26, $0xb8;
	[tilespmem:$0x1C400] =	vst v63  }
0x66: {  	_ =	swait.ge [sflag:s24], $0x3000  }
0x67: {  	[sflag:s24] =	ssyncset.done $0x0  }
0x68: {  	s17 =	sadd.s32 $0x1280, s17;
	[sflag:s24] =	ssyncadd.s32 $0xFFFFD000  }
0x69: {  	[tilespmem:s29], [sflag:$0x2] =	stream.indirect.gather [hbm4b:s4+s26], $0x80, s17, s26, $0xb8;
	[tilespmem:$0x1C400] =	vst v63  }
0x6a: {  	_ =	swait.ge [sflag:s30], $0x3000  }
0x6b: {  	[sflag:s30] =	ssyncset.done $0x0  }
0x6c: {  	[sflag:s30] =	ssyncadd.s32 $0xFFFFD000  }
0x6d: {  	[spmem:s1] =	stream.indirect.scatter.add.f32 [tilespmem:s23], [sflag:$0x3], $0x80, s0, s26, $0xb8;
	[tilespmem:$0x1C400] =	vst v63  }
0x6e: {  	_ =	swait.ge [sflag:s24], $0x3000  }
0x6f: {  	[sflag:s24] =	ssyncset.done $0x0  }
0x70: {  	[sflag:s24] =	ssyncadd.s32 $0xFFFFD000  }
0x71: {  	p1 =	slt.u32 @!p0 s15, $0x4;
	_ =	swait.ge [sflag:s31], $0x3000  }
0x72: {  	p1 =	por p0, !p1;
	[sflag:s31] =	ssyncset.done $0x0  }
.Ltmp1:
0x73: {  	[sflag:s31] =	ssyncadd.s32 $0xFFFFD000;
	(pc) =	sbr.rel @!p1 .LBB2_2-.Ltmp1, $4  }
0x74: {  	[spmem:s1] =	stream.indirect.scatter.add.f32 [tilespmem:s29], [sflag:$0x3], $0x80, s2, s26, $0xb8;
	[tilespmem:$0x1C400] =	vst v63  }
0x75: {  	_ =	swait.ge [sflag:s24], $0x3000  }
0x76: {  	[sflag:s24] =	ssyncset.done $0x0  }
0x77: {  	s15 =	sadd.s32 $0x1, s15;
	[sflag:s24] =	ssyncadd.s32 $0xFFFFD000  }
0x78: {  	[bflag:$0x0] =	sbarrier.arrive $0xFFFF  }
0x79: {  	[tilespmem:s23], [sflag:$0x3] =	stream.linear.gather [spmem:s7], $0x3000, $0x38;
	[tilespmem:$0x1C400] =	vst v63  }
0x7a: {  	_ =	swait.ge [sflag:s24], $0x3000  }
0x7b: {  	[sflag:s24] =	ssyncset.done $0x0  }
0x7c: {  	s15 =	rddreg [dreg:$0x4];
	[sflag:s24] =	ssyncadd.s32 $0xFFFFD000  }
0x7d: {  	[hbm4b:s15+s3] =	stream.linear.scatter [tilespmem:s23], [sflag:$0x3], $0x3000, $0x38;
	[tilespmem:$0x1C400] =	vst v63  }
0x7e: {  	_ =	swait.ge [sflag:s24], $0x3000  }
0x7f: {  	[sflag:s24] =	ssyncset.done $0x0  }
0x80: {  	[sflag:s24] =	ssyncadd.s32 $0xFFFFD000  }
0x81: {  	[tilespmem:s23], [sflag:$0x3] =	stream.linear.gather [spmem:s8], $0x3000, $0x38;
	[tilespmem:$0x1C400] =	vst v63  }
0x82: {  	_ =	swait.ge [sflag:s24], $0x3000  }
0x83: {  	[sflag:s24] =	ssyncset.done $0x0  }
0x84: {  	s16 =	rddreg [dreg:$0x5];
	[sflag:s24] =	ssyncadd.s32 $0xFFFFD000  }
0x85: {  	[hbm4b:s16+s3] =	stream.linear.scatter [tilespmem:s23], [sflag:$0x3], $0x3000, $0x38;
	[tilespmem:$0x1C400] =	vst v63  }
0x86: {  	_ =	swait.ge [sflag:s24], $0x3000  }
0x87: {  	[sflag:s24] =	ssyncset.done $0x0  }
0x88: {  	[sflag:s24] =	ssyncadd.s32 $0xFFFFD000  }
0x89: {  	[tilespmem:s23], [sflag:$0x3] =	stream.linear.gather [spmem:s9], $0x3000, $0x38;
	[tilespmem:$0x1C400] =	vst v63  }
0x8a: {  	_ =	swait.ge [sflag:s24], $0x3000  }
0x8b: {  	[sflag:s24] =	ssyncset.done $0x0  }
0x8c: {  	s17 =	rddreg [dreg:$0x6];
	[sflag:s24] =	ssyncadd.s32 $0xFFFFD000  }
0x8d: {  	[hbm4b:s17+s3] =	stream.linear.scatter [tilespmem:s23], [sflag:$0x3], $0x3000, $0x38;
	[tilespmem:$0x1C400] =	vst v63  }
0x8e: {  	_ =	swait.ge [sflag:s24], $0x3000  }
0x8f: {  	[sflag:s24] =	ssyncset.done $0x0  }
0x90: {  	[sflag:s24] =	ssyncadd.s32 $0xFFFFD000  }
0x91: {  	[tilespmem:s23], [sflag:$0x3] =	stream.linear.gather [spmem:s10], $0x3000, $0x38;
	[tilespmem:$0x1C400] =	vst v63  }
0x92: {  	_ =	swait.ge [sflag:s24], $0x3000  }
0x93: {  	[sflag:s24] =	ssyncset.done $0x0  }
0x94: {  	s18 =	rddreg [dreg:$0x7];
	[sflag:s24] =	ssyncadd.s32 $0xFFFFD000  }
0x95: {  	[hbm4b:s18+s3] =	stream.linear.scatter [tilespmem:s23], [sflag:$0x3], $0x3000, $0x38;
	[tilespmem:$0x1C400] =	vst v63  }
0x96: {  	_ =	swait.ge [sflag:s24], $0x3000  }
0x97: {  	[sflag:s24] =	ssyncset.done $0x0  }
0x98: {  	[sflag:s24] =	ssyncadd.s32 $0xFFFFD000  }
0x99: {  	[tilespmem:s23], [sflag:$0x3] =	stream.linear.gather [spmem:s11], $0x3000, $0x38;
	[tilespmem:$0x1C400] =	vst v63  }
0x9a: {  	_ =	swait.ge [sflag:s24], $0x3000  }
0x9b: {  	[sflag:s24] =	ssyncset.done $0x0  }
0x9c: {  	[sflag:s24] =	ssyncadd.s32 $0xFFFFD000  }
0x9d: {  	[hbm4b:s19+s3] =	stream.linear.scatter [tilespmem:s23], [sflag:$0x3], $0x3000, $0x38;
	[tilespmem:$0x1C400] =	vst v63  }
0x9e: {  	_ =	swait.ge [sflag:s24], $0x3000  }
0x9f: {  	[sflag:s24] =	ssyncset.done $0x0  }
0xa0: {  	[sflag:s24] =	ssyncadd.s32 $0xFFFFD000  }
0xa1: {  	[tilespmem:s23], [sflag:$0x3] =	stream.linear.gather [spmem:s12], $0x3000, $0x38;
	[tilespmem:$0x1C400] =	vst v63  }
0xa2: {  	_ =	swait.ge [sflag:s24], $0x3000  }
0xa3: {  	[sflag:s24] =	ssyncset.done $0x0  }
0xa4: {  	[sflag:s24] =	ssyncadd.s32 $0xFFFFD000  }
0xa5: {  	[hbm4b:s20+s3] =	stream.linear.scatter [tilespmem:s23], [sflag:$0x3], $0x3000, $0x38;
	[tilespmem:$0x1C400] =	vst v63  }
0xa6: {  	_ =	swait.ge [sflag:s24], $0x3000  }
0xa7: {  	[sflag:s24] =	ssyncset.done $0x0  }
0xa8: {  	[sflag:s24] =	ssyncadd.s32 $0xFFFFD000  }
0xa9: {  	[tilespmem:s23], [sflag:$0x3] =	stream.linear.gather [spmem:s14], $0x1C00, $0x38;
	[tilespmem:$0x1C400] =	vst v63  }
0xaa: {  	s6 =	sadd.s32 $0x1, s6;
	_ =	swait.ge [sflag:s24], $0x1C00  }
0xab: {  	p1 =	sne.s32 s6, s22;
	[sflag:s24] =	ssyncset.done $0x0  }
.Ltmp2:
0xac: {  	[sflag:s24] =	ssyncadd.s32 $0xFFFFE400;
	(pc) =	sbr.rel @p1 .LBB2_1-.Ltmp2, $4  }
0xad: {  	[hbm4b:s21+s3] =	stream.linear.scatter [tilespmem:s23], [sflag:$0x3], $0x1C00, $0x38;
	[tilespmem:$0x1C400] =	vst v63  }
0xae: {  	_ =	swait.ge [sflag:s24], $0x1C00  }
0xaf: {  	[sflag:s24] =	ssyncset.done $0x0  }
0xb0: {  	[sflag:s24] =	ssyncadd.s32 $0xFFFFE400  }
0xb1: {  	_ =	sfence.sel $0x180000  }
0xb2: {  	[bflag:$0x0] =	sbarrier.arrive $0xFFFF  }
0xb3: {  	_ =	strace $0x90000050  }
0xb4: {  	s0 =	stileid.u32;
	[bflag:$0x2] =	sbarrier.arrive $0xFFFF  }
0xb5: {  	p0 =	sne.s32 s0, $0x0;
	s0 =	rddreg [dreg:$0x2]  }
0xb6: {  	s0 =	sadd.s32 @!p0 $0x100000, s0  }
0xb7: {  	[sflag:s0] =	ssyncadd.tile.s32 @!p0 $0x1;
	_ =	shalt  }
.Lfunc_end2:
_tile_overlayer_lowered:
.L_overlay_start_2:
0xb8: {  	(tag) =	ssettag $0x2  }
0xb9: {  	s0 =	rddreg [dreg:$0x0];
	s2 =	stileid.u32  }
0xba: {  	s1 =	rddreg [dreg:$0x1];
	p0 =	sne.s32 s2, $0x0  }
0xbb: {  	s3 =	rddreg [dreg:$0x2];
	[bflag:$0x3] =	sbarrier.arrive $0xFFFF;
	s2 =	simm.s32 @!p0 $0x1C03  }
0xbc: {  	[timem:s3], [sflag:s2] =	dma.local @!p0 [hbm:s0], s1  }
0xbd: {  	s0 =	simm.s32 @!p0 $0x3  }
0xbe: {  	_ =	swait.ge @!p0 [sflag:s0], s1  }
0xbf: {  	s1 =	ssub.s32 @!p0 $0x0, s1;
	[sflag:s0] =	ssyncset.done @!p0 $0x0  }
0xc0: {  	[sflag:s0] =	ssyncadd.s32 @!p0 s1  }
0xc1: {  	[bflag:$0x3] =	sbarrier.arrive $0xFFFF  }
0xc2: {  	_ =	shalt  }

</sc_bundles>
